<compile_context>
chip_gen: v7x
topology: tpu7x:2x2x1
jax: 0.10.2.dev20260603
libtpu: 0.0.44.dev20260713+nightly
codegen_flags: <defaults>
</compile_context>

<pallas_src>
import functools

import jax
import jax.numpy as jnp
from jax import lax
from jax.experimental import pallas as pl
from jax.experimental.pallas import tpu as pltpu
from jax.experimental.pallas import tpu_sc as plsc

NC = 2
NS = 16
CH = 128
ZCH = 32
HALVES = 2


def _sc_mesh():
    return plsc.VectorSubcoreMesh(
        core_axis_name="c", subcore_axis_name="s", num_cores=NC, num_subcores=NS
    )


def _make_deg(np_, per_tile):

    @functools.partial(
        pl.kernel,
        mesh=_sc_mesh(),
        compiler_params=pltpu.CompilerParams(needs_layout_passes=False),
        out_type=jax.ShapeDtypeStruct((NC * NS, np_), jnp.float32),
        scratch_types=[
            pltpu.VMEM((np_,), jnp.float32),
            pltpu.VMEM((per_tile,), jnp.int32),
        ],
    )
    def deg_kernel(dst_hbm, zeros_hbm, out_hbm, dloc, didx):
        c = lax.axis_index("c")
        s = lax.axis_index("s")
        gid = c * NS + s
        pltpu.sync_copy(dst_hbm.at[c, s], didx)
        pltpu.sync_copy(zeros_hbm, dloc)
        ones = jnp.ones((16,), jnp.float32)

        def scat(t, carry):
            idxv = didx[pl.ds(t * 16, 16)]
            plsc.addupdate_scatter(dloc, [idxv], ones)
            return carry

        lax.fori_loop(0, per_tile // 16, scat, 0)
        pltpu.sync_copy(dloc, out_hbm.at[gid])

    return deg_kernel


def _make_spmm(n, np_, d, nhch):
    nr = np_ // NS
    assert nhch % 2 == 0

    @functools.partial(
        pl.kernel,
        mesh=_sc_mesh(),
        out_type=jax.ShapeDtypeStruct((NC, np_, d), jnp.float32),
        scratch_types=[
            pltpu.VMEM_SHARED((np_, d), jnp.float32),
            pltpu.VMEM((nhch, CH), jnp.int32),
            pltpu.VMEM((nhch, CH), jnp.int32),
            pltpu.VMEM((2, CH, d), jnp.float32),
            pltpu.VMEM((ZCH, d), jnp.float32),
            pltpu.SemaphoreType.DMA,
            pltpu.SemaphoreType.DMA,
            pltpu.SemaphoreType.DMA,
        ],
    )
    def spmm_kernel(h_hbm, src_hbm, dst_hbm, zeros_hbm, out_hbm,
                    acc, sidx, didx, rows_v, zbuf, g0, g1, zsem):
        c = lax.axis_index("c")
        s = lax.axis_index("s")

        pltpu.sync_copy(src_hbm.at[c, s, 0], sidx)
        pltpu.sync_copy(dst_hbm.at[c, s, 0], didx)
        pltpu.async_copy(h_hbm.at[sidx.at[0]], rows_v.at[0], g0)
        pltpu.async_copy(h_hbm.at[sidx.at[1]], rows_v.at[1], g1)

        pltpu.sync_copy(zeros_hbm, zbuf)
        for k in range(nr // ZCH):
            pltpu.async_copy(zbuf, acc.at[pl.ds(s * nr + k * ZCH, ZCH)], zsem)
        for k in range(nr // ZCH):
            pltpu.make_async_copy(zbuf, acc.at[pl.ds(0, ZCH)], zsem).wait()
        plsc.subcore_barrier()

        for half in range(HALVES):
            if half > 0:
                pltpu.sync_copy(src_hbm.at[c, s, half], sidx)
                pltpu.sync_copy(dst_hbm.at[c, s, half], didx)
                pltpu.async_copy(h_hbm.at[sidx.at[0]], rows_v.at[0], g0)
                pltpu.async_copy(h_hbm.at[sidx.at[1]], rows_v.at[1], g1)

            def chunk2(j2, carry):
                j = 2 * j2
                pltpu.make_async_copy(h_hbm.at[sidx.at[j]], rows_v.at[0], g0).wait()
                pltpu.sync_copy(rows_v.at[0], acc.at[didx.at[j]], add=True)

                @pl.when(j2 + 1 < nhch // 2)
                def _():
                    pltpu.async_copy(h_hbm.at[sidx.at[j + 2]], rows_v.at[0], g0)

                pltpu.make_async_copy(
                    h_hbm.at[sidx.at[j + 1]], rows_v.at[1], g1).wait()
                pltpu.sync_copy(rows_v.at[1], acc.at[didx.at[j + 1]], add=True)

                @pl.when(j2 + 1 < nhch // 2)
                def _():
                    pltpu.async_copy(h_hbm.at[sidx.at[j + 3]], rows_v.at[1], g1)

                return carry

            lax.fori_loop(0, nhch // 2, chunk2, 0)

        plsc.subcore_barrier()
        pltpu.sync_copy(acc.at[pl.ds(s * nr, nr)], out_hbm.at[c, pl.ds(s * nr, nr)])

    return spmm_kernel


def _tc_mm(x, w):

    def body(x_ref, w_ref, o_ref):
        o_ref[...] = jnp.dot(x_ref[...], w_ref[...],
                             preferred_element_type=jnp.float32)

    n = x.shape[0]
    return pl.pallas_call(
        body,
        out_shape=jax.ShapeDtypeStruct((n, w.shape[1]), jnp.float32),
    )(x, w)


def _tc_pre(dego, xw):

    def body(dego_ref, xw_ref, h1_ref, dinv_ref):
        n = xw_ref.shape[0]
        deg = jnp.sum(dego_ref[...], axis=0)[:n, None] + 1.0
        dinv = lax.rsqrt(jnp.maximum(deg, 1.0))
        dinv_ref[...] = dinv
        h1_ref[...] = xw_ref[...] * dinv

    n, dh = xw.shape
    return pl.pallas_call(
        body,
        out_shape=(
            jax.ShapeDtypeStruct((n, dh), jnp.float32),
            jax.ShapeDtypeStruct((n, 1), jnp.float32),
        ),
    )(dego, xw)


def _tc_mid(p, hp, dinv, b, gamma, beta, wn):

    def body(p_ref, hp_ref, dinv_ref, b_ref, g_ref, be_ref, wn_ref, hn_ref, r_ref):
        n = hp_ref.shape[0]
        dinv = dinv_ref[...]
        agg = (p_ref[0, :n] + p_ref[1, :n] + hp_ref[...]) * dinv + b_ref[...]
        m = jnp.mean(agg, axis=0, keepdims=True)
        v = jnp.mean((agg - m) ** 2, axis=0, keepdims=True)
        z = (agg - m) * lax.rsqrt(v + 1e-5) * g_ref[...] + be_ref[...]
        r = jnp.maximum(z, 0.0)
        r_ref[...] = r
        hn_ref[...] = jnp.dot(r * dinv, wn_ref[...], preferred_element_type=jnp.float32)

    n, d = hp.shape
    return pl.pallas_call(
        body,
        out_shape=(
            jax.ShapeDtypeStruct((n, wn.shape[1]), jnp.float32),
            jax.ShapeDtypeStruct((n, d), jnp.float32),
        ),
    )(p, hp, dinv, b.reshape(1, -1), gamma.reshape(1, -1), beta.reshape(1, -1), wn)


def _tc_fin(p, hp, dinv, b):

    def body(p_ref, hp_ref, dinv_ref, b_ref, out_ref):
        n = hp_ref.shape[0]
        out_ref[...] = (
            p_ref[0, :n] + p_ref[1, :n] + hp_ref[...]
        ) * dinv_ref[...] + b_ref[...]

    n, d = hp.shape
    return pl.pallas_call(
        body,
        out_shape=jax.ShapeDtypeStruct((n, d), jnp.float32),
    )(p, hp, dinv, b.reshape(1, -1))


def kernel(x, edge_index, W1, b1, gamma1, beta1, W2, b2, gamma2, beta2, W3, b3):
    n, d = x.shape
    e = edge_index.shape[1]
    ntile = NC * NS
    np_ = ((n + NS * ZCH - 1) // (NS * ZCH)) * (NS * ZCH)
    chunk_mult = CH * HALVES * 2
    per_tile = -(-e // (ntile * chunk_mult)) * chunk_mult
    e_pad = per_tile * ntile
    nch = per_tile // CH
    nhch = nch // HALVES
    assert nch % HALVES == 0 and nhch % 2 == 0

    pad = e_pad - e
    per_tile_real = e // ntile
    pad_per_tile = per_tile - per_tile_real
    assert per_tile_real * ntile == e
    pad_src = (jnp.arange(pad_per_tile, dtype=jnp.int32) % n).astype(jnp.int32)
    pad_src = jnp.broadcast_to(pad_src, (ntile, pad_per_tile))
    pad_dst = (n + jnp.arange(pad_per_tile, dtype=jnp.int32) % (np_ - n)).astype(
        jnp.int32)
    pad_dst = jnp.broadcast_to(pad_dst, (ntile, pad_per_tile))
    src = jnp.concatenate(
        [edge_index[0].reshape(ntile, per_tile_real), pad_src], axis=1)
    dst = jnp.concatenate(
        [edge_index[1].reshape(ntile, per_tile_real), pad_dst], axis=1)
    src_r = src.reshape(NC, NS, HALVES, nhch, CH)
    dst_r = dst.reshape(NC, NS, HALVES, nhch, CH)
    dst_deg = dst.reshape(NC, NS, per_tile)

    deg_k = _make_deg(np_, per_tile)
    spmm_k = _make_spmm(n, np_, d, nhch)
    zflat = jnp.zeros((np_,), jnp.float32)
    zrows = jnp.zeros((ZCH, d), jnp.float32)

    xw = _tc_mm(x, W1)
    dego = deg_k(dst_deg, zflat)
    h1, dinv = _tc_pre(dego, xw)

    p1 = spmm_k(h1, src_r, dst_r, zrows)
    h2, _ = _tc_mid(p1, h1, dinv, b1, gamma1, beta1, W2)

    p2 = spmm_k(h2, src_r, dst_r, zrows)
    h3, emb = _tc_mid(p2, h2, dinv, b2, gamma2, beta2, W3)

    p3 = spmm_k(h3, src_r, dst_r, zrows)
    hc = _tc_fin(p3, h3, dinv, b3)
    return (emb, hc)

# --- scband reference (transcript-rebuilt; emitter-appended) ---
"""Pipeline reference for scband-super-macro-gcn-20203526160737 (READ-ONLY COPY).

The authoritative reference and input builder live on the scoring server;
editing this copy changes nothing except your own understanding.
"""

import jax, jax.numpy as jnp
import numpy as np

N = 10000
E = 320000
D_IN = 128
D_HID = 128
D_OUT = 128


def _glorot(key, shape):
    fan_in, fan_out = shape
    lim = jnp.sqrt(6.0 / (fan_in + fan_out))
    return jax.random.uniform(key, shape, dtype=jnp.float32, minval=-lim, maxval=lim)


def setup_inputs(seed: int = 0) -> dict:
    key = jax.random.key(seed)
    ks = jax.random.split(key, 12)
    x = jax.random.normal(ks[0], (N, D_IN), dtype=jnp.float32)
    edge_index = jax.random.randint(ks[1], (2, E), 0, N, dtype=jnp.int32)
    inp = {
        'x': x,
        'edge_index': edge_index,
        'W1': _glorot(ks[2], (D_IN, D_HID)),
        'b1': jnp.zeros((D_HID,), dtype=jnp.float32),
        'gamma1': jnp.ones((D_HID,), dtype=jnp.float32),
        'beta1': jnp.zeros((D_HID,), dtype=jnp.float32),
        'W2': _glorot(ks[3], (D_HID, D_HID)),
        'b2': jnp.zeros((D_HID,), dtype=jnp.float32),
        'gamma2': jnp.ones((D_HID,), dtype=jnp.float32),
        'beta2': jnp.zeros((D_HID,), dtype=jnp.float32),
        'W3': _glorot(ks[4], (D_HID, D_OUT)),
        'b3': jnp.zeros((D_OUT,), dtype=jnp.float32),
    }
    return inp


def _gcn_norm(edge_index, n):
    loops = jnp.arange(n, dtype=edge_index.dtype)
    src = jnp.concatenate([edge_index[0], loops])
    dst = jnp.concatenate([edge_index[1], loops])
    deg = jnp.zeros((n,), dtype=jnp.float32).at[dst].add(1.0)
    dinv = jax.lax.rsqrt(jnp.clip(deg, 1.0))
    norm = dinv[src] * dinv[dst]
    return src, dst, norm


def _gcn_conv(x, W, b, src, dst, norm, n):
    h = x @ W
    msg = jnp.take(h, src, axis=0) * norm[:, None]
    agg = jax.ops.segment_sum(msg, dst, num_segments=n)
    return agg + b


def _bn(x, gamma, beta, eps=1e-5):
    m = jnp.mean(x, axis=0)
    v = jnp.var(x, axis=0)
    return (x - m) * jax.lax.rsqrt(v + eps) * gamma + beta


def reference(x, edge_index, W1, b1, gamma1, beta1, W2, b2, gamma2, beta2, W3, b3):
    n = x.shape[0]
    src, dst, norm = _gcn_norm(edge_index, n)
    h = _gcn_conv(x, W1, b1, src, dst, norm, n)
    h = jax.nn.relu(_bn(h, gamma1, beta1))
    # dropout is identity in eval mode
    h = _gcn_conv(h, W2, b2, src, dst, norm, n)
    h = jax.nn.relu(_bn(h, gamma2, beta2))
    global_embeddings = h
    hc_predictions = _gcn_conv(global_embeddings, W3, b3, src, dst, norm, n)
    return (global_embeddings, hc_predictions)

if __name__ == "__main__":
    import jax
    _d = setup_inputs()
    print(jax.jit(kernel)(*tuple(_d.values())))

</pallas_src>

<mosaic_0001>
#map = affine_map<(d0, d1) -> (0, 0, 0)>
#map1 = affine_map<(d0, d1) -> (0)>
#map2 = affine_map<(d0, d1) -> (0, 0)>
module attributes {stable_mosaic.version = 14 : i64} {
  func.func @deg_kernel(%arg0: i32, %arg1: i32, %arg2: memref<2x16x10240xi32, #tpu.memory_space<hbm>>, %arg3: memref<10240xf32, #tpu.memory_space<hbm>>, %arg4: memref<32x10240xf32, #tpu.memory_space<hbm>>, %arg5: memref<10240xf32, #tpu.memory_space<vmem>>, %arg6: memref<10240xi32, #tpu.memory_space<vmem>>) attributes {dimension_semantics = [#tpu.dimension_semantics<core_parallel>, #tpu.dimension_semantics<subcore_parallel>], iteration_bounds = array<i64: 2, 16>, scalar_prefetch = 0 : i64, scratch_operands = 2 : i64, tpu.core_type = #tpu.core_type<sc_vector_subcore>, window_params = [{transform_indices = #map}, {transform_indices = #map1}, {transform_indices = #map2}]} {
    %mul3A = arith.constant 16 : i32
    %mul3A_0 = arith.muli %arg0, %mul3A : i32
    %add3A = arith.addi %mul3A_0, %arg1 : i32
    "tpu.region"() ({
      %run_scoped3A = tpu.sem_alloc : memref<!tpu.dma_semaphore, #tpu.memory_space<semaphore_mem>>
      %dma_start3A = arith.constant 0 : i32
      %dma_start3A_7 = tpu.memref_slice %arg2[%arg0, %arg1, %dma_start3A] : memref<2x16x10240xi32, #tpu.memory_space<hbm>> -> memref<1x1x10240xi32, #tpu.memory_space<hbm>>
      %dma_start3A_8 = tpu.memref_squeeze %dma_start3A_7 : memref<1x1x10240xi32, #tpu.memory_space<hbm>> -> memref<10240xi32, #tpu.memory_space<hbm>>
      %dma_start3A_9 = arith.constant 0 : i32
      %dma_start3A_10 = tpu.memref_slice %arg2[%arg0, %arg1, %dma_start3A_9] : memref<2x16x10240xi32, #tpu.memory_space<hbm>> -> memref<1x1x10240xi32, #tpu.memory_space<hbm>>
      %dma_start3A_11 = tpu.memref_squeeze %dma_start3A_10 : memref<1x1x10240xi32, #tpu.memory_space<hbm>> -> memref<10240xi32, #tpu.memory_space<hbm>>
      tpu.enqueue_dma source(%dma_start3A_11 : memref<10240xi32, #tpu.memory_space<hbm>>) target(%arg6 : memref<10240xi32, #tpu.memory_space<vmem>>) target_semaphore(%run_scoped3A : memref<!tpu.dma_semaphore, #tpu.memory_space<semaphore_mem>>)
      %dma_wait3A = arith.constant 0 : i32
      %dma_wait3A_12 = tpu.memref_slice %arg2[%arg0, %arg1, %dma_wait3A] : memref<2x16x10240xi32, #tpu.memory_space<hbm>> -> memref<1x1x10240xi32, #tpu.memory_space<hbm>>
      %dma_wait3A_13 = tpu.memref_squeeze %dma_wait3A_12 : memref<1x1x10240xi32, #tpu.memory_space<hbm>> -> memref<10240xi32, #tpu.memory_space<hbm>>
      %dma_wait3A_14 = arith.constant 0 : i32
      %dma_wait3A_15 = tpu.memref_slice %arg2[%arg0, %arg1, %dma_wait3A_14] : memref<2x16x10240xi32, #tpu.memory_space<hbm>> -> memref<1x1x10240xi32, #tpu.memory_space<hbm>>
      %dma_wait3A_16 = tpu.memref_squeeze %dma_wait3A_15 : memref<1x1x10240xi32, #tpu.memory_space<hbm>> -> memref<10240xi32, #tpu.memory_space<hbm>>
      tpu.wait_dma2 semaphore(%run_scoped3A : memref<!tpu.dma_semaphore, #tpu.memory_space<semaphore_mem>>) src(%dma_wait3A_16 : memref<10240xi32, #tpu.memory_space<hbm>>) dst(%arg6 : memref<10240xi32, #tpu.memory_space<vmem>>)
      tpu.yield
    }) : () -> ()
    "tpu.region"() ({
      %run_scoped3A = tpu.sem_alloc : memref<!tpu.dma_semaphore, #tpu.memory_space<semaphore_mem>>
      tpu.enqueue_dma source(%arg3 : memref<10240xf32, #tpu.memory_space<hbm>>) target(%arg5 : memref<10240xf32, #tpu.memory_space<vmem>>) target_semaphore(%run_scoped3A : memref<!tpu.dma_semaphore, #tpu.memory_space<semaphore_mem>>)
      tpu.wait_dma2 semaphore(%run_scoped3A : memref<!tpu.dma_semaphore, #tpu.memory_space<semaphore_mem>>) src(%arg3 : memref<10240xf32, #tpu.memory_space<hbm>>) dst(%arg5 : memref<10240xf32, #tpu.memory_space<vmem>>)
      tpu.yield
    }) : () -> ()
    %broadcast_in_dim3A = arith.constant 1.000000e+00 : f32
    %broadcast_in_dim3A_1 = vector.broadcast %broadcast_in_dim3A : f32 to vector<16xf32>
    %scan3A = arith.constant 0 : i32
    %scan3A_2 = arith.constant 0 : i32
    %scan3A_3 = arith.constant 640 : i32
    %scan3A_4 = arith.addi %scan3A_2, %scan3A_3 : i32
    %scan3A_5 = arith.constant 1 : i32
    scf.for %scan3A_7 = %scan3A_2 to %scan3A_4 step %scan3A_5  : i32 {
      %mul3A_8 = arith.constant 16 : i32
      %mul3A_9 = arith.muli %scan3A_7, %mul3A_8 : i32
      %get3A = arith.index_cast %mul3A_9 : i32 to index
      %get3A_10 = tpu.vector_load %arg6[%get3A] {strides = array<i32>} : memref<10240xi32, #tpu.memory_space<vmem>>, vector<16xi32>,
      tpu.vector_store_idx %arg5[%get3A_10], %broadcast_in_dim3A_1 {add = true} : memref<10240xf32, #tpu.memory_space<vmem>>[vector<16xi32>], vector<16xf32>,
    }
    %scan3A_6 = arith.constant 640 : i32
    "tpu.region"() ({
      %run_scoped3A = tpu.sem_alloc : memref<!tpu.dma_semaphore, #tpu.memory_space<semaphore_mem>>
      %dma_start3A = arith.constant 0 : i32
      %dma_start3A_7 = tpu.memref_slice %arg4[%add3A, %dma_start3A] : memref<32x10240xf32, #tpu.memory_space<hbm>> -> memref<1x10240xf32, #tpu.memory_space<hbm>>
      %dma_start3A_8 = tpu.memref_squeeze %dma_start3A_7 : memref<1x10240xf32, #tpu.memory_space<hbm>> -> memref<10240xf32, #tpu.memory_space<hbm>>
      %dma_start3A_9 = arith.constant 0 : i32
      %dma_start3A_10 = tpu.memref_slice %arg4[%add3A, %dma_start3A_9] : memref<32x10240xf32, #tpu.memory_space<hbm>> -> memref<1x10240xf32, #tpu.memory_space<hbm>>
      %dma_start3A_11 = tpu.memref_squeeze %dma_start3A_10 : memref<1x10240xf32, #tpu.memory_space<hbm>> -> memref<10240xf32, #tpu.memory_space<hbm>>
      tpu.enqueue_dma source(%arg5 : memref<10240xf32, #tpu.memory_space<vmem>>) target(%dma_start3A_11 : memref<10240xf32, #tpu.memory_space<hbm>>) target_semaphore(%run_scoped3A : memref<!tpu.dma_semaphore, #tpu.memory_space<semaphore_mem>>)
      %dma_wait3A = arith.constant 0 : i32
      %dma_wait3A_12 = tpu.memref_slice %arg4[%add3A, %dma_wait3A] : memref<32x10240xf32, #tpu.memory_space<hbm>> -> memref<1x10240xf32, #tpu.memory_space<hbm>>
      %dma_wait3A_13 = tpu.memref_squeeze %dma_wait3A_12 : memref<1x10240xf32, #tpu.memory_space<hbm>> -> memref<10240xf32, #tpu.memory_space<hbm>>
      %dma_wait3A_14 = arith.constant 0 : i32
      %dma_wait3A_15 = tpu.memref_slice %arg4[%add3A, %dma_wait3A_14] : memref<32x10240xf32, #tpu.memory_space<hbm>> -> memref<1x10240xf32, #tpu.memory_space<hbm>>
      %dma_wait3A_16 = tpu.memref_squeeze %dma_wait3A_15 : memref<1x10240xf32, #tpu.memory_space<hbm>> -> memref<10240xf32, #tpu.memory_space<hbm>>
      tpu.wait_dma2 semaphore(%run_scoped3A : memref<!tpu.dma_semaphore, #tpu.memory_space<semaphore_mem>>) src(%arg5 : memref<10240xf32, #tpu.memory_space<vmem>>) dst(%dma_wait3A_16 : memref<10240xf32, #tpu.memory_space<hbm>>)
      tpu.yield
    }) : () -> ()
    return
  }
}

#map = affine_map<(d0, d1) -> (0, 0)>
#map1 = affine_map<(d0, d1) -> (0, 0, 0, 0, 0)>
#map2 = affine_map<(d0, d1) -> (0, 0, 0)>
module attributes {stable_mosaic.version = 14 : i64} {
  func.func @spmm_kernel(%arg0: i32, %arg1: i32, %arg2: memref<10000x128xf32, #tpu.memory_space<hbm>>, %arg3: memref<2x16x2x40x128xi32, #tpu.memory_space<hbm>>, %arg4: memref<2x16x2x40x128xi32, #tpu.memory_space<hbm>>, %arg5: memref<32x128xf32, #tpu.memory_space<hbm>>, %arg6: memref<2x10240x128xf32, #tpu.memory_space<hbm>>, %arg7: memref<10240x128xf32, #tpu.memory_space<vmem_shared>>, %arg8: memref<40x128xi32, #tpu.memory_space<vmem>>, %arg9: memref<40x128xi32, #tpu.memory_space<vmem>>, %arg10: memref<2x128x128xf32, #tpu.memory_space<vmem>>, %arg11: memref<32x128xf32, #tpu.memory_space<vmem>>, %arg12: memref<!tpu.dma_semaphore, #tpu.memory_space<semaphore_mem>>, %arg13: memref<!tpu.dma_semaphore, #tpu.memory_space<semaphore_mem>>, %arg14: memref<!tpu.dma_semaphore, #tpu.memory_space<semaphore_mem>>) attributes {dimension_semantics = [#tpu.dimension_semantics<core_parallel>, #tpu.dimension_semantics<subcore_parallel>], iteration_bounds = array<i64: 2, 16>, scalar_prefetch = 0 : i64, scratch_operands = 8 : i64, tpu.core_type = #tpu.core_type<sc_vector_subcore>, window_params = [{transform_indices = #map}, {transform_indices = #map1}, {transform_indices = #map1}, {transform_indices = #map}, {transform_indices = #map2}]} {
    %run_scoped3A = arith.constant 0 : i32
    "tpu.region"() ({
      %run_scoped3A_343 = tpu.sem_alloc : memref<!tpu.dma_semaphore, #tpu.memory_space<semaphore_mem>>
      %dma_start3A_344 = arith.constant 0 : i32
      %dma_start3A_345 = arith.constant 0 : i32
      %dma_start3A_346 = tpu.memref_slice %arg3[%arg0, %arg1, %run_scoped3A, %dma_start3A_344, %dma_start3A_345] : memref<2x16x2x40x128xi32, #tpu.memory_space<hbm>> -> memref<1x1x1x40x128xi32, #tpu.memory_space<hbm>>
      %dma_start3A_347 = tpu.memref_squeeze %dma_start3A_346 : memref<1x1x1x40x128xi32, #tpu.memory_space<hbm>> -> memref<40x128xi32, #tpu.memory_space<hbm>>
      %dma_start3A_348 = arith.constant 0 : i32
      %dma_start3A_349 = arith.constant 0 : i32
      %dma_start3A_350 = tpu.memref_slice %arg3[%arg0, %arg1, %run_scoped3A, %dma_start3A_348, %dma_start3A_349] : memref<2x16x2x40x128xi32, #tpu.memory_space<hbm>> -> memref<1x1x1x40x128xi32, #tpu.memory_space<hbm>>
      %dma_start3A_351 = tpu.memref_squeeze %dma_start3A_350 : memref<1x1x1x40x128xi32, #tpu.memory_space<hbm>> -> memref<40x128xi32, #tpu.memory_space<hbm>>
      tpu.enqueue_dma source(%dma_start3A_351 : memref<40x128xi32, #tpu.memory_space<hbm>>) target(%arg8 : memref<40x128xi32, #tpu.memory_space<vmem>>) target_semaphore(%run_scoped3A_343 : memref<!tpu.dma_semaphore, #tpu.memory_space<semaphore_mem>>)
      %dma_wait3A_352 = arith.constant 0 : i32
      %dma_wait3A_353 = arith.constant 0 : i32
      %dma_wait3A_354 = tpu.memref_slice %arg3[%arg0, %arg1, %run_scoped3A, %dma_wait3A_352, %dma_wait3A_353] : memref<2x16x2x40x128xi32, #tpu.memory_space<hbm>> -> memref<1x1x1x40x128xi32, #tpu.memory_space<hbm>>
      %dma_wait3A_355 = tpu.memref_squeeze %dma_wait3A_354 : memref<1x1x1x40x128xi32, #tpu.memory_space<hbm>> -> memref<40x128xi32, #tpu.memory_space<hbm>>
      %dma_wait3A_356 = arith.constant 0 : i32
      %dma_wait3A_357 = arith.constant 0 : i32
      %dma_wait3A_358 = tpu.memref_slice %arg3[%arg0, %arg1, %run_scoped3A, %dma_wait3A_356, %dma_wait3A_357] : memref<2x16x2x40x128xi32, #tpu.memory_space<hbm>> -> memref<1x1x1x40x128xi32, #tpu.memory_space<hbm>>
      %dma_wait3A_359 = tpu.memref_squeeze %dma_wait3A_358 : memref<1x1x1x40x128xi32, #tpu.memory_space<hbm>> -> memref<40x128xi32, #tpu.memory_space<hbm>>
      tpu.wait_dma2 semaphore(%run_scoped3A_343 : memref<!tpu.dma_semaphore, #tpu.memory_space<semaphore_mem>>) src(%dma_wait3A_359 : memref<40x128xi32, #tpu.memory_space<hbm>>) dst(%arg8 : memref<40x128xi32, #tpu.memory_space<vmem>>)
      tpu.yield
    }) : () -> ()
    %run_scoped3A_0 = arith.constant 0 : i32
    "tpu.region"() ({
      %run_scoped3A_343 = tpu.sem_alloc : memref<!tpu.dma_semaphore, #tpu.memory_space<semaphore_mem>>
      %dma_start3A_344 = arith.constant 0 : i32
      %dma_start3A_345 = arith.constant 0 : i32
      %dma_start3A_346 = tpu.memref_slice %arg4[%arg0, %arg1, %run_scoped3A_0, %dma_start3A_344, %dma_start3A_345] : memref<2x16x2x40x128xi32, #tpu.memory_space<hbm>> -> memref<1x1x1x40x128xi32, #tpu.memory_space<hbm>>
      %dma_start3A_347 = tpu.memref_squeeze %dma_start3A_346 : memref<1x1x1x40x128xi32, #tpu.memory_space<hbm>> -> memref<40x128xi32, #tpu.memory_space<hbm>>
      %dma_start3A_348 = arith.constant 0 : i32
      %dma_start3A_349 = arith.constant 0 : i32
      %dma_start3A_350 = tpu.memref_slice %arg4[%arg0, %arg1, %run_scoped3A_0, %dma_start3A_348, %dma_start3A_349] : memref<2x16x2x40x128xi32, #tpu.memory_space<hbm>> -> memref<1x1x1x40x128xi32, #tpu.memory_space<hbm>>
      %dma_start3A_351 = tpu.memref_squeeze %dma_start3A_350 : memref<1x1x1x40x128xi32, #tpu.memory_space<hbm>> -> memref<40x128xi32, #tpu.memory_space<hbm>>
      tpu.enqueue_dma source(%dma_start3A_351 : memref<40x128xi32, #tpu.memory_space<hbm>>) target(%arg9 : memref<40x128xi32, #tpu.memory_space<vmem>>) target_semaphore(%run_scoped3A_343 : memref<!tpu.dma_semaphore, #tpu.memory_space<semaphore_mem>>)
      %dma_wait3A_352 = arith.constant 0 : i32
      %dma_wait3A_353 = arith.constant 0 : i32
      %dma_wait3A_354 = tpu.memref_slice %arg4[%arg0, %arg1, %run_scoped3A_0, %dma_wait3A_352, %dma_wait3A_353] : memref<2x16x2x40x128xi32, #tpu.memory_space<hbm>> -> memref<1x1x1x40x128xi32, #tpu.memory_space<hbm>>
      %dma_wait3A_355 = tpu.memref_squeeze %dma_wait3A_354 : memref<1x1x1x40x128xi32, #tpu.memory_space<hbm>> -> memref<40x128xi32, #tpu.memory_space<hbm>>
      %dma_wait3A_356 = arith.constant 0 : i32
      %dma_wait3A_357 = arith.constant 0 : i32
      %dma_wait3A_358 = tpu.memref_slice %arg4[%arg0, %arg1, %run_scoped3A_0, %dma_wait3A_356, %dma_wait3A_357] : memref<2x16x2x40x128xi32, #tpu.memory_space<hbm>> -> memref<1x1x1x40x128xi32, #tpu.memory_space<hbm>>
      %dma_wait3A_359 = tpu.memref_squeeze %dma_wait3A_358 : memref<1x1x1x40x128xi32, #tpu.memory_space<hbm>> -> memref<40x128xi32, #tpu.memory_space<hbm>>
      tpu.wait_dma2 semaphore(%run_scoped3A_343 : memref<!tpu.dma_semaphore, #tpu.memory_space<semaphore_mem>>) src(%dma_wait3A_359 : memref<40x128xi32, #tpu.memory_space<hbm>>) dst(%arg9 : memref<40x128xi32, #tpu.memory_space<vmem>>)
      tpu.yield
    }) : () -> ()
    %dma_start3A = arith.constant 0 : i32
    %dma_start3A_1 = arith.constant 0 : i32
    %dma_start3A_2 = arith.constant 0 : i32
    %dma_start3A_3 = arith.constant 0 : i32
    %dma_start3A_4 = tpu.memref_slice %arg10[%dma_start3A_1, %dma_start3A_2, %dma_start3A_3] : memref<2x128x128xf32, #tpu.memory_space<vmem>> -> memref<1x128x128xf32, #tpu.memory_space<vmem>>
    %dma_start3A_5 = tpu.memref_squeeze %dma_start3A_4 : memref<1x128x128xf32, #tpu.memory_space<vmem>> -> memref<128x128xf32, #tpu.memory_space<vmem>>
    %dma_start3A_6 = arith.constant 0 : i32
    %dma_start3A_7 = tpu.memref_slice %arg8[%dma_start3A, %dma_start3A_6] : memref<40x128xi32, #tpu.memory_space<vmem>> -> memref<1x128xi32, #tpu.memory_space<vmem>>
    %dma_start3A_8 = tpu.memref_squeeze %dma_start3A_7 : memref<1x128xi32, #tpu.memory_space<vmem>> -> memref<128xi32, #tpu.memory_space<vmem>>
    %dma_start3A_9 = arith.constant 0 : i32
    %dma_start3A_10 = arith.constant 0 : i32
    %dma_start3A_11 = tpu.memref_slice %arg2[%dma_start3A_9, %dma_start3A_10] : memref<10000x128xf32, #tpu.memory_space<hbm>> -> memref<10000x128xf32, #tpu.memory_space<hbm>>
    tpu.enqueue_indirect_dma source(%dma_start3A_11 : memref<10000x128xf32, #tpu.memory_space<hbm>>) target(%dma_start3A_5 : memref<128x128xf32, #tpu.memory_space<vmem>>) offsets(%dma_start3A_8 : memref<128xi32, #tpu.memory_space<vmem>>) semaphore(%arg12 : memref<!tpu.dma_semaphore, #tpu.memory_space<semaphore_mem>>)
    %dma_start3A_12 = arith.constant 1 : i32
    %dma_start3A_13 = arith.constant 1 : i32
    %dma_start3A_14 = arith.constant 0 : i32
    %dma_start3A_15 = arith.constant 0 : i32
    %dma_start3A_16 = tpu.memref_slice %arg10[%dma_start3A_13, %dma_start3A_14, %dma_start3A_15] : memref<2x128x128xf32, #tpu.memory_space<vmem>> -> memref<1x128x128xf32, #tpu.memory_space<vmem>>
    %dma_start3A_17 = tpu.memref_squeeze %dma_start3A_16 : memref<1x128x128xf32, #tpu.memory_space<vmem>> -> memref<128x128xf32, #tpu.memory_space<vmem>>
    %dma_start3A_18 = arith.constant 0 : i32
    %dma_start3A_19 = tpu.memref_slice %arg8[%dma_start3A_12, %dma_start3A_18] : memref<40x128xi32, #tpu.memory_space<vmem>> -> memref<1x128xi32, #tpu.memory_space<vmem>>
    %dma_start3A_20 = tpu.memref_squeeze %dma_start3A_19 : memref<1x128xi32, #tpu.memory_space<vmem>> -> memref<128xi32, #tpu.memory_space<vmem>>
    %dma_start3A_21 = arith.constant 0 : i32
    %dma_start3A_22 = arith.constant 0 : i32
    %dma_start3A_23 = tpu.memref_slice %arg2[%dma_start3A_21, %dma_start3A_22] : memref<10000x128xf32, #tpu.memory_space<hbm>> -> memref<10000x128xf32, #tpu.memory_space<hbm>>
    tpu.enqueue_indirect_dma source(%dma_start3A_23 : memref<10000x128xf32, #tpu.memory_space<hbm>>) target(%dma_start3A_17 : memref<128x128xf32, #tpu.memory_space<vmem>>) offsets(%dma_start3A_20 : memref<128xi32, #tpu.memory_space<vmem>>) semaphore(%arg13 : memref<!tpu.dma_semaphore, #tpu.memory_space<semaphore_mem>>)
    "tpu.region"() ({
      %run_scoped3A_343 = tpu.sem_alloc : memref<!tpu.dma_semaphore, #tpu.memory_space<semaphore_mem>>
      tpu.enqueue_dma source(%arg5 : memref<32x128xf32, #tpu.memory_space<hbm>>) target(%arg11 : memref<32x128xf32, #tpu.memory_space<vmem>>) target_semaphore(%run_scoped3A_343 : memref<!tpu.dma_semaphore, #tpu.memory_space<semaphore_mem>>)
      tpu.wait_dma2 semaphore(%run_scoped3A_343 : memref<!tpu.dma_semaphore, #tpu.memory_space<semaphore_mem>>) src(%arg5 : memref<32x128xf32, #tpu.memory_space<hbm>>) dst(%arg11 : memref<32x128xf32, #tpu.memory_space<vmem>>)
      tpu.yield
    }) : () -> ()
    %mul3A = arith.constant 640 : i32
    %mul3A_24 = arith.muli %arg1, %mul3A : i32
    %add3A = arith.constant 0 : i32
    %add3A_25 = arith.addi %mul3A_24, %add3A : i32
    %dma_start3A_26 = arith.constant 0 : i32
    %dma_start3A_27 = tpu.memref_slice %arg7[%add3A_25, %dma_start3A_26] : memref<10240x128xf32, #tpu.memory_space<vmem_shared>> -> memref<32x128xf32, #tpu.memory_space<vmem_shared>>
    %dma_start3A_28 = arith.constant 0 : i32
    %dma_start3A_29 = tpu.memref_slice %arg7[%add3A_25, %dma_start3A_28] : memref<10240x128xf32, #tpu.memory_space<vmem_shared>> -> memref<32x128xf32, #tpu.memory_space<vmem_shared>>
    tpu.enqueue_dma source(%arg11 : memref<32x128xf32, #tpu.memory_space<vmem>>) target(%dma_start3A_29 : memref<32x128xf32, #tpu.memory_space<vmem_shared>>) target_semaphore(%arg14 : memref<!tpu.dma_semaphore, #tpu.memory_space<semaphore_mem>>)
    %mul3A_30 = arith.constant 640 : i32
    %mul3A_31 = arith.muli %arg1, %mul3A_30 : i32
    %add3A_32 = arith.constant 32 : i32
    %add3A_33 = arith.addi %mul3A_31, %add3A_32 : i32
    %dma_start3A_34 = arith.constant 0 : i32
    %dma_start3A_35 = tpu.memref_slice %arg7[%add3A_33, %dma_start3A_34] : memref<10240x128xf32, #tpu.memory_space<vmem_shared>> -> memref<32x128xf32, #tpu.memory_space<vmem_shared>>
    %dma_start3A_36 = arith.constant 0 : i32
    %dma_start3A_37 = tpu.memref_slice %arg7[%add3A_33, %dma_start3A_36] : memref<10240x128xf32, #tpu.memory_space<vmem_shared>> -> memref<32x128xf32, #tpu.memory_space<vmem_shared>>
    tpu.enqueue_dma source(%arg11 : memref<32x128xf32, #tpu.memory_space<vmem>>) target(%dma_start3A_37 : memref<32x128xf32, #tpu.memory_space<vmem_shared>>) target_semaphore(%arg14 : memref<!tpu.dma_semaphore, #tpu.memory_space<semaphore_mem>>)
    %mul3A_38 = arith.constant 640 : i32
    %mul3A_39 = arith.muli %arg1, %mul3A_38 : i32
    %add3A_40 = arith.constant 64 : i32
    %add3A_41 = arith.addi %mul3A_39, %add3A_40 : i32
    %dma_start3A_42 = arith.constant 0 : i32
    %dma_start3A_43 = tpu.memref_slice %arg7[%add3A_41, %dma_start3A_42] : memref<10240x128xf32, #tpu.memory_space<vmem_shared>> -> memref<32x128xf32, #tpu.memory_space<vmem_shared>>
    %dma_start3A_44 = arith.constant 0 : i32
    %dma_start3A_45 = tpu.memref_slice %arg7[%add3A_41, %dma_start3A_44] : memref<10240x128xf32, #tpu.memory_space<vmem_shared>> -> memref<32x128xf32, #tpu.memory_space<vmem_shared>>
    tpu.enqueue_dma source(%arg11 : memref<32x128xf32, #tpu.memory_space<vmem>>) target(%dma_start3A_45 : memref<32x128xf32, #tpu.memory_space<vmem_shared>>) target_semaphore(%arg14 : memref<!tpu.dma_semaphore, #tpu.memory_space<semaphore_mem>>)
    %mul3A_46 = arith.constant 640 : i32
    %mul3A_47 = arith.muli %arg1, %mul3A_46 : i32
    %add3A_48 = arith.constant 96 : i32
    %add3A_49 = arith.addi %mul3A_47, %add3A_48 : i32
    %dma_start3A_50 = arith.constant 0 : i32
    %dma_start3A_51 = tpu.memref_slice %arg7[%add3A_49, %dma_start3A_50] : memref<10240x128xf32, #tpu.memory_space<vmem_shared>> -> memref<32x128xf32, #tpu.memory_space<vmem_shared>>
    %dma_start3A_52 = arith.constant 0 : i32
    %dma_start3A_53 = tpu.memref_slice %arg7[%add3A_49, %dma_start3A_52] : memref<10240x128xf32, #tpu.memory_space<vmem_shared>> -> memref<32x128xf32, #tpu.memory_space<vmem_shared>>
    tpu.enqueue_dma source(%arg11 : memref<32x128xf32, #tpu.memory_space<vmem>>) target(%dma_start3A_53 : memref<32x128xf32, #tpu.memory_space<vmem_shared>>) target_semaphore(%arg14 : memref<!tpu.dma_semaphore, #tpu.memory_space<semaphore_mem>>)
    %mul3A_54 = arith.constant 640 : i32
    %mul3A_55 = arith.muli %arg1, %mul3A_54 : i32
    %add3A_56 = arith.constant 128 : i32
    %add3A_57 = arith.addi %mul3A_55, %add3A_56 : i32
    %dma_start3A_58 = arith.constant 0 : i32
    %dma_start3A_59 = tpu.memref_slice %arg7[%add3A_57, %dma_start3A_58] : memref<10240x128xf32, #tpu.memory_space<vmem_shared>> -> memref<32x128xf32, #tpu.memory_space<vmem_shared>>
    %dma_start3A_60 = arith.constant 0 : i32
    %dma_start3A_61 = tpu.memref_slice %arg7[%add3A_57, %dma_start3A_60] : memref<10240x128xf32, #tpu.memory_space<vmem_shared>> -> memref<32x128xf32, #tpu.memory_space<vmem_shared>>
    tpu.enqueue_dma source(%arg11 : memref<32x128xf32, #tpu.memory_space<vmem>>) target(%dma_start3A_61 : memref<32x128xf32, #tpu.memory_space<vmem_shared>>) target_semaphore(%arg14 : memref<!tpu.dma_semaphore, #tpu.memory_space<semaphore_mem>>)
    %mul3A_62 = arith.constant 640 : i32
    %mul3A_63 = arith.muli %arg1, %mul3A_62 : i32
    %add3A_64 = arith.constant 160 : i32
    %add3A_65 = arith.addi %mul3A_63, %add3A_64 : i32
    %dma_start3A_66 = arith.constant 0 : i32
    %dma_start3A_67 = tpu.memref_slice %arg7[%add3A_65, %dma_start3A_66] : memref<10240x128xf32, #tpu.memory_space<vmem_shared>> -> memref<32x128xf32, #tpu.memory_space<vmem_shared>>
    %dma_start3A_68 = arith.constant 0 : i32
    %dma_start3A_69 = tpu.memref_slice %arg7[%add3A_65, %dma_start3A_68] : memref<10240x128xf32, #tpu.memory_space<vmem_shared>> -> memref<32x128xf32, #tpu.memory_space<vmem_shared>>
    tpu.enqueue_dma source(%arg11 : memref<32x128xf32, #tpu.memory_space<vmem>>) target(%dma_start3A_69 : memref<32x128xf32, #tpu.memory_space<vmem_shared>>) target_semaphore(%arg14 : memref<!tpu.dma_semaphore, #tpu.memory_space<semaphore_mem>>)
    %mul3A_70 = arith.constant 640 : i32
    %mul3A_71 = arith.muli %arg1, %mul3A_70 : i32
    %add3A_72 = arith.constant 192 : i32
    %add3A_73 = arith.addi %mul3A_71, %add3A_72 : i32
    %dma_start3A_74 = arith.constant 0 : i32
    %dma_start3A_75 = tpu.memref_slice %arg7[%add3A_73, %dma_start3A_74] : memref<10240x128xf32, #tpu.memory_space<vmem_shared>> -> memref<32x128xf32, #tpu.memory_space<vmem_shared>>
    %dma_start3A_76 = arith.constant 0 : i32
    %dma_start3A_77 = tpu.memref_slice %arg7[%add3A_73, %dma_start3A_76] : memref<10240x128xf32, #tpu.memory_space<vmem_shared>> -> memref<32x128xf32, #tpu.memory_space<vmem_shared>>
    tpu.enqueue_dma source(%arg11 : memref<32x128xf32, #tpu.memory_space<vmem>>) target(%dma_start3A_77 : memref<32x128xf32, #tpu.memory_space<vmem_shared>>) target_semaphore(%arg14 : memref<!tpu.dma_semaphore, #tpu.memory_space<semaphore_mem>>)
    %mul3A_78 = arith.constant 640 : i32
    %mul3A_79 = arith.muli %arg1, %mul3A_78 : i32
    %add3A_80 = arith.constant 224 : i32
    %add3A_81 = arith.addi %mul3A_79, %add3A_80 : i32
    %dma_start3A_82 = arith.constant 0 : i32
    %dma_start3A_83 = tpu.memref_slice %arg7[%add3A_81, %dma_start3A_82] : memref<10240x128xf32, #tpu.memory_space<vmem_shared>> -> memref<32x128xf32, #tpu.memory_space<vmem_shared>>
    %dma_start3A_84 = arith.constant 0 : i32
    %dma_start3A_85 = tpu.memref_slice %arg7[%add3A_81, %dma_start3A_84] : memref<10240x128xf32, #tpu.memory_space<vmem_shared>> -> memref<32x128xf32, #tpu.memory_space<vmem_shared>>
    tpu.enqueue_dma source(%arg11 : memref<32x128xf32, #tpu.memory_space<vmem>>) target(%dma_start3A_85 : memref<32x128xf32, #tpu.memory_space<vmem_shared>>) target_semaphore(%arg14 : memref<!tpu.dma_semaphore, #tpu.memory_space<semaphore_mem>>)
    %mul3A_86 = arith.constant 640 : i32
    %mul3A_87 = arith.muli %arg1, %mul3A_86 : i32
    %add3A_88 = arith.constant 256 : i32
    %add3A_89 = arith.addi %mul3A_87, %add3A_88 : i32
    %dma_start3A_90 = arith.constant 0 : i32
    %dma_start3A_91 = tpu.memref_slice %arg7[%add3A_89, %dma_start3A_90] : memref<10240x128xf32, #tpu.memory_space<vmem_shared>> -> memref<32x128xf32, #tpu.memory_space<vmem_shared>>
    %dma_start3A_92 = arith.constant 0 : i32
    %dma_start3A_93 = tpu.memref_slice %arg7[%add3A_89, %dma_start3A_92] : memref<10240x128xf32, #tpu.memory_space<vmem_shared>> -> memref<32x128xf32, #tpu.memory_space<vmem_shared>>
    tpu.enqueue_dma source(%arg11 : memref<32x128xf32, #tpu.memory_space<vmem>>) target(%dma_start3A_93 : memref<32x128xf32, #tpu.memory_space<vmem_shared>>) target_semaphore(%arg14 : memref<!tpu.dma_semaphore, #tpu.memory_space<semaphore_mem>>)
    %mul3A_94 = arith.constant 640 : i32
    %mul3A_95 = arith.muli %arg1, %mul3A_94 : i32
    %add3A_96 = arith.constant 288 : i32
    %add3A_97 = arith.addi %mul3A_95, %add3A_96 : i32
    %dma_start3A_98 = arith.constant 0 : i32
    %dma_start3A_99 = tpu.memref_slice %arg7[%add3A_97, %dma_start3A_98] : memref<10240x128xf32, #tpu.memory_space<vmem_shared>> -> memref<32x128xf32, #tpu.memory_space<vmem_shared>>
    %dma_start3A_100 = arith.constant 0 : i32
    %dma_start3A_101 = tpu.memref_slice %arg7[%add3A_97, %dma_start3A_100] : memref<10240x128xf32, #tpu.memory_space<vmem_shared>> -> memref<32x128xf32, #tpu.memory_space<vmem_shared>>
    tpu.enqueue_dma source(%arg11 : memref<32x128xf32, #tpu.memory_space<vmem>>) target(%dma_start3A_101 : memref<32x128xf32, #tpu.memory_space<vmem_shared>>) target_semaphore(%arg14 : memref<!tpu.dma_semaphore, #tpu.memory_space<semaphore_mem>>)
    %mul3A_102 = arith.constant 640 : i32
    %mul3A_103 = arith.muli %arg1, %mul3A_102 : i32
    %add3A_104 = arith.constant 320 : i32
    %add3A_105 = arith.addi %mul3A_103, %add3A_104 : i32
    %dma_start3A_106 = arith.constant 0 : i32
    %dma_start3A_107 = tpu.memref_slice %arg7[%add3A_105, %dma_start3A_106] : memref<10240x128xf32, #tpu.memory_space<vmem_shared>> -> memref<32x128xf32, #tpu.memory_space<vmem_shared>>
    %dma_start3A_108 = arith.constant 0 : i32
    %dma_start3A_109 = tpu.memref_slice %arg7[%add3A_105, %dma_start3A_108] : memref<10240x128xf32, #tpu.memory_space<vmem_shared>> -> memref<32x128xf32, #tpu.memory_space<vmem_shared>>
    tpu.enqueue_dma source(%arg11 : memref<32x128xf32, #tpu.memory_space<vmem>>) target(%dma_start3A_109 : memref<32x128xf32, #tpu.memory_space<vmem_shared>>) target_semaphore(%arg14 : memref<!tpu.dma_semaphore, #tpu.memory_space<semaphore_mem>>)
    %mul3A_110 = arith.constant 640 : i32
    %mul3A_111 = arith.muli %arg1, %mul3A_110 : i32
    %add3A_112 = arith.constant 352 : i32
    %add3A_113 = arith.addi %mul3A_111, %add3A_112 : i32
    %dma_start3A_114 = arith.constant 0 : i32
    %dma_start3A_115 = tpu.memref_slice %arg7[%add3A_113, %dma_start3A_114] : memref<10240x128xf32, #tpu.memory_space<vmem_shared>> -> memref<32x128xf32, #tpu.memory_space<vmem_shared>>
    %dma_start3A_116 = arith.constant 0 : i32
    %dma_start3A_117 = tpu.memref_slice %arg7[%add3A_113, %dma_start3A_116] : memref<10240x128xf32, #tpu.memory_space<vmem_shared>> -> memref<32x128xf32, #tpu.memory_space<vmem_shared>>
    tpu.enqueue_dma source(%arg11 : memref<32x128xf32, #tpu.memory_space<vmem>>) target(%dma_start3A_117 : memref<32x128xf32, #tpu.memory_space<vmem_shared>>) target_semaphore(%arg14 : memref<!tpu.dma_semaphore, #tpu.memory_space<semaphore_mem>>)
    %mul3A_118 = arith.constant 640 : i32
    %mul3A_119 = arith.muli %arg1, %mul3A_118 : i32
    %add3A_120 = arith.constant 384 : i32
    %add3A_121 = arith.addi %mul3A_119, %add3A_120 : i32
    %dma_start3A_122 = arith.constant 0 : i32
    %dma_start3A_123 = tpu.memref_slice %arg7[%add3A_121, %dma_start3A_122] : memref<10240x128xf32, #tpu.memory_space<vmem_shared>> -> memref<32x128xf32, #tpu.memory_space<vmem_shared>>
    %dma_start3A_124 = arith.constant 0 : i32
    %dma_start3A_125 = tpu.memref_slice %arg7[%add3A_121, %dma_start3A_124] : memref<10240x128xf32, #tpu.memory_space<vmem_shared>> -> memref<32x128xf32, #tpu.memory_space<vmem_shared>>
    tpu.enqueue_dma source(%arg11 : memref<32x128xf32, #tpu.memory_space<vmem>>) target(%dma_start3A_125 : memref<32x128xf32, #tpu.memory_space<vmem_shared>>) target_semaphore(%arg14 : memref<!tpu.dma_semaphore, #tpu.memory_space<semaphore_mem>>)
    %mul3A_126 = arith.constant 640 : i32
    %mul3A_127 = arith.muli %arg1, %mul3A_126 : i32
    %add3A_128 = arith.constant 416 : i32
    %add3A_129 = arith.addi %mul3A_127, %add3A_128 : i32
    %dma_start3A_130 = arith.constant 0 : i32
    %dma_start3A_131 = tpu.memref_slice %arg7[%add3A_129, %dma_start3A_130] : memref<10240x128xf32, #tpu.memory_space<vmem_shared>> -> memref<32x128xf32, #tpu.memory_space<vmem_shared>>
    %dma_start3A_132 = arith.constant 0 : i32
    %dma_start3A_133 = tpu.memref_slice %arg7[%add3A_129, %dma_start3A_132] : memref<10240x128xf32, #tpu.memory_space<vmem_shared>> -> memref<32x128xf32, #tpu.memory_space<vmem_shared>>
    tpu.enqueue_dma source(%arg11 : memref<32x128xf32, #tpu.memory_space<vmem>>) target(%dma_start3A_133 : memref<32x128xf32, #tpu.memory_space<vmem_shared>>) target_semaphore(%arg14 : memref<!tpu.dma_semaphore, #tpu.memory_space<semaphore_mem>>)
    %mul3A_134 = arith.constant 640 : i32
    %mul3A_135 = arith.muli %arg1, %mul3A_134 : i32
    %add3A_136 = arith.constant 448 : i32
    %add3A_137 = arith.addi %mul3A_135, %add3A_136 : i32
    %dma_start3A_138 = arith.constant 0 : i32
    %dma_start3A_139 = tpu.memref_slice %arg7[%add3A_137, %dma_start3A_138] : memref<10240x128xf32, #tpu.memory_space<vmem_shared>> -> memref<32x128xf32, #tpu.memory_space<vmem_shared>>
    %dma_start3A_140 = arith.constant 0 : i32
    %dma_start3A_141 = tpu.memref_slice %arg7[%add3A_137, %dma_start3A_140] : memref<10240x128xf32, #tpu.memory_space<vmem_shared>> -> memref<32x128xf32, #tpu.memory_space<vmem_shared>>
    tpu.enqueue_dma source(%arg11 : memref<32x128xf32, #tpu.memory_space<vmem>>) target(%dma_start3A_141 : memref<32x128xf32, #tpu.memory_space<vmem_shared>>) target_semaphore(%arg14 : memref<!tpu.dma_semaphore, #tpu.memory_space<semaphore_mem>>)
    %mul3A_142 = arith.constant 640 : i32
    %mul3A_143 = arith.muli %arg1, %mul3A_142 : i32
    %add3A_144 = arith.constant 480 : i32
    %add3A_145 = arith.addi %mul3A_143, %add3A_144 : i32
    %dma_start3A_146 = arith.constant 0 : i32
    %dma_start3A_147 = tpu.memref_slice %arg7[%add3A_145, %dma_start3A_146] : memref<10240x128xf32, #tpu.memory_space<vmem_shared>> -> memref<32x128xf32, #tpu.memory_space<vmem_shared>>
    %dma_start3A_148 = arith.constant 0 : i32
    %dma_start3A_149 = tpu.memref_slice %arg7[%add3A_145, %dma_start3A_148] : memref<10240x128xf32, #tpu.memory_space<vmem_shared>> -> memref<32x128xf32, #tpu.memory_space<vmem_shared>>
    tpu.enqueue_dma source(%arg11 : memref<32x128xf32, #tpu.memory_space<vmem>>) target(%dma_start3A_149 : memref<32x128xf32, #tpu.memory_space<vmem_shared>>) target_semaphore(%arg14 : memref<!tpu.dma_semaphore, #tpu.memory_space<semaphore_mem>>)
    %mul3A_150 = arith.constant 640 : i32
    %mul3A_151 = arith.muli %arg1, %mul3A_150 : i32
    %add3A_152 = arith.constant 512 : i32
    %add3A_153 = arith.addi %mul3A_151, %add3A_152 : i32
    %dma_start3A_154 = arith.constant 0 : i32
    %dma_start3A_155 = tpu.memref_slice %arg7[%add3A_153, %dma_start3A_154] : memref<10240x128xf32, #tpu.memory_space<vmem_shared>> -> memref<32x128xf32, #tpu.memory_space<vmem_shared>>
    %dma_start3A_156 = arith.constant 0 : i32
    %dma_start3A_157 = tpu.memref_slice %arg7[%add3A_153, %dma_start3A_156] : memref<10240x128xf32, #tpu.memory_space<vmem_shared>> -> memref<32x128xf32, #tpu.memory_space<vmem_shared>>
    tpu.enqueue_dma source(%arg11 : memref<32x128xf32, #tpu.memory_space<vmem>>) target(%dma_start3A_157 : memref<32x128xf32, #tpu.memory_space<vmem_shared>>) target_semaphore(%arg14 : memref<!tpu.dma_semaphore, #tpu.memory_space<semaphore_mem>>)
    %mul3A_158 = arith.constant 640 : i32
    %mul3A_159 = arith.muli %arg1, %mul3A_158 : i32
    %add3A_160 = arith.constant 544 : i32
    %add3A_161 = arith.addi %mul3A_159, %add3A_160 : i32
    %dma_start3A_162 = arith.constant 0 : i32
    %dma_start3A_163 = tpu.memref_slice %arg7[%add3A_161, %dma_start3A_162] : memref<10240x128xf32, #tpu.memory_space<vmem_shared>> -> memref<32x128xf32, #tpu.memory_space<vmem_shared>>
    %dma_start3A_164 = arith.constant 0 : i32
    %dma_start3A_165 = tpu.memref_slice %arg7[%add3A_161, %dma_start3A_164] : memref<10240x128xf32, #tpu.memory_space<vmem_shared>> -> memref<32x128xf32, #tpu.memory_space<vmem_shared>>
    tpu.enqueue_dma source(%arg11 : memref<32x128xf32, #tpu.memory_space<vmem>>) target(%dma_start3A_165 : memref<32x128xf32, #tpu.memory_space<vmem_shared>>) target_semaphore(%arg14 : memref<!tpu.dma_semaphore, #tpu.memory_space<semaphore_mem>>)
    %mul3A_166 = arith.constant 640 : i32
    %mul3A_167 = arith.muli %arg1, %mul3A_166 : i32
    %add3A_168 = arith.constant 576 : i32
    %add3A_169 = arith.addi %mul3A_167, %add3A_168 : i32
    %dma_start3A_170 = arith.constant 0 : i32
    %dma_start3A_171 = tpu.memref_slice %arg7[%add3A_169, %dma_start3A_170] : memref<10240x128xf32, #tpu.memory_space<vmem_shared>> -> memref<32x128xf32, #tpu.memory_space<vmem_shared>>
    %dma_start3A_172 = arith.constant 0 : i32
    %dma_start3A_173 = tpu.memref_slice %arg7[%add3A_169, %dma_start3A_172] : memref<10240x128xf32, #tpu.memory_space<vmem_shared>> -> memref<32x128xf32, #tpu.memory_space<vmem_shared>>
    tpu.enqueue_dma source(%arg11 : memref<32x128xf32, #tpu.memory_space<vmem>>) target(%dma_start3A_173 : memref<32x128xf32, #tpu.memory_space<vmem_shared>>) target_semaphore(%arg14 : memref<!tpu.dma_semaphore, #tpu.memory_space<semaphore_mem>>)
    %mul3A_174 = arith.constant 640 : i32
    %mul3A_175 = arith.muli %arg1, %mul3A_174 : i32
    %add3A_176 = arith.constant 608 : i32
    %add3A_177 = arith.addi %mul3A_175, %add3A_176 : i32
    %dma_start3A_178 = arith.constant 0 : i32
    %dma_start3A_179 = tpu.memref_slice %arg7[%add3A_177, %dma_start3A_178] : memref<10240x128xf32, #tpu.memory_space<vmem_shared>> -> memref<32x128xf32, #tpu.memory_space<vmem_shared>>
    %dma_start3A_180 = arith.constant 0 : i32
    %dma_start3A_181 = tpu.memref_slice %arg7[%add3A_177, %dma_start3A_180] : memref<10240x128xf32, #tpu.memory_space<vmem_shared>> -> memref<32x128xf32, #tpu.memory_space<vmem_shared>>
    tpu.enqueue_dma source(%arg11 : memref<32x128xf32, #tpu.memory_space<vmem>>) target(%dma_start3A_181 : memref<32x128xf32, #tpu.memory_space<vmem_shared>>) target_semaphore(%arg14 : memref<!tpu.dma_semaphore, #tpu.memory_space<semaphore_mem>>)
    %dma_wait3A = arith.constant 0 : i32
    %dma_wait3A_182 = arith.constant 0 : i32
    %dma_wait3A_183 = tpu.memref_slice %arg7[%dma_wait3A, %dma_wait3A_182] : memref<10240x128xf32, #tpu.memory_space<vmem_shared>> -> memref<32x128xf32, #tpu.memory_space<vmem_shared>>
    %dma_wait3A_184 = arith.constant 0 : i32
    %dma_wait3A_185 = arith.constant 0 : i32
    %dma_wait3A_186 = tpu.memref_slice %arg7[%dma_wait3A_184, %dma_wait3A_185] : memref<10240x128xf32, #tpu.memory_space<vmem_shared>> -> memref<32x128xf32, #tpu.memory_space<vmem_shared>>
    tpu.wait_dma2 semaphore(%arg14 : memref<!tpu.dma_semaphore, #tpu.memory_space<semaphore_mem>>) src(%arg11 : memref<32x128xf32, #tpu.memory_space<vmem>>) dst(%dma_wait3A_186 : memref<32x128xf32, #tpu.memory_space<vmem_shared>>)
    %dma_wait3A_187 = arith.constant 0 : i32
    %dma_wait3A_188 = arith.constant 0 : i32
    %dma_wait3A_189 = tpu.memref_slice %arg7[%dma_wait3A_187, %dma_wait3A_188] : memref<10240x128xf32, #tpu.memory_space<vmem_shared>> -> memref<32x128xf32, #tpu.memory_space<vmem_shared>>
    %dma_wait3A_190 = arith.constant 0 : i32
    %dma_wait3A_191 = arith.constant 0 : i32
    %dma_wait3A_192 = tpu.memref_slice %arg7[%dma_wait3A_190, %dma_wait3A_191] : memref<10240x128xf32, #tpu.memory_space<vmem_shared>> -> memref<32x128xf32, #tpu.memory_space<vmem_shared>>
    tpu.wait_dma2 semaphore(%arg14 : memref<!tpu.dma_semaphore, #tpu.memory_space<semaphore_mem>>) src(%arg11 : memref<32x128xf32, #tpu.memory_space<vmem>>) dst(%dma_wait3A_192 : memref<32x128xf32, #tpu.memory_space<vmem_shared>>)
    %dma_wait3A_193 = arith.constant 0 : i32
    %dma_wait3A_194 = arith.constant 0 : i32
    %dma_wait3A_195 = tpu.memref_slice %arg7[%dma_wait3A_193, %dma_wait3A_194] : memref<10240x128xf32, #tpu.memory_space<vmem_shared>> -> memref<32x128xf32, #tpu.memory_space<vmem_shared>>
    %dma_wait3A_196 = arith.constant 0 : i32
    %dma_wait3A_197 = arith.constant 0 : i32
    %dma_wait3A_198 = tpu.memref_slice %arg7[%dma_wait3A_196, %dma_wait3A_197] : memref<10240x128xf32, #tpu.memory_space<vmem_shared>> -> memref<32x128xf32, #tpu.memory_space<vmem_shared>>
    tpu.wait_dma2 semaphore(%arg14 : memref<!tpu.dma_semaphore, #tpu.memory_space<semaphore_mem>>) src(%arg11 : memref<32x128xf32, #tpu.memory_space<vmem>>) dst(%dma_wait3A_198 : memref<32x128xf32, #tpu.memory_space<vmem_shared>>)
    %dma_wait3A_199 = arith.constant 0 : i32
    %dma_wait3A_200 = arith.constant 0 : i32
    %dma_wait3A_201 = tpu.memref_slice %arg7[%dma_wait3A_199, %dma_wait3A_200] : memref<10240x128xf32, #tpu.memory_space<vmem_shared>> -> memref<32x128xf32, #tpu.memory_space<vmem_shared>>
    %dma_wait3A_202 = arith.constant 0 : i32
    %dma_wait3A_203 = arith.constant 0 : i32
    %dma_wait3A_204 = tpu.memref_slice %arg7[%dma_wait3A_202, %dma_wait3A_203] : memref<10240x128xf32, #tpu.memory_space<vmem_shared>> -> memref<32x128xf32, #tpu.memory_space<vmem_shared>>
    tpu.wait_dma2 semaphore(%arg14 : memref<!tpu.dma_semaphore, #tpu.memory_space<semaphore_mem>>) src(%arg11 : memref<32x128xf32, #tpu.memory_space<vmem>>) dst(%dma_wait3A_204 : memref<32x128xf32, #tpu.memory_space<vmem_shared>>)
    %dma_wait3A_205 = arith.constant 0 : i32
    %dma_wait3A_206 = arith.constant 0 : i32
    %dma_wait3A_207 = tpu.memref_slice %arg7[%dma_wait3A_205, %dma_wait3A_206] : memref<10240x128xf32, #tpu.memory_space<vmem_shared>> -> memref<32x128xf32, #tpu.memory_space<vmem_shared>>
    %dma_wait3A_208 = arith.constant 0 : i32
    %dma_wait3A_209 = arith.constant 0 : i32
    %dma_wait3A_210 = tpu.memref_slice %arg7[%dma_wait3A_208, %dma_wait3A_209] : memref<10240x128xf32, #tpu.memory_space<vmem_shared>> -> memref<32x128xf32, #tpu.memory_space<vmem_shared>>
    tpu.wait_dma2 semaphore(%arg14 : memref<!tpu.dma_semaphore, #tpu.memory_space<semaphore_mem>>) src(%arg11 : memref<32x128xf32, #tpu.memory_space<vmem>>) dst(%dma_wait3A_210 : memref<32x128xf32, #tpu.memory_space<vmem_shared>>)
    %dma_wait3A_211 = arith.constant 0 : i32
    %dma_wait3A_212 = arith.constant 0 : i32
    %dma_wait3A_213 = tpu.memref_slice %arg7[%dma_wait3A_211, %dma_wait3A_212] : memref<10240x128xf32, #tpu.memory_space<vmem_shared>> -> memref<32x128xf32, #tpu.memory_space<vmem_shared>>
    %dma_wait3A_214 = arith.constant 0 : i32
    %dma_wait3A_215 = arith.constant 0 : i32
    %dma_wait3A_216 = tpu.memref_slice %arg7[%dma_wait3A_214, %dma_wait3A_215] : memref<10240x128xf32, #tpu.memory_space<vmem_shared>> -> memref<32x128xf32, #tpu.memory_space<vmem_shared>>
    tpu.wait_dma2 semaphore(%arg14 : memref<!tpu.dma_semaphore, #tpu.memory_space<semaphore_mem>>) src(%arg11 : memref<32x128xf32, #tpu.memory_space<vmem>>) dst(%dma_wait3A_216 : memref<32x128xf32, #tpu.memory_space<vmem_shared>>)
    %dma_wait3A_217 = arith.constant 0 : i32
    %dma_wait3A_218 = arith.constant 0 : i32
    %dma_wait3A_219 = tpu.memref_slice %arg7[%dma_wait3A_217, %dma_wait3A_218] : memref<10240x128xf32, #tpu.memory_space<vmem_shared>> -> memref<32x128xf32, #tpu.memory_space<vmem_shared>>
    %dma_wait3A_220 = arith.constant 0 : i32
    %dma_wait3A_221 = arith.constant 0 : i32
    %dma_wait3A_222 = tpu.memref_slice %arg7[%dma_wait3A_220, %dma_wait3A_221] : memref<10240x128xf32, #tpu.memory_space<vmem_shared>> -> memref<32x128xf32, #tpu.memory_space<vmem_shared>>
    tpu.wait_dma2 semaphore(%arg14 : memref<!tpu.dma_semaphore, #tpu.memory_space<semaphore_mem>>) src(%arg11 : memref<32x128xf32, #tpu.memory_space<vmem>>) dst(%dma_wait3A_222 : memref<32x128xf32, #tpu.memory_space<vmem_shared>>)
    %dma_wait3A_223 = arith.constant 0 : i32
    %dma_wait3A_224 = arith.constant 0 : i32
    %dma_wait3A_225 = tpu.memref_slice %arg7[%dma_wait3A_223, %dma_wait3A_224] : memref<10240x128xf32, #tpu.memory_space<vmem_shared>> -> memref<32x128xf32, #tpu.memory_space<vmem_shared>>
    %dma_wait3A_226 = arith.constant 0 : i32
    %dma_wait3A_227 = arith.constant 0 : i32
    %dma_wait3A_228 = tpu.memref_slice %arg7[%dma_wait3A_226, %dma_wait3A_227] : memref<10240x128xf32, #tpu.memory_space<vmem_shared>> -> memref<32x128xf32, #tpu.memory_space<vmem_shared>>
    tpu.wait_dma2 semaphore(%arg14 : memref<!tpu.dma_semaphore, #tpu.memory_space<semaphore_mem>>) src(%arg11 : memref<32x128xf32, #tpu.memory_space<vmem>>) dst(%dma_wait3A_228 : memref<32x128xf32, #tpu.memory_space<vmem_shared>>)
    %dma_wait3A_229 = arith.constant 0 : i32
    %dma_wait3A_230 = arith.constant 0 : i32
    %dma_wait3A_231 = tpu.memref_slice %arg7[%dma_wait3A_229, %dma_wait3A_230] : memref<10240x128xf32, #tpu.memory_space<vmem_shared>> -> memref<32x128xf32, #tpu.memory_space<vmem_shared>>
    %dma_wait3A_232 = arith.constant 0 : i32
    %dma_wait3A_233 = arith.constant 0 : i32
    %dma_wait3A_234 = tpu.memref_slice %arg7[%dma_wait3A_232, %dma_wait3A_233] : memref<10240x128xf32, #tpu.memory_space<vmem_shared>> -> memref<32x128xf32, #tpu.memory_space<vmem_shared>>
    tpu.wait_dma2 semaphore(%arg14 : memref<!tpu.dma_semaphore, #tpu.memory_space<semaphore_mem>>) src(%arg11 : memref<32x128xf32, #tpu.memory_space<vmem>>) dst(%dma_wait3A_234 : memref<32x128xf32, #tpu.memory_space<vmem_shared>>)
    %dma_wait3A_235 = arith.constant 0 : i32
    %dma_wait3A_236 = arith.constant 0 : i32
    %dma_wait3A_237 = tpu.memref_slice %arg7[%dma_wait3A_235, %dma_wait3A_236] : memref<10240x128xf32, #tpu.memory_space<vmem_shared>> -> memref<32x128xf32, #tpu.memory_space<vmem_shared>>
    %dma_wait3A_238 = arith.constant 0 : i32
    %dma_wait3A_239 = arith.constant 0 : i32
    %dma_wait3A_240 = tpu.memref_slice %arg7[%dma_wait3A_238, %dma_wait3A_239] : memref<10240x128xf32, #tpu.memory_space<vmem_shared>> -> memref<32x128xf32, #tpu.memory_space<vmem_shared>>
    tpu.wait_dma2 semaphore(%arg14 : memref<!tpu.dma_semaphore, #tpu.memory_space<semaphore_mem>>) src(%arg11 : memref<32x128xf32, #tpu.memory_space<vmem>>) dst(%dma_wait3A_240 : memref<32x128xf32, #tpu.memory_space<vmem_shared>>)
    %dma_wait3A_241 = arith.constant 0 : i32
    %dma_wait3A_242 = arith.constant 0 : i32
    %dma_wait3A_243 = tpu.memref_slice %arg7[%dma_wait3A_241, %dma_wait3A_242] : memref<10240x128xf32, #tpu.memory_space<vmem_shared>> -> memref<32x128xf32, #tpu.memory_space<vmem_shared>>
    %dma_wait3A_244 = arith.constant 0 : i32
    %dma_wait3A_245 = arith.constant 0 : i32
    %dma_wait3A_246 = tpu.memref_slice %arg7[%dma_wait3A_244, %dma_wait3A_245] : memref<10240x128xf32, #tpu.memory_space<vmem_shared>> -> memref<32x128xf32, #tpu.memory_space<vmem_shared>>
    tpu.wait_dma2 semaphore(%arg14 : memref<!tpu.dma_semaphore, #tpu.memory_space<semaphore_mem>>) src(%arg11 : memref<32x128xf32, #tpu.memory_space<vmem>>) dst(%dma_wait3A_246 : memref<32x128xf32, #tpu.memory_space<vmem_shared>>)
    %dma_wait3A_247 = arith.constant 0 : i32
    %dma_wait3A_248 = arith.constant 0 : i32
    %dma_wait3A_249 = tpu.memref_slice %arg7[%dma_wait3A_247, %dma_wait3A_248] : memref<10240x128xf32, #tpu.memory_space<vmem_shared>> -> memref<32x128xf32, #tpu.memory_space<vmem_shared>>
    %dma_wait3A_250 = arith.constant 0 : i32
    %dma_wait3A_251 = arith.constant 0 : i32
    %dma_wait3A_252 = tpu.memref_slice %arg7[%dma_wait3A_250, %dma_wait3A_251] : memref<10240x128xf32, #tpu.memory_space<vmem_shared>> -> memref<32x128xf32, #tpu.memory_space<vmem_shared>>
    tpu.wait_dma2 semaphore(%arg14 : memref<!tpu.dma_semaphore, #tpu.memory_space<semaphore_mem>>) src(%arg11 : memref<32x128xf32, #tpu.memory_space<vmem>>) dst(%dma_wait3A_252 : memref<32x128xf32, #tpu.memory_space<vmem_shared>>)
    %dma_wait3A_253 = arith.constant 0 : i32
    %dma_wait3A_254 = arith.constant 0 : i32
    %dma_wait3A_255 = tpu.memref_slice %arg7[%dma_wait3A_253, %dma_wait3A_254] : memref<10240x128xf32, #tpu.memory_space<vmem_shared>> -> memref<32x128xf32, #tpu.memory_space<vmem_shared>>
    %dma_wait3A_256 = arith.constant 0 : i32
    %dma_wait3A_257 = arith.constant 0 : i32
    %dma_wait3A_258 = tpu.memref_slice %arg7[%dma_wait3A_256, %dma_wait3A_257] : memref<10240x128xf32, #tpu.memory_space<vmem_shared>> -> memref<32x128xf32, #tpu.memory_space<vmem_shared>>
    tpu.wait_dma2 semaphore(%arg14 : memref<!tpu.dma_semaphore, #tpu.memory_space<semaphore_mem>>) src(%arg11 : memref<32x128xf32, #tpu.memory_space<vmem>>) dst(%dma_wait3A_258 : memref<32x128xf32, #tpu.memory_space<vmem_shared>>)
    %dma_wait3A_259 = arith.constant 0 : i32
    %dma_wait3A_260 = arith.constant 0 : i32
    %dma_wait3A_261 = tpu.memref_slice %arg7[%dma_wait3A_259, %dma_wait3A_260] : memref<10240x128xf32, #tpu.memory_space<vmem_shared>> -> memref<32x128xf32, #tpu.memory_space<vmem_shared>>
    %dma_wait3A_262 = arith.constant 0 : i32
    %dma_wait3A_263 = arith.constant 0 : i32
    %dma_wait3A_264 = tpu.memref_slice %arg7[%dma_wait3A_262, %dma_wait3A_263] : memref<10240x128xf32, #tpu.memory_space<vmem_shared>> -> memref<32x128xf32, #tpu.memory_space<vmem_shared>>
    tpu.wait_dma2 semaphore(%arg14 : memref<!tpu.dma_semaphore, #tpu.memory_space<semaphore_mem>>) src(%arg11 : memref<32x128xf32, #tpu.memory_space<vmem>>) dst(%dma_wait3A_264 : memref<32x128xf32, #tpu.memory_space<vmem_shared>>)
    %dma_wait3A_265 = arith.constant 0 : i32
    %dma_wait3A_266 = arith.constant 0 : i32
    %dma_wait3A_267 = tpu.memref_slice %arg7[%dma_wait3A_265, %dma_wait3A_266] : memref<10240x128xf32, #tpu.memory_space<vmem_shared>> -> memref<32x128xf32, #tpu.memory_space<vmem_shared>>
    %dma_wait3A_268 = arith.constant 0 : i32
    %dma_wait3A_269 = arith.constant 0 : i32
    %dma_wait3A_270 = tpu.memref_slice %arg7[%dma_wait3A_268, %dma_wait3A_269] : memref<10240x128xf32, #tpu.memory_space<vmem_shared>> -> memref<32x128xf32, #tpu.memory_space<vmem_shared>>
    tpu.wait_dma2 semaphore(%arg14 : memref<!tpu.dma_semaphore, #tpu.memory_space<semaphore_mem>>) src(%arg11 : memref<32x128xf32, #tpu.memory_space<vmem>>) dst(%dma_wait3A_270 : memref<32x128xf32, #tpu.memory_space<vmem_shared>>)
    %dma_wait3A_271 = arith.constant 0 : i32
    %dma_wait3A_272 = arith.constant 0 : i32
    %dma_wait3A_273 = tpu.memref_slice %arg7[%dma_wait3A_271, %dma_wait3A_272] : memref<10240x128xf32, #tpu.memory_space<vmem_shared>> -> memref<32x128xf32, #tpu.memory_space<vmem_shared>>
    %dma_wait3A_274 = arith.constant 0 : i32
    %dma_wait3A_275 = arith.constant 0 : i32
    %dma_wait3A_276 = tpu.memref_slice %arg7[%dma_wait3A_274, %dma_wait3A_275] : memref<10240x128xf32, #tpu.memory_space<vmem_shared>> -> memref<32x128xf32, #tpu.memory_space<vmem_shared>>
    tpu.wait_dma2 semaphore(%arg14 : memref<!tpu.dma_semaphore, #tpu.memory_space<semaphore_mem>>) src(%arg11 : memref<32x128xf32, #tpu.memory_space<vmem>>) dst(%dma_wait3A_276 : memref<32x128xf32, #tpu.memory_space<vmem_shared>>)
    %dma_wait3A_277 = arith.constant 0 : i32
    %dma_wait3A_278 = arith.constant 0 : i32
    %dma_wait3A_279 = tpu.memref_slice %arg7[%dma_wait3A_277, %dma_wait3A_278] : memref<10240x128xf32, #tpu.memory_space<vmem_shared>> -> memref<32x128xf32, #tpu.memory_space<vmem_shared>>
    %dma_wait3A_280 = arith.constant 0 : i32
    %dma_wait3A_281 = arith.constant 0 : i32
    %dma_wait3A_282 = tpu.memref_slice %arg7[%dma_wait3A_280, %dma_wait3A_281] : memref<10240x128xf32, #tpu.memory_space<vmem_shared>> -> memref<32x128xf32, #tpu.memory_space<vmem_shared>>
    tpu.wait_dma2 semaphore(%arg14 : memref<!tpu.dma_semaphore, #tpu.memory_space<semaphore_mem>>) src(%arg11 : memref<32x128xf32, #tpu.memory_space<vmem>>) dst(%dma_wait3A_282 : memref<32x128xf32, #tpu.memory_space<vmem_shared>>)
    %dma_wait3A_283 = arith.constant 0 : i32
    %dma_wait3A_284 = arith.constant 0 : i32
    %dma_wait3A_285 = tpu.memref_slice %arg7[%dma_wait3A_283, %dma_wait3A_284] : memref<10240x128xf32, #tpu.memory_space<vmem_shared>> -> memref<32x128xf32, #tpu.memory_space<vmem_shared>>
    %dma_wait3A_286 = arith.constant 0 : i32
    %dma_wait3A_287 = arith.constant 0 : i32
    %dma_wait3A_288 = tpu.memref_slice %arg7[%dma_wait3A_286, %dma_wait3A_287] : memref<10240x128xf32, #tpu.memory_space<vmem_shared>> -> memref<32x128xf32, #tpu.memory_space<vmem_shared>>
    tpu.wait_dma2 semaphore(%arg14 : memref<!tpu.dma_semaphore, #tpu.memory_space<semaphore_mem>>) src(%arg11 : memref<32x128xf32, #tpu.memory_space<vmem>>) dst(%dma_wait3A_288 : memref<32x128xf32, #tpu.memory_space<vmem_shared>>)
    %dma_wait3A_289 = arith.constant 0 : i32
    %dma_wait3A_290 = arith.constant 0 : i32
    %dma_wait3A_291 = tpu.memref_slice %arg7[%dma_wait3A_289, %dma_wait3A_290] : memref<10240x128xf32, #tpu.memory_space<vmem_shared>> -> memref<32x128xf32, #tpu.memory_space<vmem_shared>>
    %dma_wait3A_292 = arith.constant 0 : i32
    %dma_wait3A_293 = arith.constant 0 : i32
    %dma_wait3A_294 = tpu.memref_slice %arg7[%dma_wait3A_292, %dma_wait3A_293] : memref<10240x128xf32, #tpu.memory_space<vmem_shared>> -> memref<32x128xf32, #tpu.memory_space<vmem_shared>>
    tpu.wait_dma2 semaphore(%arg14 : memref<!tpu.dma_semaphore, #tpu.memory_space<semaphore_mem>>) src(%arg11 : memref<32x128xf32, #tpu.memory_space<vmem>>) dst(%dma_wait3A_294 : memref<32x128xf32, #tpu.memory_space<vmem_shared>>)
    %dma_wait3A_295 = arith.constant 0 : i32
    %dma_wait3A_296 = arith.constant 0 : i32
    %dma_wait3A_297 = tpu.memref_slice %arg7[%dma_wait3A_295, %dma_wait3A_296] : memref<10240x128xf32, #tpu.memory_space<vmem_shared>> -> memref<32x128xf32, #tpu.memory_space<vmem_shared>>
    %dma_wait3A_298 = arith.constant 0 : i32
    %dma_wait3A_299 = arith.constant 0 : i32
    %dma_wait3A_300 = tpu.memref_slice %arg7[%dma_wait3A_298, %dma_wait3A_299] : memref<10240x128xf32, #tpu.memory_space<vmem_shared>> -> memref<32x128xf32, #tpu.memory_space<vmem_shared>>
    tpu.wait_dma2 semaphore(%arg14 : memref<!tpu.dma_semaphore, #tpu.memory_space<semaphore_mem>>) src(%arg11 : memref<32x128xf32, #tpu.memory_space<vmem>>) dst(%dma_wait3A_300 : memref<32x128xf32, #tpu.memory_space<vmem_shared>>)
    %barrier3A = arith.constant 0 : index
    tpu.barrier barrier_id(%barrier3A)
    %scan3A = arith.constant 0 : i32
    %scan3A_301 = arith.constant 0 : i32
    %scan3A_302 = arith.constant 20 : i32
    %scan3A_303 = arith.addi %scan3A_301, %scan3A_302 : i32
    %scan3A_304 = arith.constant 1 : i32
    scf.for %scan3A_343 = %scan3A_301 to %scan3A_303 step %scan3A_304  : i32 {
      %mul3A_344 = arith.constant 2 : i32
      %mul3A_345 = arith.muli %mul3A_344, %scan3A_343 : i32
      %dma_wait3A_346 = arith.constant 0 : i32
      %dma_wait3A_347 = arith.constant 0 : i32
      %dma_wait3A_348 = arith.constant 0 : i32
      %dma_wait3A_349 = tpu.memref_slice %arg10[%dma_wait3A_346, %dma_wait3A_347, %dma_wait3A_348] : memref<2x128x128xf32, #tpu.memory_space<vmem>> -> memref<1x128x128xf32, #tpu.memory_space<vmem>>
      %dma_wait3A_350 = tpu.memref_squeeze %dma_wait3A_349 : memref<1x128x128xf32, #tpu.memory_space<vmem>> -> memref<128x128xf32, #tpu.memory_space<vmem>>
      %dma_wait3A_351 = arith.constant 0 : i32
      %dma_wait3A_352 = tpu.memref_slice %arg8[%mul3A_345, %dma_wait3A_351] : memref<40x128xi32, #tpu.memory_space<vmem>> -> memref<1x128xi32, #tpu.memory_space<vmem>>
      %dma_wait3A_353 = tpu.memref_squeeze %dma_wait3A_352 : memref<1x128xi32, #tpu.memory_space<vmem>> -> memref<128xi32, #tpu.memory_space<vmem>>
      %dma_wait3A_354 = arith.constant 0 : i32
      %dma_wait3A_355 = arith.constant 0 : i32
      %dma_wait3A_356 = tpu.memref_slice %arg2[%dma_wait3A_354, %dma_wait3A_355] : memref<10000x128xf32, #tpu.memory_space<hbm>> -> memref<10000x128xf32, #tpu.memory_space<hbm>>
      tpu.wait_indirect_dma semaphore(%arg12 : memref<!tpu.dma_semaphore, #tpu.memory_space<semaphore_mem>>) src(%dma_wait3A_356 : memref<10000x128xf32, #tpu.memory_space<hbm>>) dst(%dma_wait3A_350 : memref<128x128xf32, #tpu.memory_space<vmem>>)
      %run_scoped3A_357 = arith.constant 0 : i32
      "tpu.region"() ({
        %run_scoped3A_385 = tpu.sem_alloc : memref<!tpu.dma_semaphore, #tpu.memory_space<semaphore_mem>>
        %dma_start3A_386 = arith.constant 0 : i32
        %dma_start3A_387 = arith.constant 0 : i32
        %dma_start3A_388 = tpu.memref_slice %arg10[%run_scoped3A_357, %dma_start3A_386, %dma_start3A_387] : memref<2x128x128xf32, #tpu.memory_space<vmem>> -> memref<1x128x128xf32, #tpu.memory_space<vmem>>
        %dma_start3A_389 = tpu.memref_squeeze %dma_start3A_388 : memref<1x128x128xf32, #tpu.memory_space<vmem>> -> memref<128x128xf32, #tpu.memory_space<vmem>>
        %dma_start3A_390 = arith.constant 0 : i32
        %dma_start3A_391 = tpu.memref_slice %arg9[%mul3A_345, %dma_start3A_390] : memref<40x128xi32, #tpu.memory_space<vmem>> -> memref<1x128xi32, #tpu.memory_space<vmem>>
        %dma_start3A_392 = tpu.memref_squeeze %dma_start3A_391 : memref<1x128xi32, #tpu.memory_space<vmem>> -> memref<128xi32, #tpu.memory_space<vmem>>
        %dma_start3A_393 = arith.constant 0 : i32
        %dma_start3A_394 = arith.constant 0 : i32
        %dma_start3A_395 = tpu.memref_slice %arg7[%dma_start3A_393, %dma_start3A_394] : memref<10240x128xf32, #tpu.memory_space<vmem_shared>> -> memref<10240x128xf32, #tpu.memory_space<vmem_shared>>
        tpu.enqueue_indirect_dma source(%dma_start3A_389 : memref<128x128xf32, #tpu.memory_space<vmem>>) target(%dma_start3A_395 : memref<10240x128xf32, #tpu.memory_space<vmem_shared>>) offsets(%dma_start3A_392 : memref<128xi32, #tpu.memory_space<vmem>>) semaphore(%run_scoped3A_385 : memref<!tpu.dma_semaphore, #tpu.memory_space<semaphore_mem>>) {add = true}
        %dma_wait3A_396 = arith.constant 0 : i32
        %dma_wait3A_397 = arith.constant 0 : i32
        %dma_wait3A_398 = tpu.memref_slice %arg10[%run_scoped3A_357, %dma_wait3A_396, %dma_wait3A_397] : memref<2x128x128xf32, #tpu.memory_space<vmem>> -> memref<1x128x128xf32, #tpu.memory_space<vmem>>
        %dma_wait3A_399 = tpu.memref_squeeze %dma_wait3A_398 : memref<1x128x128xf32, #tpu.memory_space<vmem>> -> memref<128x128xf32, #tpu.memory_space<vmem>>
        %dma_wait3A_400 = arith.constant 0 : i32
        %dma_wait3A_401 = tpu.memref_slice %arg9[%mul3A_345, %dma_wait3A_400] : memref<40x128xi32, #tpu.memory_space<vmem>> -> memref<1x128xi32, #tpu.memory_space<vmem>>
        %dma_wait3A_402 = tpu.memref_squeeze %dma_wait3A_401 : memref<1x128xi32, #tpu.memory_space<vmem>> -> memref<128xi32, #tpu.memory_space<vmem>>
        %dma_wait3A_403 = arith.constant 0 : i32
        %dma_wait3A_404 = arith.constant 0 : i32
        %dma_wait3A_405 = tpu.memref_slice %arg7[%dma_wait3A_403, %dma_wait3A_404] : memref<10240x128xf32, #tpu.memory_space<vmem_shared>> -> memref<10240x128xf32, #tpu.memory_space<vmem_shared>>
        tpu.wait_indirect_dma semaphore(%run_scoped3A_385 : memref<!tpu.dma_semaphore, #tpu.memory_space<semaphore_mem>>) src(%dma_wait3A_399 : memref<128x128xf32, #tpu.memory_space<vmem>>) dst(%dma_wait3A_405 : memref<10240x128xf32, #tpu.memory_space<vmem_shared>>)
        tpu.yield
      }) : () -> ()
      %add3A_358 = arith.constant 1 : i32
      %add3A_359 = arith.addi %scan3A_343, %add3A_358 : i32
      %lt3A = arith.constant 20 : i32
      %lt3A_360 = arith.cmpi slt, %add3A_359, %lt3A : i32
      %convert_element_type3A = arith.extui %lt3A_360 : i1 to i32
      %cond3A = arith.constant 0 : i32
      %cond3A_361 = arith.cmpi ne, %convert_element_type3A, %cond3A : i32
      scf.if %cond3A_361 {
        %add3A_385 = arith.constant 2 : i32
        %add3A_386 = arith.addi %mul3A_345, %add3A_385 : i32
        %dma_start3A_387 = arith.constant 0 : i32
        %dma_start3A_388 = arith.constant 0 : i32
        %dma_start3A_389 = arith.constant 0 : i32
        %dma_start3A_390 = tpu.memref_slice %arg10[%dma_start3A_387, %dma_start3A_388, %dma_start3A_389] : memref<2x128x128xf32, #tpu.memory_space<vmem>> -> memref<1x128x128xf32, #tpu.memory_space<vmem>>
        %dma_start3A_391 = tpu.memref_squeeze %dma_start3A_390 : memref<1x128x128xf32, #tpu.memory_space<vmem>> -> memref<128x128xf32, #tpu.memory_space<vmem>>
        %dma_start3A_392 = arith.constant 0 : i32
        %dma_start3A_393 = tpu.memref_slice %arg8[%add3A_386, %dma_start3A_392] : memref<40x128xi32, #tpu.memory_space<vmem>> -> memref<1x128xi32, #tpu.memory_space<vmem>>
        %dma_start3A_394 = tpu.memref_squeeze %dma_start3A_393 : memref<1x128xi32, #tpu.memory_space<vmem>> -> memref<128xi32, #tpu.memory_space<vmem>>
        %dma_start3A_395 = arith.constant 0 : i32
        %dma_start3A_396 = arith.constant 0 : i32
        %dma_start3A_397 = tpu.memref_slice %arg2[%dma_start3A_395, %dma_start3A_396] : memref<10000x128xf32, #tpu.memory_space<hbm>> -> memref<10000x128xf32, #tpu.memory_space<hbm>>
        tpu.enqueue_indirect_dma source(%dma_start3A_397 : memref<10000x128xf32, #tpu.memory_space<hbm>>) target(%dma_start3A_391 : memref<128x128xf32, #tpu.memory_space<vmem>>) offsets(%dma_start3A_394 : memref<128xi32, #tpu.memory_space<vmem>>) semaphore(%arg12 : memref<!tpu.dma_semaphore, #tpu.memory_space<semaphore_mem>>)
      } else {
      }
      %add3A_362 = arith.constant 1 : i32
      %add3A_363 = arith.addi %mul3A_345, %add3A_362 : i32
      %dma_wait3A_364 = arith.constant 1 : i32
      %dma_wait3A_365 = arith.constant 0 : i32
      %dma_wait3A_366 = arith.constant 0 : i32
      %dma_wait3A_367 = tpu.memref_slice %arg10[%dma_wait3A_364, %dma_wait3A_365, %dma_wait3A_366] : memref<2x128x128xf32, #tpu.memory_space<vmem>> -> memref<1x128x128xf32, #tpu.memory_space<vmem>>
      %dma_wait3A_368 = tpu.memref_squeeze %dma_wait3A_367 : memref<1x128x128xf32, #tpu.memory_space<vmem>> -> memref<128x128xf32, #tpu.memory_space<vmem>>
      %dma_wait3A_369 = arith.constant 0 : i32
      %dma_wait3A_370 = tpu.memref_slice %arg8[%add3A_363, %dma_wait3A_369] : memref<40x128xi32, #tpu.memory_space<vmem>> -> memref<1x128xi32, #tpu.memory_space<vmem>>
      %dma_wait3A_371 = tpu.memref_squeeze %dma_wait3A_370 : memref<1x128xi32, #tpu.memory_space<vmem>> -> memref<128xi32, #tpu.memory_space<vmem>>
      %dma_wait3A_372 = arith.constant 0 : i32
      %dma_wait3A_373 = arith.constant 0 : i32
      %dma_wait3A_374 = tpu.memref_slice %arg2[%dma_wait3A_372, %dma_wait3A_373] : memref<10000x128xf32, #tpu.memory_space<hbm>> -> memref<10000x128xf32, #tpu.memory_space<hbm>>
      tpu.wait_indirect_dma semaphore(%arg13 : memref<!tpu.dma_semaphore, #tpu.memory_space<semaphore_mem>>) src(%dma_wait3A_374 : memref<10000x128xf32, #tpu.memory_space<hbm>>) dst(%dma_wait3A_368 : memref<128x128xf32, #tpu.memory_space<vmem>>)
      %add3A_375 = arith.constant 1 : i32
      %add3A_376 = arith.addi %mul3A_345, %add3A_375 : i32
      %run_scoped3A_377 = arith.constant 1 : i32
      "tpu.region"() ({
        %run_scoped3A_385 = tpu.sem_alloc : memref<!tpu.dma_semaphore, #tpu.memory_space<semaphore_mem>>
        %dma_start3A_386 = arith.constant 0 : i32
        %dma_start3A_387 = arith.constant 0 : i32
        %dma_start3A_388 = tpu.memref_slice %arg10[%run_scoped3A_377, %dma_start3A_386, %dma_start3A_387] : memref<2x128x128xf32, #tpu.memory_space<vmem>> -> memref<1x128x128xf32, #tpu.memory_space<vmem>>
        %dma_start3A_389 = tpu.memref_squeeze %dma_start3A_388 : memref<1x128x128xf32, #tpu.memory_space<vmem>> -> memref<128x128xf32, #tpu.memory_space<vmem>>
        %dma_start3A_390 = arith.constant 0 : i32
        %dma_start3A_391 = tpu.memref_slice %arg9[%add3A_376, %dma_start3A_390] : memref<40x128xi32, #tpu.memory_space<vmem>> -> memref<1x128xi32, #tpu.memory_space<vmem>>
        %dma_start3A_392 = tpu.memref_squeeze %dma_start3A_391 : memref<1x128xi32, #tpu.memory_space<vmem>> -> memref<128xi32, #tpu.memory_space<vmem>>
        %dma_start3A_393 = arith.constant 0 : i32
        %dma_start3A_394 = arith.constant 0 : i32
        %dma_start3A_395 = tpu.memref_slice %arg7[%dma_start3A_393, %dma_start3A_394] : memref<10240x128xf32, #tpu.memory_space<vmem_shared>> -> memref<10240x128xf32, #tpu.memory_space<vmem_shared>>
        tpu.enqueue_indirect_dma source(%dma_start3A_389 : memref<128x128xf32, #tpu.memory_space<vmem>>) target(%dma_start3A_395 : memref<10240x128xf32, #tpu.memory_space<vmem_shared>>) offsets(%dma_start3A_392 : memref<128xi32, #tpu.memory_space<vmem>>) semaphore(%run_scoped3A_385 : memref<!tpu.dma_semaphore, #tpu.memory_space<semaphore_mem>>) {add = true}
        %dma_wait3A_396 = arith.constant 0 : i32
        %dma_wait3A_397 = arith.constant 0 : i32
        %dma_wait3A_398 = tpu.memref_slice %arg10[%run_scoped3A_377, %dma_wait3A_396, %dma_wait3A_397] : memref<2x128x128xf32, #tpu.memory_space<vmem>> -> memref<1x128x128xf32, #tpu.memory_space<vmem>>
        %dma_wait3A_399 = tpu.memref_squeeze %dma_wait3A_398 : memref<1x128x128xf32, #tpu.memory_space<vmem>> -> memref<128x128xf32, #tpu.memory_space<vmem>>
        %dma_wait3A_400 = arith.constant 0 : i32
        %dma_wait3A_401 = tpu.memref_slice %arg9[%add3A_376, %dma_wait3A_400] : memref<40x128xi32, #tpu.memory_space<vmem>> -> memref<1x128xi32, #tpu.memory_space<vmem>>
        %dma_wait3A_402 = tpu.memref_squeeze %dma_wait3A_401 : memref<1x128xi32, #tpu.memory_space<vmem>> -> memref<128xi32, #tpu.memory_space<vmem>>
        %dma_wait3A_403 = arith.constant 0 : i32
        %dma_wait3A_404 = arith.constant 0 : i32
        %dma_wait3A_405 = tpu.memref_slice %arg7[%dma_wait3A_403, %dma_wait3A_404] : memref<10240x128xf32, #tpu.memory_space<vmem_shared>> -> memref<10240x128xf32, #tpu.memory_space<vmem_shared>>
        tpu.wait_indirect_dma semaphore(%run_scoped3A_385 : memref<!tpu.dma_semaphore, #tpu.memory_space<semaphore_mem>>) src(%dma_wait3A_399 : memref<128x128xf32, #tpu.memory_space<vmem>>) dst(%dma_wait3A_405 : memref<10240x128xf32, #tpu.memory_space<vmem_shared>>)
        tpu.yield
      }) : () -> ()
      %add3A_378 = arith.constant 1 : i32
      %add3A_379 = arith.addi %scan3A_343, %add3A_378 : i32
      %lt3A_380 = arith.constant 20 : i32
      %lt3A_381 = arith.cmpi slt, %add3A_379, %lt3A_380 : i32
      %convert_element_type3A_382 = arith.extui %lt3A_381 : i1 to i32
      %cond3A_383 = arith.constant 0 : i32
      %cond3A_384 = arith.cmpi ne, %convert_element_type3A_382, %cond3A_383 : i32
      scf.if %cond3A_384 {
        %add3A_385 = arith.constant 3 : i32
        %add3A_386 = arith.addi %mul3A_345, %add3A_385 : i32
        %dma_start3A_387 = arith.constant 1 : i32
        %dma_start3A_388 = arith.constant 0 : i32
        %dma_start3A_389 = arith.constant 0 : i32
        %dma_start3A_390 = tpu.memref_slice %arg10[%dma_start3A_387, %dma_start3A_388, %dma_start3A_389] : memref<2x128x128xf32, #tpu.memory_space<vmem>> -> memref<1x128x128xf32, #tpu.memory_space<vmem>>
        %dma_start3A_391 = tpu.memref_squeeze %dma_start3A_390 : memref<1x128x128xf32, #tpu.memory_space<vmem>> -> memref<128x128xf32, #tpu.memory_space<vmem>>
        %dma_start3A_392 = arith.constant 0 : i32
        %dma_start3A_393 = tpu.memref_slice %arg8[%add3A_386, %dma_start3A_392] : memref<40x128xi32, #tpu.memory_space<vmem>> -> memref<1x128xi32, #tpu.memory_space<vmem>>
        %dma_start3A_394 = tpu.memref_squeeze %dma_start3A_393 : memref<1x128xi32, #tpu.memory_space<vmem>> -> memref<128xi32, #tpu.memory_space<vmem>>
        %dma_start3A_395 = arith.constant 0 : i32
        %dma_start3A_396 = arith.constant 0 : i32
        %dma_start3A_397 = tpu.memref_slice %arg2[%dma_start3A_395, %dma_start3A_396] : memref<10000x128xf32, #tpu.memory_space<hbm>> -> memref<10000x128xf32, #tpu.memory_space<hbm>>
        tpu.enqueue_indirect_dma source(%dma_start3A_397 : memref<10000x128xf32, #tpu.memory_space<hbm>>) target(%dma_start3A_391 : memref<128x128xf32, #tpu.memory_space<vmem>>) offsets(%dma_start3A_394 : memref<128xi32, #tpu.memory_space<vmem>>) semaphore(%arg13 : memref<!tpu.dma_semaphore, #tpu.memory_space<semaphore_mem>>)
      } else {
      }
    }
    %scan3A_305 = arith.constant 20 : i32
    %run_scoped3A_306 = arith.constant 1 : i32
    "tpu.region"() ({
      %run_scoped3A_343 = tpu.sem_alloc : memref<!tpu.dma_semaphore, #tpu.memory_space<semaphore_mem>>
      %dma_start3A_344 = arith.constant 0 : i32
      %dma_start3A_345 = arith.constant 0 : i32
      %dma_start3A_346 = tpu.memref_slice %arg3[%arg0, %arg1, %run_scoped3A_306, %dma_start3A_344, %dma_start3A_345] : memref<2x16x2x40x128xi32, #tpu.memory_space<hbm>> -> memref<1x1x1x40x128xi32, #tpu.memory_space<hbm>>
      %dma_start3A_347 = tpu.memref_squeeze %dma_start3A_346 : memref<1x1x1x40x128xi32, #tpu.memory_space<hbm>> -> memref<40x128xi32, #tpu.memory_space<hbm>>
      %dma_start3A_348 = arith.constant 0 : i32
      %dma_start3A_349 = arith.constant 0 : i32
      %dma_start3A_350 = tpu.memref_slice %arg3[%arg0, %arg1, %run_scoped3A_306, %dma_start3A_348, %dma_start3A_349] : memref<2x16x2x40x128xi32, #tpu.memory_space<hbm>> -> memref<1x1x1x40x128xi32, #tpu.memory_space<hbm>>
      %dma_start3A_351 = tpu.memref_squeeze %dma_start3A_350 : memref<1x1x1x40x128xi32, #tpu.memory_space<hbm>> -> memref<40x128xi32, #tpu.memory_space<hbm>>
      tpu.enqueue_dma source(%dma_start3A_351 : memref<40x128xi32, #tpu.memory_space<hbm>>) target(%arg8 : memref<40x128xi32, #tpu.memory_space<vmem>>) target_semaphore(%run_scoped3A_343 : memref<!tpu.dma_semaphore, #tpu.memory_space<semaphore_mem>>)
      %dma_wait3A_352 = arith.constant 0 : i32
      %dma_wait3A_353 = arith.constant 0 : i32
      %dma_wait3A_354 = tpu.memref_slice %arg3[%arg0, %arg1, %run_scoped3A_306, %dma_wait3A_352, %dma_wait3A_353] : memref<2x16x2x40x128xi32, #tpu.memory_space<hbm>> -> memref<1x1x1x40x128xi32, #tpu.memory_space<hbm>>
      %dma_wait3A_355 = tpu.memref_squeeze %dma_wait3A_354 : memref<1x1x1x40x128xi32, #tpu.memory_space<hbm>> -> memref<40x128xi32, #tpu.memory_space<hbm>>
      %dma_wait3A_356 = arith.constant 0 : i32
      %dma_wait3A_357 = arith.constant 0 : i32
      %dma_wait3A_358 = tpu.memref_slice %arg3[%arg0, %arg1, %run_scoped3A_306, %dma_wait3A_356, %dma_wait3A_357] : memref<2x16x2x40x128xi32, #tpu.memory_space<hbm>> -> memref<1x1x1x40x128xi32, #tpu.memory_space<hbm>>
      %dma_wait3A_359 = tpu.memref_squeeze %dma_wait3A_358 : memref<1x1x1x40x128xi32, #tpu.memory_space<hbm>> -> memref<40x128xi32, #tpu.memory_space<hbm>>
      tpu.wait_dma2 semaphore(%run_scoped3A_343 : memref<!tpu.dma_semaphore, #tpu.memory_space<semaphore_mem>>) src(%dma_wait3A_359 : memref<40x128xi32, #tpu.memory_space<hbm>>) dst(%arg8 : memref<40x128xi32, #tpu.memory_space<vmem>>)
      tpu.yield
    }) : () -> ()
    %run_scoped3A_307 = arith.constant 1 : i32
    "tpu.region"() ({
      %run_scoped3A_343 = tpu.sem_alloc : memref<!tpu.dma_semaphore, #tpu.memory_space<semaphore_mem>>
      %dma_start3A_344 = arith.constant 0 : i32
      %dma_start3A_345 = arith.constant 0 : i32
      %dma_start3A_346 = tpu.memref_slice %arg4[%arg0, %arg1, %run_scoped3A_307, %dma_start3A_344, %dma_start3A_345] : memref<2x16x2x40x128xi32, #tpu.memory_space<hbm>> -> memref<1x1x1x40x128xi32, #tpu.memory_space<hbm>>
      %dma_start3A_347 = tpu.memref_squeeze %dma_start3A_346 : memref<1x1x1x40x128xi32, #tpu.memory_space<hbm>> -> memref<40x128xi32, #tpu.memory_space<hbm>>
      %dma_start3A_348 = arith.constant 0 : i32
      %dma_start3A_349 = arith.constant 0 : i32
      %dma_start3A_350 = tpu.memref_slice %arg4[%arg0, %arg1, %run_scoped3A_307, %dma_start3A_348, %dma_start3A_349] : memref<2x16x2x40x128xi32, #tpu.memory_space<hbm>> -> memref<1x1x1x40x128xi32, #tpu.memory_space<hbm>>
      %dma_start3A_351 = tpu.memref_squeeze %dma_start3A_350 : memref<1x1x1x40x128xi32, #tpu.memory_space<hbm>> -> memref<40x128xi32, #tpu.memory_space<hbm>>
      tpu.enqueue_dma source(%dma_start3A_351 : memref<40x128xi32, #tpu.memory_space<hbm>>) target(%arg9 : memref<40x128xi32, #tpu.memory_space<vmem>>) target_semaphore(%run_scoped3A_343 : memref<!tpu.dma_semaphore, #tpu.memory_space<semaphore_mem>>)
      %dma_wait3A_352 = arith.constant 0 : i32
      %dma_wait3A_353 = arith.constant 0 : i32
      %dma_wait3A_354 = tpu.memref_slice %arg4[%arg0, %arg1, %run_scoped3A_307, %dma_wait3A_352, %dma_wait3A_353] : memref<2x16x2x40x128xi32, #tpu.memory_space<hbm>> -> memref<1x1x1x40x128xi32, #tpu.memory_space<hbm>>
      %dma_wait3A_355 = tpu.memref_squeeze %dma_wait3A_354 : memref<1x1x1x40x128xi32, #tpu.memory_space<hbm>> -> memref<40x128xi32, #tpu.memory_space<hbm>>
      %dma_wait3A_356 = arith.constant 0 : i32
      %dma_wait3A_357 = arith.constant 0 : i32
      %dma_wait3A_358 = tpu.memref_slice %arg4[%arg0, %arg1, %run_scoped3A_307, %dma_wait3A_356, %dma_wait3A_357] : memref<2x16x2x40x128xi32, #tpu.memory_space<hbm>> -> memref<1x1x1x40x128xi32, #tpu.memory_space<hbm>>
      %dma_wait3A_359 = tpu.memref_squeeze %dma_wait3A_358 : memref<1x1x1x40x128xi32, #tpu.memory_space<hbm>> -> memref<40x128xi32, #tpu.memory_space<hbm>>
      tpu.wait_dma2 semaphore(%run_scoped3A_343 : memref<!tpu.dma_semaphore, #tpu.memory_space<semaphore_mem>>) src(%dma_wait3A_359 : memref<40x128xi32, #tpu.memory_space<hbm>>) dst(%arg9 : memref<40x128xi32, #tpu.memory_space<vmem>>)
      tpu.yield
    }) : () -> ()
    %dma_start3A_308 = arith.constant 0 : i32
    %dma_start3A_309 = arith.constant 0 : i32
    %dma_start3A_310 = arith.constant 0 : i32
    %dma_start3A_311 = arith.constant 0 : i32
    %dma_start3A_312 = tpu.memref_slice %arg10[%dma_start3A_309, %dma_start3A_310, %dma_start3A_311] : memref<2x128x128xf32, #tpu.memory_space<vmem>> -> memref<1x128x128xf32, #tpu.memory_space<vmem>>
    %dma_start3A_313 = tpu.memref_squeeze %dma_start3A_312 : memref<1x128x128xf32, #tpu.memory_space<vmem>> -> memref<128x128xf32, #tpu.memory_space<vmem>>
    %dma_start3A_314 = arith.constant 0 : i32
    %dma_start3A_315 = tpu.memref_slice %arg8[%dma_start3A_308, %dma_start3A_314] : memref<40x128xi32, #tpu.memory_space<vmem>> -> memref<1x128xi32, #tpu.memory_space<vmem>>
    %dma_start3A_316 = tpu.memref_squeeze %dma_start3A_315 : memref<1x128xi32, #tpu.memory_space<vmem>> -> memref<128xi32, #tpu.memory_space<vmem>>
    %dma_start3A_317 = arith.constant 0 : i32
    %dma_start3A_318 = arith.constant 0 : i32
    %dma_start3A_319 = tpu.memref_slice %arg2[%dma_start3A_317, %dma_start3A_318] : memref<10000x128xf32, #tpu.memory_space<hbm>> -> memref<10000x128xf32, #tpu.memory_space<hbm>>
    tpu.enqueue_indirect_dma source(%dma_start3A_319 : memref<10000x128xf32, #tpu.memory_space<hbm>>) target(%dma_start3A_313 : memref<128x128xf32, #tpu.memory_space<vmem>>) offsets(%dma_start3A_316 : memref<128xi32, #tpu.memory_space<vmem>>) semaphore(%arg12 : memref<!tpu.dma_semaphore, #tpu.memory_space<semaphore_mem>>)
    %dma_start3A_320 = arith.constant 1 : i32
    %dma_start3A_321 = arith.constant 1 : i32
    %dma_start3A_322 = arith.constant 0 : i32
    %dma_start3A_323 = arith.constant 0 : i32
    %dma_start3A_324 = tpu.memref_slice %arg10[%dma_start3A_321, %dma_start3A_322, %dma_start3A_323] : memref<2x128x128xf32, #tpu.memory_space<vmem>> -> memref<1x128x128xf32, #tpu.memory_space<vmem>>
    %dma_start3A_325 = tpu.memref_squeeze %dma_start3A_324 : memref<1x128x128xf32, #tpu.memory_space<vmem>> -> memref<128x128xf32, #tpu.memory_space<vmem>>
    %dma_start3A_326 = arith.constant 0 : i32
    %dma_start3A_327 = tpu.memref_slice %arg8[%dma_start3A_320, %dma_start3A_326] : memref<40x128xi32, #tpu.memory_space<vmem>> -> memref<1x128xi32, #tpu.memory_space<vmem>>
    %dma_start3A_328 = tpu.memref_squeeze %dma_start3A_327 : memref<1x128xi32, #tpu.memory_space<vmem>> -> memref<128xi32, #tpu.memory_space<vmem>>
    %dma_start3A_329 = arith.constant 0 : i32
    %dma_start3A_330 = arith.constant 0 : i32
    %dma_start3A_331 = tpu.memref_slice %arg2[%dma_start3A_329, %dma_start3A_330] : memref<10000x128xf32, #tpu.memory_space<hbm>> -> memref<10000x128xf32, #tpu.memory_space<hbm>>
    tpu.enqueue_indirect_dma source(%dma_start3A_331 : memref<10000x128xf32, #tpu.memory_space<hbm>>) target(%dma_start3A_325 : memref<128x128xf32, #tpu.memory_space<vmem>>) offsets(%dma_start3A_328 : memref<128xi32, #tpu.memory_space<vmem>>) semaphore(%arg13 : memref<!tpu.dma_semaphore, #tpu.memory_space<semaphore_mem>>)
    %scan3A_332 = arith.constant 0 : i32
    %scan3A_333 = arith.constant 0 : i32
    %scan3A_334 = arith.constant 20 : i32
    %scan3A_335 = arith.addi %scan3A_333, %scan3A_334 : i32
    %scan3A_336 = arith.constant 1 : i32
    scf.for %scan3A_343 = %scan3A_333 to %scan3A_335 step %scan3A_336  : i32 {
      %mul3A_344 = arith.constant 2 : i32
      %mul3A_345 = arith.muli %mul3A_344, %scan3A_343 : i32
      %dma_wait3A_346 = arith.constant 0 : i32
      %dma_wait3A_347 = arith.constant 0 : i32
      %dma_wait3A_348 = arith.constant 0 : i32
      %dma_wait3A_349 = tpu.memref_slice %arg10[%dma_wait3A_346, %dma_wait3A_347, %dma_wait3A_348] : memref<2x128x128xf32, #tpu.memory_space<vmem>> -> memref<1x128x128xf32, #tpu.memory_space<vmem>>
      %dma_wait3A_350 = tpu.memref_squeeze %dma_wait3A_349 : memref<1x128x128xf32, #tpu.memory_space<vmem>> -> memref<128x128xf32, #tpu.memory_space<vmem>>
      %dma_wait3A_351 = arith.constant 0 : i32
      %dma_wait3A_352 = tpu.memref_slice %arg8[%mul3A_345, %dma_wait3A_351] : memref<40x128xi32, #tpu.memory_space<vmem>> -> memref<1x128xi32, #tpu.memory_space<vmem>>
      %dma_wait3A_353 = tpu.memref_squeeze %dma_wait3A_352 : memref<1x128xi32, #tpu.memory_space<vmem>> -> memref<128xi32, #tpu.memory_space<vmem>>
      %dma_wait3A_354 = arith.constant 0 : i32
      %dma_wait3A_355 = arith.constant 0 : i32
      %dma_wait3A_356 = tpu.memref_slice %arg2[%dma_wait3A_354, %dma_wait3A_355] : memref<10000x128xf32, #tpu.memory_space<hbm>> -> memref<10000x128xf32, #tpu.memory_space<hbm>>
      tpu.wait_indirect_dma semaphore(%arg12 : memref<!tpu.dma_semaphore, #tpu.memory_space<semaphore_mem>>) src(%dma_wait3A_356 : memref<10000x128xf32, #tpu.memory_space<hbm>>) dst(%dma_wait3A_350 : memref<128x128xf32, #tpu.memory_space<vmem>>)
      %run_scoped3A_357 = arith.constant 0 : i32
      "tpu.region"() ({
        %run_scoped3A_385 = tpu.sem_alloc : memref<!tpu.dma_semaphore, #tpu.memory_space<semaphore_mem>>
        %dma_start3A_386 = arith.constant 0 : i32
        %dma_start3A_387 = arith.constant 0 : i32
        %dma_start3A_388 = tpu.memref_slice %arg10[%run_scoped3A_357, %dma_start3A_386, %dma_start3A_387] : memref<2x128x128xf32, #tpu.memory_space<vmem>> -> memref<1x128x128xf32, #tpu.memory_space<vmem>>
        %dma_start3A_389 = tpu.memref_squeeze %dma_start3A_388 : memref<1x128x128xf32, #tpu.memory_space<vmem>> -> memref<128x128xf32, #tpu.memory_space<vmem>>
        %dma_start3A_390 = arith.constant 0 : i32
        %dma_start3A_391 = tpu.memref_slice %arg9[%mul3A_345, %dma_start3A_390] : memref<40x128xi32, #tpu.memory_space<vmem>> -> memref<1x128xi32, #tpu.memory_space<vmem>>
        %dma_start3A_392 = tpu.memref_squeeze %dma_start3A_391 : memref<1x128xi32, #tpu.memory_space<vmem>> -> memref<128xi32, #tpu.memory_space<vmem>>
        %dma_start3A_393 = arith.constant 0 : i32
        %dma_start3A_394 = arith.constant 0 : i32
        %dma_start3A_395 = tpu.memref_slice %arg7[%dma_start3A_393, %dma_start3A_394] : memref<10240x128xf32, #tpu.memory_space<vmem_shared>> -> memref<10240x128xf32, #tpu.memory_space<vmem_shared>>
        tpu.enqueue_indirect_dma source(%dma_start3A_389 : memref<128x128xf32, #tpu.memory_space<vmem>>) target(%dma_start3A_395 : memref<10240x128xf32, #tpu.memory_space<vmem_shared>>) offsets(%dma_start3A_392 : memref<128xi32, #tpu.memory_space<vmem>>) semaphore(%run_scoped3A_385 : memref<!tpu.dma_semaphore, #tpu.memory_space<semaphore_mem>>) {add = true}
        %dma_wait3A_396 = arith.constant 0 : i32
        %dma_wait3A_397 = arith.constant 0 : i32
        %dma_wait3A_398 = tpu.memref_slice %arg10[%run_scoped3A_357, %dma_wait3A_396, %dma_wait3A_397] : memref<2x128x128xf32, #tpu.memory_space<vmem>> -> memref<1x128x128xf32, #tpu.memory_space<vmem>>
        %dma_wait3A_399 = tpu.memref_squeeze %dma_wait3A_398 : memref<1x128x128xf32, #tpu.memory_space<vmem>> -> memref<128x128xf32, #tpu.memory_space<vmem>>
        %dma_wait3A_400 = arith.constant 0 : i32
        %dma_wait3A_401 = tpu.memref_slice %arg9[%mul3A_345, %dma_wait3A_400] : memref<40x128xi32, #tpu.memory_space<vmem>> -> memref<1x128xi32, #tpu.memory_space<vmem>>
        %dma_wait3A_402 = tpu.memref_squeeze %dma_wait3A_401 : memref<1x128xi32, #tpu.memory_space<vmem>> -> memref<128xi32, #tpu.memory_space<vmem>>
        %dma_wait3A_403 = arith.constant 0 : i32
        %dma_wait3A_404 = arith.constant 0 : i32
        %dma_wait3A_405 = tpu.memref_slice %arg7[%dma_wait3A_403, %dma_wait3A_404] : memref<10240x128xf32, #tpu.memory_space<vmem_shared>> -> memref<10240x128xf32, #tpu.memory_space<vmem_shared>>
        tpu.wait_indirect_dma semaphore(%run_scoped3A_385 : memref<!tpu.dma_semaphore, #tpu.memory_space<semaphore_mem>>) src(%dma_wait3A_399 : memref<128x128xf32, #tpu.memory_space<vmem>>) dst(%dma_wait3A_405 : memref<10240x128xf32, #tpu.memory_space<vmem_shared>>)
        tpu.yield
      }) : () -> ()
      %add3A_358 = arith.constant 1 : i32
      %add3A_359 = arith.addi %scan3A_343, %add3A_358 : i32
      %lt3A = arith.constant 20 : i32
      %lt3A_360 = arith.cmpi slt, %add3A_359, %lt3A : i32
      %convert_element_type3A = arith.extui %lt3A_360 : i1 to i32
      %cond3A = arith.constant 0 : i32
      %cond3A_361 = arith.cmpi ne, %convert_element_type3A, %cond3A : i32
      scf.if %cond3A_361 {
        %add3A_385 = arith.constant 2 : i32
        %add3A_386 = arith.addi %mul3A_345, %add3A_385 : i32
        %dma_start3A_387 = arith.constant 0 : i32
        %dma_start3A_388 = arith.constant 0 : i32
        %dma_start3A_389 = arith.constant 0 : i32
        %dma_start3A_390 = tpu.memref_slice %arg10[%dma_start3A_387, %dma_start3A_388, %dma_start3A_389] : memref<2x128x128xf32, #tpu.memory_space<vmem>> -> memref<1x128x128xf32, #tpu.memory_space<vmem>>
        %dma_start3A_391 = tpu.memref_squeeze %dma_start3A_390 : memref<1x128x128xf32, #tpu.memory_space<vmem>> -> memref<128x128xf32, #tpu.memory_space<vmem>>
        %dma_start3A_392 = arith.constant 0 : i32
        %dma_start3A_393 = tpu.memref_slice %arg8[%add3A_386, %dma_start3A_392] : memref<40x128xi32, #tpu.memory_space<vmem>> -> memref<1x128xi32, #tpu.memory_space<vmem>>
        %dma_start3A_394 = tpu.memref_squeeze %dma_start3A_393 : memref<1x128xi32, #tpu.memory_space<vmem>> -> memref<128xi32, #tpu.memory_space<vmem>>
        %dma_start3A_395 = arith.constant 0 : i32
        %dma_start3A_396 = arith.constant 0 : i32
        %dma_start3A_397 = tpu.memref_slice %arg2[%dma_start3A_395, %dma_start3A_396] : memref<10000x128xf32, #tpu.memory_space<hbm>> -> memref<10000x128xf32, #tpu.memory_space<hbm>>
        tpu.enqueue_indirect_dma source(%dma_start3A_397 : memref<10000x128xf32, #tpu.memory_space<hbm>>) target(%dma_start3A_391 : memref<128x128xf32, #tpu.memory_space<vmem>>) offsets(%dma_start3A_394 : memref<128xi32, #tpu.memory_space<vmem>>) semaphore(%arg12 : memref<!tpu.dma_semaphore, #tpu.memory_space<semaphore_mem>>)
      } else {
      }
      %add3A_362 = arith.constant 1 : i32
      %add3A_363 = arith.addi %mul3A_345, %add3A_362 : i32
      %dma_wait3A_364 = arith.constant 1 : i32
      %dma_wait3A_365 = arith.constant 0 : i32
      %dma_wait3A_366 = arith.constant 0 : i32
      %dma_wait3A_367 = tpu.memref_slice %arg10[%dma_wait3A_364, %dma_wait3A_365, %dma_wait3A_366] : memref<2x128x128xf32, #tpu.memory_space<vmem>> -> memref<1x128x128xf32, #tpu.memory_space<vmem>>
      %dma_wait3A_368 = tpu.memref_squeeze %dma_wait3A_367 : memref<1x128x128xf32, #tpu.memory_space<vmem>> -> memref<128x128xf32, #tpu.memory_space<vmem>>
      %dma_wait3A_369 = arith.constant 0 : i32
      %dma_wait3A_370 = tpu.memref_slice %arg8[%add3A_363, %dma_wait3A_369] : memref<40x128xi32, #tpu.memory_space<vmem>> -> memref<1x128xi32, #tpu.memory_space<vmem>>
      %dma_wait3A_371 = tpu.memref_squeeze %dma_wait3A_370 : memref<1x128xi32, #tpu.memory_space<vmem>> -> memref<128xi32, #tpu.memory_space<vmem>>
      %dma_wait3A_372 = arith.constant 0 : i32
      %dma_wait3A_373 = arith.constant 0 : i32
      %dma_wait3A_374 = tpu.memref_slice %arg2[%dma_wait3A_372, %dma_wait3A_373] : memref<10000x128xf32, #tpu.memory_space<hbm>> -> memref<10000x128xf32, #tpu.memory_space<hbm>>
      tpu.wait_indirect_dma semaphore(%arg13 : memref<!tpu.dma_semaphore, #tpu.memory_space<semaphore_mem>>) src(%dma_wait3A_374 : memref<10000x128xf32, #tpu.memory_space<hbm>>) dst(%dma_wait3A_368 : memref<128x128xf32, #tpu.memory_space<vmem>>)
      %add3A_375 = arith.constant 1 : i32
      %add3A_376 = arith.addi %mul3A_345, %add3A_375 : i32
      %run_scoped3A_377 = arith.constant 1 : i32
      "tpu.region"() ({
        %run_scoped3A_385 = tpu.sem_alloc : memref<!tpu.dma_semaphore, #tpu.memory_space<semaphore_mem>>
        %dma_start3A_386 = arith.constant 0 : i32
        %dma_start3A_387 = arith.constant 0 : i32
        %dma_start3A_388 = tpu.memref_slice %arg10[%run_scoped3A_377, %dma_start3A_386, %dma_start3A_387] : memref<2x128x128xf32, #tpu.memory_space<vmem>> -> memref<1x128x128xf32, #tpu.memory_space<vmem>>
        %dma_start3A_389 = tpu.memref_squeeze %dma_start3A_388 : memref<1x128x128xf32, #tpu.memory_space<vmem>> -> memref<128x128xf32, #tpu.memory_space<vmem>>
        %dma_start3A_390 = arith.constant 0 : i32
        %dma_start3A_391 = tpu.memref_slice %arg9[%add3A_376, %dma_start3A_390] : memref<40x128xi32, #tpu.memory_space<vmem>> -> memref<1x128xi32, #tpu.memory_space<vmem>>
        %dma_start3A_392 = tpu.memref_squeeze %dma_start3A_391 : memref<1x128xi32, #tpu.memory_space<vmem>> -> memref<128xi32, #tpu.memory_space<vmem>>
        %dma_start3A_393 = arith.constant 0 : i32
        %dma_start3A_394 = arith.constant 0 : i32
        %dma_start3A_395 = tpu.memref_slice %arg7[%dma_start3A_393, %dma_start3A_394] : memref<10240x128xf32, #tpu.memory_space<vmem_shared>> -> memref<10240x128xf32, #tpu.memory_space<vmem_shared>>
        tpu.enqueue_indirect_dma source(%dma_start3A_389 : memref<128x128xf32, #tpu.memory_space<vmem>>) target(%dma_start3A_395 : memref<10240x128xf32, #tpu.memory_space<vmem_shared>>) offsets(%dma_start3A_392 : memref<128xi32, #tpu.memory_space<vmem>>) semaphore(%run_scoped3A_385 : memref<!tpu.dma_semaphore, #tpu.memory_space<semaphore_mem>>) {add = true}
        %dma_wait3A_396 = arith.constant 0 : i32
        %dma_wait3A_397 = arith.constant 0 : i32
        %dma_wait3A_398 = tpu.memref_slice %arg10[%run_scoped3A_377, %dma_wait3A_396, %dma_wait3A_397] : memref<2x128x128xf32, #tpu.memory_space<vmem>> -> memref<1x128x128xf32, #tpu.memory_space<vmem>>
        %dma_wait3A_399 = tpu.memref_squeeze %dma_wait3A_398 : memref<1x128x128xf32, #tpu.memory_space<vmem>> -> memref<128x128xf32, #tpu.memory_space<vmem>>
        %dma_wait3A_400 = arith.constant 0 : i32
        %dma_wait3A_401 = tpu.memref_slice %arg9[%add3A_376, %dma_wait3A_400] : memref<40x128xi32, #tpu.memory_space<vmem>> -> memref<1x128xi32, #tpu.memory_space<vmem>>
        %dma_wait3A_402 = tpu.memref_squeeze %dma_wait3A_401 : memref<1x128xi32, #tpu.memory_space<vmem>> -> memref<128xi32, #tpu.memory_space<vmem>>
        %dma_wait3A_403 = arith.constant 0 : i32
        %dma_wait3A_404 = arith.constant 0 : i32
        %dma_wait3A_405 = tpu.memref_slice %arg7[%dma_wait3A_403, %dma_wait3A_404] : memref<10240x128xf32, #tpu.memory_space<vmem_shared>> -> memref<10240x128xf32, #tpu.memory_space<vmem_shared>>
        tpu.wait_indirect_dma semaphore(%run_scoped3A_385 : memref<!tpu.dma_semaphore, #tpu.memory_space<semaphore_mem>>) src(%dma_wait3A_399 : memref<128x128xf32, #tpu.memory_space<vmem>>) dst(%dma_wait3A_405 : memref<10240x128xf32, #tpu.memory_space<vmem_shared>>)
        tpu.yield
      }) : () -> ()
      %add3A_378 = arith.constant 1 : i32
      %add3A_379 = arith.addi %scan3A_343, %add3A_378 : i32
      %lt3A_380 = arith.constant 20 : i32
      %lt3A_381 = arith.cmpi slt, %add3A_379, %lt3A_380 : i32
      %convert_element_type3A_382 = arith.extui %lt3A_381 : i1 to i32
      %cond3A_383 = arith.constant 0 : i32
      %cond3A_384 = arith.cmpi ne, %convert_element_type3A_382, %cond3A_383 : i32
      scf.if %cond3A_384 {
        %add3A_385 = arith.constant 3 : i32
        %add3A_386 = arith.addi %mul3A_345, %add3A_385 : i32
        %dma_start3A_387 = arith.constant 1 : i32
        %dma_start3A_388 = arith.constant 0 : i32
        %dma_start3A_389 = arith.constant 0 : i32
        %dma_start3A_390 = tpu.memref_slice %arg10[%dma_start3A_387, %dma_start3A_388, %dma_start3A_389] : memref<2x128x128xf32, #tpu.memory_space<vmem>> -> memref<1x128x128xf32, #tpu.memory_space<vmem>>
        %dma_start3A_391 = tpu.memref_squeeze %dma_start3A_390 : memref<1x128x128xf32, #tpu.memory_space<vmem>> -> memref<128x128xf32, #tpu.memory_space<vmem>>
        %dma_start3A_392 = arith.constant 0 : i32
        %dma_start3A_393 = tpu.memref_slice %arg8[%add3A_386, %dma_start3A_392] : memref<40x128xi32, #tpu.memory_space<vmem>> -> memref<1x128xi32, #tpu.memory_space<vmem>>
        %dma_start3A_394 = tpu.memref_squeeze %dma_start3A_393 : memref<1x128xi32, #tpu.memory_space<vmem>> -> memref<128xi32, #tpu.memory_space<vmem>>
        %dma_start3A_395 = arith.constant 0 : i32
        %dma_start3A_396 = arith.constant 0 : i32
        %dma_start3A_397 = tpu.memref_slice %arg2[%dma_start3A_395, %dma_start3A_396] : memref<10000x128xf32, #tpu.memory_space<hbm>> -> memref<10000x128xf32, #tpu.memory_space<hbm>>
        tpu.enqueue_indirect_dma source(%dma_start3A_397 : memref<10000x128xf32, #tpu.memory_space<hbm>>) target(%dma_start3A_391 : memref<128x128xf32, #tpu.memory_space<vmem>>) offsets(%dma_start3A_394 : memref<128xi32, #tpu.memory_space<vmem>>) semaphore(%arg13 : memref<!tpu.dma_semaphore, #tpu.memory_space<semaphore_mem>>)
      } else {
      }
    }
    %scan3A_337 = arith.constant 20 : i32
    %barrier3A_338 = arith.constant 0 : index
    tpu.barrier barrier_id(%barrier3A_338)
    %mul3A_339 = arith.constant 640 : i32
    %mul3A_340 = arith.muli %arg1, %mul3A_339 : i32
    %mul3A_341 = arith.constant 640 : i32
    %mul3A_342 = arith.muli %arg1, %mul3A_341 : i32
    "tpu.region"() ({
      %run_scoped3A_343 = tpu.sem_alloc : memref<!tpu.dma_semaphore, #tpu.memory_space<semaphore_mem>>
      %dma_start3A_344 = arith.constant 0 : i32
      %dma_start3A_345 = tpu.memref_slice %arg6[%arg0, %mul3A_342, %dma_start3A_344] : memref<2x10240x128xf32, #tpu.memory_space<hbm>> -> memref<1x640x128xf32, #tpu.memory_space<hbm>>
      %dma_start3A_346 = tpu.memref_squeeze %dma_start3A_345 : memref<1x640x128xf32, #tpu.memory_space<hbm>> -> memref<640x128xf32, #tpu.memory_space<hbm>>
      %dma_start3A_347 = arith.constant 0 : i32
      %dma_start3A_348 = tpu.memref_slice %arg7[%mul3A_340, %dma_start3A_347] : memref<10240x128xf32, #tpu.memory_space<vmem_shared>> -> memref<640x128xf32, #tpu.memory_space<vmem_shared>>
      tpu.enqueue_dma source(%dma_start3A_348 : memref<640x128xf32, #tpu.memory_space<vmem_shared>>) target(%dma_start3A_346 : memref<640x128xf32, #tpu.memory_space<hbm>>) target_semaphore(%run_scoped3A_343 : memref<!tpu.dma_semaphore, #tpu.memory_space<semaphore_mem>>)
      %dma_wait3A_349 = arith.constant 0 : i32
      %dma_wait3A_350 = tpu.memref_slice %arg6[%arg0, %mul3A_342, %dma_wait3A_349] : memref<2x10240x128xf32, #tpu.memory_space<hbm>> -> memref<1x640x128xf32, #tpu.memory_space<hbm>>
      %dma_wait3A_351 = tpu.memref_squeeze %dma_wait3A_350 : memref<1x640x128xf32, #tpu.memory_space<hbm>> -> memref<640x128xf32, #tpu.memory_space<hbm>>
      %dma_wait3A_352 = arith.constant 0 : i32
      %dma_wait3A_353 = tpu.memref_slice %arg7[%mul3A_340, %dma_wait3A_352] : memref<10240x128xf32, #tpu.memory_space<vmem_shared>> -> memref<640x128xf32, #tpu.memory_space<vmem_shared>>
      tpu.wait_dma2 semaphore(%run_scoped3A_343 : memref<!tpu.dma_semaphore, #tpu.memory_space<semaphore_mem>>) src(%dma_wait3A_353 : memref<640x128xf32, #tpu.memory_space<vmem_shared>>) dst(%dma_wait3A_351 : memref<640x128xf32, #tpu.memory_space<hbm>>)
      tpu.yield
    }) : () -> ()
    return
  }
}

#map = affine_map<(d0, d1) -> (0, 0)>
#map1 = affine_map<(d0, d1) -> (0, 0, 0, 0, 0)>
#map2 = affine_map<(d0, d1) -> (0, 0, 0)>
module attributes {stable_mosaic.version = 14 : i64} {
  func.func @spmm_kernel(%arg0: i32, %arg1: i32, %arg2: memref<10000x128xf32, #tpu.memory_space<hbm>>, %arg3: memref<2x16x2x40x128xi32, #tpu.memory_space<hbm>>, %arg4: memref<2x16x2x40x128xi32, #tpu.memory_space<hbm>>, %arg5: memref<32x128xf32, #tpu.memory_space<hbm>>, %arg6: memref<2x10240x128xf32, #tpu.memory_space<hbm>>, %arg7: memref<10240x128xf32, #tpu.memory_space<vmem_shared>>, %arg8: memref<40x128xi32, #tpu.memory_space<vmem>>, %arg9: memref<40x128xi32, #tpu.memory_space<vmem>>, %arg10: memref<2x128x128xf32, #tpu.memory_space<vmem>>, %arg11: memref<32x128xf32, #tpu.memory_space<vmem>>, %arg12: memref<!tpu.dma_semaphore, #tpu.memory_space<semaphore_mem>>, %arg13: memref<!tpu.dma_semaphore, #tpu.memory_space<semaphore_mem>>, %arg14: memref<!tpu.dma_semaphore, #tpu.memory_space<semaphore_mem>>) attributes {dimension_semantics = [#tpu.dimension_semantics<core_parallel>, #tpu.dimension_semantics<subcore_parallel>], iteration_bounds = array<i64: 2, 16>, scalar_prefetch = 0 : i64, scratch_operands = 8 : i64, tpu.core_type = #tpu.core_type<sc_vector_subcore>, window_params = [{transform_indices = #map}, {transform_indices = #map1}, {transform_indices = #map1}, {transform_indices = #map}, {transform_indices = #map2}]} {
    %run_scoped3A = arith.constant 0 : i32
    "tpu.region"() ({
      %run_scoped3A_343 = tpu.sem_alloc : memref<!tpu.dma_semaphore, #tpu.memory_space<semaphore_mem>>
      %dma_start3A_344 = arith.constant 0 : i32
      %dma_start3A_345 = arith.constant 0 : i32
      %dma_start3A_346 = tpu.memref_slice %arg3[%arg0, %arg1, %run_scoped3A, %dma_start3A_344, %dma_start3A_345] : memref<2x16x2x40x128xi32, #tpu.memory_space<hbm>> -> memref<1x1x1x40x128xi32, #tpu.memory_space<hbm>>
      %dma_start3A_347 = tpu.memref_squeeze %dma_start3A_346 : memref<1x1x1x40x128xi32, #tpu.memory_space<hbm>> -> memref<40x128xi32, #tpu.memory_space<hbm>>
      %dma_start3A_348 = arith.constant 0 : i32
      %dma_start3A_349 = arith.constant 0 : i32
      %dma_start3A_350 = tpu.memref_slice %arg3[%arg0, %arg1, %run_scoped3A, %dma_start3A_348, %dma_start3A_349] : memref<2x16x2x40x128xi32, #tpu.memory_space<hbm>> -> memref<1x1x1x40x128xi32, #tpu.memory_space<hbm>>
      %dma_start3A_351 = tpu.memref_squeeze %dma_start3A_350 : memref<1x1x1x40x128xi32, #tpu.memory_space<hbm>> -> memref<40x128xi32, #tpu.memory_space<hbm>>
      tpu.enqueue_dma source(%dma_start3A_351 : memref<40x128xi32, #tpu.memory_space<hbm>>) target(%arg8 : memref<40x128xi32, #tpu.memory_space<vmem>>) target_semaphore(%run_scoped3A_343 : memref<!tpu.dma_semaphore, #tpu.memory_space<semaphore_mem>>)
      %dma_wait3A_352 = arith.constant 0 : i32
      %dma_wait3A_353 = arith.constant 0 : i32
      %dma_wait3A_354 = tpu.memref_slice %arg3[%arg0, %arg1, %run_scoped3A, %dma_wait3A_352, %dma_wait3A_353] : memref<2x16x2x40x128xi32, #tpu.memory_space<hbm>> -> memref<1x1x1x40x128xi32, #tpu.memory_space<hbm>>
      %dma_wait3A_355 = tpu.memref_squeeze %dma_wait3A_354 : memref<1x1x1x40x128xi32, #tpu.memory_space<hbm>> -> memref<40x128xi32, #tpu.memory_space<hbm>>
      %dma_wait3A_356 = arith.constant 0 : i32
      %dma_wait3A_357 = arith.constant 0 : i32
      %dma_wait3A_358 = tpu.memref_slice %arg3[%arg0, %arg1, %run_scoped3A, %dma_wait3A_356, %dma_wait3A_357] : memref<2x16x2x40x128xi32, #tpu.memory_space<hbm>> -> memref<1x1x1x40x128xi32, #tpu.memory_space<hbm>>
      %dma_wait3A_359 = tpu.memref_squeeze %dma_wait3A_358 : memref<1x1x1x40x128xi32, #tpu.memory_space<hbm>> -> memref<40x128xi32, #tpu.memory_space<hbm>>
      tpu.wait_dma2 semaphore(%run_scoped3A_343 : memref<!tpu.dma_semaphore, #tpu.memory_space<semaphore_mem>>) src(%dma_wait3A_359 : memref<40x128xi32, #tpu.memory_space<hbm>>) dst(%arg8 : memref<40x128xi32, #tpu.memory_space<vmem>>)
      tpu.yield
    }) : () -> ()
    %run_scoped3A_0 = arith.constant 0 : i32
    "tpu.region"() ({
      %run_scoped3A_343 = tpu.sem_alloc : memref<!tpu.dma_semaphore, #tpu.memory_space<semaphore_mem>>
      %dma_start3A_344 = arith.constant 0 : i32
      %dma_start3A_345 = arith.constant 0 : i32
      %dma_start3A_346 = tpu.memref_slice %arg4[%arg0, %arg1, %run_scoped3A_0, %dma_start3A_344, %dma_start3A_345] : memref<2x16x2x40x128xi32, #tpu.memory_space<hbm>> -> memref<1x1x1x40x128xi32, #tpu.memory_space<hbm>>
      %dma_start3A_347 = tpu.memref_squeeze %dma_start3A_346 : memref<1x1x1x40x128xi32, #tpu.memory_space<hbm>> -> memref<40x128xi32, #tpu.memory_space<hbm>>
      %dma_start3A_348 = arith.constant 0 : i32
      %dma_start3A_349 = arith.constant 0 : i32
      %dma_start3A_350 = tpu.memref_slice %arg4[%arg0, %arg1, %run_scoped3A_0, %dma_start3A_348, %dma_start3A_349] : memref<2x16x2x40x128xi32, #tpu.memory_space<hbm>> -> memref<1x1x1x40x128xi32, #tpu.memory_space<hbm>>
      %dma_start3A_351 = tpu.memref_squeeze %dma_start3A_350 : memref<1x1x1x40x128xi32, #tpu.memory_space<hbm>> -> memref<40x128xi32, #tpu.memory_space<hbm>>
      tpu.enqueue_dma source(%dma_start3A_351 : memref<40x128xi32, #tpu.memory_space<hbm>>) target(%arg9 : memref<40x128xi32, #tpu.memory_space<vmem>>) target_semaphore(%run_scoped3A_343 : memref<!tpu.dma_semaphore, #tpu.memory_space<semaphore_mem>>)
      %dma_wait3A_352 = arith.constant 0 : i32
      %dma_wait3A_353 = arith.constant 0 : i32
      %dma_wait3A_354 = tpu.memref_slice %arg4[%arg0, %arg1, %run_scoped3A_0, %dma_wait3A_352, %dma_wait3A_353] : memref<2x16x2x40x128xi32, #tpu.memory_space<hbm>> -> memref<1x1x1x40x128xi32, #tpu.memory_space<hbm>>
      %dma_wait3A_355 = tpu.memref_squeeze %dma_wait3A_354 : memref<1x1x1x40x128xi32, #tpu.memory_space<hbm>> -> memref<40x128xi32, #tpu.memory_space<hbm>>
      %dma_wait3A_356 = arith.constant 0 : i32
      %dma_wait3A_357 = arith.constant 0 : i32
      %dma_wait3A_358 = tpu.memref_slice %arg4[%arg0, %arg1, %run_scoped3A_0, %dma_wait3A_356, %dma_wait3A_357] : memref<2x16x2x40x128xi32, #tpu.memory_space<hbm>> -> memref<1x1x1x40x128xi32, #tpu.memory_space<hbm>>
      %dma_wait3A_359 = tpu.memref_squeeze %dma_wait3A_358 : memref<1x1x1x40x128xi32, #tpu.memory_space<hbm>> -> memref<40x128xi32, #tpu.memory_space<hbm>>
      tpu.wait_dma2 semaphore(%run_scoped3A_343 : memref<!tpu.dma_semaphore, #tpu.memory_space<semaphore_mem>>) src(%dma_wait3A_359 : memref<40x128xi32, #tpu.memory_space<hbm>>) dst(%arg9 : memref<40x128xi32, #tpu.memory_space<vmem>>)
      tpu.yield
    }) : () -> ()
    %dma_start3A = arith.constant 0 : i32
    %dma_start3A_1 = arith.constant 0 : i32
    %dma_start3A_2 = arith.constant 0 : i32
    %dma_start3A_3 = arith.constant 0 : i32
    %dma_start3A_4 = tpu.memref_slice %arg10[%dma_start3A_1, %dma_start3A_2, %dma_start3A_3] : memref<2x128x128xf32, #tpu.memory_space<vmem>> -> memref<1x128x128xf32, #tpu.memory_space<vmem>>
    %dma_start3A_5 = tpu.memref_squeeze %dma_start3A_4 : memref<1x128x128xf32, #tpu.memory_space<vmem>> -> memref<128x128xf32, #tpu.memory_space<vmem>>
    %dma_start3A_6 = arith.constant 0 : i32
    %dma_start3A_7 = tpu.memref_slice %arg8[%dma_start3A, %dma_start3A_6] : memref<40x128xi32, #tpu.memory_space<vmem>> -> memref<1x128xi32, #tpu.memory_space<vmem>>
    %dma_start3A_8 = tpu.memref_squeeze %dma_start3A_7 : memref<1x128xi32, #tpu.memory_space<vmem>> -> memref<128xi32, #tpu.memory_space<vmem>>
    %dma_start3A_9 = arith.constant 0 : i32
    %dma_start3A_10 = arith.constant 0 : i32
    %dma_start3A_11 = tpu.memref_slice %arg2[%dma_start3A_9, %dma_start3A_10] : memref<10000x128xf32, #tpu.memory_space<hbm>> -> memref<10000x128xf32, #tpu.memory_space<hbm>>
    tpu.enqueue_indirect_dma source(%dma_start3A_11 : memref<10000x128xf32, #tpu.memory_space<hbm>>) target(%dma_start3A_5 : memref<128x128xf32, #tpu.memory_space<vmem>>) offsets(%dma_start3A_8 : memref<128xi32, #tpu.memory_space<vmem>>) semaphore(%arg12 : memref<!tpu.dma_semaphore, #tpu.memory_space<semaphore_mem>>)
    %dma_start3A_12 = arith.constant 1 : i32
    %dma_start3A_13 = arith.constant 1 : i32
    %dma_start3A_14 = arith.constant 0 : i32
    %dma_start3A_15 = arith.constant 0 : i32
    %dma_start3A_16 = tpu.memref_slice %arg10[%dma_start3A_13, %dma_start3A_14, %dma_start3A_15] : memref<2x128x128xf32, #tpu.memory_space<vmem>> -> memref<1x128x128xf32, #tpu.memory_space<vmem>>
    %dma_start3A_17 = tpu.memref_squeeze %dma_start3A_16 : memref<1x128x128xf32, #tpu.memory_space<vmem>> -> memref<128x128xf32, #tpu.memory_space<vmem>>
    %dma_start3A_18 = arith.constant 0 : i32
    %dma_start3A_19 = tpu.memref_slice %arg8[%dma_start3A_12, %dma_start3A_18] : memref<40x128xi32, #tpu.memory_space<vmem>> -> memref<1x128xi32, #tpu.memory_space<vmem>>
    %dma_start3A_20 = tpu.memref_squeeze %dma_start3A_19 : memref<1x128xi32, #tpu.memory_space<vmem>> -> memref<128xi32, #tpu.memory_space<vmem>>
    %dma_start3A_21 = arith.constant 0 : i32
    %dma_start3A_22 = arith.constant 0 : i32
    %dma_start3A_23 = tpu.memref_slice %arg2[%dma_start3A_21, %dma_start3A_22] : memref<10000x128xf32, #tpu.memory_space<hbm>> -> memref<10000x128xf32, #tpu.memory_space<hbm>>
    tpu.enqueue_indirect_dma source(%dma_start3A_23 : memref<10000x128xf32, #tpu.memory_space<hbm>>) target(%dma_start3A_17 : memref<128x128xf32, #tpu.memory_space<vmem>>) offsets(%dma_start3A_20 : memref<128xi32, #tpu.memory_space<vmem>>) semaphore(%arg13 : memref<!tpu.dma_semaphore, #tpu.memory_space<semaphore_mem>>)
    "tpu.region"() ({
      %run_scoped3A_343 = tpu.sem_alloc : memref<!tpu.dma_semaphore, #tpu.memory_space<semaphore_mem>>
      tpu.enqueue_dma source(%arg5 : memref<32x128xf32, #tpu.memory_space<hbm>>) target(%arg11 : memref<32x128xf32, #tpu.memory_space<vmem>>) target_semaphore(%run_scoped3A_343 : memref<!tpu.dma_semaphore, #tpu.memory_space<semaphore_mem>>)
      tpu.wait_dma2 semaphore(%run_scoped3A_343 : memref<!tpu.dma_semaphore, #tpu.memory_space<semaphore_mem>>) src(%arg5 : memref<32x128xf32, #tpu.memory_space<hbm>>) dst(%arg11 : memref<32x128xf32, #tpu.memory_space<vmem>>)
      tpu.yield
    }) : () -> ()
    %mul3A = arith.constant 640 : i32
    %mul3A_24 = arith.muli %arg1, %mul3A : i32
    %add3A = arith.constant 0 : i32
    %add3A_25 = arith.addi %mul3A_24, %add3A : i32
    %dma_start3A_26 = arith.constant 0 : i32
    %dma_start3A_27 = tpu.memref_slice %arg7[%add3A_25, %dma_start3A_26] : memref<10240x128xf32, #tpu.memory_space<vmem_shared>> -> memref<32x128xf32, #tpu.memory_space<vmem_shared>>
    %dma_start3A_28 = arith.constant 0 : i32
    %dma_start3A_29 = tpu.memref_slice %arg7[%add3A_25, %dma_start3A_28] : memref<10240x128xf32, #tpu.memory_space<vmem_shared>> -> memref<32x128xf32, #tpu.memory_space<vmem_shared>>
    tpu.enqueue_dma source(%arg11 : memref<32x128xf32, #tpu.memory_space<vmem>>) target(%dma_start3A_29 : memref<32x128xf32, #tpu.memory_space<vmem_shared>>) target_semaphore(%arg14 : memref<!tpu.dma_semaphore, #tpu.memory_space<semaphore_mem>>)
    %mul3A_30 = arith.constant 640 : i32
    %mul3A_31 = arith.muli %arg1, %mul3A_30 : i32
    %add3A_32 = arith.constant 32 : i32
    %add3A_33 = arith.addi %mul3A_31, %add3A_32 : i32
    %dma_start3A_34 = arith.constant 0 : i32
    %dma_start3A_35 = tpu.memref_slice %arg7[%add3A_33, %dma_start3A_34] : memref<10240x128xf32, #tpu.memory_space<vmem_shared>> -> memref<32x128xf32, #tpu.memory_space<vmem_shared>>
    %dma_start3A_36 = arith.constant 0 : i32
    %dma_start3A_37 = tpu.memref_slice %arg7[%add3A_33, %dma_start3A_36] : memref<10240x128xf32, #tpu.memory_space<vmem_shared>> -> memref<32x128xf32, #tpu.memory_space<vmem_shared>>
    tpu.enqueue_dma source(%arg11 : memref<32x128xf32, #tpu.memory_space<vmem>>) target(%dma_start3A_37 : memref<32x128xf32, #tpu.memory_space<vmem_shared>>) target_semaphore(%arg14 : memref<!tpu.dma_semaphore, #tpu.memory_space<semaphore_mem>>)
    %mul3A_38 = arith.constant 640 : i32
    %mul3A_39 = arith.muli %arg1, %mul3A_38 : i32
    %add3A_40 = arith.constant 64 : i32
    %add3A_41 = arith.addi %mul3A_39, %add3A_40 : i32
    %dma_start3A_42 = arith.constant 0 : i32
    %dma_start3A_43 = tpu.memref_slice %arg7[%add3A_41, %dma_start3A_42] : memref<10240x128xf32, #tpu.memory_space<vmem_shared>> -> memref<32x128xf32, #tpu.memory_space<vmem_shared>>
    %dma_start3A_44 = arith.constant 0 : i32
    %dma_start3A_45 = tpu.memref_slice %arg7[%add3A_41, %dma_start3A_44] : memref<10240x128xf32, #tpu.memory_space<vmem_shared>> -> memref<32x128xf32, #tpu.memory_space<vmem_shared>>
    tpu.enqueue_dma source(%arg11 : memref<32x128xf32, #tpu.memory_space<vmem>>) target(%dma_start3A_45 : memref<32x128xf32, #tpu.memory_space<vmem_shared>>) target_semaphore(%arg14 : memref<!tpu.dma_semaphore, #tpu.memory_space<semaphore_mem>>)
    %mul3A_46 = arith.constant 640 : i32
    %mul3A_47 = arith.muli %arg1, %mul3A_46 : i32
    %add3A_48 = arith.constant 96 : i32
    %add3A_49 = arith.addi %mul3A_47, %add3A_48 : i32
    %dma_start3A_50 = arith.constant 0 : i32
    %dma_start3A_51 = tpu.memref_slice %arg7[%add3A_49, %dma_start3A_50] : memref<10240x128xf32, #tpu.memory_space<vmem_shared>> -> memref<32x128xf32, #tpu.memory_space<vmem_shared>>
    %dma_start3A_52 = arith.constant 0 : i32
    %dma_start3A_53 = tpu.memref_slice %arg7[%add3A_49, %dma_start3A_52] : memref<10240x128xf32, #tpu.memory_space<vmem_shared>> -> memref<32x128xf32, #tpu.memory_space<vmem_shared>>
    tpu.enqueue_dma source(%arg11 : memref<32x128xf32, #tpu.memory_space<vmem>>) target(%dma_start3A_53 : memref<32x128xf32, #tpu.memory_space<vmem_shared>>) target_semaphore(%arg14 : memref<!tpu.dma_semaphore, #tpu.memory_space<semaphore_mem>>)
    %mul3A_54 = arith.constant 640 : i32
    %mul3A_55 = arith.muli %arg1, %mul3A_54 : i32
    %add3A_56 = arith.constant 128 : i32
    %add3A_57 = arith.addi %mul3A_55, %add3A_56 : i32
    %dma_start3A_58 = arith.constant 0 : i32
    %dma_start3A_59 = tpu.memref_slice %arg7[%add3A_57, %dma_start3A_58] : memref<10240x128xf32, #tpu.memory_space<vmem_shared>> -> memref<32x128xf32, #tpu.memory_space<vmem_shared>>
    %dma_start3A_60 = arith.constant 0 : i32
    %dma_start3A_61 = tpu.memref_slice %arg7[%add3A_57, %dma_start3A_60] : memref<10240x128xf32, #tpu.memory_space<vmem_shared>> -> memref<32x128xf32, #tpu.memory_space<vmem_shared>>
    tpu.enqueue_dma source(%arg11 : memref<32x128xf32, #tpu.memory_space<vmem>>) target(%dma_start3A_61 : memref<32x128xf32, #tpu.memory_space<vmem_shared>>) target_semaphore(%arg14 : memref<!tpu.dma_semaphore, #tpu.memory_space<semaphore_mem>>)
    %mul3A_62 = arith.constant 640 : i32
    %mul3A_63 = arith.muli %arg1, %mul3A_62 : i32
    %add3A_64 = arith.constant 160 : i32
    %add3A_65 = arith.addi %mul3A_63, %add3A_64 : i32
    %dma_start3A_66 = arith.constant 0 : i32
    %dma_start3A_67 = tpu.memref_slice %arg7[%add3A_65, %dma_start3A_66] : memref<10240x128xf32, #tpu.memory_space<vmem_shared>> -> memref<32x128xf32, #tpu.memory_space<vmem_shared>>
    %dma_start3A_68 = arith.constant 0 : i32
    %dma_start3A_69 = tpu.memref_slice %arg7[%add3A_65, %dma_start3A_68] : memref<10240x128xf32, #tpu.memory_space<vmem_shared>> -> memref<32x128xf32, #tpu.memory_space<vmem_shared>>
    tpu.enqueue_dma source(%arg11 : memref<32x128xf32, #tpu.memory_space<vmem>>) target(%dma_start3A_69 : memref<32x128xf32, #tpu.memory_space<vmem_shared>>) target_semaphore(%arg14 : memref<!tpu.dma_semaphore, #tpu.memory_space<semaphore_mem>>)
    %mul3A_70 = arith.constant 640 : i32
    %mul3A_71 = arith.muli %arg1, %mul3A_70 : i32
    %add3A_72 = arith.constant 192 : i32
    %add3A_73 = arith.addi %mul3A_71, %add3A_72 : i32
    %dma_start3A_74 = arith.constant 0 : i32
    %dma_start3A_75 = tpu.memref_slice %arg7[%add3A_73, %dma_start3A_74] : memref<10240x128xf32, #tpu.memory_space<vmem_shared>> -> memref<32x128xf32, #tpu.memory_space<vmem_shared>>
    %dma_start3A_76 = arith.constant 0 : i32
    %dma_start3A_77 = tpu.memref_slice %arg7[%add3A_73, %dma_start3A_76] : memref<10240x128xf32, #tpu.memory_space<vmem_shared>> -> memref<32x128xf32, #tpu.memory_space<vmem_shared>>
    tpu.enqueue_dma source(%arg11 : memref<32x128xf32, #tpu.memory_space<vmem>>) target(%dma_start3A_77 : memref<32x128xf32, #tpu.memory_space<vmem_shared>>) target_semaphore(%arg14 : memref<!tpu.dma_semaphore, #tpu.memory_space<semaphore_mem>>)
    %mul3A_78 = arith.constant 640 : i32
    %mul3A_79 = arith.muli %arg1, %mul3A_78 : i32
    %add3A_80 = arith.constant 224 : i32
    %add3A_81 = arith.addi %mul3A_79, %add3A_80 : i32
    %dma_start3A_82 = arith.constant 0 : i32
    %dma_start3A_83 = tpu.memref_slice %arg7[%add3A_81, %dma_start3A_82] : memref<10240x128xf32, #tpu.memory_space<vmem_shared>> -> memref<32x128xf32, #tpu.memory_space<vmem_shared>>
    %dma_start3A_84 = arith.constant 0 : i32
    %dma_start3A_85 = tpu.memref_slice %arg7[%add3A_81, %dma_start3A_84] : memref<10240x128xf32, #tpu.memory_space<vmem_shared>> -> memref<32x128xf32, #tpu.memory_space<vmem_shared>>
    tpu.enqueue_dma source(%arg11 : memref<32x128xf32, #tpu.memory_space<vmem>>) target(%dma_start3A_85 : memref<32x128xf32, #tpu.memory_space<vmem_shared>>) target_semaphore(%arg14 : memref<!tpu.dma_semaphore, #tpu.memory_space<semaphore_mem>>)
    %mul3A_86 = arith.constant 640 : i32
    %mul3A_87 = arith.muli %arg1, %mul3A_86 : i32
    %add3A_88 = arith.constant 256 : i32
    %add3A_89 = arith.addi %mul3A_87, %add3A_88 : i32
    %dma_start3A_90 = arith.constant 0 : i32
    %dma_start3A_91 = tpu.memref_slice %arg7[%add3A_89, %dma_start3A_90] : memref<10240x128xf32, #tpu.memory_space<vmem_shared>> -> memref<32x128xf32, #tpu.memory_space<vmem_shared>>
    %dma_start3A_92 = arith.constant 0 : i32
    %dma_start3A_93 = tpu.memref_slice %arg7[%add3A_89, %dma_start3A_92] : memref<10240x128xf32, #tpu.memory_space<vmem_shared>> -> memref<32x128xf32, #tpu.memory_space<vmem_shared>>
    tpu.enqueue_dma source(%arg11 : memref<32x128xf32, #tpu.memory_space<vmem>>) target(%dma_start3A_93 : memref<32x128xf32, #tpu.memory_space<vmem_shared>>) target_semaphore(%arg14 : memref<!tpu.dma_semaphore, #tpu.memory_space<semaphore_mem>>)
    %mul3A_94 = arith.constant 640 : i32
    %mul3A_95 = arith.muli %arg1, %mul3A_94 : i32
    %add3A_96 = arith.constant 288 : i32
    %add3A_97 = arith.addi %mul3A_95, %add3A_96 : i32
    %dma_start3A_98 = arith.constant 0 : i32
    %dma_start3A_99 = tpu.memref_slice %arg7[%add3A_97, %dma_start3A_98] : memref<10240x128xf32, #tpu.memory_space<vmem_shared>> -> memref<32x128xf32, #tpu.memory_space<vmem_shared>>
    %dma_start3A_100 = arith.constant 0 : i32
    %dma_start3A_101 = tpu.memref_slice %arg7[%add3A_97, %dma_start3A_100] : memref<10240x128xf32, #tpu.memory_space<vmem_shared>> -> memref<32x128xf32, #tpu.memory_space<vmem_shared>>
    tpu.enqueue_dma source(%arg11 : memref<32x128xf32, #tpu.memory_space<vmem>>) target(%dma_start3A_101 : memref<32x128xf32, #tpu.memory_space<vmem_shared>>) target_semaphore(%arg14 : memref<!tpu.dma_semaphore, #tpu.memory_space<semaphore_mem>>)
    %mul3A_102 = arith.constant 640 : i32
    %mul3A_103 = arith.muli %arg1, %mul3A_102 : i32
    %add3A_104 = arith.constant 320 : i32
    %add3A_105 = arith.addi %mul3A_103, %add3A_104 : i32
    %dma_start3A_106 = arith.constant 0 : i32
    %dma_start3A_107 = tpu.memref_slice %arg7[%add3A_105, %dma_start3A_106] : memref<10240x128xf32, #tpu.memory_space<vmem_shared>> -> memref<32x128xf32, #tpu.memory_space<vmem_shared>>
    %dma_start3A_108 = arith.constant 0 : i32
    %dma_start3A_109 = tpu.memref_slice %arg7[%add3A_105, %dma_start3A_108] : memref<10240x128xf32, #tpu.memory_space<vmem_shared>> -> memref<32x128xf32, #tpu.memory_space<vmem_shared>>
    tpu.enqueue_dma source(%arg11 : memref<32x128xf32, #tpu.memory_space<vmem>>) target(%dma_start3A_109 : memref<32x128xf32, #tpu.memory_space<vmem_shared>>) target_semaphore(%arg14 : memref<!tpu.dma_semaphore, #tpu.memory_space<semaphore_mem>>)
    %mul3A_110 = arith.constant 640 : i32
    %mul3A_111 = arith.muli %arg1, %mul3A_110 : i32
    %add3A_112 = arith.constant 352 : i32
    %add3A_113 = arith.addi %mul3A_111, %add3A_112 : i32
    %dma_start3A_114 = arith.constant 0 : i32
    %dma_start3A_115 = tpu.memref_slice %arg7[%add3A_113, %dma_start3A_114] : memref<10240x128xf32, #tpu.memory_space<vmem_shared>> -> memref<32x128xf32, #tpu.memory_space<vmem_shared>>
    %dma_start3A_116 = arith.constant 0 : i32
    %dma_start3A_117 = tpu.memref_slice %arg7[%add3A_113, %dma_start3A_116] : memref<10240x128xf32, #tpu.memory_space<vmem_shared>> -> memref<32x128xf32, #tpu.memory_space<vmem_shared>>
    tpu.enqueue_dma source(%arg11 : memref<32x128xf32, #tpu.memory_space<vmem>>) target(%dma_start3A_117 : memref<32x128xf32, #tpu.memory_space<vmem_shared>>) target_semaphore(%arg14 : memref<!tpu.dma_semaphore, #tpu.memory_space<semaphore_mem>>)
    %mul3A_118 = arith.constant 640 : i32
    %mul3A_119 = arith.muli %arg1, %mul3A_118 : i32
    %add3A_120 = arith.constant 384 : i32
    %add3A_121 = arith.addi %mul3A_119, %add3A_120 : i32
    %dma_start3A_122 = arith.constant 0 : i32
    %dma_start3A_123 = tpu.memref_slice %arg7[%add3A_121, %dma_start3A_122] : memref<10240x128xf32, #tpu.memory_space<vmem_shared>> -> memref<32x128xf32, #tpu.memory_space<vmem_shared>>
    %dma_start3A_124 = arith.constant 0 : i32
    %dma_start3A_125 = tpu.memref_slice %arg7[%add3A_121, %dma_start3A_124] : memref<10240x128xf32, #tpu.memory_space<vmem_shared>> -> memref<32x128xf32, #tpu.memory_space<vmem_shared>>
    tpu.enqueue_dma source(%arg11 : memref<32x128xf32, #tpu.memory_space<vmem>>) target(%dma_start3A_125 : memref<32x128xf32, #tpu.memory_space<vmem_shared>>) target_semaphore(%arg14 : memref<!tpu.dma_semaphore, #tpu.memory_space<semaphore_mem>>)
    %mul3A_126 = arith.constant 640 : i32
    %mul3A_127 = arith.muli %arg1, %mul3A_126 : i32
    %add3A_128 = arith.constant 416 : i32
    %add3A_129 = arith.addi %mul3A_127, %add3A_128 : i32
    %dma_start3A_130 = arith.constant 0 : i32
    %dma_start3A_131 = tpu.memref_slice %arg7[%add3A_129, %dma_start3A_130] : memref<10240x128xf32, #tpu.memory_space<vmem_shared>> -> memref<32x128xf32, #tpu.memory_space<vmem_shared>>
    %dma_start3A_132 = arith.constant 0 : i32
    %dma_start3A_133 = tpu.memref_slice %arg7[%add3A_129, %dma_start3A_132] : memref<10240x128xf32, #tpu.memory_space<vmem_shared>> -> memref<32x128xf32, #tpu.memory_space<vmem_shared>>
    tpu.enqueue_dma source(%arg11 : memref<32x128xf32, #tpu.memory_space<vmem>>) target(%dma_start3A_133 : memref<32x128xf32, #tpu.memory_space<vmem_shared>>) target_semaphore(%arg14 : memref<!tpu.dma_semaphore, #tpu.memory_space<semaphore_mem>>)
    %mul3A_134 = arith.constant 640 : i32
    %mul3A_135 = arith.muli %arg1, %mul3A_134 : i32
    %add3A_136 = arith.constant 448 : i32
    %add3A_137 = arith.addi %mul3A_135, %add3A_136 : i32
    %dma_start3A_138 = arith.constant 0 : i32
    %dma_start3A_139 = tpu.memref_slice %arg7[%add3A_137, %dma_start3A_138] : memref<10240x128xf32, #tpu.memory_space<vmem_shared>> -> memref<32x128xf32, #tpu.memory_space<vmem_shared>>
    %dma_start3A_140 = arith.constant 0 : i32
    %dma_start3A_141 = tpu.memref_slice %arg7[%add3A_137, %dma_start3A_140] : memref<10240x128xf32, #tpu.memory_space<vmem_shared>> -> memref<32x128xf32, #tpu.memory_space<vmem_shared>>
    tpu.enqueue_dma source(%arg11 : memref<32x128xf32, #tpu.memory_space<vmem>>) target(%dma_start3A_141 : memref<32x128xf32, #tpu.memory_space<vmem_shared>>) target_semaphore(%arg14 : memref<!tpu.dma_semaphore, #tpu.memory_space<semaphore_mem>>)
    %mul3A_142 = arith.constant 640 : i32
    %mul3A_143 = arith.muli %arg1, %mul3A_142 : i32
    %add3A_144 = arith.constant 480 : i32
    %add3A_145 = arith.addi %mul3A_143, %add3A_144 : i32
    %dma_start3A_146 = arith.constant 0 : i32
    %dma_start3A_147 = tpu.memref_slice %arg7[%add3A_145, %dma_start3A_146] : memref<10240x128xf32, #tpu.memory_space<vmem_shared>> -> memref<32x128xf32, #tpu.memory_space<vmem_shared>>
    %dma_start3A_148 = arith.constant 0 : i32
    %dma_start3A_149 = tpu.memref_slice %arg7[%add3A_145, %dma_start3A_148] : memref<10240x128xf32, #tpu.memory_space<vmem_shared>> -> memref<32x128xf32, #tpu.memory_space<vmem_shared>>
    tpu.enqueue_dma source(%arg11 : memref<32x128xf32, #tpu.memory_space<vmem>>) target(%dma_start3A_149 : memref<32x128xf32, #tpu.memory_space<vmem_shared>>) target_semaphore(%arg14 : memref<!tpu.dma_semaphore, #tpu.memory_space<semaphore_mem>>)
    %mul3A_150 = arith.constant 640 : i32
    %mul3A_151 = arith.muli %arg1, %mul3A_150 : i32
    %add3A_152 = arith.constant 512 : i32
    %add3A_153 = arith.addi %mul3A_151, %add3A_152 : i32
    %dma_start3A_154 = arith.constant 0 : i32
    %dma_start3A_155 = tpu.memref_slice %arg7[%add3A_153, %dma_start3A_154] : memref<10240x128xf32, #tpu.memory_space<vmem_shared>> -> memref<32x128xf32, #tpu.memory_space<vmem_shared>>
    %dma_start3A_156 = arith.constant 0 : i32
    %dma_start3A_157 = tpu.memref_slice %arg7[%add3A_153, %dma_start3A_156] : memref<10240x128xf32, #tpu.memory_space<vmem_shared>> -> memref<32x128xf32, #tpu.memory_space<vmem_shared>>
    tpu.enqueue_dma source(%arg11 : memref<32x128xf32, #tpu.memory_space<vmem>>) target(%dma_start3A_157 : memref<32x128xf32, #tpu.memory_space<vmem_shared>>) target_semaphore(%arg14 : memref<!tpu.dma_semaphore, #tpu.memory_space<semaphore_mem>>)
    %mul3A_158 = arith.constant 640 : i32
    %mul3A_159 = arith.muli %arg1, %mul3A_158 : i32
    %add3A_160 = arith.constant 544 : i32
    %add3A_161 = arith.addi %mul3A_159, %add3A_160 : i32
    %dma_start3A_162 = arith.constant 0 : i32
    %dma_start3A_163 = tpu.memref_slice %arg7[%add3A_161, %dma_start3A_162] : memref<10240x128xf32, #tpu.memory_space<vmem_shared>> -> memref<32x128xf32, #tpu.memory_space<vmem_shared>>
    %dma_start3A_164 = arith.constant 0 : i32
    %dma_start3A_165 = tpu.memref_slice %arg7[%add3A_161, %dma_start3A_164] : memref<10240x128xf32, #tpu.memory_space<vmem_shared>> -> memref<32x128xf32, #tpu.memory_space<vmem_shared>>
    tpu.enqueue_dma source(%arg11 : memref<32x128xf32, #tpu.memory_space<vmem>>) target(%dma_start3A_165 : memref<32x128xf32, #tpu.memory_space<vmem_shared>>) target_semaphore(%arg14 : memref<!tpu.dma_semaphore, #tpu.memory_space<semaphore_mem>>)
    %mul3A_166 = arith.constant 640 : i32
    %mul3A_167 = arith.muli %arg1, %mul3A_166 : i32
    %add3A_168 = arith.constant 576 : i32
    %add3A_169 = arith.addi %mul3A_167, %add3A_168 : i32
    %dma_start3A_170 = arith.constant 0 : i32
    %dma_start3A_171 = tpu.memref_slice %arg7[%add3A_169, %dma_start3A_170] : memref<10240x128xf32, #tpu.memory_space<vmem_shared>> -> memref<32x128xf32, #tpu.memory_space<vmem_shared>>
    %dma_start3A_172 = arith.constant 0 : i32
    %dma_start3A_173 = tpu.memref_slice %arg7[%add3A_169, %dma_start3A_172] : memref<10240x128xf32, #tpu.memory_space<vmem_shared>> -> memref<32x128xf32, #tpu.memory_space<vmem_shared>>
    tpu.enqueue_dma source(%arg11 : memref<32x128xf32, #tpu.memory_space<vmem>>) target(%dma_start3A_173 : memref<32x128xf32, #tpu.memory_space<vmem_shared>>) target_semaphore(%arg14 : memref<!tpu.dma_semaphore, #tpu.memory_space<semaphore_mem>>)
    %mul3A_174 = arith.constant 640 : i32
    %mul3A_175 = arith.muli %arg1, %mul3A_174 : i32
    %add3A_176 = arith.constant 608 : i32
    %add3A_177 = arith.addi %mul3A_175, %add3A_176 : i32
    %dma_start3A_178 = arith.constant 0 : i32
    %dma_start3A_179 = tpu.memref_slice %arg7[%add3A_177, %dma_start3A_178] : memref<10240x128xf32, #tpu.memory_space<vmem_shared>> -> memref<32x128xf32, #tpu.memory_space<vmem_shared>>
    %dma_start3A_180 = arith.constant 0 : i32
    %dma_start3A_181 = tpu.memref_slice %arg7[%add3A_177, %dma_start3A_180] : memref<10240x128xf32, #tpu.memory_space<vmem_shared>> -> memref<32x128xf32, #tpu.memory_space<vmem_shared>>
    tpu.enqueue_dma source(%arg11 : memref<32x128xf32, #tpu.memory_space<vmem>>) target(%dma_start3A_181 : memref<32x128xf32, #tpu.memory_space<vmem_shared>>) target_semaphore(%arg14 : memref<!tpu.dma_semaphore, #tpu.memory_space<semaphore_mem>>)
    %dma_wait3A = arith.constant 0 : i32
    %dma_wait3A_182 = arith.constant 0 : i32
    %dma_wait3A_183 = tpu.memref_slice %arg7[%dma_wait3A, %dma_wait3A_182] : memref<10240x128xf32, #tpu.memory_space<vmem_shared>> -> memref<32x128xf32, #tpu.memory_space<vmem_shared>>
    %dma_wait3A_184 = arith.constant 0 : i32
    %dma_wait3A_185 = arith.constant 0 : i32
    %dma_wait3A_186 = tpu.memref_slice %arg7[%dma_wait3A_184, %dma_wait3A_185] : memref<10240x128xf32, #tpu.memory_space<vmem_shared>> -> memref<32x128xf32, #tpu.memory_space<vmem_shared>>
    tpu.wait_dma2 semaphore(%arg14 : memref<!tpu.dma_semaphore, #tpu.memory_space<semaphore_mem>>) src(%arg11 : memref<32x128xf32, #tpu.memory_space<vmem>>) dst(%dma_wait3A_186 : memref<32x128xf32, #tpu.memory_space<vmem_shared>>)
    %dma_wait3A_187 = arith.constant 0 : i32
    %dma_wait3A_188 = arith.constant 0 : i32
    %dma_wait3A_189 = tpu.memref_slice %arg7[%dma_wait3A_187, %dma_wait3A_188] : memref<10240x128xf32, #tpu.memory_space<vmem_shared>> -> memref<32x128xf32, #tpu.memory_space<vmem_shared>>
    %dma_wait3A_190 = arith.constant 0 : i32
    %dma_wait3A_191 = arith.constant 0 : i32
    %dma_wait3A_192 = tpu.memref_slice %arg7[%dma_wait3A_190, %dma_wait3A_191] : memref<10240x128xf32, #tpu.memory_space<vmem_shared>> -> memref<32x128xf32, #tpu.memory_space<vmem_shared>>
    tpu.wait_dma2 semaphore(%arg14 : memref<!tpu.dma_semaphore, #tpu.memory_space<semaphore_mem>>) src(%arg11 : memref<32x128xf32, #tpu.memory_space<vmem>>) dst(%dma_wait3A_192 : memref<32x128xf32, #tpu.memory_space<vmem_shared>>)
    %dma_wait3A_193 = arith.constant 0 : i32
    %dma_wait3A_194 = arith.constant 0 : i32
    %dma_wait3A_195 = tpu.memref_slice %arg7[%dma_wait3A_193, %dma_wait3A_194] : memref<10240x128xf32, #tpu.memory_space<vmem_shared>> -> memref<32x128xf32, #tpu.memory_space<vmem_shared>>
    %dma_wait3A_196 = arith.constant 0 : i32
    %dma_wait3A_197 = arith.constant 0 : i32
    %dma_wait3A_198 = tpu.memref_slice %arg7[%dma_wait3A_196, %dma_wait3A_197] : memref<10240x128xf32, #tpu.memory_space<vmem_shared>> -> memref<32x128xf32, #tpu.memory_space<vmem_shared>>
    tpu.wait_dma2 semaphore(%arg14 : memref<!tpu.dma_semaphore, #tpu.memory_space<semaphore_mem>>) src(%arg11 : memref<32x128xf32, #tpu.memory_space<vmem>>) dst(%dma_wait3A_198 : memref<32x128xf32, #tpu.memory_space<vmem_shared>>)
    %dma_wait3A_199 = arith.constant 0 : i32
    %dma_wait3A_200 = arith.constant 0 : i32
    %dma_wait3A_201 = tpu.memref_slice %arg7[%dma_wait3A_199, %dma_wait3A_200] : memref<10240x128xf32, #tpu.memory_space<vmem_shared>> -> memref<32x128xf32, #tpu.memory_space<vmem_shared>>
    %dma_wait3A_202 = arith.constant 0 : i32
    %dma_wait3A_203 = arith.constant 0 : i32
    %dma_wait3A_204 = tpu.memref_slice %arg7[%dma_wait3A_202, %dma_wait3A_203] : memref<10240x128xf32, #tpu.memory_space<vmem_shared>> -> memref<32x128xf32, #tpu.memory_space<vmem_shared>>
    tpu.wait_dma2 semaphore(%arg14 : memref<!tpu.dma_semaphore, #tpu.memory_space<semaphore_mem>>) src(%arg11 : memref<32x128xf32, #tpu.memory_space<vmem>>) dst(%dma_wait3A_204 : memref<32x128xf32, #tpu.memory_space<vmem_shared>>)
    %dma_wait3A_205 = arith.constant 0 : i32
    %dma_wait3A_206 = arith.constant 0 : i32
    %dma_wait3A_207 = tpu.memref_slice %arg7[%dma_wait3A_205, %dma_wait3A_206] : memref<10240x128xf32, #tpu.memory_space<vmem_shared>> -> memref<32x128xf32, #tpu.memory_space<vmem_shared>>
    %dma_wait3A_208 = arith.constant 0 : i32
    %dma_wait3A_209 = arith.constant 0 : i32
    %dma_wait3A_210 = tpu.memref_slice %arg7[%dma_wait3A_208, %dma_wait3A_209] : memref<10240x128xf32, #tpu.memory_space<vmem_shared>> -> memref<32x128xf32, #tpu.memory_space<vmem_shared>>
    tpu.wait_dma2 semaphore(%arg14 : memref<!tpu.dma_semaphore, #tpu.memory_space<semaphore_mem>>) src(%arg11 : memref<32x128xf32, #tpu.memory_space<vmem>>) dst(%dma_wait3A_210 : memref<32x128xf32, #tpu.memory_space<vmem_shared>>)
    %dma_wait3A_211 = arith.constant 0 : i32
    %dma_wait3A_212 = arith.constant 0 : i32
    %dma_wait3A_213 = tpu.memref_slice %arg7[%dma_wait3A_211, %dma_wait3A_212] : memref<10240x128xf32, #tpu.memory_space<vmem_shared>> -> memref<32x128xf32, #tpu.memory_space<vmem_shared>>
    %dma_wait3A_214 = arith.constant 0 : i32
    %dma_wait3A_215 = arith.constant 0 : i32
    %dma_wait3A_216 = tpu.memref_slice %arg7[%dma_wait3A_214, %dma_wait3A_215] : memref<10240x128xf32, #tpu.memory_space<vmem_shared>> -> memref<32x128xf32, #tpu.memory_space<vmem_shared>>
    tpu.wait_dma2 semaphore(%arg14 : memref<!tpu.dma_semaphore, #tpu.memory_space<semaphore_mem>>) src(%arg11 : memref<32x128xf32, #tpu.memory_space<vmem>>) dst(%dma_wait3A_216 : memref<32x128xf32, #tpu.memory_space<vmem_shared>>)
    %dma_wait3A_217 = arith.constant 0 : i32
    %dma_wait3A_218 = arith.constant 0 : i32
    %dma_wait3A_219 = tpu.memref_slice %arg7[%dma_wait3A_217, %dma_wait3A_218] : memref<10240x128xf32, #tpu.memory_space<vmem_shared>> -> memref<32x128xf32, #tpu.memory_space<vmem_shared>>
    %dma_wait3A_220 = arith.constant 0 : i32
    %dma_wait3A_221 = arith.constant 0 : i32
    %dma_wait3A_222 = tpu.memref_slice %arg7[%dma_wait3A_220, %dma_wait3A_221] : memref<10240x128xf32, #tpu.memory_space<vmem_shared>> -> memref<32x128xf32, #tpu.memory_space<vmem_shared>>
    tpu.wait_dma2 semaphore(%arg14 : memref<!tpu.dma_semaphore, #tpu.memory_space<semaphore_mem>>) src(%arg11 : memref<32x128xf32, #tpu.memory_space<vmem>>) dst(%dma_wait3A_222 : memref<32x128xf32, #tpu.memory_space<vmem_shared>>)
    %dma_wait3A_223 = arith.constant 0 : i32
    %dma_wait3A_224 = arith.constant 0 : i32
    %dma_wait3A_225 = tpu.memref_slice %arg7[%dma_wait3A_223, %dma_wait3A_224] : memref<10240x128xf32, #tpu.memory_space<vmem_shared>> -> memref<32x128xf32, #tpu.memory_space<vmem_shared>>
    %dma_wait3A_226 = arith.constant 0 : i32
    %dma_wait3A_227 = arith.constant 0 : i32
    %dma_wait3A_228 = tpu.memref_slice %arg7[%dma_wait3A_226, %dma_wait3A_227] : memref<10240x128xf32, #tpu.memory_space<vmem_shared>> -> memref<32x128xf32, #tpu.memory_space<vmem_shared>>
    tpu.wait_dma2 semaphore(%arg14 : memref<!tpu.dma_semaphore, #tpu.memory_space<semaphore_mem>>) src(%arg11 : memref<32x128xf32, #tpu.memory_space<vmem>>) dst(%dma_wait3A_228 : memref<32x128xf32, #tpu.memory_space<vmem_shared>>)
    %dma_wait3A_229 = arith.constant 0 : i32
    %dma_wait3A_230 = arith.constant 0 : i32
    %dma_wait3A_231 = tpu.memref_slice %arg7[%dma_wait3A_229, %dma_wait3A_230] : memref<10240x128xf32, #tpu.memory_space<vmem_shared>> -> memref<32x128xf32, #tpu.memory_space<vmem_shared>>
    %dma_wait3A_232 = arith.constant 0 : i32
    %dma_wait3A_233 = arith.constant 0 : i32
    %dma_wait3A_234 = tpu.memref_slice %arg7[%dma_wait3A_232, %dma_wait3A_233] : memref<10240x128xf32, #tpu.memory_space<vmem_shared>> -> memref<32x128xf32, #tpu.memory_space<vmem_shared>>
    tpu.wait_dma2 semaphore(%arg14 : memref<!tpu.dma_semaphore, #tpu.memory_space<semaphore_mem>>) src(%arg11 : memref<32x128xf32, #tpu.memory_space<vmem>>) dst(%dma_wait3A_234 : memref<32x128xf32, #tpu.memory_space<vmem_shared>>)
    %dma_wait3A_235 = arith.constant 0 : i32
    %dma_wait3A_236 = arith.constant 0 : i32
    %dma_wait3A_237 = tpu.memref_slice %arg7[%dma_wait3A_235, %dma_wait3A_236] : memref<10240x128xf32, #tpu.memory_space<vmem_shared>> -> memref<32x128xf32, #tpu.memory_space<vmem_shared>>
    %dma_wait3A_238 = arith.constant 0 : i32
    %dma_wait3A_239 = arith.constant 0 : i32
    %dma_wait3A_240 = tpu.memref_slice %arg7[%dma_wait3A_238, %dma_wait3A_239] : memref<10240x128xf32, #tpu.memory_space<vmem_shared>> -> memref<32x128xf32, #tpu.memory_space<vmem_shared>>
    tpu.wait_dma2 semaphore(%arg14 : memref<!tpu.dma_semaphore, #tpu.memory_space<semaphore_mem>>) src(%arg11 : memref<32x128xf32, #tpu.memory_space<vmem>>) dst(%dma_wait3A_240 : memref<32x128xf32, #tpu.memory_space<vmem_shared>>)
    %dma_wait3A_241 = arith.constant 0 : i32
    %dma_wait3A_242 = arith.constant 0 : i32
    %dma_wait3A_243 = tpu.memref_slice %arg7[%dma_wait3A_241, %dma_wait3A_242] : memref<10240x128xf32, #tpu.memory_space<vmem_shared>> -> memref<32x128xf32, #tpu.memory_space<vmem_shared>>
    %dma_wait3A_244 = arith.constant 0 : i32
    %dma_wait3A_245 = arith.constant 0 : i32
    %dma_wait3A_246 = tpu.memref_slice %arg7[%dma_wait3A_244, %dma_wait3A_245] : memref<10240x128xf32, #tpu.memory_space<vmem_shared>> -> memref<32x128xf32, #tpu.memory_space<vmem_shared>>
    tpu.wait_dma2 semaphore(%arg14 : memref<!tpu.dma_semaphore, #tpu.memory_space<semaphore_mem>>) src(%arg11 : memref<32x128xf32, #tpu.memory_space<vmem>>) dst(%dma_wait3A_246 : memref<32x128xf32, #tpu.memory_space<vmem_shared>>)
    %dma_wait3A_247 = arith.constant 0 : i32
    %dma_wait3A_248 = arith.constant 0 : i32
    %dma_wait3A_249 = tpu.memref_slice %arg7[%dma_wait3A_247, %dma_wait3A_248] : memref<10240x128xf32, #tpu.memory_space<vmem_shared>> -> memref<32x128xf32, #tpu.memory_space<vmem_shared>>
    %dma_wait3A_250 = arith.constant 0 : i32
    %dma_wait3A_251 = arith.constant 0 : i32
    %dma_wait3A_252 = tpu.memref_slice %arg7[%dma_wait3A_250, %dma_wait3A_251] : memref<10240x128xf32, #tpu.memory_space<vmem_shared>> -> memref<32x128xf32, #tpu.memory_space<vmem_shared>>
    tpu.wait_dma2 semaphore(%arg14 : memref<!tpu.dma_semaphore, #tpu.memory_space<semaphore_mem>>) src(%arg11 : memref<32x128xf32, #tpu.memory_space<vmem>>) dst(%dma_wait3A_252 : memref<32x128xf32, #tpu.memory_space<vmem_shared>>)
    %dma_wait3A_253 = arith.constant 0 : i32
    %dma_wait3A_254 = arith.constant 0 : i32
    %dma_wait3A_255 = tpu.memref_slice %arg7[%dma_wait3A_253, %dma_wait3A_254] : memref<10240x128xf32, #tpu.memory_space<vmem_shared>> -> memref<32x128xf32, #tpu.memory_space<vmem_shared>>
    %dma_wait3A_256 = arith.constant 0 : i32
    %dma_wait3A_257 = arith.constant 0 : i32
    %dma_wait3A_258 = tpu.memref_slice %arg7[%dma_wait3A_256, %dma_wait3A_257] : memref<10240x128xf32, #tpu.memory_space<vmem_shared>> -> memref<32x128xf32, #tpu.memory_space<vmem_shared>>
    tpu.wait_dma2 semaphore(%arg14 : memref<!tpu.dma_semaphore, #tpu.memory_space<semaphore_mem>>) src(%arg11 : memref<32x128xf32, #tpu.memory_space<vmem>>) dst(%dma_wait3A_258 : memref<32x128xf32, #tpu.memory_space<vmem_shared>>)
    %dma_wait3A_259 = arith.constant 0 : i32
    %dma_wait3A_260 = arith.constant 0 : i32
    %dma_wait3A_261 = tpu.memref_slice %arg7[%dma_wait3A_259, %dma_wait3A_260] : memref<10240x128xf32, #tpu.memory_space<vmem_shared>> -> memref<32x128xf32, #tpu.memory_space<vmem_shared>>
    %dma_wait3A_262 = arith.constant 0 : i32
    %dma_wait3A_263 = arith.constant 0 : i32
    %dma_wait3A_264 = tpu.memref_slice %arg7[%dma_wait3A_262, %dma_wait3A_263] : memref<10240x128xf32, #tpu.memory_space<vmem_shared>> -> memref<32x128xf32, #tpu.memory_space<vmem_shared>>
    tpu.wait_dma2 semaphore(%arg14 : memref<!tpu.dma_semaphore, #tpu.memory_space<semaphore_mem>>) src(%arg11 : memref<32x128xf32, #tpu.memory_space<vmem>>) dst(%dma_wait3A_264 : memref<32x128xf32, #tpu.memory_space<vmem_shared>>)
    %dma_wait3A_265 = arith.constant 0 : i32
    %dma_wait3A_266 = arith.constant 0 : i32
    %dma_wait3A_267 = tpu.memref_slice %arg7[%dma_wait3A_265, %dma_wait3A_266] : memref<10240x128xf32, #tpu.memory_space<vmem_shared>> -> memref<32x128xf32, #tpu.memory_space<vmem_shared>>
    %dma_wait3A_268 = arith.constant 0 : i32
    %dma_wait3A_269 = arith.constant 0 : i32
    %dma_wait3A_270 = tpu.memref_slice %arg7[%dma_wait3A_268, %dma_wait3A_269] : memref<10240x128xf32, #tpu.memory_space<vmem_shared>> -> memref<32x128xf32, #tpu.memory_space<vmem_shared>>
    tpu.wait_dma2 semaphore(%arg14 : memref<!tpu.dma_semaphore, #tpu.memory_space<semaphore_mem>>) src(%arg11 : memref<32x128xf32, #tpu.memory_space<vmem>>) dst(%dma_wait3A_270 : memref<32x128xf32, #tpu.memory_space<vmem_shared>>)
    %dma_wait3A_271 = arith.constant 0 : i32
    %dma_wait3A_272 = arith.constant 0 : i32
    %dma_wait3A_273 = tpu.memref_slice %arg7[%dma_wait3A_271, %dma_wait3A_272] : memref<10240x128xf32, #tpu.memory_space<vmem_shared>> -> memref<32x128xf32, #tpu.memory_space<vmem_shared>>
    %dma_wait3A_274 = arith.constant 0 : i32
    %dma_wait3A_275 = arith.constant 0 : i32
    %dma_wait3A_276 = tpu.memref_slice %arg7[%dma_wait3A_274, %dma_wait3A_275] : memref<10240x128xf32, #tpu.memory_space<vmem_shared>> -> memref<32x128xf32, #tpu.memory_space<vmem_shared>>
    tpu.wait_dma2 semaphore(%arg14 : memref<!tpu.dma_semaphore, #tpu.memory_space<semaphore_mem>>) src(%arg11 : memref<32x128xf32, #tpu.memory_space<vmem>>) dst(%dma_wait3A_276 : memref<32x128xf32, #tpu.memory_space<vmem_shared>>)
    %dma_wait3A_277 = arith.constant 0 : i32
    %dma_wait3A_278 = arith.constant 0 : i32
    %dma_wait3A_279 = tpu.memref_slice %arg7[%dma_wait3A_277, %dma_wait3A_278] : memref<10240x128xf32, #tpu.memory_space<vmem_shared>> -> memref<32x128xf32, #tpu.memory_space<vmem_shared>>
    %dma_wait3A_280 = arith.constant 0 : i32
    %dma_wait3A_281 = arith.constant 0 : i32
    %dma_wait3A_282 = tpu.memref_slice %arg7[%dma_wait3A_280, %dma_wait3A_281] : memref<10240x128xf32, #tpu.memory_space<vmem_shared>> -> memref<32x128xf32, #tpu.memory_space<vmem_shared>>
    tpu.wait_dma2 semaphore(%arg14 : memref<!tpu.dma_semaphore, #tpu.memory_space<semaphore_mem>>) src(%arg11 : memref<32x128xf32, #tpu.memory_space<vmem>>) dst(%dma_wait3A_282 : memref<32x128xf32, #tpu.memory_space<vmem_shared>>)
    %dma_wait3A_283 = arith.constant 0 : i32
    %dma_wait3A_284 = arith.constant 0 : i32
    %dma_wait3A_285 = tpu.memref_slice %arg7[%dma_wait3A_283, %dma_wait3A_284] : memref<10240x128xf32, #tpu.memory_space<vmem_shared>> -> memref<32x128xf32, #tpu.memory_space<vmem_shared>>
    %dma_wait3A_286 = arith.constant 0 : i32
    %dma_wait3A_287 = arith.constant 0 : i32
    %dma_wait3A_288 = tpu.memref_slice %arg7[%dma_wait3A_286, %dma_wait3A_287] : memref<10240x128xf32, #tpu.memory_space<vmem_shared>> -> memref<32x128xf32, #tpu.memory_space<vmem_shared>>
    tpu.wait_dma2 semaphore(%arg14 : memref<!tpu.dma_semaphore, #tpu.memory_space<semaphore_mem>>) src(%arg11 : memref<32x128xf32, #tpu.memory_space<vmem>>) dst(%dma_wait3A_288 : memref<32x128xf32, #tpu.memory_space<vmem_shared>>)
    %dma_wait3A_289 = arith.constant 0 : i32
    %dma_wait3A_290 = arith.constant 0 : i32
    %dma_wait3A_291 = tpu.memref_slice %arg7[%dma_wait3A_289, %dma_wait3A_290] : memref<10240x128xf32, #tpu.memory_space<vmem_shared>> -> memref<32x128xf32, #tpu.memory_space<vmem_shared>>
    %dma_wait3A_292 = arith.constant 0 : i32
    %dma_wait3A_293 = arith.constant 0 : i32
    %dma_wait3A_294 = tpu.memref_slice %arg7[%dma_wait3A_292, %dma_wait3A_293] : memref<10240x128xf32, #tpu.memory_space<vmem_shared>> -> memref<32x128xf32, #tpu.memory_space<vmem_shared>>
    tpu.wait_dma2 semaphore(%arg14 : memref<!tpu.dma_semaphore, #tpu.memory_space<semaphore_mem>>) src(%arg11 : memref<32x128xf32, #tpu.memory_space<vmem>>) dst(%dma_wait3A_294 : memref<32x128xf32, #tpu.memory_space<vmem_shared>>)
    %dma_wait3A_295 = arith.constant 0 : i32
    %dma_wait3A_296 = arith.constant 0 : i32
    %dma_wait3A_297 = tpu.memref_slice %arg7[%dma_wait3A_295, %dma_wait3A_296] : memref<10240x128xf32, #tpu.memory_space<vmem_shared>> -> memref<32x128xf32, #tpu.memory_space<vmem_shared>>
    %dma_wait3A_298 = arith.constant 0 : i32
    %dma_wait3A_299 = arith.constant 0 : i32
    %dma_wait3A_300 = tpu.memref_slice %arg7[%dma_wait3A_298, %dma_wait3A_299] : memref<10240x128xf32, #tpu.memory_space<vmem_shared>> -> memref<32x128xf32, #tpu.memory_space<vmem_shared>>
    tpu.wait_dma2 semaphore(%arg14 : memref<!tpu.dma_semaphore, #tpu.memory_space<semaphore_mem>>) src(%arg11 : memref<32x128xf32, #tpu.memory_space<vmem>>) dst(%dma_wait3A_300 : memref<32x128xf32, #tpu.memory_space<vmem_shared>>)
    %barrier3A = arith.constant 0 : index
    tpu.barrier barrier_id(%barrier3A)
    %scan3A = arith.constant 0 : i32
    %scan3A_301 = arith.constant 0 : i32
    %scan3A_302 = arith.constant 20 : i32
    %scan3A_303 = arith.addi %scan3A_301, %scan3A_302 : i32
    %scan3A_304 = arith.constant 1 : i32
    scf.for %scan3A_343 = %scan3A_301 to %scan3A_303 step %scan3A_304  : i32 {
      %mul3A_344 = arith.constant 2 : i32
      %mul3A_345 = arith.muli %mul3A_344, %scan3A_343 : i32
      %dma_wait3A_346 = arith.constant 0 : i32
      %dma_wait3A_347 = arith.constant 0 : i32
      %dma_wait3A_348 = arith.constant 0 : i32
      %dma_wait3A_349 = tpu.memref_slice %arg10[%dma_wait3A_346, %dma_wait3A_347, %dma_wait3A_348] : memref<2x128x128xf32, #tpu.memory_space<vmem>> -> memref<1x128x128xf32, #tpu.memory_space<vmem>>
      %dma_wait3A_350 = tpu.memref_squeeze %dma_wait3A_349 : memref<1x128x128xf32, #tpu.memory_space<vmem>> -> memref<128x128xf32, #tpu.memory_space<vmem>>
      %dma_wait3A_351 = arith.constant 0 : i32
      %dma_wait3A_352 = tpu.memref_slice %arg8[%mul3A_345, %dma_wait3A_351] : memref<40x128xi32, #tpu.memory_space<vmem>> -> memref<1x128xi32, #tpu.memory_space<vmem>>
      %dma_wait3A_353 = tpu.memref_squeeze %dma_wait3A_352 : memref<1x128xi32, #tpu.memory_space<vmem>> -> memref<128xi32, #tpu.memory_space<vmem>>
      %dma_wait3A_354 = arith.constant 0 : i32
      %dma_wait3A_355 = arith.constant 0 : i32
      %dma_wait3A_356 = tpu.memref_slice %arg2[%dma_wait3A_354, %dma_wait3A_355] : memref<10000x128xf32, #tpu.memory_space<hbm>> -> memref<10000x128xf32, #tpu.memory_space<hbm>>
      tpu.wait_indirect_dma semaphore(%arg12 : memref<!tpu.dma_semaphore, #tpu.memory_space<semaphore_mem>>) src(%dma_wait3A_356 : memref<10000x128xf32, #tpu.memory_space<hbm>>) dst(%dma_wait3A_350 : memref<128x128xf32, #tpu.memory_space<vmem>>)
      %run_scoped3A_357 = arith.constant 0 : i32
      "tpu.region"() ({
        %run_scoped3A_385 = tpu.sem_alloc : memref<!tpu.dma_semaphore, #tpu.memory_space<semaphore_mem>>
        %dma_start3A_386 = arith.constant 0 : i32
        %dma_start3A_387 = arith.constant 0 : i32
        %dma_start3A_388 = tpu.memref_slice %arg10[%run_scoped3A_357, %dma_start3A_386, %dma_start3A_387] : memref<2x128x128xf32, #tpu.memory_space<vmem>> -> memref<1x128x128xf32, #tpu.memory_space<vmem>>
        %dma_start3A_389 = tpu.memref_squeeze %dma_start3A_388 : memref<1x128x128xf32, #tpu.memory_space<vmem>> -> memref<128x128xf32, #tpu.memory_space<vmem>>
        %dma_start3A_390 = arith.constant 0 : i32
        %dma_start3A_391 = tpu.memref_slice %arg9[%mul3A_345, %dma_start3A_390] : memref<40x128xi32, #tpu.memory_space<vmem>> -> memref<1x128xi32, #tpu.memory_space<vmem>>
        %dma_start3A_392 = tpu.memref_squeeze %dma_start3A_391 : memref<1x128xi32, #tpu.memory_space<vmem>> -> memref<128xi32, #tpu.memory_space<vmem>>
        %dma_start3A_393 = arith.constant 0 : i32
        %dma_start3A_394 = arith.constant 0 : i32
        %dma_start3A_395 = tpu.memref_slice %arg7[%dma_start3A_393, %dma_start3A_394] : memref<10240x128xf32, #tpu.memory_space<vmem_shared>> -> memref<10240x128xf32, #tpu.memory_space<vmem_shared>>
        tpu.enqueue_indirect_dma source(%dma_start3A_389 : memref<128x128xf32, #tpu.memory_space<vmem>>) target(%dma_start3A_395 : memref<10240x128xf32, #tpu.memory_space<vmem_shared>>) offsets(%dma_start3A_392 : memref<128xi32, #tpu.memory_space<vmem>>) semaphore(%run_scoped3A_385 : memref<!tpu.dma_semaphore, #tpu.memory_space<semaphore_mem>>) {add = true}
        %dma_wait3A_396 = arith.constant 0 : i32
        %dma_wait3A_397 = arith.constant 0 : i32
        %dma_wait3A_398 = tpu.memref_slice %arg10[%run_scoped3A_357, %dma_wait3A_396, %dma_wait3A_397] : memref<2x128x128xf32, #tpu.memory_space<vmem>> -> memref<1x128x128xf32, #tpu.memory_space<vmem>>
        %dma_wait3A_399 = tpu.memref_squeeze %dma_wait3A_398 : memref<1x128x128xf32, #tpu.memory_space<vmem>> -> memref<128x128xf32, #tpu.memory_space<vmem>>
        %dma_wait3A_400 = arith.constant 0 : i32
        %dma_wait3A_401 = tpu.memref_slice %arg9[%mul3A_345, %dma_wait3A_400] : memref<40x128xi32, #tpu.memory_space<vmem>> -> memref<1x128xi32, #tpu.memory_space<vmem>>
        %dma_wait3A_402 = tpu.memref_squeeze %dma_wait3A_401 : memref<1x128xi32, #tpu.memory_space<vmem>> -> memref<128xi32, #tpu.memory_space<vmem>>
        %dma_wait3A_403 = arith.constant 0 : i32
        %dma_wait3A_404 = arith.constant 0 : i32
        %dma_wait3A_405 = tpu.memref_slice %arg7[%dma_wait3A_403, %dma_wait3A_404] : memref<10240x128xf32, #tpu.memory_space<vmem_shared>> -> memref<10240x128xf32, #tpu.memory_space<vmem_shared>>
        tpu.wait_indirect_dma semaphore(%run_scoped3A_385 : memref<!tpu.dma_semaphore, #tpu.memory_space<semaphore_mem>>) src(%dma_wait3A_399 : memref<128x128xf32, #tpu.memory_space<vmem>>) dst(%dma_wait3A_405 : memref<10240x128xf32, #tpu.memory_space<vmem_shared>>)
        tpu.yield
      }) : () -> ()
      %add3A_358 = arith.constant 1 : i32
      %add3A_359 = arith.addi %scan3A_343, %add3A_358 : i32
      %lt3A = arith.constant 20 : i32
      %lt3A_360 = arith.cmpi slt, %add3A_359, %lt3A : i32
      %convert_element_type3A = arith.extui %lt3A_360 : i1 to i32
      %cond3A = arith.constant 0 : i32
      %cond3A_361 = arith.cmpi ne, %convert_element_type3A, %cond3A : i32
      scf.if %cond3A_361 {
        %add3A_385 = arith.constant 2 : i32
        %add3A_386 = arith.addi %mul3A_345, %add3A_385 : i32
        %dma_start3A_387 = arith.constant 0 : i32
        %dma_start3A_388 = arith.constant 0 : i32
        %dma_start3A_389 = arith.constant 0 : i32
        %dma_start3A_390 = tpu.memref_slice %arg10[%dma_start3A_387, %dma_start3A_388, %dma_start3A_389] : memref<2x128x128xf32, #tpu.memory_space<vmem>> -> memref<1x128x128xf32, #tpu.memory_space<vmem>>
        %dma_start3A_391 = tpu.memref_squeeze %dma_start3A_390 : memref<1x128x128xf32, #tpu.memory_space<vmem>> -> memref<128x128xf32, #tpu.memory_space<vmem>>
        %dma_start3A_392 = arith.constant 0 : i32
        %dma_start3A_393 = tpu.memref_slice %arg8[%add3A_386, %dma_start3A_392] : memref<40x128xi32, #tpu.memory_space<vmem>> -> memref<1x128xi32, #tpu.memory_space<vmem>>
        %dma_start3A_394 = tpu.memref_squeeze %dma_start3A_393 : memref<1x128xi32, #tpu.memory_space<vmem>> -> memref<128xi32, #tpu.memory_space<vmem>>
        %dma_start3A_395 = arith.constant 0 : i32
        %dma_start3A_396 = arith.constant 0 : i32
        %dma_start3A_397 = tpu.memref_slice %arg2[%dma_start3A_395, %dma_start3A_396] : memref<10000x128xf32, #tpu.memory_space<hbm>> -> memref<10000x128xf32, #tpu.memory_space<hbm>>
        tpu.enqueue_indirect_dma source(%dma_start3A_397 : memref<10000x128xf32, #tpu.memory_space<hbm>>) target(%dma_start3A_391 : memref<128x128xf32, #tpu.memory_space<vmem>>) offsets(%dma_start3A_394 : memref<128xi32, #tpu.memory_space<vmem>>) semaphore(%arg12 : memref<!tpu.dma_semaphore, #tpu.memory_space<semaphore_mem>>)
      } else {
      }
      %add3A_362 = arith.constant 1 : i32
      %add3A_363 = arith.addi %mul3A_345, %add3A_362 : i32
      %dma_wait3A_364 = arith.constant 1 : i32
      %dma_wait3A_365 = arith.constant 0 : i32
      %dma_wait3A_366 = arith.constant 0 : i32
      %dma_wait3A_367 = tpu.memref_slice %arg10[%dma_wait3A_364, %dma_wait3A_365, %dma_wait3A_366] : memref<2x128x128xf32, #tpu.memory_space<vmem>> -> memref<1x128x128xf32, #tpu.memory_space<vmem>>
      %dma_wait3A_368 = tpu.memref_squeeze %dma_wait3A_367 : memref<1x128x128xf32, #tpu.memory_space<vmem>> -> memref<128x128xf32, #tpu.memory_space<vmem>>
      %dma_wait3A_369 = arith.constant 0 : i32
      %dma_wait3A_370 = tpu.memref_slice %arg8[%add3A_363, %dma_wait3A_369] : memref<40x128xi32, #tpu.memory_space<vmem>> -> memref<1x128xi32, #tpu.memory_space<vmem>>
      %dma_wait3A_371 = tpu.memref_squeeze %dma_wait3A_370 : memref<1x128xi32, #tpu.memory_space<vmem>> -> memref<128xi32, #tpu.memory_space<vmem>>
      %dma_wait3A_372 = arith.constant 0 : i32
      %dma_wait3A_373 = arith.constant 0 : i32
      %dma_wait3A_374 = tpu.memref_slice %arg2[%dma_wait3A_372, %dma_wait3A_373] : memref<10000x128xf32, #tpu.memory_space<hbm>> -> memref<10000x128xf32, #tpu.memory_space<hbm>>
      tpu.wait_indirect_dma semaphore(%arg13 : memref<!tpu.dma_semaphore, #tpu.memory_space<semaphore_mem>>) src(%dma_wait3A_374 : memref<10000x128xf32, #tpu.memory_space<hbm>>) dst(%dma_wait3A_368 : memref<128x128xf32, #tpu.memory_space<vmem>>)
      %add3A_375 = arith.constant 1 : i32
      %add3A_376 = arith.addi %mul3A_345, %add3A_375 : i32
      %run_scoped3A_377 = arith.constant 1 : i32
      "tpu.region"() ({
        %run_scoped3A_385 = tpu.sem_alloc : memref<!tpu.dma_semaphore, #tpu.memory_space<semaphore_mem>>
        %dma_start3A_386 = arith.constant 0 : i32
        %dma_start3A_387 = arith.constant 0 : i32
        %dma_start3A_388 = tpu.memref_slice %arg10[%run_scoped3A_377, %dma_start3A_386, %dma_start3A_387] : memref<2x128x128xf32, #tpu.memory_space<vmem>> -> memref<1x128x128xf32, #tpu.memory_space<vmem>>
        %dma_start3A_389 = tpu.memref_squeeze %dma_start3A_388 : memref<1x128x128xf32, #tpu.memory_space<vmem>> -> memref<128x128xf32, #tpu.memory_space<vmem>>
        %dma_start3A_390 = arith.constant 0 : i32
        %dma_start3A_391 = tpu.memref_slice %arg9[%add3A_376, %dma_start3A_390] : memref<40x128xi32, #tpu.memory_space<vmem>> -> memref<1x128xi32, #tpu.memory_space<vmem>>
        %dma_start3A_392 = tpu.memref_squeeze %dma_start3A_391 : memref<1x128xi32, #tpu.memory_space<vmem>> -> memref<128xi32, #tpu.memory_space<vmem>>
        %dma_start3A_393 = arith.constant 0 : i32
        %dma_start3A_394 = arith.constant 0 : i32
        %dma_start3A_395 = tpu.memref_slice %arg7[%dma_start3A_393, %dma_start3A_394] : memref<10240x128xf32, #tpu.memory_space<vmem_shared>> -> memref<10240x128xf32, #tpu.memory_space<vmem_shared>>
        tpu.enqueue_indirect_dma source(%dma_start3A_389 : memref<128x128xf32, #tpu.memory_space<vmem>>) target(%dma_start3A_395 : memref<10240x128xf32, #tpu.memory_space<vmem_shared>>) offsets(%dma_start3A_392 : memref<128xi32, #tpu.memory_space<vmem>>) semaphore(%run_scoped3A_385 : memref<!tpu.dma_semaphore, #tpu.memory_space<semaphore_mem>>) {add = true}
        %dma_wait3A_396 = arith.constant 0 : i32
        %dma_wait3A_397 = arith.constant 0 : i32
        %dma_wait3A_398 = tpu.memref_slice %arg10[%run_scoped3A_377, %dma_wait3A_396, %dma_wait3A_397] : memref<2x128x128xf32, #tpu.memory_space<vmem>> -> memref<1x128x128xf32, #tpu.memory_space<vmem>>
        %dma_wait3A_399 = tpu.memref_squeeze %dma_wait3A_398 : memref<1x128x128xf32, #tpu.memory_space<vmem>> -> memref<128x128xf32, #tpu.memory_space<vmem>>
        %dma_wait3A_400 = arith.constant 0 : i32
        %dma_wait3A_401 = tpu.memref_slice %arg9[%add3A_376, %dma_wait3A_400] : memref<40x128xi32, #tpu.memory_space<vmem>> -> memref<1x128xi32, #tpu.memory_space<vmem>>
        %dma_wait3A_402 = tpu.memref_squeeze %dma_wait3A_401 : memref<1x128xi32, #tpu.memory_space<vmem>> -> memref<128xi32, #tpu.memory_space<vmem>>
        %dma_wait3A_403 = arith.constant 0 : i32
        %dma_wait3A_404 = arith.constant 0 : i32
        %dma_wait3A_405 = tpu.memref_slice %arg7[%dma_wait3A_403, %dma_wait3A_404] : memref<10240x128xf32, #tpu.memory_space<vmem_shared>> -> memref<10240x128xf32, #tpu.memory_space<vmem_shared>>
        tpu.wait_indirect_dma semaphore(%run_scoped3A_385 : memref<!tpu.dma_semaphore, #tpu.memory_space<semaphore_mem>>) src(%dma_wait3A_399 : memref<128x128xf32, #tpu.memory_space<vmem>>) dst(%dma_wait3A_405 : memref<10240x128xf32, #tpu.memory_space<vmem_shared>>)
        tpu.yield
      }) : () -> ()
      %add3A_378 = arith.constant 1 : i32
      %add3A_379 = arith.addi %scan3A_343, %add3A_378 : i32
      %lt3A_380 = arith.constant 20 : i32
      %lt3A_381 = arith.cmpi slt, %add3A_379, %lt3A_380 : i32
      %convert_element_type3A_382 = arith.extui %lt3A_381 : i1 to i32
      %cond3A_383 = arith.constant 0 : i32
      %cond3A_384 = arith.cmpi ne, %convert_element_type3A_382, %cond3A_383 : i32
      scf.if %cond3A_384 {
        %add3A_385 = arith.constant 3 : i32
        %add3A_386 = arith.addi %mul3A_345, %add3A_385 : i32
        %dma_start3A_387 = arith.constant 1 : i32
        %dma_start3A_388 = arith.constant 0 : i32
        %dma_start3A_389 = arith.constant 0 : i32
        %dma_start3A_390 = tpu.memref_slice %arg10[%dma_start3A_387, %dma_start3A_388, %dma_start3A_389] : memref<2x128x128xf32, #tpu.memory_space<vmem>> -> memref<1x128x128xf32, #tpu.memory_space<vmem>>
        %dma_start3A_391 = tpu.memref_squeeze %dma_start3A_390 : memref<1x128x128xf32, #tpu.memory_space<vmem>> -> memref<128x128xf32, #tpu.memory_space<vmem>>
        %dma_start3A_392 = arith.constant 0 : i32
        %dma_start3A_393 = tpu.memref_slice %arg8[%add3A_386, %dma_start3A_392] : memref<40x128xi32, #tpu.memory_space<vmem>> -> memref<1x128xi32, #tpu.memory_space<vmem>>
        %dma_start3A_394 = tpu.memref_squeeze %dma_start3A_393 : memref<1x128xi32, #tpu.memory_space<vmem>> -> memref<128xi32, #tpu.memory_space<vmem>>
        %dma_start3A_395 = arith.constant 0 : i32
        %dma_start3A_396 = arith.constant 0 : i32
        %dma_start3A_397 = tpu.memref_slice %arg2[%dma_start3A_395, %dma_start3A_396] : memref<10000x128xf32, #tpu.memory_space<hbm>> -> memref<10000x128xf32, #tpu.memory_space<hbm>>
        tpu.enqueue_indirect_dma source(%dma_start3A_397 : memref<10000x128xf32, #tpu.memory_space<hbm>>) target(%dma_start3A_391 : memref<128x128xf32, #tpu.memory_space<vmem>>) offsets(%dma_start3A_394 : memref<128xi32, #tpu.memory_space<vmem>>) semaphore(%arg13 : memref<!tpu.dma_semaphore, #tpu.memory_space<semaphore_mem>>)
      } else {
      }
    }
    %scan3A_305 = arith.constant 20 : i32
    %run_scoped3A_306 = arith.constant 1 : i32
    "tpu.region"() ({
      %run_scoped3A_343 = tpu.sem_alloc : memref<!tpu.dma_semaphore, #tpu.memory_space<semaphore_mem>>
      %dma_start3A_344 = arith.constant 0 : i32
      %dma_start3A_345 = arith.constant 0 : i32
      %dma_start3A_346 = tpu.memref_slice %arg3[%arg0, %arg1, %run_scoped3A_306, %dma_start3A_344, %dma_start3A_345] : memref<2x16x2x40x128xi32, #tpu.memory_space<hbm>> -> memref<1x1x1x40x128xi32, #tpu.memory_space<hbm>>
      %dma_start3A_347 = tpu.memref_squeeze %dma_start3A_346 : memref<1x1x1x40x128xi32, #tpu.memory_space<hbm>> -> memref<40x128xi32, #tpu.memory_space<hbm>>
      %dma_start3A_348 = arith.constant 0 : i32
      %dma_start3A_349 = arith.constant 0 : i32
      %dma_start3A_350 = tpu.memref_slice %arg3[%arg0, %arg1, %run_scoped3A_306, %dma_start3A_348, %dma_start3A_349] : memref<2x16x2x40x128xi32, #tpu.memory_space<hbm>> -> memref<1x1x1x40x128xi32, #tpu.memory_space<hbm>>
      %dma_start3A_351 = tpu.memref_squeeze %dma_start3A_350 : memref<1x1x1x40x128xi32, #tpu.memory_space<hbm>> -> memref<40x128xi32, #tpu.memory_space<hbm>>
      tpu.enqueue_dma source(%dma_start3A_351 : memref<40x128xi32, #tpu.memory_space<hbm>>) target(%arg8 : memref<40x128xi32, #tpu.memory_space<vmem>>) target_semaphore(%run_scoped3A_343 : memref<!tpu.dma_semaphore, #tpu.memory_space<semaphore_mem>>)
      %dma_wait3A_352 = arith.constant 0 : i32
      %dma_wait3A_353 = arith.constant 0 : i32
      %dma_wait3A_354 = tpu.memref_slice %arg3[%arg0, %arg1, %run_scoped3A_306, %dma_wait3A_352, %dma_wait3A_353] : memref<2x16x2x40x128xi32, #tpu.memory_space<hbm>> -> memref<1x1x1x40x128xi32, #tpu.memory_space<hbm>>
      %dma_wait3A_355 = tpu.memref_squeeze %dma_wait3A_354 : memref<1x1x1x40x128xi32, #tpu.memory_space<hbm>> -> memref<40x128xi32, #tpu.memory_space<hbm>>
      %dma_wait3A_356 = arith.constant 0 : i32
      %dma_wait3A_357 = arith.constant 0 : i32
      %dma_wait3A_358 = tpu.memref_slice %arg3[%arg0, %arg1, %run_scoped3A_306, %dma_wait3A_356, %dma_wait3A_357] : memref<2x16x2x40x128xi32, #tpu.memory_space<hbm>> -> memref<1x1x1x40x128xi32, #tpu.memory_space<hbm>>
      %dma_wait3A_359 = tpu.memref_squeeze %dma_wait3A_358 : memref<1x1x1x40x128xi32, #tpu.memory_space<hbm>> -> memref<40x128xi32, #tpu.memory_space<hbm>>
      tpu.wait_dma2 semaphore(%run_scoped3A_343 : memref<!tpu.dma_semaphore, #tpu.memory_space<semaphore_mem>>) src(%dma_wait3A_359 : memref<40x128xi32, #tpu.memory_space<hbm>>) dst(%arg8 : memref<40x128xi32, #tpu.memory_space<vmem>>)
      tpu.yield
    }) : () -> ()
    %run_scoped3A_307 = arith.constant 1 : i32
    "tpu.region"() ({
      %run_scoped3A_343 = tpu.sem_alloc : memref<!tpu.dma_semaphore, #tpu.memory_space<semaphore_mem>>
      %dma_start3A_344 = arith.constant 0 : i32
      %dma_start3A_345 = arith.constant 0 : i32
      %dma_start3A_346 = tpu.memref_slice %arg4[%arg0, %arg1, %run_scoped3A_307, %dma_start3A_344, %dma_start3A_345] : memref<2x16x2x40x128xi32, #tpu.memory_space<hbm>> -> memref<1x1x1x40x128xi32, #tpu.memory_space<hbm>>
      %dma_start3A_347 = tpu.memref_squeeze %dma_start3A_346 : memref<1x1x1x40x128xi32, #tpu.memory_space<hbm>> -> memref<40x128xi32, #tpu.memory_space<hbm>>
      %dma_start3A_348 = arith.constant 0 : i32
      %dma_start3A_349 = arith.constant 0 : i32
      %dma_start3A_350 = tpu.memref_slice %arg4[%arg0, %arg1, %run_scoped3A_307, %dma_start3A_348, %dma_start3A_349] : memref<2x16x2x40x128xi32, #tpu.memory_space<hbm>> -> memref<1x1x1x40x128xi32, #tpu.memory_space<hbm>>
      %dma_start3A_351 = tpu.memref_squeeze %dma_start3A_350 : memref<1x1x1x40x128xi32, #tpu.memory_space<hbm>> -> memref<40x128xi32, #tpu.memory_space<hbm>>
      tpu.enqueue_dma source(%dma_start3A_351 : memref<40x128xi32, #tpu.memory_space<hbm>>) target(%arg9 : memref<40x128xi32, #tpu.memory_space<vmem>>) target_semaphore(%run_scoped3A_343 : memref<!tpu.dma_semaphore, #tpu.memory_space<semaphore_mem>>)
      %dma_wait3A_352 = arith.constant 0 : i32
      %dma_wait3A_353 = arith.constant 0 : i32
      %dma_wait3A_354 = tpu.memref_slice %arg4[%arg0, %arg1, %run_scoped3A_307, %dma_wait3A_352, %dma_wait3A_353] : memref<2x16x2x40x128xi32, #tpu.memory_space<hbm>> -> memref<1x1x1x40x128xi32, #tpu.memory_space<hbm>>
      %dma_wait3A_355 = tpu.memref_squeeze %dma_wait3A_354 : memref<1x1x1x40x128xi32, #tpu.memory_space<hbm>> -> memref<40x128xi32, #tpu.memory_space<hbm>>
      %dma_wait3A_356 = arith.constant 0 : i32
      %dma_wait3A_357 = arith.constant 0 : i32
      %dma_wait3A_358 = tpu.memref_slice %arg4[%arg0, %arg1, %run_scoped3A_307, %dma_wait3A_356, %dma_wait3A_357] : memref<2x16x2x40x128xi32, #tpu.memory_space<hbm>> -> memref<1x1x1x40x128xi32, #tpu.memory_space<hbm>>
      %dma_wait3A_359 = tpu.memref_squeeze %dma_wait3A_358 : memref<1x1x1x40x128xi32, #tpu.memory_space<hbm>> -> memref<40x128xi32, #tpu.memory_space<hbm>>
      tpu.wait_dma2 semaphore(%run_scoped3A_343 : memref<!tpu.dma_semaphore, #tpu.memory_space<semaphore_mem>>) src(%dma_wait3A_359 : memref<40x128xi32, #tpu.memory_space<hbm>>) dst(%arg9 : memref<40x128xi32, #tpu.memory_space<vmem>>)
      tpu.yield
    }) : () -> ()
    %dma_start3A_308 = arith.constant 0 : i32
    %dma_start3A_309 = arith.constant 0 : i32
    %dma_start3A_310 = arith.constant 0 : i32
    %dma_start3A_311 = arith.constant 0 : i32
    %dma_start3A_312 = tpu.memref_slice %arg10[%dma_start3A_309, %dma_start3A_310, %dma_start3A_311] : memref<2x128x128xf32, #tpu.memory_space<vmem>> -> memref<1x128x128xf32, #tpu.memory_space<vmem>>
    %dma_start3A_313 = tpu.memref_squeeze %dma_start3A_312 : memref<1x128x128xf32, #tpu.memory_space<vmem>> -> memref<128x128xf32, #tpu.memory_space<vmem>>
    %dma_start3A_314 = arith.constant 0 : i32
    %dma_start3A_315 = tpu.memref_slice %arg8[%dma_start3A_308, %dma_start3A_314] : memref<40x128xi32, #tpu.memory_space<vmem>> -> memref<1x128xi32, #tpu.memory_space<vmem>>
    %dma_start3A_316 = tpu.memref_squeeze %dma_start3A_315 : memref<1x128xi32, #tpu.memory_space<vmem>> -> memref<128xi32, #tpu.memory_space<vmem>>
    %dma_start3A_317 = arith.constant 0 : i32
    %dma_start3A_318 = arith.constant 0 : i32
    %dma_start3A_319 = tpu.memref_slice %arg2[%dma_start3A_317, %dma_start3A_318] : memref<10000x128xf32, #tpu.memory_space<hbm>> -> memref<10000x128xf32, #tpu.memory_space<hbm>>
    tpu.enqueue_indirect_dma source(%dma_start3A_319 : memref<10000x128xf32, #tpu.memory_space<hbm>>) target(%dma_start3A_313 : memref<128x128xf32, #tpu.memory_space<vmem>>) offsets(%dma_start3A_316 : memref<128xi32, #tpu.memory_space<vmem>>) semaphore(%arg12 : memref<!tpu.dma_semaphore, #tpu.memory_space<semaphore_mem>>)
    %dma_start3A_320 = arith.constant 1 : i32
    %dma_start3A_321 = arith.constant 1 : i32
    %dma_start3A_322 = arith.constant 0 : i32
    %dma_start3A_323 = arith.constant 0 : i32
    %dma_start3A_324 = tpu.memref_slice %arg10[%dma_start3A_321, %dma_start3A_322, %dma_start3A_323] : memref<2x128x128xf32, #tpu.memory_space<vmem>> -> memref<1x128x128xf32, #tpu.memory_space<vmem>>
    %dma_start3A_325 = tpu.memref_squeeze %dma_start3A_324 : memref<1x128x128xf32, #tpu.memory_space<vmem>> -> memref<128x128xf32, #tpu.memory_space<vmem>>
    %dma_start3A_326 = arith.constant 0 : i32
    %dma_start3A_327 = tpu.memref_slice %arg8[%dma_start3A_320, %dma_start3A_326] : memref<40x128xi32, #tpu.memory_space<vmem>> -> memref<1x128xi32, #tpu.memory_space<vmem>>
    %dma_start3A_328 = tpu.memref_squeeze %dma_start3A_327 : memref<1x128xi32, #tpu.memory_space<vmem>> -> memref<128xi32, #tpu.memory_space<vmem>>
    %dma_start3A_329 = arith.constant 0 : i32
    %dma_start3A_330 = arith.constant 0 : i32
    %dma_start3A_331 = tpu.memref_slice %arg2[%dma_start3A_329, %dma_start3A_330] : memref<10000x128xf32, #tpu.memory_space<hbm>> -> memref<10000x128xf32, #tpu.memory_space<hbm>>
    tpu.enqueue_indirect_dma source(%dma_start3A_331 : memref<10000x128xf32, #tpu.memory_space<hbm>>) target(%dma_start3A_325 : memref<128x128xf32, #tpu.memory_space<vmem>>) offsets(%dma_start3A_328 : memref<128xi32, #tpu.memory_space<vmem>>) semaphore(%arg13 : memref<!tpu.dma_semaphore, #tpu.memory_space<semaphore_mem>>)
    %scan3A_332 = arith.constant 0 : i32
    %scan3A_333 = arith.constant 0 : i32
    %scan3A_334 = arith.constant 20 : i32
    %scan3A_335 = arith.addi %scan3A_333, %scan3A_334 : i32
    %scan3A_336 = arith.constant 1 : i32
    scf.for %scan3A_343 = %scan3A_333 to %scan3A_335 step %scan3A_336  : i32 {
      %mul3A_344 = arith.constant 2 : i32
      %mul3A_345 = arith.muli %mul3A_344, %scan3A_343 : i32
      %dma_wait3A_346 = arith.constant 0 : i32
      %dma_wait3A_347 = arith.constant 0 : i32
      %dma_wait3A_348 = arith.constant 0 : i32
      %dma_wait3A_349 = tpu.memref_slice %arg10[%dma_wait3A_346, %dma_wait3A_347, %dma_wait3A_348] : memref<2x128x128xf32, #tpu.memory_space<vmem>> -> memref<1x128x128xf32, #tpu.memory_space<vmem>>
      %dma_wait3A_350 = tpu.memref_squeeze %dma_wait3A_349 : memref<1x128x128xf32, #tpu.memory_space<vmem>> -> memref<128x128xf32, #tpu.memory_space<vmem>>
      %dma_wait3A_351 = arith.constant 0 : i32
      %dma_wait3A_352 = tpu.memref_slice %arg8[%mul3A_345, %dma_wait3A_351] : memref<40x128xi32, #tpu.memory_space<vmem>> -> memref<1x128xi32, #tpu.memory_space<vmem>>
      %dma_wait3A_353 = tpu.memref_squeeze %dma_wait3A_352 : memref<1x128xi32, #tpu.memory_space<vmem>> -> memref<128xi32, #tpu.memory_space<vmem>>
      %dma_wait3A_354 = arith.constant 0 : i32
      %dma_wait3A_355 = arith.constant 0 : i32
      %dma_wait3A_356 = tpu.memref_slice %arg2[%dma_wait3A_354, %dma_wait3A_355] : memref<10000x128xf32, #tpu.memory_space<hbm>> -> memref<10000x128xf32, #tpu.memory_space<hbm>>
      tpu.wait_indirect_dma semaphore(%arg12 : memref<!tpu.dma_semaphore, #tpu.memory_space<semaphore_mem>>) src(%dma_wait3A_356 : memref<10000x128xf32, #tpu.memory_space<hbm>>) dst(%dma_wait3A_350 : memref<128x128xf32, #tpu.memory_space<vmem>>)
      %run_scoped3A_357 = arith.constant 0 : i32
      "tpu.region"() ({
        %run_scoped3A_385 = tpu.sem_alloc : memref<!tpu.dma_semaphore, #tpu.memory_space<semaphore_mem>>
        %dma_start3A_386 = arith.constant 0 : i32
        %dma_start3A_387 = arith.constant 0 : i32
        %dma_start3A_388 = tpu.memref_slice %arg10[%run_scoped3A_357, %dma_start3A_386, %dma_start3A_387] : memref<2x128x128xf32, #tpu.memory_space<vmem>> -> memref<1x128x128xf32, #tpu.memory_space<vmem>>
        %dma_start3A_389 = tpu.memref_squeeze %dma_start3A_388 : memref<1x128x128xf32, #tpu.memory_space<vmem>> -> memref<128x128xf32, #tpu.memory_space<vmem>>
        %dma_start3A_390 = arith.constant 0 : i32
        %dma_start3A_391 = tpu.memref_slice %arg9[%mul3A_345, %dma_start3A_390] : memref<40x128xi32, #tpu.memory_space<vmem>> -> memref<1x128xi32, #tpu.memory_space<vmem>>
        %dma_start3A_392 = tpu.memref_squeeze %dma_start3A_391 : memref<1x128xi32, #tpu.memory_space<vmem>> -> memref<128xi32, #tpu.memory_space<vmem>>
        %dma_start3A_393 = arith.constant 0 : i32
        %dma_start3A_394 = arith.constant 0 : i32
        %dma_start3A_395 = tpu.memref_slice %arg7[%dma_start3A_393, %dma_start3A_394] : memref<10240x128xf32, #tpu.memory_space<vmem_shared>> -> memref<10240x128xf32, #tpu.memory_space<vmem_shared>>
        tpu.enqueue_indirect_dma source(%dma_start3A_389 : memref<128x128xf32, #tpu.memory_space<vmem>>) target(%dma_start3A_395 : memref<10240x128xf32, #tpu.memory_space<vmem_shared>>) offsets(%dma_start3A_392 : memref<128xi32, #tpu.memory_space<vmem>>) semaphore(%run_scoped3A_385 : memref<!tpu.dma_semaphore, #tpu.memory_space<semaphore_mem>>) {add = true}
        %dma_wait3A_396 = arith.constant 0 : i32
        %dma_wait3A_397 = arith.constant 0 : i32
        %dma_wait3A_398 = tpu.memref_slice %arg10[%run_scoped3A_357, %dma_wait3A_396, %dma_wait3A_397] : memref<2x128x128xf32, #tpu.memory_space<vmem>> -> memref<1x128x128xf32, #tpu.memory_space<vmem>>
        %dma_wait3A_399 = tpu.memref_squeeze %dma_wait3A_398 : memref<1x128x128xf32, #tpu.memory_space<vmem>> -> memref<128x128xf32, #tpu.memory_space<vmem>>
        %dma_wait3A_400 = arith.constant 0 : i32
        %dma_wait3A_401 = tpu.memref_slice %arg9[%mul3A_345, %dma_wait3A_400] : memref<40x128xi32, #tpu.memory_space<vmem>> -> memref<1x128xi32, #tpu.memory_space<vmem>>
        %dma_wait3A_402 = tpu.memref_squeeze %dma_wait3A_401 : memref<1x128xi32, #tpu.memory_space<vmem>> -> memref<128xi32, #tpu.memory_space<vmem>>
        %dma_wait3A_403 = arith.constant 0 : i32
        %dma_wait3A_404 = arith.constant 0 : i32
        %dma_wait3A_405 = tpu.memref_slice %arg7[%dma_wait3A_403, %dma_wait3A_404] : memref<10240x128xf32, #tpu.memory_space<vmem_shared>> -> memref<10240x128xf32, #tpu.memory_space<vmem_shared>>
        tpu.wait_indirect_dma semaphore(%run_scoped3A_385 : memref<!tpu.dma_semaphore, #tpu.memory_space<semaphore_mem>>) src(%dma_wait3A_399 : memref<128x128xf32, #tpu.memory_space<vmem>>) dst(%dma_wait3A_405 : memref<10240x128xf32, #tpu.memory_space<vmem_shared>>)
        tpu.yield
      }) : () -> ()
      %add3A_358 = arith.constant 1 : i32
      %add3A_359 = arith.addi %scan3A_343, %add3A_358 : i32
      %lt3A = arith.constant 20 : i32
      %lt3A_360 = arith.cmpi slt, %add3A_359, %lt3A : i32
      %convert_element_type3A = arith.extui %lt3A_360 : i1 to i32
      %cond3A = arith.constant 0 : i32
      %cond3A_361 = arith.cmpi ne, %convert_element_type3A, %cond3A : i32
      scf.if %cond3A_361 {
        %add3A_385 = arith.constant 2 : i32
        %add3A_386 = arith.addi %mul3A_345, %add3A_385 : i32
        %dma_start3A_387 = arith.constant 0 : i32
        %dma_start3A_388 = arith.constant 0 : i32
        %dma_start3A_389 = arith.constant 0 : i32
        %dma_start3A_390 = tpu.memref_slice %arg10[%dma_start3A_387, %dma_start3A_388, %dma_start3A_389] : memref<2x128x128xf32, #tpu.memory_space<vmem>> -> memref<1x128x128xf32, #tpu.memory_space<vmem>>
        %dma_start3A_391 = tpu.memref_squeeze %dma_start3A_390 : memref<1x128x128xf32, #tpu.memory_space<vmem>> -> memref<128x128xf32, #tpu.memory_space<vmem>>
        %dma_start3A_392 = arith.constant 0 : i32
        %dma_start3A_393 = tpu.memref_slice %arg8[%add3A_386, %dma_start3A_392] : memref<40x128xi32, #tpu.memory_space<vmem>> -> memref<1x128xi32, #tpu.memory_space<vmem>>
        %dma_start3A_394 = tpu.memref_squeeze %dma_start3A_393 : memref<1x128xi32, #tpu.memory_space<vmem>> -> memref<128xi32, #tpu.memory_space<vmem>>
        %dma_start3A_395 = arith.constant 0 : i32
        %dma_start3A_396 = arith.constant 0 : i32
        %dma_start3A_397 = tpu.memref_slice %arg2[%dma_start3A_395, %dma_start3A_396] : memref<10000x128xf32, #tpu.memory_space<hbm>> -> memref<10000x128xf32, #tpu.memory_space<hbm>>
        tpu.enqueue_indirect_dma source(%dma_start3A_397 : memref<10000x128xf32, #tpu.memory_space<hbm>>) target(%dma_start3A_391 : memref<128x128xf32, #tpu.memory_space<vmem>>) offsets(%dma_start3A_394 : memref<128xi32, #tpu.memory_space<vmem>>) semaphore(%arg12 : memref<!tpu.dma_semaphore, #tpu.memory_space<semaphore_mem>>)
      } else {
      }
      %add3A_362 = arith.constant 1 : i32
      %add3A_363 = arith.addi %mul3A_345, %add3A_362 : i32
      %dma_wait3A_364 = arith.constant 1 : i32
      %dma_wait3A_365 = arith.constant 0 : i32
      %dma_wait3A_366 = arith.constant 0 : i32
      %dma_wait3A_367 = tpu.memref_slice %arg10[%dma_wait3A_364, %dma_wait3A_365, %dma_wait3A_366] : memref<2x128x128xf32, #tpu.memory_space<vmem>> -> memref<1x128x128xf32, #tpu.memory_space<vmem>>
      %dma_wait3A_368 = tpu.memref_squeeze %dma_wait3A_367 : memref<1x128x128xf32, #tpu.memory_space<vmem>> -> memref<128x128xf32, #tpu.memory_space<vmem>>
      %dma_wait3A_369 = arith.constant 0 : i32
      %dma_wait3A_370 = tpu.memref_slice %arg8[%add3A_363, %dma_wait3A_369] : memref<40x128xi32, #tpu.memory_space<vmem>> -> memref<1x128xi32, #tpu.memory_space<vmem>>
      %dma_wait3A_371 = tpu.memref_squeeze %dma_wait3A_370 : memref<1x128xi32, #tpu.memory_space<vmem>> -> memref<128xi32, #tpu.memory_space<vmem>>
      %dma_wait3A_372 = arith.constant 0 : i32
      %dma_wait3A_373 = arith.constant 0 : i32
      %dma_wait3A_374 = tpu.memref_slice %arg2[%dma_wait3A_372, %dma_wait3A_373] : memref<10000x128xf32, #tpu.memory_space<hbm>> -> memref<10000x128xf32, #tpu.memory_space<hbm>>
      tpu.wait_indirect_dma semaphore(%arg13 : memref<!tpu.dma_semaphore, #tpu.memory_space<semaphore_mem>>) src(%dma_wait3A_374 : memref<10000x128xf32, #tpu.memory_space<hbm>>) dst(%dma_wait3A_368 : memref<128x128xf32, #tpu.memory_space<vmem>>)
      %add3A_375 = arith.constant 1 : i32
      %add3A_376 = arith.addi %mul3A_345, %add3A_375 : i32
      %run_scoped3A_377 = arith.constant 1 : i32
      "tpu.region"() ({
        %run_scoped3A_385 = tpu.sem_alloc : memref<!tpu.dma_semaphore, #tpu.memory_space<semaphore_mem>>
        %dma_start3A_386 = arith.constant 0 : i32
        %dma_start3A_387 = arith.constant 0 : i32
        %dma_start3A_388 = tpu.memref_slice %arg10[%run_scoped3A_377, %dma_start3A_386, %dma_start3A_387] : memref<2x128x128xf32, #tpu.memory_space<vmem>> -> memref<1x128x128xf32, #tpu.memory_space<vmem>>
        %dma_start3A_389 = tpu.memref_squeeze %dma_start3A_388 : memref<1x128x128xf32, #tpu.memory_space<vmem>> -> memref<128x128xf32, #tpu.memory_space<vmem>>
        %dma_start3A_390 = arith.constant 0 : i32
        %dma_start3A_391 = tpu.memref_slice %arg9[%add3A_376, %dma_start3A_390] : memref<40x128xi32, #tpu.memory_space<vmem>> -> memref<1x128xi32, #tpu.memory_space<vmem>>
        %dma_start3A_392 = tpu.memref_squeeze %dma_start3A_391 : memref<1x128xi32, #tpu.memory_space<vmem>> -> memref<128xi32, #tpu.memory_space<vmem>>
        %dma_start3A_393 = arith.constant 0 : i32
        %dma_start3A_394 = arith.constant 0 : i32
        %dma_start3A_395 = tpu.memref_slice %arg7[%dma_start3A_393, %dma_start3A_394] : memref<10240x128xf32, #tpu.memory_space<vmem_shared>> -> memref<10240x128xf32, #tpu.memory_space<vmem_shared>>
        tpu.enqueue_indirect_dma source(%dma_start3A_389 : memref<128x128xf32, #tpu.memory_space<vmem>>) target(%dma_start3A_395 : memref<10240x128xf32, #tpu.memory_space<vmem_shared>>) offsets(%dma_start3A_392 : memref<128xi32, #tpu.memory_space<vmem>>) semaphore(%run_scoped3A_385 : memref<!tpu.dma_semaphore, #tpu.memory_space<semaphore_mem>>) {add = true}
        %dma_wait3A_396 = arith.constant 0 : i32
        %dma_wait3A_397 = arith.constant 0 : i32
        %dma_wait3A_398 = tpu.memref_slice %arg10[%run_scoped3A_377, %dma_wait3A_396, %dma_wait3A_397] : memref<2x128x128xf32, #tpu.memory_space<vmem>> -> memref<1x128x128xf32, #tpu.memory_space<vmem>>
        %dma_wait3A_399 = tpu.memref_squeeze %dma_wait3A_398 : memref<1x128x128xf32, #tpu.memory_space<vmem>> -> memref<128x128xf32, #tpu.memory_space<vmem>>
        %dma_wait3A_400 = arith.constant 0 : i32
        %dma_wait3A_401 = tpu.memref_slice %arg9[%add3A_376, %dma_wait3A_400] : memref<40x128xi32, #tpu.memory_space<vmem>> -> memref<1x128xi32, #tpu.memory_space<vmem>>
        %dma_wait3A_402 = tpu.memref_squeeze %dma_wait3A_401 : memref<1x128xi32, #tpu.memory_space<vmem>> -> memref<128xi32, #tpu.memory_space<vmem>>
        %dma_wait3A_403 = arith.constant 0 : i32
        %dma_wait3A_404 = arith.constant 0 : i32
        %dma_wait3A_405 = tpu.memref_slice %arg7[%dma_wait3A_403, %dma_wait3A_404] : memref<10240x128xf32, #tpu.memory_space<vmem_shared>> -> memref<10240x128xf32, #tpu.memory_space<vmem_shared>>
        tpu.wait_indirect_dma semaphore(%run_scoped3A_385 : memref<!tpu.dma_semaphore, #tpu.memory_space<semaphore_mem>>) src(%dma_wait3A_399 : memref<128x128xf32, #tpu.memory_space<vmem>>) dst(%dma_wait3A_405 : memref<10240x128xf32, #tpu.memory_space<vmem_shared>>)
        tpu.yield
      }) : () -> ()
      %add3A_378 = arith.constant 1 : i32
      %add3A_379 = arith.addi %scan3A_343, %add3A_378 : i32
      %lt3A_380 = arith.constant 20 : i32
      %lt3A_381 = arith.cmpi slt, %add3A_379, %lt3A_380 : i32
      %convert_element_type3A_382 = arith.extui %lt3A_381 : i1 to i32
      %cond3A_383 = arith.constant 0 : i32
      %cond3A_384 = arith.cmpi ne, %convert_element_type3A_382, %cond3A_383 : i32
      scf.if %cond3A_384 {
        %add3A_385 = arith.constant 3 : i32
        %add3A_386 = arith.addi %mul3A_345, %add3A_385 : i32
        %dma_start3A_387 = arith.constant 1 : i32
        %dma_start3A_388 = arith.constant 0 : i32
        %dma_start3A_389 = arith.constant 0 : i32
        %dma_start3A_390 = tpu.memref_slice %arg10[%dma_start3A_387, %dma_start3A_388, %dma_start3A_389] : memref<2x128x128xf32, #tpu.memory_space<vmem>> -> memref<1x128x128xf32, #tpu.memory_space<vmem>>
        %dma_start3A_391 = tpu.memref_squeeze %dma_start3A_390 : memref<1x128x128xf32, #tpu.memory_space<vmem>> -> memref<128x128xf32, #tpu.memory_space<vmem>>
        %dma_start3A_392 = arith.constant 0 : i32
        %dma_start3A_393 = tpu.memref_slice %arg8[%add3A_386, %dma_start3A_392] : memref<40x128xi32, #tpu.memory_space<vmem>> -> memref<1x128xi32, #tpu.memory_space<vmem>>
        %dma_start3A_394 = tpu.memref_squeeze %dma_start3A_393 : memref<1x128xi32, #tpu.memory_space<vmem>> -> memref<128xi32, #tpu.memory_space<vmem>>
        %dma_start3A_395 = arith.constant 0 : i32
        %dma_start3A_396 = arith.constant 0 : i32
        %dma_start3A_397 = tpu.memref_slice %arg2[%dma_start3A_395, %dma_start3A_396] : memref<10000x128xf32, #tpu.memory_space<hbm>> -> memref<10000x128xf32, #tpu.memory_space<hbm>>
        tpu.enqueue_indirect_dma source(%dma_start3A_397 : memref<10000x128xf32, #tpu.memory_space<hbm>>) target(%dma_start3A_391 : memref<128x128xf32, #tpu.memory_space<vmem>>) offsets(%dma_start3A_394 : memref<128xi32, #tpu.memory_space<vmem>>) semaphore(%arg13 : memref<!tpu.dma_semaphore, #tpu.memory_space<semaphore_mem>>)
      } else {
      }
    }
    %scan3A_337 = arith.constant 20 : i32
    %barrier3A_338 = arith.constant 0 : index
    tpu.barrier barrier_id(%barrier3A_338)
    %mul3A_339 = arith.constant 640 : i32
    %mul3A_340 = arith.muli %arg1, %mul3A_339 : i32
    %mul3A_341 = arith.constant 640 : i32
    %mul3A_342 = arith.muli %arg1, %mul3A_341 : i32
    "tpu.region"() ({
      %run_scoped3A_343 = tpu.sem_alloc : memref<!tpu.dma_semaphore, #tpu.memory_space<semaphore_mem>>
      %dma_start3A_344 = arith.constant 0 : i32
      %dma_start3A_345 = tpu.memref_slice %arg6[%arg0, %mul3A_342, %dma_start3A_344] : memref<2x10240x128xf32, #tpu.memory_space<hbm>> -> memref<1x640x128xf32, #tpu.memory_space<hbm>>
      %dma_start3A_346 = tpu.memref_squeeze %dma_start3A_345 : memref<1x640x128xf32, #tpu.memory_space<hbm>> -> memref<640x128xf32, #tpu.memory_space<hbm>>
      %dma_start3A_347 = arith.constant 0 : i32
      %dma_start3A_348 = tpu.memref_slice %arg7[%mul3A_340, %dma_start3A_347] : memref<10240x128xf32, #tpu.memory_space<vmem_shared>> -> memref<640x128xf32, #tpu.memory_space<vmem_shared>>
      tpu.enqueue_dma source(%dma_start3A_348 : memref<640x128xf32, #tpu.memory_space<vmem_shared>>) target(%dma_start3A_346 : memref<640x128xf32, #tpu.memory_space<hbm>>) target_semaphore(%run_scoped3A_343 : memref<!tpu.dma_semaphore, #tpu.memory_space<semaphore_mem>>)
      %dma_wait3A_349 = arith.constant 0 : i32
      %dma_wait3A_350 = tpu.memref_slice %arg6[%arg0, %mul3A_342, %dma_wait3A_349] : memref<2x10240x128xf32, #tpu.memory_space<hbm>> -> memref<1x640x128xf32, #tpu.memory_space<hbm>>
      %dma_wait3A_351 = tpu.memref_squeeze %dma_wait3A_350 : memref<1x640x128xf32, #tpu.memory_space<hbm>> -> memref<640x128xf32, #tpu.memory_space<hbm>>
      %dma_wait3A_352 = arith.constant 0 : i32
      %dma_wait3A_353 = tpu.memref_slice %arg7[%mul3A_340, %dma_wait3A_352] : memref<10240x128xf32, #tpu.memory_space<vmem_shared>> -> memref<640x128xf32, #tpu.memory_space<vmem_shared>>
      tpu.wait_dma2 semaphore(%run_scoped3A_343 : memref<!tpu.dma_semaphore, #tpu.memory_space<semaphore_mem>>) src(%dma_wait3A_353 : memref<640x128xf32, #tpu.memory_space<vmem_shared>>) dst(%dma_wait3A_351 : memref<640x128xf32, #tpu.memory_space<hbm>>)
      tpu.yield
    }) : () -> ()
    return
  }
}

#map = affine_map<(d0, d1) -> (0, 0)>
#map1 = affine_map<(d0, d1) -> (0, 0, 0, 0, 0)>
#map2 = affine_map<(d0, d1) -> (0, 0, 0)>
module attributes {stable_mosaic.version = 14 : i64} {
  func.func @spmm_kernel(%arg0: i32, %arg1: i32, %arg2: memref<10000x128xf32, #tpu.memory_space<hbm>>, %arg3: memref<2x16x2x40x128xi32, #tpu.memory_space<hbm>>, %arg4: memref<2x16x2x40x128xi32, #tpu.memory_space<hbm>>, %arg5: memref<32x128xf32, #tpu.memory_space<hbm>>, %arg6: memref<2x10240x128xf32, #tpu.memory_space<hbm>>, %arg7: memref<10240x128xf32, #tpu.memory_space<vmem_shared>>, %arg8: memref<40x128xi32, #tpu.memory_space<vmem>>, %arg9: memref<40x128xi32, #tpu.memory_space<vmem>>, %arg10: memref<2x128x128xf32, #tpu.memory_space<vmem>>, %arg11: memref<32x128xf32, #tpu.memory_space<vmem>>, %arg12: memref<!tpu.dma_semaphore, #tpu.memory_space<semaphore_mem>>, %arg13: memref<!tpu.dma_semaphore, #tpu.memory_space<semaphore_mem>>, %arg14: memref<!tpu.dma_semaphore, #tpu.memory_space<semaphore_mem>>) attributes {dimension_semantics = [#tpu.dimension_semantics<core_parallel>, #tpu.dimension_semantics<subcore_parallel>], iteration_bounds = array<i64: 2, 16>, scalar_prefetch = 0 : i64, scratch_operands = 8 : i64, tpu.core_type = #tpu.core_type<sc_vector_subcore>, window_params = [{transform_indices = #map}, {transform_indices = #map1}, {transform_indices = #map1}, {transform_indices = #map}, {transform_indices = #map2}]} {
    %run_scoped3A = arith.constant 0 : i32
    "tpu.region"() ({
      %run_scoped3A_343 = tpu.sem_alloc : memref<!tpu.dma_semaphore, #tpu.memory_space<semaphore_mem>>
      %dma_start3A_344 = arith.constant 0 : i32
      %dma_start3A_345 = arith.constant 0 : i32
      %dma_start3A_346 = tpu.memref_slice %arg3[%arg0, %arg1, %run_scoped3A, %dma_start3A_344, %dma_start3A_345] : memref<2x16x2x40x128xi32, #tpu.memory_space<hbm>> -> memref<1x1x1x40x128xi32, #tpu.memory_space<hbm>>
      %dma_start3A_347 = tpu.memref_squeeze %dma_start3A_346 : memref<1x1x1x40x128xi32, #tpu.memory_space<hbm>> -> memref<40x128xi32, #tpu.memory_space<hbm>>
      %dma_start3A_348 = arith.constant 0 : i32
      %dma_start3A_349 = arith.constant 0 : i32
      %dma_start3A_350 = tpu.memref_slice %arg3[%arg0, %arg1, %run_scoped3A, %dma_start3A_348, %dma_start3A_349] : memref<2x16x2x40x128xi32, #tpu.memory_space<hbm>> -> memref<1x1x1x40x128xi32, #tpu.memory_space<hbm>>
      %dma_start3A_351 = tpu.memref_squeeze %dma_start3A_350 : memref<1x1x1x40x128xi32, #tpu.memory_space<hbm>> -> memref<40x128xi32, #tpu.memory_space<hbm>>
      tpu.enqueue_dma source(%dma_start3A_351 : memref<40x128xi32, #tpu.memory_space<hbm>>) target(%arg8 : memref<40x128xi32, #tpu.memory_space<vmem>>) target_semaphore(%run_scoped3A_343 : memref<!tpu.dma_semaphore, #tpu.memory_space<semaphore_mem>>)
      %dma_wait3A_352 = arith.constant 0 : i32
      %dma_wait3A_353 = arith.constant 0 : i32
      %dma_wait3A_354 = tpu.memref_slice %arg3[%arg0, %arg1, %run_scoped3A, %dma_wait3A_352, %dma_wait3A_353] : memref<2x16x2x40x128xi32, #tpu.memory_space<hbm>> -> memref<1x1x1x40x128xi32, #tpu.memory_space<hbm>>
      %dma_wait3A_355 = tpu.memref_squeeze %dma_wait3A_354 : memref<1x1x1x40x128xi32, #tpu.memory_space<hbm>> -> memref<40x128xi32, #tpu.memory_space<hbm>>
      %dma_wait3A_356 = arith.constant 0 : i32
      %dma_wait3A_357 = arith.constant 0 : i32
      %dma_wait3A_358 = tpu.memref_slice %arg3[%arg0, %arg1, %run_scoped3A, %dma_wait3A_356, %dma_wait3A_357] : memref<2x16x2x40x128xi32, #tpu.memory_space<hbm>> -> memref<1x1x1x40x128xi32, #tpu.memory_space<hbm>>
      %dma_wait3A_359 = tpu.memref_squeeze %dma_wait3A_358 : memref<1x1x1x40x128xi32, #tpu.memory_space<hbm>> -> memref<40x128xi32, #tpu.memory_space<hbm>>
      tpu.wait_dma2 semaphore(%run_scoped3A_343 : memref<!tpu.dma_semaphore, #tpu.memory_space<semaphore_mem>>) src(%dma_wait3A_359 : memref<40x128xi32, #tpu.memory_space<hbm>>) dst(%arg8 : memref<40x128xi32, #tpu.memory_space<vmem>>)
      tpu.yield
    }) : () -> ()
    %run_scoped3A_0 = arith.constant 0 : i32
    "tpu.region"() ({
      %run_scoped3A_343 = tpu.sem_alloc : memref<!tpu.dma_semaphore, #tpu.memory_space<semaphore_mem>>
      %dma_start3A_344 = arith.constant 0 : i32
      %dma_start3A_345 = arith.constant 0 : i32
      %dma_start3A_346 = tpu.memref_slice %arg4[%arg0, %arg1, %run_scoped3A_0, %dma_start3A_344, %dma_start3A_345] : memref<2x16x2x40x128xi32, #tpu.memory_space<hbm>> -> memref<1x1x1x40x128xi32, #tpu.memory_space<hbm>>
      %dma_start3A_347 = tpu.memref_squeeze %dma_start3A_346 : memref<1x1x1x40x128xi32, #tpu.memory_space<hbm>> -> memref<40x128xi32, #tpu.memory_space<hbm>>
      %dma_start3A_348 = arith.constant 0 : i32
      %dma_start3A_349 = arith.constant 0 : i32
      %dma_start3A_350 = tpu.memref_slice %arg4[%arg0, %arg1, %run_scoped3A_0, %dma_start3A_348, %dma_start3A_349] : memref<2x16x2x40x128xi32, #tpu.memory_space<hbm>> -> memref<1x1x1x40x128xi32, #tpu.memory_space<hbm>>
      %dma_start3A_351 = tpu.memref_squeeze %dma_start3A_350 : memref<1x1x1x40x128xi32, #tpu.memory_space<hbm>> -> memref<40x128xi32, #tpu.memory_space<hbm>>
      tpu.enqueue_dma source(%dma_start3A_351 : memref<40x128xi32, #tpu.memory_space<hbm>>) target(%arg9 : memref<40x128xi32, #tpu.memory_space<vmem>>) target_semaphore(%run_scoped3A_343 : memref<!tpu.dma_semaphore, #tpu.memory_space<semaphore_mem>>)
      %dma_wait3A_352 = arith.constant 0 : i32
      %dma_wait3A_353 = arith.constant 0 : i32
      %dma_wait3A_354 = tpu.memref_slice %arg4[%arg0, %arg1, %run_scoped3A_0, %dma_wait3A_352, %dma_wait3A_353] : memref<2x16x2x40x128xi32, #tpu.memory_space<hbm>> -> memref<1x1x1x40x128xi32, #tpu.memory_space<hbm>>
      %dma_wait3A_355 = tpu.memref_squeeze %dma_wait3A_354 : memref<1x1x1x40x128xi32, #tpu.memory_space<hbm>> -> memref<40x128xi32, #tpu.memory_space<hbm>>
      %dma_wait3A_356 = arith.constant 0 : i32
      %dma_wait3A_357 = arith.constant 0 : i32
      %dma_wait3A_358 = tpu.memref_slice %arg4[%arg0, %arg1, %run_scoped3A_0, %dma_wait3A_356, %dma_wait3A_357] : memref<2x16x2x40x128xi32, #tpu.memory_space<hbm>> -> memref<1x1x1x40x128xi32, #tpu.memory_space<hbm>>
      %dma_wait3A_359 = tpu.memref_squeeze %dma_wait3A_358 : memref<1x1x1x40x128xi32, #tpu.memory_space<hbm>> -> memref<40x128xi32, #tpu.memory_space<hbm>>
      tpu.wait_dma2 semaphore(%run_scoped3A_343 : memref<!tpu.dma_semaphore, #tpu.memory_space<semaphore_mem>>) src(%dma_wait3A_359 : memref<40x128xi32, #tpu.memory_space<hbm>>) dst(%arg9 : memref<40x128xi32, #tpu.memory_space<vmem>>)
      tpu.yield
    }) : () -> ()
    %dma_start3A = arith.constant 0 : i32
    %dma_start3A_1 = arith.constant 0 : i32
    %dma_start3A_2 = arith.constant 0 : i32
    %dma_start3A_3 = arith.constant 0 : i32
    %dma_start3A_4 = tpu.memref_slice %arg10[%dma_start3A_1, %dma_start3A_2, %dma_start3A_3] : memref<2x128x128xf32, #tpu.memory_space<vmem>> -> memref<1x128x128xf32, #tpu.memory_space<vmem>>
    %dma_start3A_5 = tpu.memref_squeeze %dma_start3A_4 : memref<1x128x128xf32, #tpu.memory_space<vmem>> -> memref<128x128xf32, #tpu.memory_space<vmem>>
    %dma_start3A_6 = arith.constant 0 : i32
    %dma_start3A_7 = tpu.memref_slice %arg8[%dma_start3A, %dma_start3A_6] : memref<40x128xi32, #tpu.memory_space<vmem>> -> memref<1x128xi32, #tpu.memory_space<vmem>>
    %dma_start3A_8 = tpu.memref_squeeze %dma_start3A_7 : memref<1x128xi32, #tpu.memory_space<vmem>> -> memref<128xi32, #tpu.memory_space<vmem>>
    %dma_start3A_9 = arith.constant 0 : i32
    %dma_start3A_10 = arith.constant 0 : i32
    %dma_start3A_11 = tpu.memref_slice %arg2[%dma_start3A_9, %dma_start3A_10] : memref<10000x128xf32, #tpu.memory_space<hbm>> -> memref<10000x128xf32, #tpu.memory_space<hbm>>
    tpu.enqueue_indirect_dma source(%dma_start3A_11 : memref<10000x128xf32, #tpu.memory_space<hbm>>) target(%dma_start3A_5 : memref<128x128xf32, #tpu.memory_space<vmem>>) offsets(%dma_start3A_8 : memref<128xi32, #tpu.memory_space<vmem>>) semaphore(%arg12 : memref<!tpu.dma_semaphore, #tpu.memory_space<semaphore_mem>>)
    %dma_start3A_12 = arith.constant 1 : i32
    %dma_start3A_13 = arith.constant 1 : i32
    %dma_start3A_14 = arith.constant 0 : i32
    %dma_start3A_15 = arith.constant 0 : i32
    %dma_start3A_16 = tpu.memref_slice %arg10[%dma_start3A_13, %dma_start3A_14, %dma_start3A_15] : memref<2x128x128xf32, #tpu.memory_space<vmem>> -> memref<1x128x128xf32, #tpu.memory_space<vmem>>
    %dma_start3A_17 = tpu.memref_squeeze %dma_start3A_16 : memref<1x128x128xf32, #tpu.memory_space<vmem>> -> memref<128x128xf32, #tpu.memory_space<vmem>>
    %dma_start3A_18 = arith.constant 0 : i32
    %dma_start3A_19 = tpu.memref_slice %arg8[%dma_start3A_12, %dma_start3A_18] : memref<40x128xi32, #tpu.memory_space<vmem>> -> memref<1x128xi32, #tpu.memory_space<vmem>>
    %dma_start3A_20 = tpu.memref_squeeze %dma_start3A_19 : memref<1x128xi32, #tpu.memory_space<vmem>> -> memref<128xi32, #tpu.memory_space<vmem>>
    %dma_start3A_21 = arith.constant 0 : i32
    %dma_start3A_22 = arith.constant 0 : i32
    %dma_start3A_23 = tpu.memref_slice %arg2[%dma_start3A_21, %dma_start3A_22] : memref<10000x128xf32, #tpu.memory_space<hbm>> -> memref<10000x128xf32, #tpu.memory_space<hbm>>
    tpu.enqueue_indirect_dma source(%dma_start3A_23 : memref<10000x128xf32, #tpu.memory_space<hbm>>) target(%dma_start3A_17 : memref<128x128xf32, #tpu.memory_space<vmem>>) offsets(%dma_start3A_20 : memref<128xi32, #tpu.memory_space<vmem>>) semaphore(%arg13 : memref<!tpu.dma_semaphore, #tpu.memory_space<semaphore_mem>>)
    "tpu.region"() ({
      %run_scoped3A_343 = tpu.sem_alloc : memref<!tpu.dma_semaphore, #tpu.memory_space<semaphore_mem>>
      tpu.enqueue_dma source(%arg5 : memref<32x128xf32, #tpu.memory_space<hbm>>) target(%arg11 : memref<32x128xf32, #tpu.memory_space<vmem>>) target_semaphore(%run_scoped3A_343 : memref<!tpu.dma_semaphore, #tpu.memory_space<semaphore_mem>>)
      tpu.wait_dma2 semaphore(%run_scoped3A_343 : memref<!tpu.dma_semaphore, #tpu.memory_space<semaphore_mem>>) src(%arg5 : memref<32x128xf32, #tpu.memory_space<hbm>>) dst(%arg11 : memref<32x128xf32, #tpu.memory_space<vmem>>)
      tpu.yield
    }) : () -> ()
    %mul3A = arith.constant 640 : i32
    %mul3A_24 = arith.muli %arg1, %mul3A : i32
    %add3A = arith.constant 0 : i32
    %add3A_25 = arith.addi %mul3A_24, %add3A : i32
    %dma_start3A_26 = arith.constant 0 : i32
    %dma_start3A_27 = tpu.memref_slice %arg7[%add3A_25, %dma_start3A_26] : memref<10240x128xf32, #tpu.memory_space<vmem_shared>> -> memref<32x128xf32, #tpu.memory_space<vmem_shared>>
    %dma_start3A_28 = arith.constant 0 : i32
    %dma_start3A_29 = tpu.memref_slice %arg7[%add3A_25, %dma_start3A_28] : memref<10240x128xf32, #tpu.memory_space<vmem_shared>> -> memref<32x128xf32, #tpu.memory_space<vmem_shared>>
    tpu.enqueue_dma source(%arg11 : memref<32x128xf32, #tpu.memory_space<vmem>>) target(%dma_start3A_29 : memref<32x128xf32, #tpu.memory_space<vmem_shared>>) target_semaphore(%arg14 : memref<!tpu.dma_semaphore, #tpu.memory_space<semaphore_mem>>)
    %mul3A_30 = arith.constant 640 : i32
    %mul3A_31 = arith.muli %arg1, %mul3A_30 : i32
    %add3A_32 = arith.constant 32 : i32
    %add3A_33 = arith.addi %mul3A_31, %add3A_32 : i32
    %dma_start3A_34 = arith.constant 0 : i32
    %dma_start3A_35 = tpu.memref_slice %arg7[%add3A_33, %dma_start3A_34] : memref<10240x128xf32, #tpu.memory_space<vmem_shared>> -> memref<32x128xf32, #tpu.memory_space<vmem_shared>>
    %dma_start3A_36 = arith.constant 0 : i32
    %dma_start3A_37 = tpu.memref_slice %arg7[%add3A_33, %dma_start3A_36] : memref<10240x128xf32, #tpu.memory_space<vmem_shared>> -> memref<32x128xf32, #tpu.memory_space<vmem_shared>>
    tpu.enqueue_dma source(%arg11 : memref<32x128xf32, #tpu.memory_space<vmem>>) target(%dma_start3A_37 : memref<32x128xf32, #tpu.memory_space<vmem_shared>>) target_semaphore(%arg14 : memref<!tpu.dma_semaphore, #tpu.memory_space<semaphore_mem>>)
    %mul3A_38 = arith.constant 640 : i32
    %mul3A_39 = arith.muli %arg1, %mul3A_38 : i32
    %add3A_40 = arith.constant 64 : i32
    %add3A_41 = arith.addi %mul3A_39, %add3A_40 : i32
    %dma_start3A_42 = arith.constant 0 : i32
    %dma_start3A_43 = tpu.memref_slice %arg7[%add3A_41, %dma_start3A_42] : memref<10240x128xf32, #tpu.memory_space<vmem_shared>> -> memref<32x128xf32, #tpu.memory_space<vmem_shared>>
    %dma_start3A_44 = arith.constant 0 : i32
    %dma_start3A_45 = tpu.memref_slice %arg7[%add3A_41, %dma_start3A_44] : memref<10240x128xf32, #tpu.memory_space<vmem_shared>> -> memref<32x128xf32, #tpu.memory_space<vmem_shared>>
    tpu.enqueue_dma source(%arg11 : memref<32x128xf32, #tpu.memory_space<vmem>>) target(%dma_start3A_45 : memref<32x128xf32, #tpu.memory_space<vmem_shared>>) target_semaphore(%arg14 : memref<!tpu.dma_semaphore, #tpu.memory_space<semaphore_mem>>)
    %mul3A_46 = arith.constant 640 : i32
    %mul3A_47 = arith.muli %arg1, %mul3A_46 : i32
    %add3A_48 = arith.constant 96 : i32
    %add3A_49 = arith.addi %mul3A_47, %add3A_48 : i32
    %dma_start3A_50 = arith.constant 0 : i32
    %dma_start3A_51 = tpu.memref_slice %arg7[%add3A_49, %dma_start3A_50] : memref<10240x128xf32, #tpu.memory_space<vmem_shared>> -> memref<32x128xf32, #tpu.memory_space<vmem_shared>>
    %dma_start3A_52 = arith.constant 0 : i32
    %dma_start3A_53 = tpu.memref_slice %arg7[%add3A_49, %dma_start3A_52] : memref<10240x128xf32, #tpu.memory_space<vmem_shared>> -> memref<32x128xf32, #tpu.memory_space<vmem_shared>>
    tpu.enqueue_dma source(%arg11 : memref<32x128xf32, #tpu.memory_space<vmem>>) target(%dma_start3A_53 : memref<32x128xf32, #tpu.memory_space<vmem_shared>>) target_semaphore(%arg14 : memref<!tpu.dma_semaphore, #tpu.memory_space<semaphore_mem>>)
    %mul3A_54 = arith.constant 640 : i32
    %mul3A_55 = arith.muli %arg1, %mul3A_54 : i32
    %add3A_56 = arith.constant 128 : i32
    %add3A_57 = arith.addi %mul3A_55, %add3A_56 : i32
    %dma_start3A_58 = arith.constant 0 : i32
    %dma_start3A_59 = tpu.memref_slice %arg7[%add3A_57, %dma_start3A_58] : memref<10240x128xf32, #tpu.memory_space<vmem_shared>> -> memref<32x128xf32, #tpu.memory_space<vmem_shared>>
    %dma_start3A_60 = arith.constant 0 : i32
    %dma_start3A_61 = tpu.memref_slice %arg7[%add3A_57, %dma_start3A_60] : memref<10240x128xf32, #tpu.memory_space<vmem_shared>> -> memref<32x128xf32, #tpu.memory_space<vmem_shared>>
    tpu.enqueue_dma source(%arg11 : memref<32x128xf32, #tpu.memory_space<vmem>>) target(%dma_start3A_61 : memref<32x128xf32, #tpu.memory_space<vmem_shared>>) target_semaphore(%arg14 : memref<!tpu.dma_semaphore, #tpu.memory_space<semaphore_mem>>)
    %mul3A_62 = arith.constant 640 : i32
    %mul3A_63 = arith.muli %arg1, %mul3A_62 : i32
    %add3A_64 = arith.constant 160 : i32
    %add3A_65 = arith.addi %mul3A_63, %add3A_64 : i32
    %dma_start3A_66 = arith.constant 0 : i32
    %dma_start3A_67 = tpu.memref_slice %arg7[%add3A_65, %dma_start3A_66] : memref<10240x128xf32, #tpu.memory_space<vmem_shared>> -> memref<32x128xf32, #tpu.memory_space<vmem_shared>>
    %dma_start3A_68 = arith.constant 0 : i32
    %dma_start3A_69 = tpu.memref_slice %arg7[%add3A_65, %dma_start3A_68] : memref<10240x128xf32, #tpu.memory_space<vmem_shared>> -> memref<32x128xf32, #tpu.memory_space<vmem_shared>>
    tpu.enqueue_dma source(%arg11 : memref<32x128xf32, #tpu.memory_space<vmem>>) target(%dma_start3A_69 : memref<32x128xf32, #tpu.memory_space<vmem_shared>>) target_semaphore(%arg14 : memref<!tpu.dma_semaphore, #tpu.memory_space<semaphore_mem>>)
    %mul3A_70 = arith.constant 640 : i32
    %mul3A_71 = arith.muli %arg1, %mul3A_70 : i32
    %add3A_72 = arith.constant 192 : i32
    %add3A_73 = arith.addi %mul3A_71, %add3A_72 : i32
    %dma_start3A_74 = arith.constant 0 : i32
    %dma_start3A_75 = tpu.memref_slice %arg7[%add3A_73, %dma_start3A_74] : memref<10240x128xf32, #tpu.memory_space<vmem_shared>> -> memref<32x128xf32, #tpu.memory_space<vmem_shared>>
    %dma_start3A_76 = arith.constant 0 : i32
    %dma_start3A_77 = tpu.memref_slice %arg7[%add3A_73, %dma_start3A_76] : memref<10240x128xf32, #tpu.memory_space<vmem_shared>> -> memref<32x128xf32, #tpu.memory_space<vmem_shared>>
    tpu.enqueue_dma source(%arg11 : memref<32x128xf32, #tpu.memory_space<vmem>>) target(%dma_start3A_77 : memref<32x128xf32, #tpu.memory_space<vmem_shared>>) target_semaphore(%arg14 : memref<!tpu.dma_semaphore, #tpu.memory_space<semaphore_mem>>)
    %mul3A_78 = arith.constant 640 : i32
    %mul3A_79 = arith.muli %arg1, %mul3A_78 : i32
    %add3A_80 = arith.constant 224 : i32
    %add3A_81 = arith.addi %mul3A_79, %add3A_80 : i32
    %dma_start3A_82 = arith.constant 0 : i32
    %dma_start3A_83 = tpu.memref_slice %arg7[%add3A_81, %dma_start3A_82] : memref<10240x128xf32, #tpu.memory_space<vmem_shared>> -> memref<32x128xf32, #tpu.memory_space<vmem_shared>>
    %dma_start3A_84 = arith.constant 0 : i32
    %dma_start3A_85 = tpu.memref_slice %arg7[%add3A_81, %dma_start3A_84] : memref<10240x128xf32, #tpu.memory_space<vmem_shared>> -> memref<32x128xf32, #tpu.memory_space<vmem_shared>>
    tpu.enqueue_dma source(%arg11 : memref<32x128xf32, #tpu.memory_space<vmem>>) target(%dma_start3A_85 : memref<32x128xf32, #tpu.memory_space<vmem_shared>>) target_semaphore(%arg14 : memref<!tpu.dma_semaphore, #tpu.memory_space<semaphore_mem>>)
    %mul3A_86 = arith.constant 640 : i32
    %mul3A_87 = arith.muli %arg1, %mul3A_86 : i32
    %add3A_88 = arith.constant 256 : i32
    %add3A_89 = arith.addi %mul3A_87, %add3A_88 : i32
    %dma_start3A_90 = arith.constant 0 : i32
    %dma_start3A_91 = tpu.memref_slice %arg7[%add3A_89, %dma_start3A_90] : memref<10240x128xf32, #tpu.memory_space<vmem_shared>> -> memref<32x128xf32, #tpu.memory_space<vmem_shared>>
    %dma_start3A_92 = arith.constant 0 : i32
    %dma_start3A_93 = tpu.memref_slice %arg7[%add3A_89, %dma_start3A_92] : memref<10240x128xf32, #tpu.memory_space<vmem_shared>> -> memref<32x128xf32, #tpu.memory_space<vmem_shared>>
    tpu.enqueue_dma source(%arg11 : memref<32x128xf32, #tpu.memory_space<vmem>>) target(%dma_start3A_93 : memref<32x128xf32, #tpu.memory_space<vmem_shared>>) target_semaphore(%arg14 : memref<!tpu.dma_semaphore, #tpu.memory_space<semaphore_mem>>)
    %mul3A_94 = arith.constant 640 : i32
    %mul3A_95 = arith.muli %arg1, %mul3A_94 : i32
    %add3A_96 = arith.constant 288 : i32
    %add3A_97 = arith.addi %mul3A_95, %add3A_96 : i32
    %dma_start3A_98 = arith.constant 0 : i32
    %dma_start3A_99 = tpu.memref_slice %arg7[%add3A_97, %dma_start3A_98] : memref<10240x128xf32, #tpu.memory_space<vmem_shared>> -> memref<32x128xf32, #tpu.memory_space<vmem_shared>>
    %dma_start3A_100 = arith.constant 0 : i32
    %dma_start3A_101 = tpu.memref_slice %arg7[%add3A_97, %dma_start3A_100] : memref<10240x128xf32, #tpu.memory_space<vmem_shared>> -> memref<32x128xf32, #tpu.memory_space<vmem_shared>>
    tpu.enqueue_dma source(%arg11 : memref<32x128xf32, #tpu.memory_space<vmem>>) target(%dma_start3A_101 : memref<32x128xf32, #tpu.memory_space<vmem_shared>>) target_semaphore(%arg14 : memref<!tpu.dma_semaphore, #tpu.memory_space<semaphore_mem>>)
    %mul3A_102 = arith.constant 640 : i32
    %mul3A_103 = arith.muli %arg1, %mul3A_102 : i32
    %add3A_104 = arith.constant 320 : i32
    %add3A_105 = arith.addi %mul3A_103, %add3A_104 : i32
    %dma_start3A_106 = arith.constant 0 : i32
    %dma_start3A_107 = tpu.memref_slice %arg7[%add3A_105, %dma_start3A_106] : memref<10240x128xf32, #tpu.memory_space<vmem_shared>> -> memref<32x128xf32, #tpu.memory_space<vmem_shared>>
    %dma_start3A_108 = arith.constant 0 : i32
    %dma_start3A_109 = tpu.memref_slice %arg7[%add3A_105, %dma_start3A_108] : memref<10240x128xf32, #tpu.memory_space<vmem_shared>> -> memref<32x128xf32, #tpu.memory_space<vmem_shared>>
    tpu.enqueue_dma source(%arg11 : memref<32x128xf32, #tpu.memory_space<vmem>>) target(%dma_start3A_109 : memref<32x128xf32, #tpu.memory_space<vmem_shared>>) target_semaphore(%arg14 : memref<!tpu.dma_semaphore, #tpu.memory_space<semaphore_mem>>)
    %mul3A_110 = arith.constant 640 : i32
    %mul3A_111 = arith.muli %arg1, %mul3A_110 : i32
    %add3A_112 = arith.constant 352 : i32
    %add3A_113 = arith.addi %mul3A_111, %add3A_112 : i32
    %dma_start3A_114 = arith.constant 0 : i32
    %dma_start3A_115 = tpu.memref_slice %arg7[%add3A_113, %dma_start3A_114] : memref<10240x128xf32, #tpu.memory_space<vmem_shared>> -> memref<32x128xf32, #tpu.memory_space<vmem_shared>>
    %dma_start3A_116 = arith.constant 0 : i32
    %dma_start3A_117 = tpu.memref_slice %arg7[%add3A_113, %dma_start3A_116] : memref<10240x128xf32, #tpu.memory_space<vmem_shared>> -> memref<32x128xf32, #tpu.memory_space<vmem_shared>>
    tpu.enqueue_dma source(%arg11 : memref<32x128xf32, #tpu.memory_space<vmem>>) target(%dma_start3A_117 : memref<32x128xf32, #tpu.memory_space<vmem_shared>>) target_semaphore(%arg14 : memref<!tpu.dma_semaphore, #tpu.memory_space<semaphore_mem>>)
    %mul3A_118 = arith.constant 640 : i32
    %mul3A_119 = arith.muli %arg1, %mul3A_118 : i32
    %add3A_120 = arith.constant 384 : i32
    %add3A_121 = arith.addi %mul3A_119, %add3A_120 : i32
    %dma_start3A_122 = arith.constant 0 : i32
    %dma_start3A_123 = tpu.memref_slice %arg7[%add3A_121, %dma_start3A_122] : memref<10240x128xf32, #tpu.memory_space<vmem_shared>> -> memref<32x128xf32, #tpu.memory_space<vmem_shared>>
    %dma_start3A_124 = arith.constant 0 : i32
    %dma_start3A_125 = tpu.memref_slice %arg7[%add3A_121, %dma_start3A_124] : memref<10240x128xf32, #tpu.memory_space<vmem_shared>> -> memref<32x128xf32, #tpu.memory_space<vmem_shared>>
    tpu.enqueue_dma source(%arg11 : memref<32x128xf32, #tpu.memory_space<vmem>>) target(%dma_start3A_125 : memref<32x128xf32, #tpu.memory_space<vmem_shared>>) target_semaphore(%arg14 : memref<!tpu.dma_semaphore, #tpu.memory_space<semaphore_mem>>)
    %mul3A_126 = arith.constant 640 : i32
    %mul3A_127 = arith.muli %arg1, %mul3A_126 : i32
    %add3A_128 = arith.constant 416 : i32
    %add3A_129 = arith.addi %mul3A_127, %add3A_128 : i32
    %dma_start3A_130 = arith.constant 0 : i32
    %dma_start3A_131 = tpu.memref_slice %arg7[%add3A_129, %dma_start3A_130] : memref<10240x128xf32, #tpu.memory_space<vmem_shared>> -> memref<32x128xf32, #tpu.memory_space<vmem_shared>>
    %dma_start3A_132 = arith.constant 0 : i32
    %dma_start3A_133 = tpu.memref_slice %arg7[%add3A_129, %dma_start3A_132] : memref<10240x128xf32, #tpu.memory_space<vmem_shared>> -> memref<32x128xf32, #tpu.memory_space<vmem_shared>>
    tpu.enqueue_dma source(%arg11 : memref<32x128xf32, #tpu.memory_space<vmem>>) target(%dma_start3A_133 : memref<32x128xf32, #tpu.memory_space<vmem_shared>>) target_semaphore(%arg14 : memref<!tpu.dma_semaphore, #tpu.memory_space<semaphore_mem>>)
    %mul3A_134 = arith.constant 640 : i32
    %mul3A_135 = arith.muli %arg1, %mul3A_134 : i32
    %add3A_136 = arith.constant 448 : i32
    %add3A_137 = arith.addi %mul3A_135, %add3A_136 : i32
    %dma_start3A_138 = arith.constant 0 : i32
    %dma_start3A_139 = tpu.memref_slice %arg7[%add3A_137, %dma_start3A_138] : memref<10240x128xf32, #tpu.memory_space<vmem_shared>> -> memref<32x128xf32, #tpu.memory_space<vmem_shared>>
    %dma_start3A_140 = arith.constant 0 : i32
    %dma_start3A_141 = tpu.memref_slice %arg7[%add3A_137, %dma_start3A_140] : memref<10240x128xf32, #tpu.memory_space<vmem_shared>> -> memref<32x128xf32, #tpu.memory_space<vmem_shared>>
    tpu.enqueue_dma source(%arg11 : memref<32x128xf32, #tpu.memory_space<vmem>>) target(%dma_start3A_141 : memref<32x128xf32, #tpu.memory_space<vmem_shared>>) target_semaphore(%arg14 : memref<!tpu.dma_semaphore, #tpu.memory_space<semaphore_mem>>)
    %mul3A_142 = arith.constant 640 : i32
    %mul3A_143 = arith.muli %arg1, %mul3A_142 : i32
    %add3A_144 = arith.constant 480 : i32
    %add3A_145 = arith.addi %mul3A_143, %add3A_144 : i32
    %dma_start3A_146 = arith.constant 0 : i32
    %dma_start3A_147 = tpu.memref_slice %arg7[%add3A_145, %dma_start3A_146] : memref<10240x128xf32, #tpu.memory_space<vmem_shared>> -> memref<32x128xf32, #tpu.memory_space<vmem_shared>>
    %dma_start3A_148 = arith.constant 0 : i32
    %dma_start3A_149 = tpu.memref_slice %arg7[%add3A_145, %dma_start3A_148] : memref<10240x128xf32, #tpu.memory_space<vmem_shared>> -> memref<32x128xf32, #tpu.memory_space<vmem_shared>>
    tpu.enqueue_dma source(%arg11 : memref<32x128xf32, #tpu.memory_space<vmem>>) target(%dma_start3A_149 : memref<32x128xf32, #tpu.memory_space<vmem_shared>>) target_semaphore(%arg14 : memref<!tpu.dma_semaphore, #tpu.memory_space<semaphore_mem>>)
    %mul3A_150 = arith.constant 640 : i32
    %mul3A_151 = arith.muli %arg1, %mul3A_150 : i32
    %add3A_152 = arith.constant 512 : i32
    %add3A_153 = arith.addi %mul3A_151, %add3A_152 : i32
    %dma_start3A_154 = arith.constant 0 : i32
    %dma_start3A_155 = tpu.memref_slice %arg7[%add3A_153, %dma_start3A_154] : memref<10240x128xf32, #tpu.memory_space<vmem_shared>> -> memref<32x128xf32, #tpu.memory_space<vmem_shared>>
    %dma_start3A_156 = arith.constant 0 : i32
    %dma_start3A_157 = tpu.memref_slice %arg7[%add3A_153, %dma_start3A_156] : memref<10240x128xf32, #tpu.memory_space<vmem_shared>> -> memref<32x128xf32, #tpu.memory_space<vmem_shared>>
    tpu.enqueue_dma source(%arg11 : memref<32x128xf32, #tpu.memory_space<vmem>>) target(%dma_start3A_157 : memref<32x128xf32, #tpu.memory_space<vmem_shared>>) target_semaphore(%arg14 : memref<!tpu.dma_semaphore, #tpu.memory_space<semaphore_mem>>)
    %mul3A_158 = arith.constant 640 : i32
    %mul3A_159 = arith.muli %arg1, %mul3A_158 : i32
    %add3A_160 = arith.constant 544 : i32
    %add3A_161 = arith.addi %mul3A_159, %add3A_160 : i32
    %dma_start3A_162 = arith.constant 0 : i32
    %dma_start3A_163 = tpu.memref_slice %arg7[%add3A_161, %dma_start3A_162] : memref<10240x128xf32, #tpu.memory_space<vmem_shared>> -> memref<32x128xf32, #tpu.memory_space<vmem_shared>>
    %dma_start3A_164 = arith.constant 0 : i32
    %dma_start3A_165 = tpu.memref_slice %arg7[%add3A_161, %dma_start3A_164] : memref<10240x128xf32, #tpu.memory_space<vmem_shared>> -> memref<32x128xf32, #tpu.memory_space<vmem_shared>>
    tpu.enqueue_dma source(%arg11 : memref<32x128xf32, #tpu.memory_space<vmem>>) target(%dma_start3A_165 : memref<32x128xf32, #tpu.memory_space<vmem_shared>>) target_semaphore(%arg14 : memref<!tpu.dma_semaphore, #tpu.memory_space<semaphore_mem>>)
    %mul3A_166 = arith.constant 640 : i32
    %mul3A_167 = arith.muli %arg1, %mul3A_166 : i32
    %add3A_168 = arith.constant 576 : i32
    %add3A_169 = arith.addi %mul3A_167, %add3A_168 : i32
    %dma_start3A_170 = arith.constant 0 : i32
    %dma_start3A_171 = tpu.memref_slice %arg7[%add3A_169, %dma_start3A_170] : memref<10240x128xf32, #tpu.memory_space<vmem_shared>> -> memref<32x128xf32, #tpu.memory_space<vmem_shared>>
    %dma_start3A_172 = arith.constant 0 : i32
    %dma_start3A_173 = tpu.memref_slice %arg7[%add3A_169, %dma_start3A_172] : memref<10240x128xf32, #tpu.memory_space<vmem_shared>> -> memref<32x128xf32, #tpu.memory_space<vmem_shared>>
    tpu.enqueue_dma source(%arg11 : memref<32x128xf32, #tpu.memory_space<vmem>>) target(%dma_start3A_173 : memref<32x128xf32, #tpu.memory_space<vmem_shared>>) target_semaphore(%arg14 : memref<!tpu.dma_semaphore, #tpu.memory_space<semaphore_mem>>)
    %mul3A_174 = arith.constant 640 : i32
    %mul3A_175 = arith.muli %arg1, %mul3A_174 : i32
    %add3A_176 = arith.constant 608 : i32
    %add3A_177 = arith.addi %mul3A_175, %add3A_176 : i32
    %dma_start3A_178 = arith.constant 0 : i32
    %dma_start3A_179 = tpu.memref_slice %arg7[%add3A_177, %dma_start3A_178] : memref<10240x128xf32, #tpu.memory_space<vmem_shared>> -> memref<32x128xf32, #tpu.memory_space<vmem_shared>>
    %dma_start3A_180 = arith.constant 0 : i32
    %dma_start3A_181 = tpu.memref_slice %arg7[%add3A_177, %dma_start3A_180] : memref<10240x128xf32, #tpu.memory_space<vmem_shared>> -> memref<32x128xf32, #tpu.memory_space<vmem_shared>>
    tpu.enqueue_dma source(%arg11 : memref<32x128xf32, #tpu.memory_space<vmem>>) target(%dma_start3A_181 : memref<32x128xf32, #tpu.memory_space<vmem_shared>>) target_semaphore(%arg14 : memref<!tpu.dma_semaphore, #tpu.memory_space<semaphore_mem>>)
    %dma_wait3A = arith.constant 0 : i32
    %dma_wait3A_182 = arith.constant 0 : i32
    %dma_wait3A_183 = tpu.memref_slice %arg7[%dma_wait3A, %dma_wait3A_182] : memref<10240x128xf32, #tpu.memory_space<vmem_shared>> -> memref<32x128xf32, #tpu.memory_space<vmem_shared>>
    %dma_wait3A_184 = arith.constant 0 : i32
    %dma_wait3A_185 = arith.constant 0 : i32
    %dma_wait3A_186 = tpu.memref_slice %arg7[%dma_wait3A_184, %dma_wait3A_185] : memref<10240x128xf32, #tpu.memory_space<vmem_shared>> -> memref<32x128xf32, #tpu.memory_space<vmem_shared>>
    tpu.wait_dma2 semaphore(%arg14 : memref<!tpu.dma_semaphore, #tpu.memory_space<semaphore_mem>>) src(%arg11 : memref<32x128xf32, #tpu.memory_space<vmem>>) dst(%dma_wait3A_186 : memref<32x128xf32, #tpu.memory_space<vmem_shared>>)
    %dma_wait3A_187 = arith.constant 0 : i32
    %dma_wait3A_188 = arith.constant 0 : i32
    %dma_wait3A_189 = tpu.memref_slice %arg7[%dma_wait3A_187, %dma_wait3A_188] : memref<10240x128xf32, #tpu.memory_space<vmem_shared>> -> memref<32x128xf32, #tpu.memory_space<vmem_shared>>
    %dma_wait3A_190 = arith.constant 0 : i32
    %dma_wait3A_191 = arith.constant 0 : i32
    %dma_wait3A_192 = tpu.memref_slice %arg7[%dma_wait3A_190, %dma_wait3A_191] : memref<10240x128xf32, #tpu.memory_space<vmem_shared>> -> memref<32x128xf32, #tpu.memory_space<vmem_shared>>
    tpu.wait_dma2 semaphore(%arg14 : memref<!tpu.dma_semaphore, #tpu.memory_space<semaphore_mem>>) src(%arg11 : memref<32x128xf32, #tpu.memory_space<vmem>>) dst(%dma_wait3A_192 : memref<32x128xf32, #tpu.memory_space<vmem_shared>>)
    %dma_wait3A_193 = arith.constant 0 : i32
    %dma_wait3A_194 = arith.constant 0 : i32
    %dma_wait3A_195 = tpu.memref_slice %arg7[%dma_wait3A_193, %dma_wait3A_194] : memref<10240x128xf32, #tpu.memory_space<vmem_shared>> -> memref<32x128xf32, #tpu.memory_space<vmem_shared>>
    %dma_wait3A_196 = arith.constant 0 : i32
    %dma_wait3A_197 = arith.constant 0 : i32
    %dma_wait3A_198 = tpu.memref_slice %arg7[%dma_wait3A_196, %dma_wait3A_197] : memref<10240x128xf32, #tpu.memory_space<vmem_shared>> -> memref<32x128xf32, #tpu.memory_space<vmem_shared>>
    tpu.wait_dma2 semaphore(%arg14 : memref<!tpu.dma_semaphore, #tpu.memory_space<semaphore_mem>>) src(%arg11 : memref<32x128xf32, #tpu.memory_space<vmem>>) dst(%dma_wait3A_198 : memref<32x128xf32, #tpu.memory_space<vmem_shared>>)
    %dma_wait3A_199 = arith.constant 0 : i32
    %dma_wait3A_200 = arith.constant 0 : i32
    %dma_wait3A_201 = tpu.memref_slice %arg7[%dma_wait3A_199, %dma_wait3A_200] : memref<10240x128xf32, #tpu.memory_space<vmem_shared>> -> memref<32x128xf32, #tpu.memory_space<vmem_shared>>
    %dma_wait3A_202 = arith.constant 0 : i32
    %dma_wait3A_203 = arith.constant 0 : i32
    %dma_wait3A_204 = tpu.memref_slice %arg7[%dma_wait3A_202, %dma_wait3A_203] : memref<10240x128xf32, #tpu.memory_space<vmem_shared>> -> memref<32x128xf32, #tpu.memory_space<vmem_shared>>
    tpu.wait_dma2 semaphore(%arg14 : memref<!tpu.dma_semaphore, #tpu.memory_space<semaphore_mem>>) src(%arg11 : memref<32x128xf32, #tpu.memory_space<vmem>>) dst(%dma_wait3A_204 : memref<32x128xf32, #tpu.memory_space<vmem_shared>>)
    %dma_wait3A_205 = arith.constant 0 : i32
    %dma_wait3A_206 = arith.constant 0 : i32
    %dma_wait3A_207 = tpu.memref_slice %arg7[%dma_wait3A_205, %dma_wait3A_206] : memref<10240x128xf32, #tpu.memory_space<vmem_shared>> -> memref<32x128xf32, #tpu.memory_space<vmem_shared>>
    %dma_wait3A_208 = arith.constant 0 : i32
    %dma_wait3A_209 = arith.constant 0 : i32
    %dma_wait3A_210 = tpu.memref_slice %arg7[%dma_wait3A_208, %dma_wait3A_209] : memref<10240x128xf32, #tpu.memory_space<vmem_shared>> -> memref<32x128xf32, #tpu.memory_space<vmem_shared>>
    tpu.wait_dma2 semaphore(%arg14 : memref<!tpu.dma_semaphore, #tpu.memory_space<semaphore_mem>>) src(%arg11 : memref<32x128xf32, #tpu.memory_space<vmem>>) dst(%dma_wait3A_210 : memref<32x128xf32, #tpu.memory_space<vmem_shared>>)
    %dma_wait3A_211 = arith.constant 0 : i32
    %dma_wait3A_212 = arith.constant 0 : i32
    %dma_wait3A_213 = tpu.memref_slice %arg7[%dma_wait3A_211, %dma_wait3A_212] : memref<10240x128xf32, #tpu.memory_space<vmem_shared>> -> memref<32x128xf32, #tpu.memory_space<vmem_shared>>
    %dma_wait3A_214 = arith.constant 0 : i32
    %dma_wait3A_215 = arith.constant 0 : i32
    %dma_wait3A_216 = tpu.memref_slice %arg7[%dma_wait3A_214, %dma_wait3A_215] : memref<10240x128xf32, #tpu.memory_space<vmem_shared>> -> memref<32x128xf32, #tpu.memory_space<vmem_shared>>
    tpu.wait_dma2 semaphore(%arg14 : memref<!tpu.dma_semaphore, #tpu.memory_space<semaphore_mem>>) src(%arg11 : memref<32x128xf32, #tpu.memory_space<vmem>>) dst(%dma_wait3A_216 : memref<32x128xf32, #tpu.memory_space<vmem_shared>>)
    %dma_wait3A_217 = arith.constant 0 : i32
    %dma_wait3A_218 = arith.constant 0 : i32
    %dma_wait3A_219 = tpu.memref_slice %arg7[%dma_wait3A_217, %dma_wait3A_218] : memref<10240x128xf32, #tpu.memory_space<vmem_shared>> -> memref<32x128xf32, #tpu.memory_space<vmem_shared>>
    %dma_wait3A_220 = arith.constant 0 : i32
    %dma_wait3A_221 = arith.constant 0 : i32
    %dma_wait3A_222 = tpu.memref_slice %arg7[%dma_wait3A_220, %dma_wait3A_221] : memref<10240x128xf32, #tpu.memory_space<vmem_shared>> -> memref<32x128xf32, #tpu.memory_space<vmem_shared>>
    tpu.wait_dma2 semaphore(%arg14 : memref<!tpu.dma_semaphore, #tpu.memory_space<semaphore_mem>>) src(%arg11 : memref<32x128xf32, #tpu.memory_space<vmem>>) dst(%dma_wait3A_222 : memref<32x128xf32, #tpu.memory_space<vmem_shared>>)
    %dma_wait3A_223 = arith.constant 0 : i32
    %dma_wait3A_224 = arith.constant 0 : i32
    %dma_wait3A_225 = tpu.memref_slice %arg7[%dma_wait3A_223, %dma_wait3A_224] : memref<10240x128xf32, #tpu.memory_space<vmem_shared>> -> memref<32x128xf32, #tpu.memory_space<vmem_shared>>
    %dma_wait3A_226 = arith.constant 0 : i32
    %dma_wait3A_227 = arith.constant 0 : i32
    %dma_wait3A_228 = tpu.memref_slice %arg7[%dma_wait3A_226, %dma_wait3A_227] : memref<10240x128xf32, #tpu.memory_space<vmem_shared>> -> memref<32x128xf32, #tpu.memory_space<vmem_shared>>
    tpu.wait_dma2 semaphore(%arg14 : memref<!tpu.dma_semaphore, #tpu.memory_space<semaphore_mem>>) src(%arg11 : memref<32x128xf32, #tpu.memory_space<vmem>>) dst(%dma_wait3A_228 : memref<32x128xf32, #tpu.memory_space<vmem_shared>>)
    %dma_wait3A_229 = arith.constant 0 : i32
    %dma_wait3A_230 = arith.constant 0 : i32
    %dma_wait3A_231 = tpu.memref_slice %arg7[%dma_wait3A_229, %dma_wait3A_230] : memref<10240x128xf32, #tpu.memory_space<vmem_shared>> -> memref<32x128xf32, #tpu.memory_space<vmem_shared>>
    %dma_wait3A_232 = arith.constant 0 : i32
    %dma_wait3A_233 = arith.constant 0 : i32
    %dma_wait3A_234 = tpu.memref_slice %arg7[%dma_wait3A_232, %dma_wait3A_233] : memref<10240x128xf32, #tpu.memory_space<vmem_shared>> -> memref<32x128xf32, #tpu.memory_space<vmem_shared>>
    tpu.wait_dma2 semaphore(%arg14 : memref<!tpu.dma_semaphore, #tpu.memory_space<semaphore_mem>>) src(%arg11 : memref<32x128xf32, #tpu.memory_space<vmem>>) dst(%dma_wait3A_234 : memref<32x128xf32, #tpu.memory_space<vmem_shared>>)
    %dma_wait3A_235 = arith.constant 0 : i32
    %dma_wait3A_236 = arith.constant 0 : i32
    %dma_wait3A_237 = tpu.memref_slice %arg7[%dma_wait3A_235, %dma_wait3A_236] : memref<10240x128xf32, #tpu.memory_space<vmem_shared>> -> memref<32x128xf32, #tpu.memory_space<vmem_shared>>
    %dma_wait3A_238 = arith.constant 0 : i32
    %dma_wait3A_239 = arith.constant 0 : i32
    %dma_wait3A_240 = tpu.memref_slice %arg7[%dma_wait3A_238, %dma_wait3A_239] : memref<10240x128xf32, #tpu.memory_space<vmem_shared>> -> memref<32x128xf32, #tpu.memory_space<vmem_shared>>
    tpu.wait_dma2 semaphore(%arg14 : memref<!tpu.dma_semaphore, #tpu.memory_space<semaphore_mem>>) src(%arg11 : memref<32x128xf32, #tpu.memory_space<vmem>>) dst(%dma_wait3A_240 : memref<32x128xf32, #tpu.memory_space<vmem_shared>>)
    %dma_wait3A_241 = arith.constant 0 : i32
    %dma_wait3A_242 = arith.constant 0 : i32
    %dma_wait3A_243 = tpu.memref_slice %arg7[%dma_wait3A_241, %dma_wait3A_242] : memref<10240x128xf32, #tpu.memory_space<vmem_shared>> -> memref<32x128xf32, #tpu.memory_space<vmem_shared>>
    %dma_wait3A_244 = arith.constant 0 : i32
    %dma_wait3A_245 = arith.constant 0 : i32
    %dma_wait3A_246 = tpu.memref_slice %arg7[%dma_wait3A_244, %dma_wait3A_245] : memref<10240x128xf32, #tpu.memory_space<vmem_shared>> -> memref<32x128xf32, #tpu.memory_space<vmem_shared>>
    tpu.wait_dma2 semaphore(%arg14 : memref<!tpu.dma_semaphore, #tpu.memory_space<semaphore_mem>>) src(%arg11 : memref<32x128xf32, #tpu.memory_space<vmem>>) dst(%dma_wait3A_246 : memref<32x128xf32, #tpu.memory_space<vmem_shared>>)
    %dma_wait3A_247 = arith.constant 0 : i32
    %dma_wait3A_248 = arith.constant 0 : i32
    %dma_wait3A_249 = tpu.memref_slice %arg7[%dma_wait3A_247, %dma_wait3A_248] : memref<10240x128xf32, #tpu.memory_space<vmem_shared>> -> memref<32x128xf32, #tpu.memory_space<vmem_shared>>
    %dma_wait3A_250 = arith.constant 0 : i32
    %dma_wait3A_251 = arith.constant 0 : i32
    %dma_wait3A_252 = tpu.memref_slice %arg7[%dma_wait3A_250, %dma_wait3A_251] : memref<10240x128xf32, #tpu.memory_space<vmem_shared>> -> memref<32x128xf32, #tpu.memory_space<vmem_shared>>
    tpu.wait_dma2 semaphore(%arg14 : memref<!tpu.dma_semaphore, #tpu.memory_space<semaphore_mem>>) src(%arg11 : memref<32x128xf32, #tpu.memory_space<vmem>>) dst(%dma_wait3A_252 : memref<32x128xf32, #tpu.memory_space<vmem_shared>>)
    %dma_wait3A_253 = arith.constant 0 : i32
    %dma_wait3A_254 = arith.constant 0 : i32
    %dma_wait3A_255 = tpu.memref_slice %arg7[%dma_wait3A_253, %dma_wait3A_254] : memref<10240x128xf32, #tpu.memory_space<vmem_shared>> -> memref<32x128xf32, #tpu.memory_space<vmem_shared>>
    %dma_wait3A_256 = arith.constant 0 : i32
    %dma_wait3A_257 = arith.constant 0 : i32
    %dma_wait3A_258 = tpu.memref_slice %arg7[%dma_wait3A_256, %dma_wait3A_257] : memref<10240x128xf32, #tpu.memory_space<vmem_shared>> -> memref<32x128xf32, #tpu.memory_space<vmem_shared>>
    tpu.wait_dma2 semaphore(%arg14 : memref<!tpu.dma_semaphore, #tpu.memory_space<semaphore_mem>>) src(%arg11 : memref<32x128xf32, #tpu.memory_space<vmem>>) dst(%dma_wait3A_258 : memref<32x128xf32, #tpu.memory_space<vmem_shared>>)
    %dma_wait3A_259 = arith.constant 0 : i32
    %dma_wait3A_260 = arith.constant 0 : i32
    %dma_wait3A_261 = tpu.memref_slice %arg7[%dma_wait3A_259, %dma_wait3A_260] : memref<10240x128xf32, #tpu.memory_space<vmem_shared>> -> memref<32x128xf32, #tpu.memory_space<vmem_shared>>
    %dma_wait3A_262 = arith.constant 0 : i32
    %dma_wait3A_263 = arith.constant 0 : i32
    %dma_wait3A_264 = tpu.memref_slice %arg7[%dma_wait3A_262, %dma_wait3A_263] : memref<10240x128xf32, #tpu.memory_space<vmem_shared>> -> memref<32x128xf32, #tpu.memory_space<vmem_shared>>
    tpu.wait_dma2 semaphore(%arg14 : memref<!tpu.dma_semaphore, #tpu.memory_space<semaphore_mem>>) src(%arg11 : memref<32x128xf32, #tpu.memory_space<vmem>>) dst(%dma_wait3A_264 : memref<32x128xf32, #tpu.memory_space<vmem_shared>>)
    %dma_wait3A_265 = arith.constant 0 : i32
    %dma_wait3A_266 = arith.constant 0 : i32
    %dma_wait3A_267 = tpu.memref_slice %arg7[%dma_wait3A_265, %dma_wait3A_266] : memref<10240x128xf32, #tpu.memory_space<vmem_shared>> -> memref<32x128xf32, #tpu.memory_space<vmem_shared>>
    %dma_wait3A_268 = arith.constant 0 : i32
    %dma_wait3A_269 = arith.constant 0 : i32
    %dma_wait3A_270 = tpu.memref_slice %arg7[%dma_wait3A_268, %dma_wait3A_269] : memref<10240x128xf32, #tpu.memory_space<vmem_shared>> -> memref<32x128xf32, #tpu.memory_space<vmem_shared>>
    tpu.wait_dma2 semaphore(%arg14 : memref<!tpu.dma_semaphore, #tpu.memory_space<semaphore_mem>>) src(%arg11 : memref<32x128xf32, #tpu.memory_space<vmem>>) dst(%dma_wait3A_270 : memref<32x128xf32, #tpu.memory_space<vmem_shared>>)
    %dma_wait3A_271 = arith.constant 0 : i32
    %dma_wait3A_272 = arith.constant 0 : i32
    %dma_wait3A_273 = tpu.memref_slice %arg7[%dma_wait3A_271, %dma_wait3A_272] : memref<10240x128xf32, #tpu.memory_space<vmem_shared>> -> memref<32x128xf32, #tpu.memory_space<vmem_shared>>
    %dma_wait3A_274 = arith.constant 0 : i32
    %dma_wait3A_275 = arith.constant 0 : i32
    %dma_wait3A_276 = tpu.memref_slice %arg7[%dma_wait3A_274, %dma_wait3A_275] : memref<10240x128xf32, #tpu.memory_space<vmem_shared>> -> memref<32x128xf32, #tpu.memory_space<vmem_shared>>
    tpu.wait_dma2 semaphore(%arg14 : memref<!tpu.dma_semaphore, #tpu.memory_space<semaphore_mem>>) src(%arg11 : memref<32x128xf32, #tpu.memory_space<vmem>>) dst(%dma_wait3A_276 : memref<32x128xf32, #tpu.memory_space<vmem_shared>>)
    %dma_wait3A_277 = arith.constant 0 : i32
    %dma_wait3A_278 = arith.constant 0 : i32
    %dma_wait3A_279 = tpu.memref_slice %arg7[%dma_wait3A_277, %dma_wait3A_278] : memref<10240x128xf32, #tpu.memory_space<vmem_shared>> -> memref<32x128xf32, #tpu.memory_space<vmem_shared>>
    %dma_wait3A_280 = arith.constant 0 : i32
    %dma_wait3A_281 = arith.constant 0 : i32
    %dma_wait3A_282 = tpu.memref_slice %arg7[%dma_wait3A_280, %dma_wait3A_281] : memref<10240x128xf32, #tpu.memory_space<vmem_shared>> -> memref<32x128xf32, #tpu.memory_space<vmem_shared>>
    tpu.wait_dma2 semaphore(%arg14 : memref<!tpu.dma_semaphore, #tpu.memory_space<semaphore_mem>>) src(%arg11 : memref<32x128xf32, #tpu.memory_space<vmem>>) dst(%dma_wait3A_282 : memref<32x128xf32, #tpu.memory_space<vmem_shared>>)
    %dma_wait3A_283 = arith.constant 0 : i32
    %dma_wait3A_284 = arith.constant 0 : i32
    %dma_wait3A_285 = tpu.memref_slice %arg7[%dma_wait3A_283, %dma_wait3A_284] : memref<10240x128xf32, #tpu.memory_space<vmem_shared>> -> memref<32x128xf32, #tpu.memory_space<vmem_shared>>
    %dma_wait3A_286 = arith.constant 0 : i32
    %dma_wait3A_287 = arith.constant 0 : i32
    %dma_wait3A_288 = tpu.memref_slice %arg7[%dma_wait3A_286, %dma_wait3A_287] : memref<10240x128xf32, #tpu.memory_space<vmem_shared>> -> memref<32x128xf32, #tpu.memory_space<vmem_shared>>
    tpu.wait_dma2 semaphore(%arg14 : memref<!tpu.dma_semaphore, #tpu.memory_space<semaphore_mem>>) src(%arg11 : memref<32x128xf32, #tpu.memory_space<vmem>>) dst(%dma_wait3A_288 : memref<32x128xf32, #tpu.memory_space<vmem_shared>>)
    %dma_wait3A_289 = arith.constant 0 : i32
    %dma_wait3A_290 = arith.constant 0 : i32
    %dma_wait3A_291 = tpu.memref_slice %arg7[%dma_wait3A_289, %dma_wait3A_290] : memref<10240x128xf32, #tpu.memory_space<vmem_shared>> -> memref<32x128xf32, #tpu.memory_space<vmem_shared>>
    %dma_wait3A_292 = arith.constant 0 : i32
    %dma_wait3A_293 = arith.constant 0 : i32
    %dma_wait3A_294 = tpu.memref_slice %arg7[%dma_wait3A_292, %dma_wait3A_293] : memref<10240x128xf32, #tpu.memory_space<vmem_shared>> -> memref<32x128xf32, #tpu.memory_space<vmem_shared>>
    tpu.wait_dma2 semaphore(%arg14 : memref<!tpu.dma_semaphore, #tpu.memory_space<semaphore_mem>>) src(%arg11 : memref<32x128xf32, #tpu.memory_space<vmem>>) dst(%dma_wait3A_294 : memref<32x128xf32, #tpu.memory_space<vmem_shared>>)
    %dma_wait3A_295 = arith.constant 0 : i32
    %dma_wait3A_296 = arith.constant 0 : i32
    %dma_wait3A_297 = tpu.memref_slice %arg7[%dma_wait3A_295, %dma_wait3A_296] : memref<10240x128xf32, #tpu.memory_space<vmem_shared>> -> memref<32x128xf32, #tpu.memory_space<vmem_shared>>
    %dma_wait3A_298 = arith.constant 0 : i32
    %dma_wait3A_299 = arith.constant 0 : i32
    %dma_wait3A_300 = tpu.memref_slice %arg7[%dma_wait3A_298, %dma_wait3A_299] : memref<10240x128xf32, #tpu.memory_space<vmem_shared>> -> memref<32x128xf32, #tpu.memory_space<vmem_shared>>
    tpu.wait_dma2 semaphore(%arg14 : memref<!tpu.dma_semaphore, #tpu.memory_space<semaphore_mem>>) src(%arg11 : memref<32x128xf32, #tpu.memory_space<vmem>>) dst(%dma_wait3A_300 : memref<32x128xf32, #tpu.memory_space<vmem_shared>>)
    %barrier3A = arith.constant 0 : index
    tpu.barrier barrier_id(%barrier3A)
    %scan3A = arith.constant 0 : i32
    %scan3A_301 = arith.constant 0 : i32
    %scan3A_302 = arith.constant 20 : i32
    %scan3A_303 = arith.addi %scan3A_301, %scan3A_302 : i32
    %scan3A_304 = arith.constant 1 : i32
    scf.for %scan3A_343 = %scan3A_301 to %scan3A_303 step %scan3A_304  : i32 {
      %mul3A_344 = arith.constant 2 : i32
      %mul3A_345 = arith.muli %mul3A_344, %scan3A_343 : i32
      %dma_wait3A_346 = arith.constant 0 : i32
      %dma_wait3A_347 = arith.constant 0 : i32
      %dma_wait3A_348 = arith.constant 0 : i32
      %dma_wait3A_349 = tpu.memref_slice %arg10[%dma_wait3A_346, %dma_wait3A_347, %dma_wait3A_348] : memref<2x128x128xf32, #tpu.memory_space<vmem>> -> memref<1x128x128xf32, #tpu.memory_space<vmem>>
      %dma_wait3A_350 = tpu.memref_squeeze %dma_wait3A_349 : memref<1x128x128xf32, #tpu.memory_space<vmem>> -> memref<128x128xf32, #tpu.memory_space<vmem>>
      %dma_wait3A_351 = arith.constant 0 : i32
      %dma_wait3A_352 = tpu.memref_slice %arg8[%mul3A_345, %dma_wait3A_351] : memref<40x128xi32, #tpu.memory_space<vmem>> -> memref<1x128xi32, #tpu.memory_space<vmem>>
      %dma_wait3A_353 = tpu.memref_squeeze %dma_wait3A_352 : memref<1x128xi32, #tpu.memory_space<vmem>> -> memref<128xi32, #tpu.memory_space<vmem>>
      %dma_wait3A_354 = arith.constant 0 : i32
      %dma_wait3A_355 = arith.constant 0 : i32
      %dma_wait3A_356 = tpu.memref_slice %arg2[%dma_wait3A_354, %dma_wait3A_355] : memref<10000x128xf32, #tpu.memory_space<hbm>> -> memref<10000x128xf32, #tpu.memory_space<hbm>>
      tpu.wait_indirect_dma semaphore(%arg12 : memref<!tpu.dma_semaphore, #tpu.memory_space<semaphore_mem>>) src(%dma_wait3A_356 : memref<10000x128xf32, #tpu.memory_space<hbm>>) dst(%dma_wait3A_350 : memref<128x128xf32, #tpu.memory_space<vmem>>)
      %run_scoped3A_357 = arith.constant 0 : i32
      "tpu.region"() ({
        %run_scoped3A_385 = tpu.sem_alloc : memref<!tpu.dma_semaphore, #tpu.memory_space<semaphore_mem>>
        %dma_start3A_386 = arith.constant 0 : i32
        %dma_start3A_387 = arith.constant 0 : i32
        %dma_start3A_388 = tpu.memref_slice %arg10[%run_scoped3A_357, %dma_start3A_386, %dma_start3A_387] : memref<2x128x128xf32, #tpu.memory_space<vmem>> -> memref<1x128x128xf32, #tpu.memory_space<vmem>>
        %dma_start3A_389 = tpu.memref_squeeze %dma_start3A_388 : memref<1x128x128xf32, #tpu.memory_space<vmem>> -> memref<128x128xf32, #tpu.memory_space<vmem>>
        %dma_start3A_390 = arith.constant 0 : i32
        %dma_start3A_391 = tpu.memref_slice %arg9[%mul3A_345, %dma_start3A_390] : memref<40x128xi32, #tpu.memory_space<vmem>> -> memref<1x128xi32, #tpu.memory_space<vmem>>
        %dma_start3A_392 = tpu.memref_squeeze %dma_start3A_391 : memref<1x128xi32, #tpu.memory_space<vmem>> -> memref<128xi32, #tpu.memory_space<vmem>>
        %dma_start3A_393 = arith.constant 0 : i32
        %dma_start3A_394 = arith.constant 0 : i32
        %dma_start3A_395 = tpu.memref_slice %arg7[%dma_start3A_393, %dma_start3A_394] : memref<10240x128xf32, #tpu.memory_space<vmem_shared>> -> memref<10240x128xf32, #tpu.memory_space<vmem_shared>>
        tpu.enqueue_indirect_dma source(%dma_start3A_389 : memref<128x128xf32, #tpu.memory_space<vmem>>) target(%dma_start3A_395 : memref<10240x128xf32, #tpu.memory_space<vmem_shared>>) offsets(%dma_start3A_392 : memref<128xi32, #tpu.memory_space<vmem>>) semaphore(%run_scoped3A_385 : memref<!tpu.dma_semaphore, #tpu.memory_space<semaphore_mem>>) {add = true}
        %dma_wait3A_396 = arith.constant 0 : i32
        %dma_wait3A_397 = arith.constant 0 : i32
        %dma_wait3A_398 = tpu.memref_slice %arg10[%run_scoped3A_357, %dma_wait3A_396, %dma_wait3A_397] : memref<2x128x128xf32, #tpu.memory_space<vmem>> -> memref<1x128x128xf32, #tpu.memory_space<vmem>>
        %dma_wait3A_399 = tpu.memref_squeeze %dma_wait3A_398 : memref<1x128x128xf32, #tpu.memory_space<vmem>> -> memref<128x128xf32, #tpu.memory_space<vmem>>
        %dma_wait3A_400 = arith.constant 0 : i32
        %dma_wait3A_401 = tpu.memref_slice %arg9[%mul3A_345, %dma_wait3A_400] : memref<40x128xi32, #tpu.memory_space<vmem>> -> memref<1x128xi32, #tpu.memory_space<vmem>>
        %dma_wait3A_402 = tpu.memref_squeeze %dma_wait3A_401 : memref<1x128xi32, #tpu.memory_space<vmem>> -> memref<128xi32, #tpu.memory_space<vmem>>
        %dma_wait3A_403 = arith.constant 0 : i32
        %dma_wait3A_404 = arith.constant 0 : i32
        %dma_wait3A_405 = tpu.memref_slice %arg7[%dma_wait3A_403, %dma_wait3A_404] : memref<10240x128xf32, #tpu.memory_space<vmem_shared>> -> memref<10240x128xf32, #tpu.memory_space<vmem_shared>>
        tpu.wait_indirect_dma semaphore(%run_scoped3A_385 : memref<!tpu.dma_semaphore, #tpu.memory_space<semaphore_mem>>) src(%dma_wait3A_399 : memref<128x128xf32, #tpu.memory_space<vmem>>) dst(%dma_wait3A_405 : memref<10240x128xf32, #tpu.memory_space<vmem_shared>>)
        tpu.yield
      }) : () -> ()
      %add3A_358 = arith.constant 1 : i32
      %add3A_359 = arith.addi %scan3A_343, %add3A_358 : i32
      %lt3A = arith.constant 20 : i32
      %lt3A_360 = arith.cmpi slt, %add3A_359, %lt3A : i32
      %convert_element_type3A = arith.extui %lt3A_360 : i1 to i32
      %cond3A = arith.constant 0 : i32
      %cond3A_361 = arith.cmpi ne, %convert_element_type3A, %cond3A : i32
      scf.if %cond3A_361 {
        %add3A_385 = arith.constant 2 : i32
        %add3A_386 = arith.addi %mul3A_345, %add3A_385 : i32
        %dma_start3A_387 = arith.constant 0 : i32
        %dma_start3A_388 = arith.constant 0 : i32
        %dma_start3A_389 = arith.constant 0 : i32
        %dma_start3A_390 = tpu.memref_slice %arg10[%dma_start3A_387, %dma_start3A_388, %dma_start3A_389] : memref<2x128x128xf32, #tpu.memory_space<vmem>> -> memref<1x128x128xf32, #tpu.memory_space<vmem>>
        %dma_start3A_391 = tpu.memref_squeeze %dma_start3A_390 : memref<1x128x128xf32, #tpu.memory_space<vmem>> -> memref<128x128xf32, #tpu.memory_space<vmem>>
        %dma_start3A_392 = arith.constant 0 : i32
        %dma_start3A_393 = tpu.memref_slice %arg8[%add3A_386, %dma_start3A_392] : memref<40x128xi32, #tpu.memory_space<vmem>> -> memref<1x128xi32, #tpu.memory_space<vmem>>
        %dma_start3A_394 = tpu.memref_squeeze %dma_start3A_393 : memref<1x128xi32, #tpu.memory_space<vmem>> -> memref<128xi32, #tpu.memory_space<vmem>>
        %dma_start3A_395 = arith.constant 0 : i32
        %dma_start3A_396 = arith.constant 0 : i32
        %dma_start3A_397 = tpu.memref_slice %arg2[%dma_start3A_395, %dma_start3A_396] : memref<10000x128xf32, #tpu.memory_space<hbm>> -> memref<10000x128xf32, #tpu.memory_space<hbm>>
        tpu.enqueue_indirect_dma source(%dma_start3A_397 : memref<10000x128xf32, #tpu.memory_space<hbm>>) target(%dma_start3A_391 : memref<128x128xf32, #tpu.memory_space<vmem>>) offsets(%dma_start3A_394 : memref<128xi32, #tpu.memory_space<vmem>>) semaphore(%arg12 : memref<!tpu.dma_semaphore, #tpu.memory_space<semaphore_mem>>)
      } else {
      }
      %add3A_362 = arith.constant 1 : i32
      %add3A_363 = arith.addi %mul3A_345, %add3A_362 : i32
      %dma_wait3A_364 = arith.constant 1 : i32
      %dma_wait3A_365 = arith.constant 0 : i32
      %dma_wait3A_366 = arith.constant 0 : i32
      %dma_wait3A_367 = tpu.memref_slice %arg10[%dma_wait3A_364, %dma_wait3A_365, %dma_wait3A_366] : memref<2x128x128xf32, #tpu.memory_space<vmem>> -> memref<1x128x128xf32, #tpu.memory_space<vmem>>
      %dma_wait3A_368 = tpu.memref_squeeze %dma_wait3A_367 : memref<1x128x128xf32, #tpu.memory_space<vmem>> -> memref<128x128xf32, #tpu.memory_space<vmem>>
      %dma_wait3A_369 = arith.constant 0 : i32
      %dma_wait3A_370 = tpu.memref_slice %arg8[%add3A_363, %dma_wait3A_369] : memref<40x128xi32, #tpu.memory_space<vmem>> -> memref<1x128xi32, #tpu.memory_space<vmem>>
      %dma_wait3A_371 = tpu.memref_squeeze %dma_wait3A_370 : memref<1x128xi32, #tpu.memory_space<vmem>> -> memref<128xi32, #tpu.memory_space<vmem>>
      %dma_wait3A_372 = arith.constant 0 : i32
      %dma_wait3A_373 = arith.constant 0 : i32
      %dma_wait3A_374 = tpu.memref_slice %arg2[%dma_wait3A_372, %dma_wait3A_373] : memref<10000x128xf32, #tpu.memory_space<hbm>> -> memref<10000x128xf32, #tpu.memory_space<hbm>>
      tpu.wait_indirect_dma semaphore(%arg13 : memref<!tpu.dma_semaphore, #tpu.memory_space<semaphore_mem>>) src(%dma_wait3A_374 : memref<10000x128xf32, #tpu.memory_space<hbm>>) dst(%dma_wait3A_368 : memref<128x128xf32, #tpu.memory_space<vmem>>)
      %add3A_375 = arith.constant 1 : i32
      %add3A_376 = arith.addi %mul3A_345, %add3A_375 : i32
      %run_scoped3A_377 = arith.constant 1 : i32
      "tpu.region"() ({
        %run_scoped3A_385 = tpu.sem_alloc : memref<!tpu.dma_semaphore, #tpu.memory_space<semaphore_mem>>
        %dma_start3A_386 = arith.constant 0 : i32
        %dma_start3A_387 = arith.constant 0 : i32
        %dma_start3A_388 = tpu.memref_slice %arg10[%run_scoped3A_377, %dma_start3A_386, %dma_start3A_387] : memref<2x128x128xf32, #tpu.memory_space<vmem>> -> memref<1x128x128xf32, #tpu.memory_space<vmem>>
        %dma_start3A_389 = tpu.memref_squeeze %dma_start3A_388 : memref<1x128x128xf32, #tpu.memory_space<vmem>> -> memref<128x128xf32, #tpu.memory_space<vmem>>
        %dma_start3A_390 = arith.constant 0 : i32
        %dma_start3A_391 = tpu.memref_slice %arg9[%add3A_376, %dma_start3A_390] : memref<40x128xi32, #tpu.memory_space<vmem>> -> memref<1x128xi32, #tpu.memory_space<vmem>>
        %dma_start3A_392 = tpu.memref_squeeze %dma_start3A_391 : memref<1x128xi32, #tpu.memory_space<vmem>> -> memref<128xi32, #tpu.memory_space<vmem>>
        %dma_start3A_393 = arith.constant 0 : i32
        %dma_start3A_394 = arith.constant 0 : i32
        %dma_start3A_395 = tpu.memref_slice %arg7[%dma_start3A_393, %dma_start3A_394] : memref<10240x128xf32, #tpu.memory_space<vmem_shared>> -> memref<10240x128xf32, #tpu.memory_space<vmem_shared>>
        tpu.enqueue_indirect_dma source(%dma_start3A_389 : memref<128x128xf32, #tpu.memory_space<vmem>>) target(%dma_start3A_395 : memref<10240x128xf32, #tpu.memory_space<vmem_shared>>) offsets(%dma_start3A_392 : memref<128xi32, #tpu.memory_space<vmem>>) semaphore(%run_scoped3A_385 : memref<!tpu.dma_semaphore, #tpu.memory_space<semaphore_mem>>) {add = true}
        %dma_wait3A_396 = arith.constant 0 : i32
        %dma_wait3A_397 = arith.constant 0 : i32
        %dma_wait3A_398 = tpu.memref_slice %arg10[%run_scoped3A_377, %dma_wait3A_396, %dma_wait3A_397] : memref<2x128x128xf32, #tpu.memory_space<vmem>> -> memref<1x128x128xf32, #tpu.memory_space<vmem>>
        %dma_wait3A_399 = tpu.memref_squeeze %dma_wait3A_398 : memref<1x128x128xf32, #tpu.memory_space<vmem>> -> memref<128x128xf32, #tpu.memory_space<vmem>>
        %dma_wait3A_400 = arith.constant 0 : i32
        %dma_wait3A_401 = tpu.memref_slice %arg9[%add3A_376, %dma_wait3A_400] : memref<40x128xi32, #tpu.memory_space<vmem>> -> memref<1x128xi32, #tpu.memory_space<vmem>>
        %dma_wait3A_402 = tpu.memref_squeeze %dma_wait3A_401 : memref<1x128xi32, #tpu.memory_space<vmem>> -> memref<128xi32, #tpu.memory_space<vmem>>
        %dma_wait3A_403 = arith.constant 0 : i32
        %dma_wait3A_404 = arith.constant 0 : i32
        %dma_wait3A_405 = tpu.memref_slice %arg7[%dma_wait3A_403, %dma_wait3A_404] : memref<10240x128xf32, #tpu.memory_space<vmem_shared>> -> memref<10240x128xf32, #tpu.memory_space<vmem_shared>>
        tpu.wait_indirect_dma semaphore(%run_scoped3A_385 : memref<!tpu.dma_semaphore, #tpu.memory_space<semaphore_mem>>) src(%dma_wait3A_399 : memref<128x128xf32, #tpu.memory_space<vmem>>) dst(%dma_wait3A_405 : memref<10240x128xf32, #tpu.memory_space<vmem_shared>>)
        tpu.yield
      }) : () -> ()
      %add3A_378 = arith.constant 1 : i32
      %add3A_379 = arith.addi %scan3A_343, %add3A_378 : i32
      %lt3A_380 = arith.constant 20 : i32
      %lt3A_381 = arith.cmpi slt, %add3A_379, %lt3A_380 : i32
      %convert_element_type3A_382 = arith.extui %lt3A_381 : i1 to i32
      %cond3A_383 = arith.constant 0 : i32
      %cond3A_384 = arith.cmpi ne, %convert_element_type3A_382, %cond3A_383 : i32
      scf.if %cond3A_384 {
        %add3A_385 = arith.constant 3 : i32
        %add3A_386 = arith.addi %mul3A_345, %add3A_385 : i32
        %dma_start3A_387 = arith.constant 1 : i32
        %dma_start3A_388 = arith.constant 0 : i32
        %dma_start3A_389 = arith.constant 0 : i32
        %dma_start3A_390 = tpu.memref_slice %arg10[%dma_start3A_387, %dma_start3A_388, %dma_start3A_389] : memref<2x128x128xf32, #tpu.memory_space<vmem>> -> memref<1x128x128xf32, #tpu.memory_space<vmem>>
        %dma_start3A_391 = tpu.memref_squeeze %dma_start3A_390 : memref<1x128x128xf32, #tpu.memory_space<vmem>> -> memref<128x128xf32, #tpu.memory_space<vmem>>
        %dma_start3A_392 = arith.constant 0 : i32
        %dma_start3A_393 = tpu.memref_slice %arg8[%add3A_386, %dma_start3A_392] : memref<40x128xi32, #tpu.memory_space<vmem>> -> memref<1x128xi32, #tpu.memory_space<vmem>>
        %dma_start3A_394 = tpu.memref_squeeze %dma_start3A_393 : memref<1x128xi32, #tpu.memory_space<vmem>> -> memref<128xi32, #tpu.memory_space<vmem>>
        %dma_start3A_395 = arith.constant 0 : i32
        %dma_start3A_396 = arith.constant 0 : i32
        %dma_start3A_397 = tpu.memref_slice %arg2[%dma_start3A_395, %dma_start3A_396] : memref<10000x128xf32, #tpu.memory_space<hbm>> -> memref<10000x128xf32, #tpu.memory_space<hbm>>
        tpu.enqueue_indirect_dma source(%dma_start3A_397 : memref<10000x128xf32, #tpu.memory_space<hbm>>) target(%dma_start3A_391 : memref<128x128xf32, #tpu.memory_space<vmem>>) offsets(%dma_start3A_394 : memref<128xi32, #tpu.memory_space<vmem>>) semaphore(%arg13 : memref<!tpu.dma_semaphore, #tpu.memory_space<semaphore_mem>>)
      } else {
      }
    }
    %scan3A_305 = arith.constant 20 : i32
    %run_scoped3A_306 = arith.constant 1 : i32
    "tpu.region"() ({
      %run_scoped3A_343 = tpu.sem_alloc : memref<!tpu.dma_semaphore, #tpu.memory_space<semaphore_mem>>
      %dma_start3A_344 = arith.constant 0 : i32
      %dma_start3A_345 = arith.constant 0 : i32
      %dma_start3A_346 = tpu.memref_slice %arg3[%arg0, %arg1, %run_scoped3A_306, %dma_start3A_344, %dma_start3A_345] : memref<2x16x2x40x128xi32, #tpu.memory_space<hbm>> -> memref<1x1x1x40x128xi32, #tpu.memory_space<hbm>>
      %dma_start3A_347 = tpu.memref_squeeze %dma_start3A_346 : memref<1x1x1x40x128xi32, #tpu.memory_space<hbm>> -> memref<40x128xi32, #tpu.memory_space<hbm>>
      %dma_start3A_348 = arith.constant 0 : i32
      %dma_start3A_349 = arith.constant 0 : i32
      %dma_start3A_350 = tpu.memref_slice %arg3[%arg0, %arg1, %run_scoped3A_306, %dma_start3A_348, %dma_start3A_349] : memref<2x16x2x40x128xi32, #tpu.memory_space<hbm>> -> memref<1x1x1x40x128xi32, #tpu.memory_space<hbm>>
      %dma_start3A_351 = tpu.memref_squeeze %dma_start3A_350 : memref<1x1x1x40x128xi32, #tpu.memory_space<hbm>> -> memref<40x128xi32, #tpu.memory_space<hbm>>
      tpu.enqueue_dma source(%dma_start3A_351 : memref<40x128xi32, #tpu.memory_space<hbm>>) target(%arg8 : memref<40x128xi32, #tpu.memory_space<vmem>>) target_semaphore(%run_scoped3A_343 : memref<!tpu.dma_semaphore, #tpu.memory_space<semaphore_mem>>)
      %dma_wait3A_352 = arith.constant 0 : i32
      %dma_wait3A_353 = arith.constant 0 : i32
      %dma_wait3A_354 = tpu.memref_slice %arg3[%arg0, %arg1, %run_scoped3A_306, %dma_wait3A_352, %dma_wait3A_353] : memref<2x16x2x40x128xi32, #tpu.memory_space<hbm>> -> memref<1x1x1x40x128xi32, #tpu.memory_space<hbm>>
      %dma_wait3A_355 = tpu.memref_squeeze %dma_wait3A_354 : memref<1x1x1x40x128xi32, #tpu.memory_space<hbm>> -> memref<40x128xi32, #tpu.memory_space<hbm>>
      %dma_wait3A_356 = arith.constant 0 : i32
      %dma_wait3A_357 = arith.constant 0 : i32
      %dma_wait3A_358 = tpu.memref_slice %arg3[%arg0, %arg1, %run_scoped3A_306, %dma_wait3A_356, %dma_wait3A_357] : memref<2x16x2x40x128xi32, #tpu.memory_space<hbm>> -> memref<1x1x1x40x128xi32, #tpu.memory_space<hbm>>
      %dma_wait3A_359 = tpu.memref_squeeze %dma_wait3A_358 : memref<1x1x1x40x128xi32, #tpu.memory_space<hbm>> -> memref<40x128xi32, #tpu.memory_space<hbm>>
      tpu.wait_dma2 semaphore(%run_scoped3A_343 : memref<!tpu.dma_semaphore, #tpu.memory_space<semaphore_mem>>) src(%dma_wait3A_359 : memref<40x128xi32, #tpu.memory_space<hbm>>) dst(%arg8 : memref<40x128xi32, #tpu.memory_space<vmem>>)
      tpu.yield
    }) : () -> ()
    %run_scoped3A_307 = arith.constant 1 : i32
    "tpu.region"() ({
      %run_scoped3A_343 = tpu.sem_alloc : memref<!tpu.dma_semaphore, #tpu.memory_space<semaphore_mem>>
      %dma_start3A_344 = arith.constant 0 : i32
      %dma_start3A_345 = arith.constant 0 : i32
      %dma_start3A_346 = tpu.memref_slice %arg4[%arg0, %arg1, %run_scoped3A_307, %dma_start3A_344, %dma_start3A_345] : memref<2x16x2x40x128xi32, #tpu.memory_space<hbm>> -> memref<1x1x1x40x128xi32, #tpu.memory_space<hbm>>
      %dma_start3A_347 = tpu.memref_squeeze %dma_start3A_346 : memref<1x1x1x40x128xi32, #tpu.memory_space<hbm>> -> memref<40x128xi32, #tpu.memory_space<hbm>>
      %dma_start3A_348 = arith.constant 0 : i32
      %dma_start3A_349 = arith.constant 0 : i32
      %dma_start3A_350 = tpu.memref_slice %arg4[%arg0, %arg1, %run_scoped3A_307, %dma_start3A_348, %dma_start3A_349] : memref<2x16x2x40x128xi32, #tpu.memory_space<hbm>> -> memref<1x1x1x40x128xi32, #tpu.memory_space<hbm>>
      %dma_start3A_351 = tpu.memref_squeeze %dma_start3A_350 : memref<1x1x1x40x128xi32, #tpu.memory_space<hbm>> -> memref<40x128xi32, #tpu.memory_space<hbm>>
      tpu.enqueue_dma source(%dma_start3A_351 : memref<40x128xi32, #tpu.memory_space<hbm>>) target(%arg9 : memref<40x128xi32, #tpu.memory_space<vmem>>) target_semaphore(%run_scoped3A_343 : memref<!tpu.dma_semaphore, #tpu.memory_space<semaphore_mem>>)
      %dma_wait3A_352 = arith.constant 0 : i32
      %dma_wait3A_353 = arith.constant 0 : i32
      %dma_wait3A_354 = tpu.memref_slice %arg4[%arg0, %arg1, %run_scoped3A_307, %dma_wait3A_352, %dma_wait3A_353] : memref<2x16x2x40x128xi32, #tpu.memory_space<hbm>> -> memref<1x1x1x40x128xi32, #tpu.memory_space<hbm>>
      %dma_wait3A_355 = tpu.memref_squeeze %dma_wait3A_354 : memref<1x1x1x40x128xi32, #tpu.memory_space<hbm>> -> memref<40x128xi32, #tpu.memory_space<hbm>>
      %dma_wait3A_356 = arith.constant 0 : i32
      %dma_wait3A_357 = arith.constant 0 : i32
      %dma_wait3A_358 = tpu.memref_slice %arg4[%arg0, %arg1, %run_scoped3A_307, %dma_wait3A_356, %dma_wait3A_357] : memref<2x16x2x40x128xi32, #tpu.memory_space<hbm>> -> memref<1x1x1x40x128xi32, #tpu.memory_space<hbm>>
      %dma_wait3A_359 = tpu.memref_squeeze %dma_wait3A_358 : memref<1x1x1x40x128xi32, #tpu.memory_space<hbm>> -> memref<40x128xi32, #tpu.memory_space<hbm>>
      tpu.wait_dma2 semaphore(%run_scoped3A_343 : memref<!tpu.dma_semaphore, #tpu.memory_space<semaphore_mem>>) src(%dma_wait3A_359 : memref<40x128xi32, #tpu.memory_space<hbm>>) dst(%arg9 : memref<40x128xi32, #tpu.memory_space<vmem>>)
      tpu.yield
    }) : () -> ()
    %dma_start3A_308 = arith.constant 0 : i32
    %dma_start3A_309 = arith.constant 0 : i32
    %dma_start3A_310 = arith.constant 0 : i32
    %dma_start3A_311 = arith.constant 0 : i32
    %dma_start3A_312 = tpu.memref_slice %arg10[%dma_start3A_309, %dma_start3A_310, %dma_start3A_311] : memref<2x128x128xf32, #tpu.memory_space<vmem>> -> memref<1x128x128xf32, #tpu.memory_space<vmem>>
    %dma_start3A_313 = tpu.memref_squeeze %dma_start3A_312 : memref<1x128x128xf32, #tpu.memory_space<vmem>> -> memref<128x128xf32, #tpu.memory_space<vmem>>
    %dma_start3A_314 = arith.constant 0 : i32
    %dma_start3A_315 = tpu.memref_slice %arg8[%dma_start3A_308, %dma_start3A_314] : memref<40x128xi32, #tpu.memory_space<vmem>> -> memref<1x128xi32, #tpu.memory_space<vmem>>
    %dma_start3A_316 = tpu.memref_squeeze %dma_start3A_315 : memref<1x128xi32, #tpu.memory_space<vmem>> -> memref<128xi32, #tpu.memory_space<vmem>>
    %dma_start3A_317 = arith.constant 0 : i32
    %dma_start3A_318 = arith.constant 0 : i32
    %dma_start3A_319 = tpu.memref_slice %arg2[%dma_start3A_317, %dma_start3A_318] : memref<10000x128xf32, #tpu.memory_space<hbm>> -> memref<10000x128xf32, #tpu.memory_space<hbm>>
    tpu.enqueue_indirect_dma source(%dma_start3A_319 : memref<10000x128xf32, #tpu.memory_space<hbm>>) target(%dma_start3A_313 : memref<128x128xf32, #tpu.memory_space<vmem>>) offsets(%dma_start3A_316 : memref<128xi32, #tpu.memory_space<vmem>>) semaphore(%arg12 : memref<!tpu.dma_semaphore, #tpu.memory_space<semaphore_mem>>)
    %dma_start3A_320 = arith.constant 1 : i32
    %dma_start3A_321 = arith.constant 1 : i32
    %dma_start3A_322 = arith.constant 0 : i32
    %dma_start3A_323 = arith.constant 0 : i32
    %dma_start3A_324 = tpu.memref_slice %arg10[%dma_start3A_321, %dma_start3A_322, %dma_start3A_323] : memref<2x128x128xf32, #tpu.memory_space<vmem>> -> memref<1x128x128xf32, #tpu.memory_space<vmem>>
    %dma_start3A_325 = tpu.memref_squeeze %dma_start3A_324 : memref<1x128x128xf32, #tpu.memory_space<vmem>> -> memref<128x128xf32, #tpu.memory_space<vmem>>
    %dma_start3A_326 = arith.constant 0 : i32
    %dma_start3A_327 = tpu.memref_slice %arg8[%dma_start3A_320, %dma_start3A_326] : memref<40x128xi32, #tpu.memory_space<vmem>> -> memref<1x128xi32, #tpu.memory_space<vmem>>
    %dma_start3A_328 = tpu.memref_squeeze %dma_start3A_327 : memref<1x128xi32, #tpu.memory_space<vmem>> -> memref<128xi32, #tpu.memory_space<vmem>>
    %dma_start3A_329 = arith.constant 0 : i32
    %dma_start3A_330 = arith.constant 0 : i32
    %dma_start3A_331 = tpu.memref_slice %arg2[%dma_start3A_329, %dma_start3A_330] : memref<10000x128xf32, #tpu.memory_space<hbm>> -> memref<10000x128xf32, #tpu.memory_space<hbm>>
    tpu.enqueue_indirect_dma source(%dma_start3A_331 : memref<10000x128xf32, #tpu.memory_space<hbm>>) target(%dma_start3A_325 : memref<128x128xf32, #tpu.memory_space<vmem>>) offsets(%dma_start3A_328 : memref<128xi32, #tpu.memory_space<vmem>>) semaphore(%arg13 : memref<!tpu.dma_semaphore, #tpu.memory_space<semaphore_mem>>)
    %scan3A_332 = arith.constant 0 : i32
    %scan3A_333 = arith.constant 0 : i32
    %scan3A_334 = arith.constant 20 : i32
    %scan3A_335 = arith.addi %scan3A_333, %scan3A_334 : i32
    %scan3A_336 = arith.constant 1 : i32
    scf.for %scan3A_343 = %scan3A_333 to %scan3A_335 step %scan3A_336  : i32 {
      %mul3A_344 = arith.constant 2 : i32
      %mul3A_345 = arith.muli %mul3A_344, %scan3A_343 : i32
      %dma_wait3A_346 = arith.constant 0 : i32
      %dma_wait3A_347 = arith.constant 0 : i32
      %dma_wait3A_348 = arith.constant 0 : i32
      %dma_wait3A_349 = tpu.memref_slice %arg10[%dma_wait3A_346, %dma_wait3A_347, %dma_wait3A_348] : memref<2x128x128xf32, #tpu.memory_space<vmem>> -> memref<1x128x128xf32, #tpu.memory_space<vmem>>
      %dma_wait3A_350 = tpu.memref_squeeze %dma_wait3A_349 : memref<1x128x128xf32, #tpu.memory_space<vmem>> -> memref<128x128xf32, #tpu.memory_space<vmem>>
      %dma_wait3A_351 = arith.constant 0 : i32
      %dma_wait3A_352 = tpu.memref_slice %arg8[%mul3A_345, %dma_wait3A_351] : memref<40x128xi32, #tpu.memory_space<vmem>> -> memref<1x128xi32, #tpu.memory_space<vmem>>
      %dma_wait3A_353 = tpu.memref_squeeze %dma_wait3A_352 : memref<1x128xi32, #tpu.memory_space<vmem>> -> memref<128xi32, #tpu.memory_space<vmem>>
      %dma_wait3A_354 = arith.constant 0 : i32
      %dma_wait3A_355 = arith.constant 0 : i32
      %dma_wait3A_356 = tpu.memref_slice %arg2[%dma_wait3A_354, %dma_wait3A_355] : memref<10000x128xf32, #tpu.memory_space<hbm>> -> memref<10000x128xf32, #tpu.memory_space<hbm>>
      tpu.wait_indirect_dma semaphore(%arg12 : memref<!tpu.dma_semaphore, #tpu.memory_space<semaphore_mem>>) src(%dma_wait3A_356 : memref<10000x128xf32, #tpu.memory_space<hbm>>) dst(%dma_wait3A_350 : memref<128x128xf32, #tpu.memory_space<vmem>>)
      %run_scoped3A_357 = arith.constant 0 : i32
      "tpu.region"() ({
        %run_scoped3A_385 = tpu.sem_alloc : memref<!tpu.dma_semaphore, #tpu.memory_space<semaphore_mem>>
        %dma_start3A_386 = arith.constant 0 : i32
        %dma_start3A_387 = arith.constant 0 : i32
        %dma_start3A_388 = tpu.memref_slice %arg10[%run_scoped3A_357, %dma_start3A_386, %dma_start3A_387] : memref<2x128x128xf32, #tpu.memory_space<vmem>> -> memref<1x128x128xf32, #tpu.memory_space<vmem>>
        %dma_start3A_389 = tpu.memref_squeeze %dma_start3A_388 : memref<1x128x128xf32, #tpu.memory_space<vmem>> -> memref<128x128xf32, #tpu.memory_space<vmem>>
        %dma_start3A_390 = arith.constant 0 : i32
        %dma_start3A_391 = tpu.memref_slice %arg9[%mul3A_345, %dma_start3A_390] : memref<40x128xi32, #tpu.memory_space<vmem>> -> memref<1x128xi32, #tpu.memory_space<vmem>>
        %dma_start3A_392 = tpu.memref_squeeze %dma_start3A_391 : memref<1x128xi32, #tpu.memory_space<vmem>> -> memref<128xi32, #tpu.memory_space<vmem>>
        %dma_start3A_393 = arith.constant 0 : i32
        %dma_start3A_394 = arith.constant 0 : i32
        %dma_start3A_395 = tpu.memref_slice %arg7[%dma_start3A_393, %dma_start3A_394] : memref<10240x128xf32, #tpu.memory_space<vmem_shared>> -> memref<10240x128xf32, #tpu.memory_space<vmem_shared>>
        tpu.enqueue_indirect_dma source(%dma_start3A_389 : memref<128x128xf32, #tpu.memory_space<vmem>>) target(%dma_start3A_395 : memref<10240x128xf32, #tpu.memory_space<vmem_shared>>) offsets(%dma_start3A_392 : memref<128xi32, #tpu.memory_space<vmem>>) semaphore(%run_scoped3A_385 : memref<!tpu.dma_semaphore, #tpu.memory_space<semaphore_mem>>) {add = true}
        %dma_wait3A_396 = arith.constant 0 : i32
        %dma_wait3A_397 = arith.constant 0 : i32
        %dma_wait3A_398 = tpu.memref_slice %arg10[%run_scoped3A_357, %dma_wait3A_396, %dma_wait3A_397] : memref<2x128x128xf32, #tpu.memory_space<vmem>> -> memref<1x128x128xf32, #tpu.memory_space<vmem>>
        %dma_wait3A_399 = tpu.memref_squeeze %dma_wait3A_398 : memref<1x128x128xf32, #tpu.memory_space<vmem>> -> memref<128x128xf32, #tpu.memory_space<vmem>>
        %dma_wait3A_400 = arith.constant 0 : i32
        %dma_wait3A_401 = tpu.memref_slice %arg9[%mul3A_345, %dma_wait3A_400] : memref<40x128xi32, #tpu.memory_space<vmem>> -> memref<1x128xi32, #tpu.memory_space<vmem>>
        %dma_wait3A_402 = tpu.memref_squeeze %dma_wait3A_401 : memref<1x128xi32, #tpu.memory_space<vmem>> -> memref<128xi32, #tpu.memory_space<vmem>>
        %dma_wait3A_403 = arith.constant 0 : i32
        %dma_wait3A_404 = arith.constant 0 : i32
        %dma_wait3A_405 = tpu.memref_slice %arg7[%dma_wait3A_403, %dma_wait3A_404] : memref<10240x128xf32, #tpu.memory_space<vmem_shared>> -> memref<10240x128xf32, #tpu.memory_space<vmem_shared>>
        tpu.wait_indirect_dma semaphore(%run_scoped3A_385 : memref<!tpu.dma_semaphore, #tpu.memory_space<semaphore_mem>>) src(%dma_wait3A_399 : memref<128x128xf32, #tpu.memory_space<vmem>>) dst(%dma_wait3A_405 : memref<10240x128xf32, #tpu.memory_space<vmem_shared>>)
        tpu.yield
      }) : () -> ()
      %add3A_358 = arith.constant 1 : i32
      %add3A_359 = arith.addi %scan3A_343, %add3A_358 : i32
      %lt3A = arith.constant 20 : i32
      %lt3A_360 = arith.cmpi slt, %add3A_359, %lt3A : i32
      %convert_element_type3A = arith.extui %lt3A_360 : i1 to i32
      %cond3A = arith.constant 0 : i32
      %cond3A_361 = arith.cmpi ne, %convert_element_type3A, %cond3A : i32
      scf.if %cond3A_361 {
        %add3A_385 = arith.constant 2 : i32
        %add3A_386 = arith.addi %mul3A_345, %add3A_385 : i32
        %dma_start3A_387 = arith.constant 0 : i32
        %dma_start3A_388 = arith.constant 0 : i32
        %dma_start3A_389 = arith.constant 0 : i32
        %dma_start3A_390 = tpu.memref_slice %arg10[%dma_start3A_387, %dma_start3A_388, %dma_start3A_389] : memref<2x128x128xf32, #tpu.memory_space<vmem>> -> memref<1x128x128xf32, #tpu.memory_space<vmem>>
        %dma_start3A_391 = tpu.memref_squeeze %dma_start3A_390 : memref<1x128x128xf32, #tpu.memory_space<vmem>> -> memref<128x128xf32, #tpu.memory_space<vmem>>
        %dma_start3A_392 = arith.constant 0 : i32
        %dma_start3A_393 = tpu.memref_slice %arg8[%add3A_386, %dma_start3A_392] : memref<40x128xi32, #tpu.memory_space<vmem>> -> memref<1x128xi32, #tpu.memory_space<vmem>>
        %dma_start3A_394 = tpu.memref_squeeze %dma_start3A_393 : memref<1x128xi32, #tpu.memory_space<vmem>> -> memref<128xi32, #tpu.memory_space<vmem>>
        %dma_start3A_395 = arith.constant 0 : i32
        %dma_start3A_396 = arith.constant 0 : i32
        %dma_start3A_397 = tpu.memref_slice %arg2[%dma_start3A_395, %dma_start3A_396] : memref<10000x128xf32, #tpu.memory_space<hbm>> -> memref<10000x128xf32, #tpu.memory_space<hbm>>
        tpu.enqueue_indirect_dma source(%dma_start3A_397 : memref<10000x128xf32, #tpu.memory_space<hbm>>) target(%dma_start3A_391 : memref<128x128xf32, #tpu.memory_space<vmem>>) offsets(%dma_start3A_394 : memref<128xi32, #tpu.memory_space<vmem>>) semaphore(%arg12 : memref<!tpu.dma_semaphore, #tpu.memory_space<semaphore_mem>>)
      } else {
      }
      %add3A_362 = arith.constant 1 : i32
      %add3A_363 = arith.addi %mul3A_345, %add3A_362 : i32
      %dma_wait3A_364 = arith.constant 1 : i32
      %dma_wait3A_365 = arith.constant 0 : i32
      %dma_wait3A_366 = arith.constant 0 : i32
      %dma_wait3A_367 = tpu.memref_slice %arg10[%dma_wait3A_364, %dma_wait3A_365, %dma_wait3A_366] : memref<2x128x128xf32, #tpu.memory_space<vmem>> -> memref<1x128x128xf32, #tpu.memory_space<vmem>>
      %dma_wait3A_368 = tpu.memref_squeeze %dma_wait3A_367 : memref<1x128x128xf32, #tpu.memory_space<vmem>> -> memref<128x128xf32, #tpu.memory_space<vmem>>
      %dma_wait3A_369 = arith.constant 0 : i32
      %dma_wait3A_370 = tpu.memref_slice %arg8[%add3A_363, %dma_wait3A_369] : memref<40x128xi32, #tpu.memory_space<vmem>> -> memref<1x128xi32, #tpu.memory_space<vmem>>
      %dma_wait3A_371 = tpu.memref_squeeze %dma_wait3A_370 : memref<1x128xi32, #tpu.memory_space<vmem>> -> memref<128xi32, #tpu.memory_space<vmem>>
      %dma_wait3A_372 = arith.constant 0 : i32
      %dma_wait3A_373 = arith.constant 0 : i32
      %dma_wait3A_374 = tpu.memref_slice %arg2[%dma_wait3A_372, %dma_wait3A_373] : memref<10000x128xf32, #tpu.memory_space<hbm>> -> memref<10000x128xf32, #tpu.memory_space<hbm>>
      tpu.wait_indirect_dma semaphore(%arg13 : memref<!tpu.dma_semaphore, #tpu.memory_space<semaphore_mem>>) src(%dma_wait3A_374 : memref<10000x128xf32, #tpu.memory_space<hbm>>) dst(%dma_wait3A_368 : memref<128x128xf32, #tpu.memory_space<vmem>>)
      %add3A_375 = arith.constant 1 : i32
      %add3A_376 = arith.addi %mul3A_345, %add3A_375 : i32
      %run_scoped3A_377 = arith.constant 1 : i32
      "tpu.region"() ({
        %run_scoped3A_385 = tpu.sem_alloc : memref<!tpu.dma_semaphore, #tpu.memory_space<semaphore_mem>>
        %dma_start3A_386 = arith.constant 0 : i32
        %dma_start3A_387 = arith.constant 0 : i32
        %dma_start3A_388 = tpu.memref_slice %arg10[%run_scoped3A_377, %dma_start3A_386, %dma_start3A_387] : memref<2x128x128xf32, #tpu.memory_space<vmem>> -> memref<1x128x128xf32, #tpu.memory_space<vmem>>
        %dma_start3A_389 = tpu.memref_squeeze %dma_start3A_388 : memref<1x128x128xf32, #tpu.memory_space<vmem>> -> memref<128x128xf32, #tpu.memory_space<vmem>>
        %dma_start3A_390 = arith.constant 0 : i32
        %dma_start3A_391 = tpu.memref_slice %arg9[%add3A_376, %dma_start3A_390] : memref<40x128xi32, #tpu.memory_space<vmem>> -> memref<1x128xi32, #tpu.memory_space<vmem>>
        %dma_start3A_392 = tpu.memref_squeeze %dma_start3A_391 : memref<1x128xi32, #tpu.memory_space<vmem>> -> memref<128xi32, #tpu.memory_space<vmem>>
        %dma_start3A_393 = arith.constant 0 : i32
        %dma_start3A_394 = arith.constant 0 : i32
        %dma_start3A_395 = tpu.memref_slice %arg7[%dma_start3A_393, %dma_start3A_394] : memref<10240x128xf32, #tpu.memory_space<vmem_shared>> -> memref<10240x128xf32, #tpu.memory_space<vmem_shared>>
        tpu.enqueue_indirect_dma source(%dma_start3A_389 : memref<128x128xf32, #tpu.memory_space<vmem>>) target(%dma_start3A_395 : memref<10240x128xf32, #tpu.memory_space<vmem_shared>>) offsets(%dma_start3A_392 : memref<128xi32, #tpu.memory_space<vmem>>) semaphore(%run_scoped3A_385 : memref<!tpu.dma_semaphore, #tpu.memory_space<semaphore_mem>>) {add = true}
        %dma_wait3A_396 = arith.constant 0 : i32
        %dma_wait3A_397 = arith.constant 0 : i32
        %dma_wait3A_398 = tpu.memref_slice %arg10[%run_scoped3A_377, %dma_wait3A_396, %dma_wait3A_397] : memref<2x128x128xf32, #tpu.memory_space<vmem>> -> memref<1x128x128xf32, #tpu.memory_space<vmem>>
        %dma_wait3A_399 = tpu.memref_squeeze %dma_wait3A_398 : memref<1x128x128xf32, #tpu.memory_space<vmem>> -> memref<128x128xf32, #tpu.memory_space<vmem>>
        %dma_wait3A_400 = arith.constant 0 : i32
        %dma_wait3A_401 = tpu.memref_slice %arg9[%add3A_376, %dma_wait3A_400] : memref<40x128xi32, #tpu.memory_space<vmem>> -> memref<1x128xi32, #tpu.memory_space<vmem>>
        %dma_wait3A_402 = tpu.memref_squeeze %dma_wait3A_401 : memref<1x128xi32, #tpu.memory_space<vmem>> -> memref<128xi32, #tpu.memory_space<vmem>>
        %dma_wait3A_403 = arith.constant 0 : i32
        %dma_wait3A_404 = arith.constant 0 : i32
        %dma_wait3A_405 = tpu.memref_slice %arg7[%dma_wait3A_403, %dma_wait3A_404] : memref<10240x128xf32, #tpu.memory_space<vmem_shared>> -> memref<10240x128xf32, #tpu.memory_space<vmem_shared>>
        tpu.wait_indirect_dma semaphore(%run_scoped3A_385 : memref<!tpu.dma_semaphore, #tpu.memory_space<semaphore_mem>>) src(%dma_wait3A_399 : memref<128x128xf32, #tpu.memory_space<vmem>>) dst(%dma_wait3A_405 : memref<10240x128xf32, #tpu.memory_space<vmem_shared>>)
        tpu.yield
      }) : () -> ()
      %add3A_378 = arith.constant 1 : i32
      %add3A_379 = arith.addi %scan3A_343, %add3A_378 : i32
      %lt3A_380 = arith.constant 20 : i32
      %lt3A_381 = arith.cmpi slt, %add3A_379, %lt3A_380 : i32
      %convert_element_type3A_382 = arith.extui %lt3A_381 : i1 to i32
      %cond3A_383 = arith.constant 0 : i32
      %cond3A_384 = arith.cmpi ne, %convert_element_type3A_382, %cond3A_383 : i32
      scf.if %cond3A_384 {
        %add3A_385 = arith.constant 3 : i32
        %add3A_386 = arith.addi %mul3A_345, %add3A_385 : i32
        %dma_start3A_387 = arith.constant 1 : i32
        %dma_start3A_388 = arith.constant 0 : i32
        %dma_start3A_389 = arith.constant 0 : i32
        %dma_start3A_390 = tpu.memref_slice %arg10[%dma_start3A_387, %dma_start3A_388, %dma_start3A_389] : memref<2x128x128xf32, #tpu.memory_space<vmem>> -> memref<1x128x128xf32, #tpu.memory_space<vmem>>
        %dma_start3A_391 = tpu.memref_squeeze %dma_start3A_390 : memref<1x128x128xf32, #tpu.memory_space<vmem>> -> memref<128x128xf32, #tpu.memory_space<vmem>>
        %dma_start3A_392 = arith.constant 0 : i32
        %dma_start3A_393 = tpu.memref_slice %arg8[%add3A_386, %dma_start3A_392] : memref<40x128xi32, #tpu.memory_space<vmem>> -> memref<1x128xi32, #tpu.memory_space<vmem>>
        %dma_start3A_394 = tpu.memref_squeeze %dma_start3A_393 : memref<1x128xi32, #tpu.memory_space<vmem>> -> memref<128xi32, #tpu.memory_space<vmem>>
        %dma_start3A_395 = arith.constant 0 : i32
        %dma_start3A_396 = arith.constant 0 : i32
        %dma_start3A_397 = tpu.memref_slice %arg2[%dma_start3A_395, %dma_start3A_396] : memref<10000x128xf32, #tpu.memory_space<hbm>> -> memref<10000x128xf32, #tpu.memory_space<hbm>>
        tpu.enqueue_indirect_dma source(%dma_start3A_397 : memref<10000x128xf32, #tpu.memory_space<hbm>>) target(%dma_start3A_391 : memref<128x128xf32, #tpu.memory_space<vmem>>) offsets(%dma_start3A_394 : memref<128xi32, #tpu.memory_space<vmem>>) semaphore(%arg13 : memref<!tpu.dma_semaphore, #tpu.memory_space<semaphore_mem>>)
      } else {
      }
    }
    %scan3A_337 = arith.constant 20 : i32
    %barrier3A_338 = arith.constant 0 : index
    tpu.barrier barrier_id(%barrier3A_338)
    %mul3A_339 = arith.constant 640 : i32
    %mul3A_340 = arith.muli %arg1, %mul3A_339 : i32
    %mul3A_341 = arith.constant 640 : i32
    %mul3A_342 = arith.muli %arg1, %mul3A_341 : i32
    "tpu.region"() ({
      %run_scoped3A_343 = tpu.sem_alloc : memref<!tpu.dma_semaphore, #tpu.memory_space<semaphore_mem>>
      %dma_start3A_344 = arith.constant 0 : i32
      %dma_start3A_345 = tpu.memref_slice %arg6[%arg0, %mul3A_342, %dma_start3A_344] : memref<2x10240x128xf32, #tpu.memory_space<hbm>> -> memref<1x640x128xf32, #tpu.memory_space<hbm>>
      %dma_start3A_346 = tpu.memref_squeeze %dma_start3A_345 : memref<1x640x128xf32, #tpu.memory_space<hbm>> -> memref<640x128xf32, #tpu.memory_space<hbm>>
      %dma_start3A_347 = arith.constant 0 : i32
      %dma_start3A_348 = tpu.memref_slice %arg7[%mul3A_340, %dma_start3A_347] : memref<10240x128xf32, #tpu.memory_space<vmem_shared>> -> memref<640x128xf32, #tpu.memory_space<vmem_shared>>
      tpu.enqueue_dma source(%dma_start3A_348 : memref<640x128xf32, #tpu.memory_space<vmem_shared>>) target(%dma_start3A_346 : memref<640x128xf32, #tpu.memory_space<hbm>>) target_semaphore(%run_scoped3A_343 : memref<!tpu.dma_semaphore, #tpu.memory_space<semaphore_mem>>)
      %dma_wait3A_349 = arith.constant 0 : i32
      %dma_wait3A_350 = tpu.memref_slice %arg6[%arg0, %mul3A_342, %dma_wait3A_349] : memref<2x10240x128xf32, #tpu.memory_space<hbm>> -> memref<1x640x128xf32, #tpu.memory_space<hbm>>
      %dma_wait3A_351 = tpu.memref_squeeze %dma_wait3A_350 : memref<1x640x128xf32, #tpu.memory_space<hbm>> -> memref<640x128xf32, #tpu.memory_space<hbm>>
      %dma_wait3A_352 = arith.constant 0 : i32
      %dma_wait3A_353 = tpu.memref_slice %arg7[%mul3A_340, %dma_wait3A_352] : memref<10240x128xf32, #tpu.memory_space<vmem_shared>> -> memref<640x128xf32, #tpu.memory_space<vmem_shared>>
      tpu.wait_dma2 semaphore(%run_scoped3A_343 : memref<!tpu.dma_semaphore, #tpu.memory_space<semaphore_mem>>) src(%dma_wait3A_353 : memref<640x128xf32, #tpu.memory_space<vmem_shared>>) dst(%dma_wait3A_351 : memref<640x128xf32, #tpu.memory_space<hbm>>)
      tpu.yield
    }) : () -> ()
    return
  }
}

module attributes {stable_mosaic.version = 14 : i64} {
  func.func @body(%arg0: memref<10000x128xf32, #tpu.memory_space<vmem>>, %arg1: memref<128x128xf32, #tpu.memory_space<vmem>>, %arg2: memref<10000x128xf32, #tpu.memory_space<vmem>>) attributes {dimension_semantics = [], scalar_prefetch = 0 : i64, scratch_operands = 0 : i64, tpu.core_type = #tpu.core_type<tc>} {
    %get3A = arith.constant 0 : index
    %get3A_0 = arith.constant 0 : index
    %get3A_1 = vector.load %arg0[%get3A, %get3A_0] : memref<10000x128xf32, #tpu.memory_space<vmem>>, vector<10000x128xf32>
    %get3A_2 = arith.constant 0 : index
    %get3A_3 = arith.constant 0 : index
    %get3A_4 = vector.load %arg1[%get3A_2, %get3A_3] : memref<128x128xf32, #tpu.memory_space<vmem>>, vector<128x128xf32>
    %dot_general3A = arith.constant dense<0.000000e+00> : vector<10000x128xf32>
    %dot_general3A_5 = tpu.matmul %get3A_1, %get3A_4, %dot_general3A {dimension_numbers = #tpu.dot_dimension_numbers<[1], [0], [0], [1], [0, 0, 1, 1], [], []>, transpose_lhs_hint = false} : vector<10000x128xf32>, vector<128x128xf32>, vector<10000x128xf32> -> vector<10000x128xf32>
    %swap3A = arith.constant 0 : index
    %swap3A_6 = arith.constant 0 : index
    %swap3A_7 = vector.load %arg2[%swap3A, %swap3A_6] : memref<10000x128xf32, #tpu.memory_space<vmem>>, vector<10000x128xf32>
    tpu.vector_store %arg2[%swap3A, %swap3A_6], %dot_general3A_5 {strides = array<i32>} : memref<10000x128xf32, #tpu.memory_space<vmem>>, vector<10000x128xf32>,
    return
  }
}

module attributes {stable_mosaic.version = 14 : i64} {
  func.func @body(%arg0: memref<32x10240xf32, #tpu.memory_space<vmem>>, %arg1: memref<10000x128xf32, #tpu.memory_space<vmem>>, %arg2: memref<10000x128xf32, #tpu.memory_space<vmem>>, %arg3: memref<10000x1xf32, #tpu.memory_space<vmem>>) attributes {dimension_semantics = [], scalar_prefetch = 0 : i64, scratch_operands = 0 : i64, tpu.core_type = #tpu.core_type<tc>} {
    %get3A = arith.constant 0 : index
    %get3A_0 = arith.constant 0 : index
    %get3A_1 = vector.load %arg0[%get3A, %get3A_0] : memref<32x10240xf32, #tpu.memory_space<vmem>>, vector<32x10240xf32>
    %reduce_sum3A = arith.constant dense<0.000000e+00> : vector<10240xf32>
    %reduce_sum3A_2 = vector.multi_reduction <add>, %get3A_1, %reduce_sum3A [0] : vector<32x10240xf32> to vector<10240xf32>
    %slice3A = vector.extract_strided_slice %reduce_sum3A_2 {offsets = [0], sizes = [10000], strides = [1]} : vector<10240xf32> to vector<10000xf32>
    %broadcast_in_dim3A = vector.shape_cast %slice3A : vector<10000xf32> to vector<10000x1xf32>
    %add3A = arith.constant 1.000000e+00 : f32
    %add3A_3 = vector.broadcast %add3A : f32 to vector<10000x1xf32>
    %add3A_4 = arith.addf %broadcast_in_dim3A, %add3A_3 : vector<10000x1xf32>
    %max3A = arith.constant 1.000000e+00 : f32
    %max3A_5 = vector.broadcast %max3A : f32 to vector<10000x1xf32>
    %max3A_6 = arith.maximumf %add3A_4, %max3A_5 : vector<10000x1xf32>
    %rsqrt3A = math.rsqrt %max3A_6 : vector<10000x1xf32>
    %swap3A = arith.constant 0 : index
    %swap3A_7 = arith.constant 0 : index
    %swap3A_8 = vector.load %arg3[%swap3A, %swap3A_7] : memref<10000x1xf32, #tpu.memory_space<vmem>>, vector<10000x1xf32>
    tpu.vector_store %arg3[%swap3A, %swap3A_7], %rsqrt3A {strides = array<i32>} : memref<10000x1xf32, #tpu.memory_space<vmem>>, vector<10000x1xf32>,
    %get3A_9 = arith.constant 0 : index
    %get3A_10 = arith.constant 0 : index
    %get3A_11 = vector.load %arg1[%get3A_9, %get3A_10] : memref<10000x128xf32, #tpu.memory_space<vmem>>, vector<10000x128xf32>
    %mul3A = vector.broadcast %rsqrt3A : vector<10000x1xf32> to vector<10000x128xf32>
    %mul3A_12 = arith.mulf %get3A_11, %mul3A : vector<10000x128xf32>
    %swap3A_13 = arith.constant 0 : index
    %swap3A_14 = arith.constant 0 : index
    %swap3A_15 = vector.load %arg2[%swap3A_13, %swap3A_14] : memref<10000x128xf32, #tpu.memory_space<vmem>>, vector<10000x128xf32>
    tpu.vector_store %arg2[%swap3A_13, %swap3A_14], %mul3A_12 {strides = array<i32>} : memref<10000x128xf32, #tpu.memory_space<vmem>>, vector<10000x128xf32>,
    return
  }
}

module attributes {stable_mosaic.version = 14 : i64} {
  func.func @body(%arg0: memref<2x10240x128xf32, #tpu.memory_space<vmem>>, %arg1: memref<10000x128xf32, #tpu.memory_space<vmem>>, %arg2: memref<10000x1xf32, #tpu.memory_space<vmem>>, %arg3: memref<1x128xf32, #tpu.memory_space<vmem>>, %arg4: memref<1x128xf32, #tpu.memory_space<vmem>>, %arg5: memref<1x128xf32, #tpu.memory_space<vmem>>, %arg6: memref<128x128xf32, #tpu.memory_space<vmem>>, %arg7: memref<10000x128xf32, #tpu.memory_space<vmem>>, %arg8: memref<10000x128xf32, #tpu.memory_space<vmem>>) attributes {dimension_semantics = [], scalar_prefetch = 0 : i64, scratch_operands = 0 : i64, tpu.core_type = #tpu.core_type<tc>} {
    %get3A = arith.constant 0 : index
    %get3A_0 = arith.constant 0 : index
    %get3A_1 = vector.load %arg2[%get3A, %get3A_0] : memref<10000x1xf32, #tpu.memory_space<vmem>>, vector<10000x1xf32>
    %get3A_2 = arith.constant 0 : index
    %get3A_3 = arith.constant 0 : index
    %get3A_4 = arith.constant 0 : index
    %get3A_5 = vector.load %arg0[%get3A_2, %get3A_3, %get3A_4] : memref<2x10240x128xf32, #tpu.memory_space<vmem>>, vector<1x10000x128xf32>
    %get3A_6 = vector.shape_cast %get3A_5 : vector<1x10000x128xf32> to vector<10000x128xf32>
    %get3A_7 = arith.constant 1 : index
    %get3A_8 = arith.constant 0 : index
    %get3A_9 = arith.constant 0 : index
    %get3A_10 = vector.load %arg0[%get3A_7, %get3A_8, %get3A_9] : memref<2x10240x128xf32, #tpu.memory_space<vmem>>, vector<1x10000x128xf32>
    %get3A_11 = vector.shape_cast %get3A_10 : vector<1x10000x128xf32> to vector<10000x128xf32>
    %add3A = arith.addf %get3A_6, %get3A_11 : vector<10000x128xf32>
    %get3A_12 = arith.constant 0 : index
    %get3A_13 = arith.constant 0 : index
    %get3A_14 = vector.load %arg1[%get3A_12, %get3A_13] : memref<10000x128xf32, #tpu.memory_space<vmem>>, vector<10000x128xf32>
    %add3A_15 = arith.addf %add3A, %get3A_14 : vector<10000x128xf32>
    %mul3A = vector.broadcast %get3A_1 : vector<10000x1xf32> to vector<10000x128xf32>
    %mul3A_16 = arith.mulf %add3A_15, %mul3A : vector<10000x128xf32>
    %get3A_17 = arith.constant 0 : index
    %get3A_18 = arith.constant 0 : index
    %get3A_19 = vector.load %arg3[%get3A_17, %get3A_18] : memref<1x128xf32, #tpu.memory_space<vmem>>, vector<1x128xf32>
    %add3A_20 = vector.broadcast %get3A_19 : vector<1x128xf32> to vector<10000x128xf32>
    %add3A_21 = arith.addf %mul3A_16, %add3A_20 : vector<10000x128xf32>
    %reduce_sum3A = arith.constant dense<0.000000e+00> : vector<128xf32>
    %reduce_sum3A_22 = vector.multi_reduction <add>, %add3A_21, %reduce_sum3A [0] : vector<10000x128xf32> to vector<128xf32>
    %broadcast_in_dim3A = vector.shape_cast %reduce_sum3A_22 : vector<128xf32> to vector<1x128xf32>
    %div3A = arith.constant 1.000000e+04 : f32
    %div3A_23 = vector.broadcast %div3A : f32 to vector<1x128xf32>
    %div3A_24 = arith.divf %broadcast_in_dim3A, %div3A_23 : vector<1x128xf32>
    %sub3A = vector.broadcast %div3A_24 : vector<1x128xf32> to vector<10000x128xf32>
    %sub3A_25 = arith.subf %add3A_21, %sub3A : vector<10000x128xf32>
    %integer_pow3A = arith.mulf %sub3A_25, %sub3A_25 : vector<10000x128xf32>
    %reduce_sum3A_26 = arith.constant dense<0.000000e+00> : vector<128xf32>
    %reduce_sum3A_27 = vector.multi_reduction <add>, %integer_pow3A, %reduce_sum3A_26 [0] : vector<10000x128xf32> to vector<128xf32>
    %broadcast_in_dim3A_28 = vector.shape_cast %reduce_sum3A_27 : vector<128xf32> to vector<1x128xf32>
    %div3A_29 = arith.constant 1.000000e+04 : f32
    %div3A_30 = vector.broadcast %div3A_29 : f32 to vector<1x128xf32>
    %div3A_31 = arith.divf %broadcast_in_dim3A_28, %div3A_30 : vector<1x128xf32>
    %sub3A_32 = vector.broadcast %div3A_24 : vector<1x128xf32> to vector<10000x128xf32>
    %sub3A_33 = arith.subf %add3A_21, %sub3A_32 : vector<10000x128xf32>
    %add3A_34 = arith.constant 9.99999974E-6 : f32
    %add3A_35 = vector.broadcast %add3A_34 : f32 to vector<1x128xf32>
    %add3A_36 = arith.addf %div3A_31, %add3A_35 : vector<1x128xf32>
    %rsqrt3A = math.rsqrt %add3A_36 : vector<1x128xf32>
    %mul3A_37 = vector.broadcast %rsqrt3A : vector<1x128xf32> to vector<10000x128xf32>
    %mul3A_38 = arith.mulf %sub3A_33, %mul3A_37 : vector<10000x128xf32>
    %get3A_39 = arith.constant 0 : index
    %get3A_40 = arith.constant 0 : index
    %get3A_41 = vector.load %arg4[%get3A_39, %get3A_40] : memref<1x128xf32, #tpu.memory_space<vmem>>, vector<1x128xf32>
    %mul3A_42 = vector.broadcast %get3A_41 : vector<1x128xf32> to vector<10000x128xf32>
    %mul3A_43 = arith.mulf %mul3A_38, %mul3A_42 : vector<10000x128xf32>
    %get3A_44 = arith.constant 0 : index
    %get3A_45 = arith.constant 0 : index
    %get3A_46 = vector.load %arg5[%get3A_44, %get3A_45] : memref<1x128xf32, #tpu.memory_space<vmem>>, vector<1x128xf32>
    %add3A_47 = vector.broadcast %get3A_46 : vector<1x128xf32> to vector<10000x128xf32>
    %add3A_48 = arith.addf %mul3A_43, %add3A_47 : vector<10000x128xf32>
    %max3A = arith.constant 0.000000e+00 : f32
    %max3A_49 = vector.broadcast %max3A : f32 to vector<10000x128xf32>
    %max3A_50 = arith.maximumf %add3A_48, %max3A_49 : vector<10000x128xf32>
    %swap3A = arith.constant 0 : index
    %swap3A_51 = arith.constant 0 : index
    %swap3A_52 = vector.load %arg8[%swap3A, %swap3A_51] : memref<10000x128xf32, #tpu.memory_space<vmem>>, vector<10000x128xf32>
    tpu.vector_store %arg8[%swap3A, %swap3A_51], %max3A_50 {strides = array<i32>} : memref<10000x128xf32, #tpu.memory_space<vmem>>, vector<10000x128xf32>,
    %mul3A_53 = vector.broadcast %get3A_1 : vector<10000x1xf32> to vector<10000x128xf32>
    %mul3A_54 = arith.mulf %max3A_50, %mul3A_53 : vector<10000x128xf32>
    %get3A_55 = arith.constant 0 : index
    %get3A_56 = arith.constant 0 : index
    %get3A_57 = vector.load %arg6[%get3A_55, %get3A_56] : memref<128x128xf32, #tpu.memory_space<vmem>>, vector<128x128xf32>
    %dot_general3A = arith.constant dense<0.000000e+00> : vector<10000x128xf32>
    %dot_general3A_58 = tpu.matmul %mul3A_54, %get3A_57, %dot_general3A {dimension_numbers = #tpu.dot_dimension_numbers<[1], [0], [0], [1], [0, 0, 1, 1], [], []>, transpose_lhs_hint = false} : vector<10000x128xf32>, vector<128x128xf32>, vector<10000x128xf32> -> vector<10000x128xf32>
    %swap3A_59 = arith.constant 0 : index
    %swap3A_60 = arith.constant 0 : index
    %swap3A_61 = vector.load %arg7[%swap3A_59, %swap3A_60] : memref<10000x128xf32, #tpu.memory_space<vmem>>, vector<10000x128xf32>
    tpu.vector_store %arg7[%swap3A_59, %swap3A_60], %dot_general3A_58 {strides = array<i32>} : memref<10000x128xf32, #tpu.memory_space<vmem>>, vector<10000x128xf32>,
    return
  }
}

module attributes {stable_mosaic.version = 14 : i64} {
  func.func @body(%arg0: memref<2x10240x128xf32, #tpu.memory_space<vmem>>, %arg1: memref<10000x128xf32, #tpu.memory_space<vmem>>, %arg2: memref<10000x1xf32, #tpu.memory_space<vmem>>, %arg3: memref<1x128xf32, #tpu.memory_space<vmem>>, %arg4: memref<1x128xf32, #tpu.memory_space<vmem>>, %arg5: memref<1x128xf32, #tpu.memory_space<vmem>>, %arg6: memref<128x128xf32, #tpu.memory_space<vmem>>, %arg7: memref<10000x128xf32, #tpu.memory_space<vmem>>, %arg8: memref<10000x128xf32, #tpu.memory_space<vmem>>) attributes {dimension_semantics = [], scalar_prefetch = 0 : i64, scratch_operands = 0 : i64, tpu.core_type = #tpu.core_type<tc>} {
    %get3A = arith.constant 0 : index
    %get3A_0 = arith.constant 0 : index
    %get3A_1 = vector.load %arg2[%get3A, %get3A_0] : memref<10000x1xf32, #tpu.memory_space<vmem>>, vector<10000x1xf32>
    %get3A_2 = arith.constant 0 : index
    %get3A_3 = arith.constant 0 : index
    %get3A_4 = arith.constant 0 : index
    %get3A_5 = vector.load %arg0[%get3A_2, %get3A_3, %get3A_4] : memref<2x10240x128xf32, #tpu.memory_space<vmem>>, vector<1x10000x128xf32>
    %get3A_6 = vector.shape_cast %get3A_5 : vector<1x10000x128xf32> to vector<10000x128xf32>
    %get3A_7 = arith.constant 1 : index
    %get3A_8 = arith.constant 0 : index
    %get3A_9 = arith.constant 0 : index
    %get3A_10 = vector.load %arg0[%get3A_7, %get3A_8, %get3A_9] : memref<2x10240x128xf32, #tpu.memory_space<vmem>>, vector<1x10000x128xf32>
    %get3A_11 = vector.shape_cast %get3A_10 : vector<1x10000x128xf32> to vector<10000x128xf32>
    %add3A = arith.addf %get3A_6, %get3A_11 : vector<10000x128xf32>
    %get3A_12 = arith.constant 0 : index
    %get3A_13 = arith.constant 0 : index
    %get3A_14 = vector.load %arg1[%get3A_12, %get3A_13] : memref<10000x128xf32, #tpu.memory_space<vmem>>, vector<10000x128xf32>
    %add3A_15 = arith.addf %add3A, %get3A_14 : vector<10000x128xf32>
    %mul3A = vector.broadcast %get3A_1 : vector<10000x1xf32> to vector<10000x128xf32>
    %mul3A_16 = arith.mulf %add3A_15, %mul3A : vector<10000x128xf32>
    %get3A_17 = arith.constant 0 : index
    %get3A_18 = arith.constant 0 : index
    %get3A_19 = vector.load %arg3[%get3A_17, %get3A_18] : memref<1x128xf32, #tpu.memory_space<vmem>>, vector<1x128xf32>
    %add3A_20 = vector.broadcast %get3A_19 : vector<1x128xf32> to vector<10000x128xf32>
    %add3A_21 = arith.addf %mul3A_16, %add3A_20 : vector<10000x128xf32>
    %reduce_sum3A = arith.constant dense<0.000000e+00> : vector<128xf32>
    %reduce_sum3A_22 = vector.multi_reduction <add>, %add3A_21, %reduce_sum3A [0] : vector<10000x128xf32> to vector<128xf32>
    %broadcast_in_dim3A = vector.shape_cast %reduce_sum3A_22 : vector<128xf32> to vector<1x128xf32>
    %div3A = arith.constant 1.000000e+04 : f32
    %div3A_23 = vector.broadcast %div3A : f32 to vector<1x128xf32>
    %div3A_24 = arith.divf %broadcast_in_dim3A, %div3A_23 : vector<1x128xf32>
    %sub3A = vector.broadcast %div3A_24 : vector<1x128xf32> to vector<10000x128xf32>
    %sub3A_25 = arith.subf %add3A_21, %sub3A : vector<10000x128xf32>
    %integer_pow3A = arith.mulf %sub3A_25, %sub3A_25 : vector<10000x128xf32>
    %reduce_sum3A_26 = arith.constant dense<0.000000e+00> : vector<128xf32>
    %reduce_sum3A_27 = vector.multi_reduction <add>, %integer_pow3A, %reduce_sum3A_26 [0] : vector<10000x128xf32> to vector<128xf32>
    %broadcast_in_dim3A_28 = vector.shape_cast %reduce_sum3A_27 : vector<128xf32> to vector<1x128xf32>
    %div3A_29 = arith.constant 1.000000e+04 : f32
    %div3A_30 = vector.broadcast %div3A_29 : f32 to vector<1x128xf32>
    %div3A_31 = arith.divf %broadcast_in_dim3A_28, %div3A_30 : vector<1x128xf32>
    %sub3A_32 = vector.broadcast %div3A_24 : vector<1x128xf32> to vector<10000x128xf32>
    %sub3A_33 = arith.subf %add3A_21, %sub3A_32 : vector<10000x128xf32>
    %add3A_34 = arith.constant 9.99999974E-6 : f32
    %add3A_35 = vector.broadcast %add3A_34 : f32 to vector<1x128xf32>
    %add3A_36 = arith.addf %div3A_31, %add3A_35 : vector<1x128xf32>
    %rsqrt3A = math.rsqrt %add3A_36 : vector<1x128xf32>
    %mul3A_37 = vector.broadcast %rsqrt3A : vector<1x128xf32> to vector<10000x128xf32>
    %mul3A_38 = arith.mulf %sub3A_33, %mul3A_37 : vector<10000x128xf32>
    %get3A_39 = arith.constant 0 : index
    %get3A_40 = arith.constant 0 : index
    %get3A_41 = vector.load %arg4[%get3A_39, %get3A_40] : memref<1x128xf32, #tpu.memory_space<vmem>>, vector<1x128xf32>
    %mul3A_42 = vector.broadcast %get3A_41 : vector<1x128xf32> to vector<10000x128xf32>
    %mul3A_43 = arith.mulf %mul3A_38, %mul3A_42 : vector<10000x128xf32>
    %get3A_44 = arith.constant 0 : index
    %get3A_45 = arith.constant 0 : index
    %get3A_46 = vector.load %arg5[%get3A_44, %get3A_45] : memref<1x128xf32, #tpu.memory_space<vmem>>, vector<1x128xf32>
    %add3A_47 = vector.broadcast %get3A_46 : vector<1x128xf32> to vector<10000x128xf32>
    %add3A_48 = arith.addf %mul3A_43, %add3A_47 : vector<10000x128xf32>
    %max3A = arith.constant 0.000000e+00 : f32
    %max3A_49 = vector.broadcast %max3A : f32 to vector<10000x128xf32>
    %max3A_50 = arith.maximumf %add3A_48, %max3A_49 : vector<10000x128xf32>
    %swap3A = arith.constant 0 : index
    %swap3A_51 = arith.constant 0 : index
    %swap3A_52 = vector.load %arg8[%swap3A, %swap3A_51] : memref<10000x128xf32, #tpu.memory_space<vmem>>, vector<10000x128xf32>
    tpu.vector_store %arg8[%swap3A, %swap3A_51], %max3A_50 {strides = array<i32>} : memref<10000x128xf32, #tpu.memory_space<vmem>>, vector<10000x128xf32>,
    %mul3A_53 = vector.broadcast %get3A_1 : vector<10000x1xf32> to vector<10000x128xf32>
    %mul3A_54 = arith.mulf %max3A_50, %mul3A_53 : vector<10000x128xf32>
    %get3A_55 = arith.constant 0 : index
    %get3A_56 = arith.constant 0 : index
    %get3A_57 = vector.load %arg6[%get3A_55, %get3A_56] : memref<128x128xf32, #tpu.memory_space<vmem>>, vector<128x128xf32>
    %dot_general3A = arith.constant dense<0.000000e+00> : vector<10000x128xf32>
    %dot_general3A_58 = tpu.matmul %mul3A_54, %get3A_57, %dot_general3A {dimension_numbers = #tpu.dot_dimension_numbers<[1], [0], [0], [1], [0, 0, 1, 1], [], []>, transpose_lhs_hint = false} : vector<10000x128xf32>, vector<128x128xf32>, vector<10000x128xf32> -> vector<10000x128xf32>
    %swap3A_59 = arith.constant 0 : index
    %swap3A_60 = arith.constant 0 : index
    %swap3A_61 = vector.load %arg7[%swap3A_59, %swap3A_60] : memref<10000x128xf32, #tpu.memory_space<vmem>>, vector<10000x128xf32>
    tpu.vector_store %arg7[%swap3A_59, %swap3A_60], %dot_general3A_58 {strides = array<i32>} : memref<10000x128xf32, #tpu.memory_space<vmem>>, vector<10000x128xf32>,
    return
  }
}

module attributes {stable_mosaic.version = 14 : i64} {
  func.func @body(%arg0: memref<2x10240x128xf32, #tpu.memory_space<vmem>>, %arg1: memref<10000x128xf32, #tpu.memory_space<vmem>>, %arg2: memref<10000x1xf32, #tpu.memory_space<vmem>>, %arg3: memref<1x128xf32, #tpu.memory_space<vmem>>, %arg4: memref<10000x128xf32, #tpu.memory_space<vmem>>) attributes {dimension_semantics = [], scalar_prefetch = 0 : i64, scratch_operands = 0 : i64, tpu.core_type = #tpu.core_type<tc>} {
    %get3A = arith.constant 0 : index
    %get3A_0 = arith.constant 0 : index
    %get3A_1 = arith.constant 0 : index
    %get3A_2 = vector.load %arg0[%get3A, %get3A_0, %get3A_1] : memref<2x10240x128xf32, #tpu.memory_space<vmem>>, vector<1x10000x128xf32>
    %get3A_3 = vector.shape_cast %get3A_2 : vector<1x10000x128xf32> to vector<10000x128xf32>
    %get3A_4 = arith.constant 1 : index
    %get3A_5 = arith.constant 0 : index
    %get3A_6 = arith.constant 0 : index
    %get3A_7 = vector.load %arg0[%get3A_4, %get3A_5, %get3A_6] : memref<2x10240x128xf32, #tpu.memory_space<vmem>>, vector<1x10000x128xf32>
    %get3A_8 = vector.shape_cast %get3A_7 : vector<1x10000x128xf32> to vector<10000x128xf32>
    %add3A = arith.addf %get3A_3, %get3A_8 : vector<10000x128xf32>
    %get3A_9 = arith.constant 0 : index
    %get3A_10 = arith.constant 0 : index
    %get3A_11 = vector.load %arg1[%get3A_9, %get3A_10] : memref<10000x128xf32, #tpu.memory_space<vmem>>, vector<10000x128xf32>
    %add3A_12 = arith.addf %add3A, %get3A_11 : vector<10000x128xf32>
    %get3A_13 = arith.constant 0 : index
    %get3A_14 = arith.constant 0 : index
    %get3A_15 = vector.load %arg2[%get3A_13, %get3A_14] : memref<10000x1xf32, #tpu.memory_space<vmem>>, vector<10000x1xf32>
    %mul3A = vector.broadcast %get3A_15 : vector<10000x1xf32> to vector<10000x128xf32>
    %mul3A_16 = arith.mulf %add3A_12, %mul3A : vector<10000x128xf32>
    %get3A_17 = arith.constant 0 : index
    %get3A_18 = arith.constant 0 : index
    %get3A_19 = vector.load %arg3[%get3A_17, %get3A_18] : memref<1x128xf32, #tpu.memory_space<vmem>>, vector<1x128xf32>
    %add3A_20 = vector.broadcast %get3A_19 : vector<1x128xf32> to vector<10000x128xf32>
    %add3A_21 = arith.addf %mul3A_16, %add3A_20 : vector<10000x128xf32>
    %swap3A = arith.constant 0 : index
    %swap3A_22 = arith.constant 0 : index
    %swap3A_23 = vector.load %arg4[%swap3A, %swap3A_22] : memref<10000x128xf32, #tpu.memory_space<vmem>>, vector<10000x128xf32>
    tpu.vector_store %arg4[%swap3A, %swap3A_22], %add3A_21 {strides = array<i32>} : memref<10000x128xf32, #tpu.memory_space<vmem>>, vector<10000x128xf32>,
    return
  }
}

</mosaic_0001>

<sc_bundles>
// kernel: kernel.11.cloned.1.call-start
scs
__scs_entry_jumppad:
0x0: {  	(pc) =	sbr.rel $0x88, $3  }
0x1: {  	(tag) =	ssettag $0x0;
	lr =	simm.s32 $0x1  }
0x2: {  	[smem:$0x3F95] =	sst lr;
	_ =	strace $0xD0000000  }
0x3: {  	_ = 	snop  }
0x4: {  	_ = 	snop  }
0x5: {  	_ = 	snop  }
0x6: {  	_ = 	snop  }
0x7: {  	_ = 	snop  }
__scs_overlays_trampoline_lowered:
0x8: {  	[smem:$0x3FA4] =	sst s0  }
0x9: {  	[smem:$0x3FA5] =	sst s1  }
0xa: {  	[smem:$0x3FA6] =	sst s2  }
0xb: {  	[smem:$0x3FA7] =	sst s3  }
0xc: {  	[smem:$0x3FA8] =	sst s4  }
0xd: {  	[smem:$0x3FA9] =	sst s5  }
0xe: {  	[smem:$0x3FAA] =	sst s6  }
0xf: {  	[smem:$0x3FAB] =	sst s7  }
0x10: {  	[smem:$0x3FAC] =	sst s8  }
0x11: {  	[smem:$0x3FAD] =	sst s9;
	s0 =	simm.s32 @!p0 $0x0  }
0x12: {  	s1 =	sld [smem:$0x3F93];
	s0 =	simm.s32 @p0 $0x1  }
0x13: {  	[smem:$0x3FAE] =	sst s0;
	s0 =	simm.s32 @!p1 $0x0  }
0x14: {  	s2 =	sld [smem:$0x3F92];
	s0 =	simm.s32 @p1 $0x1  }
0x15: {  	[smem:$0x3FAF] =	sst s0;
	s0 =	simm.s32 @!p2 $0x0  }
0x16: {  	s3 =	sld [smem:$0x3FDB];
	s0 =	simm.s32 @p2 $0x1  }
0x17: {  	s4 =	simm.s32 $0x1BF5;
	[smem:$0x3FB1] =	sst s0  }
0x18: {  	s0 =	sld [smem:$0x3F94];
	_ =	swait.ge [sflag:s4], $0x0  }
0x19: {  	s7 =	sld [smem:$0x3F95]  }
0x1a: {  	s8 =	sadd.s32 $0xFFFFE003, lr  }
0x1b: {  	s9 =	sadd.s32 $0xFFFFFEF7, lr;
	s5 =	simm.s32 $0xFFFFFFFF;
	p2 =	slt.u32 s8, $0xFFFFF086  }
0x1c: {  	p1 =	slt.u32 s9, $0xF7A;
	s5 =	simm.s32 @!p2 $0x0  }
0x1d: {  	s5 =	simm.s32 @p1 $0x1;
	p0 =	seq.s32 s7, s2  }
0x1e: {  	s7 =	smul.u32 @!p0 $0xF7A, s2;
	p2 =	seq.s32 @!p0 s5, $0x0  }
0x1f: {  	s9 =	smul.u32 $0xF7A, s1;
	s8 =	simm.s32 @!p0 $0x1BF5;
	p2 =	por !p2, p0  }
0x20: {  	[sflag:s8] =	ssyncset.s32 @!p0 $0xFFFFF086;
	s6 =	sadd.s32 @!p0 s3, s7;
	s7 =	simm.s32 @!p0 $0x108  }
0x21: {  	s3 =	sadd.s32 s3, s9;
	s6 =	sadd.s32 @!p0 $0x88, s6;
	s7 =	simm.s32 @p2 $0x1082  }
0x22: {  	[simem:s7], [sflag:s8] =	dma.local @!p0 [hbm:s6], $0xF7A  }
0x23: {  	s9 =	sor.u32 $0xD0000000, s2;
	s6 =	simm.s32 $0x108;
	_ =	swait.ge @!p0 [sflag:s8], $0x0  }
0x24: {  	s3 =	sadd.s32 $0x88, s3;
	s6 =	simm.s32 @!p1 $0x1082;
	[sflag:s4] =	ssyncset.s32 $0xFFFFF086  }
0x25: {  	[simem:s6], [sflag:s4] =	dma.local [hbm:s3], $0xF7A  }
0x26: {  	[smem:$0x3F95] =	sst s1;
	(tag) =	ssettag s2;
	_ =	strace s9  }
0x27: {  	s1 =	sld [smem:$0x3FA5]  }
0x28: {  	s2 =	sld [smem:$0x3FA6]  }
0x29: {  	s4 =	sld [smem:$0x3FA8]  }
0x2a: {  	p0 =	seq.s32 s5, $0x0;
	s5 =	sld [smem:$0x3FA9]  }
0x2b: {  	s6 =	sld [smem:$0x3FAA]  }
0x2c: {  	s7 =	sld [smem:$0x3FAB]  }
0x2d: {  	s3 =	simm.s32 $0x108;
	s8 =	sld [smem:$0x3FAC]  }
0x2e: {  	s3 =	simm.s32 @!p0 $0x1082;
	s9 =	sld [smem:$0x3FAD]  }
0x2f: {  	lr =	sadd.s32 s0, s3;
	s0 =	sld [smem:$0x3FA4]  }
0x30: {  	s3 =	sld [smem:$0x3FA7]  }
0x31: {  	[smem:$0x3FB0] =	sst s10  }
0x32: {  	s10 =	sld [smem:$0x3FAE];
	_ =	sdelay $0x3  }
0x33: {  	p0 =	seq.s32 s10, $0x1;
	s10 =	sld [smem:$0x3FB0];
	_ =	sdelay $0x3  }
0x34: {  	[smem:$0x3FB0] =	sst s10  }
0x35: {  	s10 =	sld [smem:$0x3FAF];
	_ =	sdelay $0x3  }
0x36: {  	p1 =	seq.s32 s10, $0x1;
	s10 =	sld [smem:$0x3FB0];
	_ =	sdelay $0x3  }
0x37: {  	[smem:$0x3FB0] =	sst s10  }
0x38: {  	s10 =	sld [smem:$0x3FB1]  }
0x39: {  	_ = 	snop;
	(pc) =	sbr.ind lr, $3  }
0x3a: {  	_ = 	snop  }
0x3b: {  	_ = 	snop  }
0x3c: {  	p2 =	seq.s32 s10, $0x1;
	s10 =	sld [smem:$0x3FB0]  }
0x3d: {  	_ =	shalt  }
0x3e: {  	_ =	shalt  }
0x3f: {  	_ =	shalt  }
0x40: {  	_ =	shalt  }
0x41: {  	_ =	shalt  }
0x42: {  	_ =	shalt  }
0x43: {  	_ =	shalt  }
0x44: {  	_ =	shalt  }
0x45: {  	_ =	shalt  }
0x46: {  	_ =	shalt  }
0x47: {  	_ =	shalt  }
0x48: {  	_ =	shalt  }
0x49: {  	_ =	shalt  }
0x4a: {  	_ =	shalt  }
0x4b: {  	_ =	shalt  }
0x4c: {  	_ =	shalt  }
0x4d: {  	_ =	shalt  }
0x4e: {  	_ =	shalt  }
0x4f: {  	_ =	shalt  }
0x50: {  	_ =	shalt  }
0x51: {  	_ =	shalt  }
0x52: {  	_ =	shalt  }
0x53: {  	_ =	shalt  }
0x54: {  	_ =	shalt  }
0x55: {  	_ =	shalt  }
0x56: {  	_ =	shalt  }
0x57: {  	_ =	shalt  }
0x58: {  	_ =	shalt  }
0x59: {  	_ =	shalt  }
0x5a: {  	_ =	shalt  }
0x5b: {  	_ =	shalt  }
0x5c: {  	_ =	shalt  }
0x5d: {  	_ =	shalt  }
0x5e: {  	_ =	shalt  }
0x5f: {  	_ =	shalt  }
0x60: {  	_ =	shalt  }
0x61: {  	_ =	shalt  }
0x62: {  	_ =	shalt  }
0x63: {  	_ =	shalt  }
0x64: {  	_ =	shalt  }
0x65: {  	_ =	shalt  }
0x66: {  	_ =	shalt  }
0x67: {  	_ =	shalt  }
0x68: {  	_ =	shalt  }
0x69: {  	_ =	shalt  }
0x6a: {  	_ =	shalt  }
0x6b: {  	_ =	shalt  }
0x6c: {  	_ =	shalt  }
0x6d: {  	_ =	shalt  }
0x6e: {  	_ =	shalt  }
0x6f: {  	_ =	shalt  }
0x70: {  	_ =	shalt  }
0x71: {  	_ =	shalt  }
0x72: {  	_ =	shalt  }
0x73: {  	_ =	shalt  }
0x74: {  	_ =	shalt  }
0x75: {  	_ =	shalt  }
0x76: {  	_ =	shalt  }
0x77: {  	_ =	shalt  }
0x78: {  	_ =	shalt  }
0x79: {  	_ =	shalt  }
0x7a: {  	_ =	shalt  }
0x7b: {  	_ =	shalt  }
0x7c: {  	_ =	shalt  }
0x7d: {  	_ =	shalt  }
0x7e: {  	_ =	shalt  }
0x7f: {  	_ =	shalt  }
0x80: {  	_ =	shalt  }
0x81: {  	_ =	shalt  }
0x82: {  	_ =	shalt  }
0x83: {  	_ =	shalt  }
0x84: {  	_ =	shalt  }
0x85: {  	_ =	shalt  }
0x86: {  	_ =	shalt  }
0x87: {  	_ =	shalt  }
.Lfunc_end0:
.L_simem_size_0:
called_computation_lowered:
.L_overlay_start_0:
0x88: {  	s2 =	sld [smem:$0x3FD9]  }
0x89: {  	s3 =	sld [smem:$0x3FFE];
	_ =	sdelay $0x1  }
0x8a: {  	s1 =	srdreg.scid  }
0x8b: {  	s0 =	sand.u32 $0x1, s1  }
0x8c: {  	s14 =	sshll.u32 s0, $0xA;
	s2 =	sadd.s32 s3, s2  }
0x8d: {  	s2 =	sadd.s32 s2, s14  }
0x8e: {  	[smem:$0x3FBC] =	sst s2  }
0x8f: {  	_ = 	snop  }
0x90: {  	s2 =	sld [smem:$0x3FD0];
	_ =	sdelay $0x2  }
0x91: {  	s15 =	simm.s32 $0xA;
	s4 =	simm.s32 $0x10  }
0x92: {  	[smem:s4], [sflag:s15] =	dma.local [hbm:s2], $0x1  }
0x93: {  	_ =	swait.eq [sflag:s15], $0x1  }
0x94: {  	[sflag:s15] =	ssyncset.done $0x0  }
0x95: {  	s16 =	sld [smem:$0x10];
	[sflag:s15] =	ssyncadd.s32 $0xFFFFFFFF  }
0x96: {  	s17 =	sld [smem:$0x11];
	(tm) =	ssettm $0x1  }
0x97: {  	s18 =	sld [smem:$0x3FFB];
	_ =	sdelay $0x3  }
0x98: {  	_ =	strace s18  }
0x99: {  	s4 =	sld [smem:$0x3FFC];
	_ =	sdelay $0x3  }
0x9a: {  	_ =	strace s4  }
0x9b: {  	s4 =	sld [smem:$0x3FFD];
	_ =	sdelay $0x3  }
0x9c: {  	_ =	strace s4  }
0x9d: {  	_ =	strace $0x8FFFFFFF  }
0x9e: {  	s19 =	sld [smem:$0x3FDB];
	_ =	sdelay $0x1  }
0x9f: {  	s5 =	simm.s32 $_scs_section_size  }
0xa0: {  	s6 =	simm.s32 $_size__tile_overlayer_lowered;
	s7 =	simm.s32 $_tile_overlayer_lowered  }
0xa1: {  	s22 =	simm.s32 $0x1BFF;
	s21 =	sshll.u32 s7, $0x1;
	s4 =	sadd.s32 s5, s19  }
0xa2: {  	s8 =	simm.s32 $0x0;
	s20 =	sshll.u32 s6, $0x1;
	s6 =	sadd.s32 s21, s4  }
0xa3: {  	[timem:s8], [sflag:s22] =	dma.local [hbm:s6], s20  }
0xa4: {  	_ =	swait.ge [sflag:s22], s20  }
0xa5: {  	s5 =	ssub.s32 $0x0, s20;
	[sflag:s22] =	ssyncset.done $0x0  }
0xa6: {  	[sflag:s22] =	ssyncadd.s32 s5;
	_ =	sdelay $0x1  }
0xa7: {  	s23 =	simm.s32 $0x1B8B  }
0xa8: {  	_ =	swait.ge [sflag:s23], $0x1  }
0xa9: {  	[sflag:s23] =	ssyncset.done $0x0  }
0xaa: {  	s25 =	simm.s32 $0x1B8E;
	s24 =	sld [smem:$0x3FFE];
	[sflag:s23] =	ssyncadd.s32 $0xFFFFFFFF  }
0xab: {  	s26 =	simm.s32 $execute0_lowered;
	[smem:$0x3FD2] =	sst s25  }
0xac: {  	s6 =	sshll.u32 s26, $0x1;
	_ =	strace $0x80000046;
	[dreg:$0x1] =	wrdreg $0xFFFFFFFF  }
0xad: {  	s28 =	simm.s32 $_size_execute0_lowered;
	s4 =	sadd.s32 s4, s6;
	[dreg:$0x0] =	wrdreg $0x0  }
0xae: {  	s6 =	sshll.u32 s28, $0x1;
	[dreg:$0x2] =	wrdreg s4  }
0xaf: {  	[dreg:$0x3] =	wrdreg s6  }
0xb0: {  	[dreg:$0x4] =	wrdreg $0xC0  }
0xb1: {  	_ =	task [dreg:s8], $0x5FFFF  }
0xb2: {  	[dreg:$0x1] =	wrdreg $0xFFFFFFFF  }
0xb3: {  	[dreg:$0x0] =	wrdreg $0x60  }
0xb4: {  	[dreg:$0x2] =	wrdreg s17  }
0xb5: {  	[dreg:$0x3] =	wrdreg s24  }
0xb6: {  	[dreg:$0x4] =	wrdreg s16  }
0xb7: {  	[dreg:$0x5] =	wrdreg $0x9  }
0xb8: {  	_ =	task.clear_ibuf [dreg:s8], $0x6FFFF;
	_ =	strace $0x90000046  }
0xb9: {  	s29 =	simm.s32 $0x9;
	_ =	strace $0x80000048  }
0xba: {  	_ =	swait.ge [sflag:s29], $0x1  }
0xbb: {  	[sflag:s29] =	ssyncadd.s32 $0xFFFFFFFF  }
0xbc: {  	_ =	strace $0x90000048  }
0xbd: {  	_ =	sfence  }
0xbe: {  	s30 =	sld [smem:$0x0];
	_ =	sdelay $0x2  }
0xbf: {  	s31 =	sshll.u32 s1, $0xD;
	s1 =	sshrl.u32 s1, $0x2  }
0xc0: {  	s3 =	sand.u32 $0x4000, s31;
	s1 =	sadd.s32 s1, s30  }
0xc1: {  	s0 =	sor.u32 s3, s0;
	s1 =	sshll.u32 s1, $0x11  }
0xc2: {  	s0 =	sor.u32 s1, s0  }
0xc3: {  	s0 =	sadd.s32 $0x8F2B, s0  }
0xc4: {  	[sflag:s0] =	ssyncadd.remote.s32 $0x1  }
0xc5: {  	_ =	sfence.sel $0xFFFF  }
0xc6: {  	[dreg:$0x0] =	wrdreg $0xFFFFFFFF;
	(pc) =	sbr.abs _section_cstart, $3  }
0xc7: {  	[dreg:$0x1] =	wrdreg $0xFFFFFFFF  }
0xc8: {  	_ =	task.clear_ibuf [dreg:s8], $0x2FFFF;
	_ =	strace $0x9FFFFFFF  }
0xc9: {  	(tm) =	ssettm $0x7FFFFFFF  }
tec
execute0_lowered:
.L_overlay_start_1:
0x0: {  	(tag) =	ssettag $0x1  }
0x1: {  	s4 =	rddreg [dreg:$0x0]  }
0x2: {  	s3 =	rddreg [dreg:$0x1]  }
0x3: {  	s5 =	rddreg [dreg:$0x2]  }
0x4: {  	s1 =	srdreg.scid;
	s0 =	rddreg [dreg:$0x3];
	s2 =	simm.s32 $0x0  }
0x5: {  	s11 =	simm.s32 $0x0;
	s6 =	sand.u32 $0x1, s1;
	s1 =	stileid.u32  }
0x6: {  	[smem:$0x7FF] =	sst s2;
	s3 =	sadd.s32 $0x4C00, s3;
	s7 =	sshll.u32 s6, $0x4  }
0x7: {  	s8 =	smul.u32 $0x28000, s6;
	s9 =	sshrl.u32 s1, $0x3;
	_ =	strace $0x80000047  }
0x8: {  	s10 =	sshll.u32 s1, $0x7;
	s7 =	sor.u32 s1, s7;
	s9 =	smul.u32 $0x14000, s9  }
0x9: {  	s6 =	ssub.s32 $0x2, s6;
	s30 =	sand.u32 $0x380, s10;
	s7 =	sshrl.u32 s7, $0x3  }
0xa: {  	s31 =	sshrl.u32 s6, $0x1;
	s7 =	smul.u32 $0x14000, s7;
	s8 =	sadd.s32 s8, s9  }
0xb: {  	s10 =	simm.s32 $0x1;
	s6 =	ssub.s32 s6, s31;
	s8 =	sor.u32 s30, s8  }
0xc: {  	s6 =	smax.u32 s6, $0x1;
	s7 =	sor.u32 s30, s7;
	s8 =	sshrl.u32 s8, $0x3  }
0xd: {  	s9 =	simm.s32 $0x2800;
	s7 =	sshrl.u32 s7, $0x3;
	s4 =	sadd.s32 s4, s8  }
0xe: {  	v0 =	vimm.f32 $1.000000000e+00;
	s8 =	simm.s32 $0x400;
	s5 =	sadd.s32 s5, s7;
	s7 =	simm.s32 $0x80  }
.LBB2_1:
0xf: {  	[tilespmem:s9], [sflag:$0x1] =	stream.strided.gather [hbm4b:s4+s7], $0x2800, s8, s7, $0x38;
	[tilespmem:$0x5000] =	vst v63  }
0x10: {  	_ =	swait.ge [sflag:s10], $0x2800  }
0x11: {  	[sflag:s10] =	ssyncset.done $0x0  }
0x12: {  	[sflag:s10] =	ssyncadd.s32 $0xFFFFD800  }
0x13: {  	[tilespmem:s2], [sflag:$0x1] =	stream.linear.gather [hbm4b:s3+s2], $0x2800, $0x38;
	[tilespmem:$0x5000] =	vst v63  }
0x14: {  	_ =	swait.ge [sflag:s10], $0x2800  }
0x15: {  	[sflag:s10] =	ssyncset.done $0x0  }
0x16: {  	s13 =	simm.s32 $0x0;
	s12 =	simm.s32 $0x40;
	[sflag:s10] =	ssyncadd.s32 $0xFFFFD800  }
.LBB2_2:
0x17: {  	p0 =	sne.s32 s12, $0x9FC0;
	v1 =	vld [tilespmem:s13+$0x2800];
	_ =	sdelay $0x3  }
.Ltmp0:
0x18: {  	(pc) =	sbr.rel @p0 .LBB2_2-.Ltmp0, $2  }
0x19: {  	_ =	sdelay $0x2  }
0x1a: {  	s13 =	sshra.s32 s12, $0x2;
	s12 =	sadd.s32 $0x40, s12;
	[tilespmem:v1+s2+$0x0] =	vst.idx.add.f32.msk $0xffff, v0  }
0x1b: {  	v1 =	vld [tilespmem:s13+$0x2800];
	_ =	sdelay $0x5  }
0x1c: {  	s11 =	sadd.s32 $0x1, s11  }
0x1d: {  	p0 =	sne.s32 s11, s6  }
.Ltmp1:
0x1e: {  	[tilespmem:v1+s2+$0x0] =	vst.idx.add.f32.msk $0xffff, v0;
	(pc) =	sbr.rel @p0 .LBB2_1-.Ltmp1, $4  }
0x1f: {  	[hbm4b:s5+s7] =	stream.strided.scatter [tilespmem:s2], [sflag:$0x1], $0x2800, s8, s7, $0x38;
	[tilespmem:$0x5000] =	vst v63  }
0x20: {  	_ =	swait.ge [sflag:s10], $0x2800  }
0x21: {  	[sflag:s10] =	ssyncset.done $0x0  }
0x22: {  	[sflag:s10] =	ssyncadd.s32 $0xFFFFD800  }
0x23: {  	_ =	sfence.sel $0x180000  }
0x24: {  	[bflag:$0x0] =	sbarrier.arrive $0xFFFF  }
0x25: {  	p0 =	sne.s32 s1, $0x0;
	_ =	strace $0x90000047  }
0x26: {  	s0 =	sadd.s32 @!p0 $0x100000, s0;
	[bflag:$0x2] =	sbarrier.arrive $0xFFFF  }
0x27: {  	[sflag:s0] =	ssyncadd.tile.s32 @!p0 $0x1;
	_ =	shalt  }
.Lfunc_end2:
_tile_overlayer_lowered:
.L_overlay_start_2:
0x28: {  	(tag) =	ssettag $0x2  }
0x29: {  	s0 =	rddreg [dreg:$0x0];
	s2 =	stileid.u32  }
0x2a: {  	s1 =	rddreg [dreg:$0x1];
	p0 =	sne.s32 s2, $0x0  }
0x2b: {  	s3 =	rddreg [dreg:$0x2];
	[bflag:$0x3] =	sbarrier.arrive $0xFFFF;
	s2 =	simm.s32 @!p0 $0x1C01  }
0x2c: {  	[timem:s3], [sflag:s2] =	dma.local @!p0 [hbm:s0], s1  }
0x2d: {  	s0 =	simm.s32 @!p0 $0x1  }
0x2e: {  	_ =	swait.ge @!p0 [sflag:s0], s1  }
0x2f: {  	s1 =	ssub.s32 @!p0 $0x0, s1;
	[sflag:s0] =	ssyncset.done @!p0 $0x0  }
0x30: {  	[sflag:s0] =	ssyncadd.s32 @!p0 s1  }
0x31: {  	[bflag:$0x3] =	sbarrier.arrive $0xFFFF  }
0x32: {  	_ =	shalt  }

// kernel: kernel.14.cloned.1.call-start
scs
__scs_entry_jumppad:
0x0: {  	(pc) =	sbr.rel $0x88, $3  }
0x1: {  	(tag) =	ssettag $0x0;
	lr =	simm.s32 $0x1  }
0x2: {  	[smem:$0x3F95] =	sst lr;
	_ =	strace $0xD0000000  }
0x3: {  	_ = 	snop  }
0x4: {  	_ = 	snop  }
0x5: {  	_ = 	snop  }
0x6: {  	_ = 	snop  }
0x7: {  	_ = 	snop  }
__scs_overlays_trampoline_lowered:
0x8: {  	[smem:$0x3FA4] =	sst s0  }
0x9: {  	[smem:$0x3FA5] =	sst s1  }
0xa: {  	[smem:$0x3FA6] =	sst s2  }
0xb: {  	[smem:$0x3FA7] =	sst s3  }
0xc: {  	[smem:$0x3FA8] =	sst s4  }
0xd: {  	[smem:$0x3FA9] =	sst s5  }
0xe: {  	[smem:$0x3FAA] =	sst s6  }
0xf: {  	[smem:$0x3FAB] =	sst s7  }
0x10: {  	[smem:$0x3FAC] =	sst s8  }
0x11: {  	[smem:$0x3FAD] =	sst s9;
	s0 =	simm.s32 @!p0 $0x0  }
0x12: {  	s1 =	sld [smem:$0x3F93];
	s0 =	simm.s32 @p0 $0x1  }
0x13: {  	[smem:$0x3FAE] =	sst s0;
	s0 =	simm.s32 @!p1 $0x0  }
0x14: {  	s2 =	sld [smem:$0x3F92];
	s0 =	simm.s32 @p1 $0x1  }
0x15: {  	[smem:$0x3FAF] =	sst s0;
	s0 =	simm.s32 @!p2 $0x0  }
0x16: {  	s3 =	sld [smem:$0x3FDB];
	s0 =	simm.s32 @p2 $0x1  }
0x17: {  	s4 =	simm.s32 $0x1BF5;
	[smem:$0x3FB1] =	sst s0  }
0x18: {  	s0 =	sld [smem:$0x3F94];
	_ =	swait.ge [sflag:s4], $0x0  }
0x19: {  	s7 =	sld [smem:$0x3F95]  }
0x1a: {  	s8 =	sadd.s32 $0xFFFFE003, lr  }
0x1b: {  	s9 =	sadd.s32 $0xFFFFFEF7, lr;
	s5 =	simm.s32 $0xFFFFFFFF;
	p2 =	slt.u32 s8, $0xFFFFF086  }
0x1c: {  	p1 =	slt.u32 s9, $0xF7A;
	s5 =	simm.s32 @!p2 $0x0  }
0x1d: {  	s5 =	simm.s32 @p1 $0x1;
	p0 =	seq.s32 s7, s2  }
0x1e: {  	s7 =	smul.u32 @!p0 $0xF7A, s2;
	p2 =	seq.s32 @!p0 s5, $0x0  }
0x1f: {  	s9 =	smul.u32 $0xF7A, s1;
	s8 =	simm.s32 @!p0 $0x1BF5;
	p2 =	por !p2, p0  }
0x20: {  	[sflag:s8] =	ssyncset.s32 @!p0 $0xFFFFF086;
	s6 =	sadd.s32 @!p0 s3, s7;
	s7 =	simm.s32 @!p0 $0x108  }
0x21: {  	s3 =	sadd.s32 s3, s9;
	s6 =	sadd.s32 @!p0 $0x88, s6;
	s7 =	simm.s32 @p2 $0x1082  }
0x22: {  	[simem:s7], [sflag:s8] =	dma.local @!p0 [hbm:s6], $0xF7A  }
0x23: {  	s9 =	sor.u32 $0xD0000000, s2;
	s6 =	simm.s32 $0x108;
	_ =	swait.ge @!p0 [sflag:s8], $0x0  }
0x24: {  	s3 =	sadd.s32 $0x88, s3;
	s6 =	simm.s32 @!p1 $0x1082;
	[sflag:s4] =	ssyncset.s32 $0xFFFFF086  }
0x25: {  	[simem:s6], [sflag:s4] =	dma.local [hbm:s3], $0xF7A  }
0x26: {  	[smem:$0x3F95] =	sst s1;
	(tag) =	ssettag s2;
	_ =	strace s9  }
0x27: {  	s1 =	sld [smem:$0x3FA5]  }
0x28: {  	s2 =	sld [smem:$0x3FA6]  }
0x29: {  	s4 =	sld [smem:$0x3FA8]  }
0x2a: {  	p0 =	seq.s32 s5, $0x0;
	s5 =	sld [smem:$0x3FA9]  }
0x2b: {  	s6 =	sld [smem:$0x3FAA]  }
0x2c: {  	s7 =	sld [smem:$0x3FAB]  }
0x2d: {  	s3 =	simm.s32 $0x108;
	s8 =	sld [smem:$0x3FAC]  }
0x2e: {  	s3 =	simm.s32 @!p0 $0x1082;
	s9 =	sld [smem:$0x3FAD]  }
0x2f: {  	lr =	sadd.s32 s0, s3;
	s0 =	sld [smem:$0x3FA4]  }
0x30: {  	s3 =	sld [smem:$0x3FA7]  }
0x31: {  	[smem:$0x3FB0] =	sst s10  }
0x32: {  	s10 =	sld [smem:$0x3FAE];
	_ =	sdelay $0x3  }
0x33: {  	p0 =	seq.s32 s10, $0x1;
	s10 =	sld [smem:$0x3FB0];
	_ =	sdelay $0x3  }
0x34: {  	[smem:$0x3FB0] =	sst s10  }
0x35: {  	s10 =	sld [smem:$0x3FAF];
	_ =	sdelay $0x3  }
0x36: {  	p1 =	seq.s32 s10, $0x1;
	s10 =	sld [smem:$0x3FB0];
	_ =	sdelay $0x3  }
0x37: {  	[smem:$0x3FB0] =	sst s10  }
0x38: {  	s10 =	sld [smem:$0x3FB1]  }
0x39: {  	_ = 	snop;
	(pc) =	sbr.ind lr, $3  }
0x3a: {  	_ = 	snop  }
0x3b: {  	_ = 	snop  }
0x3c: {  	p2 =	seq.s32 s10, $0x1;
	s10 =	sld [smem:$0x3FB0]  }
0x3d: {  	_ =	shalt  }
0x3e: {  	_ =	shalt  }
0x3f: {  	_ =	shalt  }
0x40: {  	_ =	shalt  }
0x41: {  	_ =	shalt  }
0x42: {  	_ =	shalt  }
0x43: {  	_ =	shalt  }
0x44: {  	_ =	shalt  }
0x45: {  	_ =	shalt  }
0x46: {  	_ =	shalt  }
0x47: {  	_ =	shalt  }
0x48: {  	_ =	shalt  }
0x49: {  	_ =	shalt  }
0x4a: {  	_ =	shalt  }
0x4b: {  	_ =	shalt  }
0x4c: {  	_ =	shalt  }
0x4d: {  	_ =	shalt  }
0x4e: {  	_ =	shalt  }
0x4f: {  	_ =	shalt  }
0x50: {  	_ =	shalt  }
0x51: {  	_ =	shalt  }
0x52: {  	_ =	shalt  }
0x53: {  	_ =	shalt  }
0x54: {  	_ =	shalt  }
0x55: {  	_ =	shalt  }
0x56: {  	_ =	shalt  }
0x57: {  	_ =	shalt  }
0x58: {  	_ =	shalt  }
0x59: {  	_ =	shalt  }
0x5a: {  	_ =	shalt  }
0x5b: {  	_ =	shalt  }
0x5c: {  	_ =	shalt  }
0x5d: {  	_ =	shalt  }
0x5e: {  	_ =	shalt  }
0x5f: {  	_ =	shalt  }
0x60: {  	_ =	shalt  }
0x61: {  	_ =	shalt  }
0x62: {  	_ =	shalt  }
0x63: {  	_ =	shalt  }
0x64: {  	_ =	shalt  }
0x65: {  	_ =	shalt  }
0x66: {  	_ =	shalt  }
0x67: {  	_ =	shalt  }
0x68: {  	_ =	shalt  }
0x69: {  	_ =	shalt  }
0x6a: {  	_ =	shalt  }
0x6b: {  	_ =	shalt  }
0x6c: {  	_ =	shalt  }
0x6d: {  	_ =	shalt  }
0x6e: {  	_ =	shalt  }
0x6f: {  	_ =	shalt  }
0x70: {  	_ =	shalt  }
0x71: {  	_ =	shalt  }
0x72: {  	_ =	shalt  }
0x73: {  	_ =	shalt  }
0x74: {  	_ =	shalt  }
0x75: {  	_ =	shalt  }
0x76: {  	_ =	shalt  }
0x77: {  	_ =	shalt  }
0x78: {  	_ =	shalt  }
0x79: {  	_ =	shalt  }
0x7a: {  	_ =	shalt  }
0x7b: {  	_ =	shalt  }
0x7c: {  	_ =	shalt  }
0x7d: {  	_ =	shalt  }
0x7e: {  	_ =	shalt  }
0x7f: {  	_ =	shalt  }
0x80: {  	_ =	shalt  }
0x81: {  	_ =	shalt  }
0x82: {  	_ =	shalt  }
0x83: {  	_ =	shalt  }
0x84: {  	_ =	shalt  }
0x85: {  	_ =	shalt  }
0x86: {  	_ =	shalt  }
0x87: {  	_ =	shalt  }
.Lfunc_end0:
.L_simem_size_0:
called_computation.1_lowered:
.L_overlay_start_0:
0x88: {  	s2 =	sld [smem:$0x3FD9]  }
0x89: {  	s3 =	sld [smem:$0x3FFE];
	_ =	sdelay $0x1  }
0x8a: {  	s1 =	srdreg.scid  }
0x8b: {  	s0 =	sand.u32 $0x1, s1  }
0x8c: {  	s14 =	sshll.u32 s0, $0xA;
	s2 =	sadd.s32 s3, s2  }
0x8d: {  	s2 =	sadd.s32 s2, s14  }
0x8e: {  	[smem:$0x3FBC] =	sst s2  }
0x8f: {  	_ = 	snop  }
0x90: {  	s2 =	sld [smem:$0x3FD0];
	_ =	sdelay $0x2  }
0x91: {  	s15 =	simm.s32 $0xA;
	s4 =	simm.s32 $0x10  }
0x92: {  	[smem:s4], [sflag:s15] =	dma.local [hbm:s2], $0x1  }
0x93: {  	_ =	swait.eq [sflag:s15], $0x1  }
0x94: {  	[sflag:s15] =	ssyncset.done $0x0  }
0x95: {  	[sflag:s15] =	ssyncadd.s32 $0xFFFFFFFF  }
0x96: {  	s16 =	sld [smem:$0x11];
	(tm) =	ssettm $0x1  }
0x97: {  	s17 =	sld [smem:$0x3FFB];
	_ =	sdelay $0x3  }
0x98: {  	_ =	strace s17  }
0x99: {  	s3 =	sld [smem:$0x3FFC];
	_ =	sdelay $0x3  }
0x9a: {  	_ =	strace s3  }
0x9b: {  	s3 =	sld [smem:$0x3FFD];
	_ =	sdelay $0x3  }
0x9c: {  	_ =	strace s3  }
0x9d: {  	_ =	strace $0x8FFFFFFF  }
0x9e: {  	s18 =	sld [smem:$0x3FDB];
	_ =	sdelay $0x1  }
0x9f: {  	s19 =	simm.s32 $_scs_section_size  }
0xa0: {  	s5 =	simm.s32 $_size__tile_overlayer_lowered;
	s6 =	simm.s32 $_tile_overlayer_lowered  }
0xa1: {  	s22 =	simm.s32 $0x1BFF;
	s21 =	sshll.u32 s6, $0x1;
	s3 =	sadd.s32 s19, s18  }
0xa2: {  	s7 =	simm.s32 $0x0;
	s20 =	sshll.u32 s5, $0x1;
	s5 =	sadd.s32 s21, s3  }
0xa3: {  	[timem:s7], [sflag:s22] =	dma.local [hbm:s5], s20  }
0xa4: {  	_ =	swait.ge [sflag:s22], s20  }
0xa5: {  	s4 =	ssub.s32 $0x0, s20;
	[sflag:s22] =	ssyncset.done $0x0  }
0xa6: {  	[sflag:s22] =	ssyncadd.s32 s4;
	_ =	sdelay $0x1  }
0xa7: {  	s23 =	simm.s32 $0x1B8B  }
0xa8: {  	_ =	swait.ge [sflag:s23], $0x1  }
0xa9: {  	[sflag:s23] =	ssyncset.done $0x0  }
0xaa: {  	s25 =	simm.s32 $0x1B8E;
	s24 =	sld [smem:$0x3FFE];
	[sflag:s23] =	ssyncadd.s32 $0xFFFFFFFF  }
0xab: {  	s26 =	simm.s32 $execute0_lowered;
	[smem:$0x3FD2] =	sst s25  }
0xac: {  	s5 =	sshll.u32 s26, $0x1;
	_ =	strace $0x80000049;
	[dreg:$0x1] =	wrdreg $0xFFFFFFFF  }
0xad: {  	s28 =	simm.s32 $_size_execute0_lowered;
	s3 =	sadd.s32 s3, s5;
	[dreg:$0x0] =	wrdreg $0x0  }
0xae: {  	s5 =	sshll.u32 s28, $0x1;
	[dreg:$0x2] =	wrdreg s3  }
0xaf: {  	[dreg:$0x3] =	wrdreg s5  }
0xb0: {  	[dreg:$0x4] =	wrdreg $0xC0  }
0xb1: {  	_ =	task [dreg:s7], $0x5FFFF  }
0xb2: {  	[dreg:$0x1] =	wrdreg $0xFFFFFFFF  }
0xb3: {  	[dreg:$0x0] =	wrdreg $0x60  }
0xb4: {  	[dreg:$0x2] =	wrdreg s16  }
0xb5: {  	[dreg:$0x3] =	wrdreg s24  }
0xb6: {  	[dreg:$0x4] =	wrdreg $0x0  }
0xb7: {  	[dreg:$0x5] =	wrdreg $0x9  }
0xb8: {  	_ =	task.clear_ibuf [dreg:s7], $0x6FFFF;
	_ =	strace $0x90000049  }
0xb9: {  	s29 =	simm.s32 $0x9;
	_ =	strace $0x8000004B  }
0xba: {  	_ =	swait.ge [sflag:s29], $0x1  }
0xbb: {  	[sflag:s29] =	ssyncadd.s32 $0xFFFFFFFF  }
0xbc: {  	_ =	strace $0x9000004B  }
0xbd: {  	_ =	sfence  }
0xbe: {  	s30 =	sld [smem:$0x0];
	_ =	sdelay $0x2  }
0xbf: {  	s31 =	sshll.u32 s1, $0xD;
	s1 =	sshrl.u32 s1, $0x2  }
0xc0: {  	s3 =	sand.u32 $0x4000, s31;
	s1 =	sadd.s32 s1, s30  }
0xc1: {  	s0 =	sor.u32 s3, s0;
	s1 =	sshll.u32 s1, $0x11  }
0xc2: {  	s0 =	sor.u32 s1, s0  }
0xc3: {  	s0 =	sadd.s32 $0x8F2B, s0  }
0xc4: {  	[sflag:s0] =	ssyncadd.remote.s32 $0x1  }
0xc5: {  	_ =	sfence.sel $0xFFFF  }
0xc6: {  	[dreg:$0x0] =	wrdreg $0xFFFFFFFF;
	(pc) =	sbr.abs _section_cstart, $3  }
0xc7: {  	[dreg:$0x1] =	wrdreg $0xFFFFFFFF  }
0xc8: {  	_ =	task.clear_ibuf [dreg:s7], $0x2FFFF;
	_ =	strace $0x9FFFFFFF  }
0xc9: {  	(tm) =	ssettm $0x7FFFFFFF  }
tec
execute0_lowered:
.L_overlay_start_1:
0x0: {  	(tag) =	ssettag $0x1  }
0x1: {  	s1 =	rddreg [dreg:$0x0]  }
0x2: {  	s0 =	rddreg [dreg:$0x1];
	s10 =	stileid.u32  }
0x3: {  	s2 =	rddreg [dreg:$0x2];
	s6 =	smul.u32 $0x14000, s10  }
0x4: {  	s3 =	srdreg.scid;
	s26 =	smul.u32 $0x2800, s10  }
0x5: {  	s4 =	simm.s32 $0x0;
	s3 =	sand.u32 $0x1, s3;
	s10 =	smul.u32 $0x50000, s10  }
0x6: {  	[smem:$0x7FF] =	sst s4;
	s5 =	smul.u32 $0x140000, s3  }
0x7: {  	s11 =	sadd.s32 $0x4C00, s0;
	_ =	strace $0x8000004A;
	s7 =	smul.u32 $0x28000, s3  }
0x8: {  	[dreg:$0x4] =	wrdreg s11;
	s3 =	ssub.s32 $0x2, s3;
	s11 =	sshrl.u32 s10, $0x2  }
0x9: {  	s5 =	sadd.s32 s6, s5;
	s6 =	sadd.s32 s26, s7;
	s7 =	sshrl.u32 s3, $0x1  }
0xa: {  	s3 =	ssub.s32 s3, s7;
	s7 =	sadd.s32 s11, s2  }
0xb: {  	s8 =	sadd.s32 $0x5200, s0;
	s9 =	sadd.s32 $0xF200, s0;
	s14 =	sadd.s32 $0x1000, s7  }
0xc: {  	s10 =	simm.s32 $0x14080;
	s15 =	sadd.s32 $0x2000, s7;
	[dreg:$0x7] =	wrdreg s14  }
0xd: {  	s5 =	sshrl.u32 s5, $0x3;
	s16 =	sadd.s32 $0x3000, s7;
	[dreg:$0x8] =	wrdreg s15  }
0xe: {  	s11 =	simm.s32 $0x1A800;
	s17 =	sadd.s32 $0x4000, s7;
	[dreg:$0x9] =	wrdreg s16  }
0xf: {  	s0 =	sadd.s32 s5, s0;
	s18 =	sadd.s32 $0x5000, s7;
	[dreg:$0xa] =	wrdreg s17  }
0x10: {  	s5 =	sshrl.u32 s6, $0x3;
	s19 =	sadd.s32 $0x6000, s7;
	[dreg:$0xb] =	wrdreg s18  }
0x11: {  	s20 =	sadd.s32 $0x7000, s7;
	s21 =	sadd.s32 $0x8000, s7;
	[dreg:$0xc] =	wrdreg s19  }
0x12: {  	s22 =	sadd.s32 $0x9000, s7;
	s23 =	sadd.s32 $0xA000, s7;
	[dreg:$0xd] =	wrdreg s20  }
0x13: {  	s24 =	sadd.s32 $0xB000, s7;
	s25 =	sadd.s32 $0xC000, s7;
	[dreg:$0xe] =	wrdreg s21  }
0x14: {  	s28 =	sadd.s32 $0xF000, s7;
	s29 =	sadd.s32 $0x10000, s7;
	[dreg:$0xf] =	wrdreg s22  }
0x15: {  	s30 =	sadd.s32 $0x11000, s7;
	s31 =	sadd.s32 $0x12000, s7;
	[dreg:$0x10] =	wrdreg s23  }
0x16: {  	s6 =	simm.s32 $0x15400;
	s12 =	sadd.s32 s8, s5;
	[dreg:$0x11] =	wrdreg s24  }
0x17: {  	s13 =	sadd.s32 s9, s5;
	s5 =	sadd.s32 $0x280, s5;
	[dreg:$0x12] =	wrdreg s25  }
0x18: {  	s23 =	sadd.s32 $0xD000, s7;
	s24 =	sadd.s32 $0x19200, s0;
	s25 =	smax.u32 s3, $0x1  }
0x19: {  	s0 =	sadd.s32 $0x13000, s7;
	s3 =	simm.s32 $0x14000;
	s14 =	simm.s32 $0x1  }
0x1a: {  	s15 =	simm.s32 $0x2;
	s16 =	simm.s32 $0x16700;
	[dreg:$0x5] =	wrdreg s12  }
0x1b: {  	s17 =	simm.s32 $0x16780;
	s18 =	simm.s32 $0x0;
	[dreg:$0x6] =	wrdreg s13  }
0x1c: {  	s26 =	sadd.s32 s8, s5;
	s22 =	sadd.s32 s9, s5;
	s5 =	simm.s32 $0x4  }
0x1d: {  	s8 =	simm.s32 $0x80;
	s9 =	simm.s32 $0x16800;
	s12 =	simm.s32 $0x1E800  }
0x1e: {  	s13 =	simm.s32 $0x3;
	[dreg:$0x13] =	wrdreg s26;
	s26 =	sadd.s32 $0xE000, s7  }
.LBB2_1:
0x1f: {  	s19 =	rddreg [dreg:$0x5]  }
0x20: {  	[tilespmem:s3], [sflag:$0x4] =	stream.linear.gather [hbm4b:s19+s4], $0x1400, $0x38;
	[tilespmem:$0x1F800] =	vst v63  }
0x21: {  	_ =	swait.ge [sflag:s5], $0x1400  }
0x22: {  	[sflag:s5] =	ssyncset.done $0x0  }
0x23: {  	s21 =	rddreg [dreg:$0x6];
	[sflag:s5] =	ssyncadd.s32 $0xFFFFEC00  }
0x24: {  	[tilespmem:s6], [sflag:$0x4] =	stream.linear.gather [hbm4b:s21+s4], $0x1400, $0x38;
	[tilespmem:$0x1F800] =	vst v63  }
0x25: {  	_ =	swait.ge [sflag:s5], $0x1400  }
0x26: {  	[sflag:s5] =	ssyncset.done $0x0  }
0x27: {  	[sflag:s5] =	ssyncadd.s32 $0xFFFFEC00  }
0x28: {  	[tilespmem:s9], [sflag:$0x1] =	stream.indirect.gather [hbm4b:s1+s8], $0x80, s3, s8, $0xb8;
	[tilespmem:$0x1F800] =	vst v63  }
0x29: {  	_ = 	snop  }
0x2a: {  	[tilespmem:s11], [sflag:$0x2] =	stream.indirect.gather [hbm4b:s1+s8], $0x80, s10, s8, $0xb8;
	[tilespmem:$0x1F800] =	vst v63  }
0x2b: {  	s20 =	rddreg [dreg:$0x4]  }
0x2c: {  	[tilespmem:s12], [sflag:$0x4] =	stream.linear.gather [hbm4b:s20+s4], $0x1000, $0x38;
	[tilespmem:$0x1F800] =	vst v63  }
0x2d: {  	_ =	swait.ge [sflag:s5], $0x1000  }
0x2e: {  	[sflag:s5] =	ssyncset.done $0x0  }
0x2f: {  	[sflag:s5] =	ssyncadd.s32 $0xFFFFF000  }
0x30: {  	[spmem:s7] =	stream.linear.scatter [tilespmem:s12], [sflag:$0x3], $0x1000, $0x38;
	[tilespmem:$0x1F800] =	vst v63  }
0x31: {  	s21 =	rddreg [dreg:$0x7]  }
0x32: {  	[spmem:s21] =	stream.linear.scatter [tilespmem:s12], [sflag:$0x3], $0x1000, $0x38;
	[tilespmem:$0x1F800] =	vst v63  }
0x33: {  	s20 =	rddreg [dreg:$0x8]  }
0x34: {  	[spmem:s20] =	stream.linear.scatter [tilespmem:s12], [sflag:$0x3], $0x1000, $0x38;
	[tilespmem:$0x1F800] =	vst v63  }
0x35: {  	s21 =	rddreg [dreg:$0x9]  }
0x36: {  	[spmem:s21] =	stream.linear.scatter [tilespmem:s12], [sflag:$0x3], $0x1000, $0x38;
	[tilespmem:$0x1F800] =	vst v63  }
0x37: {  	s20 =	rddreg [dreg:$0xa]  }
0x38: {  	[spmem:s20] =	stream.linear.scatter [tilespmem:s12], [sflag:$0x3], $0x1000, $0x38;
	[tilespmem:$0x1F800] =	vst v63  }
0x39: {  	s21 =	rddreg [dreg:$0xb]  }
0x3a: {  	[spmem:s21] =	stream.linear.scatter [tilespmem:s12], [sflag:$0x3], $0x1000, $0x38;
	[tilespmem:$0x1F800] =	vst v63  }
0x3b: {  	s20 =	rddreg [dreg:$0xc]  }
0x3c: {  	[spmem:s20] =	stream.linear.scatter [tilespmem:s12], [sflag:$0x3], $0x1000, $0x38;
	[tilespmem:$0x1F800] =	vst v63  }
0x3d: {  	s21 =	rddreg [dreg:$0xd]  }
0x3e: {  	[spmem:s21] =	stream.linear.scatter [tilespmem:s12], [sflag:$0x3], $0x1000, $0x38;
	[tilespmem:$0x1F800] =	vst v63  }
0x3f: {  	s20 =	rddreg [dreg:$0xe]  }
0x40: {  	[spmem:s20] =	stream.linear.scatter [tilespmem:s12], [sflag:$0x3], $0x1000, $0x38;
	[tilespmem:$0x1F800] =	vst v63  }
0x41: {  	s21 =	rddreg [dreg:$0xf]  }
0x42: {  	[spmem:s21] =	stream.linear.scatter [tilespmem:s12], [sflag:$0x3], $0x1000, $0x38;
	[tilespmem:$0x1F800] =	vst v63  }
0x43: {  	s20 =	rddreg [dreg:$0x10]  }
0x44: {  	[spmem:s20] =	stream.linear.scatter [tilespmem:s12], [sflag:$0x3], $0x1000, $0x38;
	[tilespmem:$0x1F800] =	vst v63  }
0x45: {  	s21 =	rddreg [dreg:$0x11]  }
0x46: {  	[spmem:s21] =	stream.linear.scatter [tilespmem:s12], [sflag:$0x3], $0x1000, $0x38;
	[tilespmem:$0x1F800] =	vst v63  }
0x47: {  	s20 =	rddreg [dreg:$0x12]  }
0x48: {  	[spmem:s20] =	stream.linear.scatter [tilespmem:s12], [sflag:$0x3], $0x1000, $0x38;
	[tilespmem:$0x1F800] =	vst v63  }
0x49: {  	_ = 	snop  }
0x4a: {  	[spmem:s23] =	stream.linear.scatter [tilespmem:s12], [sflag:$0x3], $0x1000, $0x38;
	[tilespmem:$0x1F800] =	vst v63  }
0x4b: {  	_ = 	snop  }
0x4c: {  	[spmem:s26] =	stream.linear.scatter [tilespmem:s12], [sflag:$0x3], $0x1000, $0x38;
	[tilespmem:$0x1F800] =	vst v63  }
0x4d: {  	_ = 	snop  }
0x4e: {  	[spmem:s28] =	stream.linear.scatter [tilespmem:s12], [sflag:$0x3], $0x1000, $0x38;
	[tilespmem:$0x1F800] =	vst v63  }
0x4f: {  	_ = 	snop  }
0x50: {  	[spmem:s29] =	stream.linear.scatter [tilespmem:s12], [sflag:$0x3], $0x1000, $0x38;
	[tilespmem:$0x1F800] =	vst v63  }
0x51: {  	_ = 	snop  }
0x52: {  	[spmem:s30] =	stream.linear.scatter [tilespmem:s12], [sflag:$0x3], $0x1000, $0x38;
	[tilespmem:$0x1F800] =	vst v63  }
0x53: {  	_ = 	snop  }
0x54: {  	[spmem:s31] =	stream.linear.scatter [tilespmem:s12], [sflag:$0x3], $0x1000, $0x38;
	[tilespmem:$0x1F800] =	vst v63  }
0x55: {  	_ = 	snop  }
0x56: {  	[spmem:s0] =	stream.linear.scatter [tilespmem:s12], [sflag:$0x3], $0x1000, $0x38;
	[tilespmem:$0x1F800] =	vst v63  }
0x57: {  	_ =	swait.ge [sflag:s13], $0x1000  }
0x58: {  	[sflag:s13] =	ssyncset.done $0x0  }
0x59: {  	[sflag:s13] =	ssyncadd.s32 $0xFFFFF000  }
0x5a: {  	_ =	swait.ge [sflag:s13], $0x1000  }
0x5b: {  	[sflag:s13] =	ssyncset.done $0x0  }
0x5c: {  	[sflag:s13] =	ssyncadd.s32 $0xFFFFF000  }
0x5d: {  	_ =	swait.ge [sflag:s13], $0x1000  }
0x5e: {  	[sflag:s13] =	ssyncset.done $0x0  }
0x5f: {  	[sflag:s13] =	ssyncadd.s32 $0xFFFFF000  }
0x60: {  	_ =	swait.ge [sflag:s13], $0x1000  }
0x61: {  	[sflag:s13] =	ssyncset.done $0x0  }
0x62: {  	[sflag:s13] =	ssyncadd.s32 $0xFFFFF000  }
0x63: {  	_ =	swait.ge [sflag:s13], $0x1000  }
0x64: {  	[sflag:s13] =	ssyncset.done $0x0  }
0x65: {  	[sflag:s13] =	ssyncadd.s32 $0xFFFFF000  }
0x66: {  	_ =	swait.ge [sflag:s13], $0x1000  }
0x67: {  	[sflag:s13] =	ssyncset.done $0x0  }
0x68: {  	[sflag:s13] =	ssyncadd.s32 $0xFFFFF000  }
0x69: {  	_ =	swait.ge [sflag:s13], $0x1000  }
0x6a: {  	[sflag:s13] =	ssyncset.done $0x0  }
0x6b: {  	[sflag:s13] =	ssyncadd.s32 $0xFFFFF000  }
0x6c: {  	_ =	swait.ge [sflag:s13], $0x1000  }
0x6d: {  	[sflag:s13] =	ssyncset.done $0x0  }
0x6e: {  	[sflag:s13] =	ssyncadd.s32 $0xFFFFF000  }
0x6f: {  	_ =	swait.ge [sflag:s13], $0x1000  }
0x70: {  	[sflag:s13] =	ssyncset.done $0x0  }
0x71: {  	[sflag:s13] =	ssyncadd.s32 $0xFFFFF000  }
0x72: {  	_ =	swait.ge [sflag:s13], $0x1000  }
0x73: {  	[sflag:s13] =	ssyncset.done $0x0  }
0x74: {  	[sflag:s13] =	ssyncadd.s32 $0xFFFFF000  }
0x75: {  	_ =	swait.ge [sflag:s13], $0x1000  }
0x76: {  	[sflag:s13] =	ssyncset.done $0x0  }
0x77: {  	[sflag:s13] =	ssyncadd.s32 $0xFFFFF000  }
0x78: {  	_ =	swait.ge [sflag:s13], $0x1000  }
0x79: {  	[sflag:s13] =	ssyncset.done $0x0  }
0x7a: {  	[sflag:s13] =	ssyncadd.s32 $0xFFFFF000  }
0x7b: {  	_ =	swait.ge [sflag:s13], $0x1000  }
0x7c: {  	[sflag:s13] =	ssyncset.done $0x0  }
0x7d: {  	[sflag:s13] =	ssyncadd.s32 $0xFFFFF000  }
0x7e: {  	_ =	swait.ge [sflag:s13], $0x1000  }
0x7f: {  	[sflag:s13] =	ssyncset.done $0x0  }
0x80: {  	[sflag:s13] =	ssyncadd.s32 $0xFFFFF000  }
0x81: {  	_ =	swait.ge [sflag:s13], $0x1000  }
0x82: {  	[sflag:s13] =	ssyncset.done $0x0  }
0x83: {  	[sflag:s13] =	ssyncadd.s32 $0xFFFFF000  }
0x84: {  	_ =	swait.ge [sflag:s13], $0x1000  }
0x85: {  	[sflag:s13] =	ssyncset.done $0x0  }
0x86: {  	[sflag:s13] =	ssyncadd.s32 $0xFFFFF000  }
0x87: {  	_ =	swait.ge [sflag:s13], $0x1000  }
0x88: {  	[sflag:s13] =	ssyncset.done $0x0  }
0x89: {  	[sflag:s13] =	ssyncadd.s32 $0xFFFFF000  }
0x8a: {  	_ =	swait.ge [sflag:s13], $0x1000  }
0x8b: {  	[sflag:s13] =	ssyncset.done $0x0  }
0x8c: {  	[sflag:s13] =	ssyncadd.s32 $0xFFFFF000  }
0x8d: {  	_ =	swait.ge [sflag:s13], $0x1000  }
0x8e: {  	[sflag:s13] =	ssyncset.done $0x0  }
0x8f: {  	[sflag:s13] =	ssyncadd.s32 $0xFFFFF000  }
0x90: {  	_ =	swait.ge [sflag:s13], $0x1000  }
0x91: {  	[sflag:s13] =	ssyncset.done $0x0  }
0x92: {  	[sflag:s13] =	ssyncadd.s32 $0xFFFFF000  }
0x93: {  	[bflag:$0x0] =	sbarrier.arrive $0xFFFF  }
0x94: {  	_ =	swait.ge [sflag:s14], $0x4000  }
0x95: {  	[sflag:s14] =	ssyncset.done $0x0  }
0x96: {  	s21 =	simm.s32 $0x15400;
	[sflag:s14] =	ssyncadd.s32 $0xFFFFC000  }
0x97: {  	[spmem:s2] =	stream.indirect.scatter.add.f32 [tilespmem:s9], [sflag:$0x4], $0x80, s21, s8, $0xb8;
	[tilespmem:$0x1F800] =	vst v63  }
0x98: {  	_ =	swait.ge [sflag:s5], $0x4000  }
0x99: {  	[sflag:s5] =	ssyncset.done $0x0  }
0x9a: {  	s20 =	simm.s32 $0x14100;
	[sflag:s5] =	ssyncadd.s32 $0xFFFFC000  }
0x9b: {  	[tilespmem:s9], [sflag:$0x1] =	stream.indirect.gather [hbm4b:s1+s8], $0x80, s20, s8, $0xb8;
	[tilespmem:$0x1F800] =	vst v63  }
0x9c: {  	_ =	swait.ge [sflag:s15], $0x4000  }
0x9d: {  	[sflag:s15] =	ssyncset.done $0x0  }
0x9e: {  	s21 =	simm.s32 $0x15480;
	[sflag:s15] =	ssyncadd.s32 $0xFFFFC000  }
0x9f: {  	[spmem:s2] =	stream.indirect.scatter.add.f32 [tilespmem:s11], [sflag:$0x4], $0x80, s21, s8, $0xb8;
	[tilespmem:$0x1F800] =	vst v63  }
0xa0: {  	_ =	swait.ge [sflag:s5], $0x4000  }
0xa1: {  	[sflag:s5] =	ssyncset.done $0x0  }
0xa2: {  	s19 =	simm.s32 $0x400;
	s20 =	simm.s32 $0x14180;
	[sflag:s5] =	ssyncadd.s32 $0xFFFFC000  }
.LBB2_2:
0xa3: {  	[tilespmem:s11], [sflag:$0x2] =	stream.indirect.gather [hbm4b:s1+s8], $0x80, s20, s8, $0xb8;
	[tilespmem:$0x1F800] =	vst v63  }
0xa4: {  	s20 =	smov.u32 s19  }
0xa5: {  	p0 =	sne.s32 s19, $0x4800;
	s19 =	sadd.s32 $0x400, s19;
	_ =	swait.ge [sflag:s14], $0x4000  }
0xa6: {  	s20 =	sshra.s32 s20, $0x2;
	[sflag:s14] =	ssyncset.done $0x0  }
0xa7: {  	s21 =	sadd.s32 $0x15400, s20;
	[sflag:s14] =	ssyncadd.s32 $0xFFFFC000  }
0xa8: {  	[spmem:s2] =	stream.indirect.scatter.add.f32 [tilespmem:s9], [sflag:$0x4], $0x80, s21, s8, $0xb8;
	[tilespmem:$0x1F800] =	vst v63  }
0xa9: {  	_ =	swait.ge [sflag:s5], $0x4000  }
0xaa: {  	[sflag:s5] =	ssyncset.done $0x0  }
0xab: {  	s21 =	sadd.s32 $0x14100, s20;
	[sflag:s5] =	ssyncadd.s32 $0xFFFFC000  }
0xac: {  	[tilespmem:s9], [sflag:$0x1] =	stream.indirect.gather [hbm4b:s1+s8], $0x80, s21, s8, $0xb8;
	[tilespmem:$0x1F800] =	vst v63  }
0xad: {  	_ =	swait.ge [sflag:s15], $0x4000  }
0xae: {  	[sflag:s15] =	ssyncset.done $0x0  }
.Ltmp0:
0xaf: {  	s21 =	sadd.s32 $0x15480, s20;
	[sflag:s15] =	ssyncadd.s32 $0xFFFFC000;
	(pc) =	sbr.rel @p0 .LBB2_2-.Ltmp0, $4  }
0xb0: {  	[spmem:s2] =	stream.indirect.scatter.add.f32 [tilespmem:s11], [sflag:$0x4], $0x80, s21, s8, $0xb8;
	[tilespmem:$0x1F800] =	vst v63  }
0xb1: {  	_ =	swait.ge [sflag:s5], $0x4000  }
0xb2: {  	[sflag:s5] =	ssyncset.done $0x0  }
0xb3: {  	s20 =	sadd.s32 $0x14180, s20;
	[sflag:s5] =	ssyncadd.s32 $0xFFFFC000  }
0xb4: {  	[tilespmem:s11], [sflag:$0x2] =	stream.indirect.gather [hbm4b:s1+s8], $0x80, s20, s8, $0xb8;
	[tilespmem:$0x1F800] =	vst v63  }
0xb5: {  	_ =	swait.ge [sflag:s14], $0x4000  }
0xb6: {  	[sflag:s14] =	ssyncset.done $0x0  }
0xb7: {  	[sflag:s14] =	ssyncadd.s32 $0xFFFFC000  }
0xb8: {  	[spmem:s2] =	stream.indirect.scatter.add.f32 [tilespmem:s9], [sflag:$0x4], $0x80, s16, s8, $0xb8;
	[tilespmem:$0x1F800] =	vst v63  }
0xb9: {  	_ =	swait.ge [sflag:s5], $0x4000  }
0xba: {  	[sflag:s5] =	ssyncset.done $0x0  }
0xbb: {  	[sflag:s5] =	ssyncadd.s32 $0xFFFFC000  }
0xbc: {  	_ =	swait.ge [sflag:s15], $0x4000  }
0xbd: {  	[sflag:s15] =	ssyncset.done $0x0  }
0xbe: {  	[sflag:s15] =	ssyncadd.s32 $0xFFFFC000  }
0xbf: {  	[spmem:s2] =	stream.indirect.scatter.add.f32 [tilespmem:s11], [sflag:$0x4], $0x80, s17, s8, $0xb8;
	[tilespmem:$0x1F800] =	vst v63  }
0xc0: {  	_ =	swait.ge [sflag:s5], $0x4000  }
0xc1: {  	[sflag:s5] =	ssyncset.done $0x0  }
0xc2: {  	s19 =	simm.s32 $0x0;
	s21 =	rddreg [dreg:$0x13];
	[sflag:s5] =	ssyncadd.s32 $0xFFFFC000  }
0xc3: {  	[tilespmem:s3], [sflag:$0x4] =	stream.linear.gather [hbm4b:s21+s19], $0x1400, $0x38;
	[tilespmem:$0x1F800] =	vst v63  }
0xc4: {  	_ =	swait.ge [sflag:s5], $0x1400  }
0xc5: {  	[sflag:s5] =	ssyncset.done $0x0  }
0xc6: {  	[sflag:s5] =	ssyncadd.s32 $0xFFFFEC00  }
0xc7: {  	[tilespmem:s6], [sflag:$0x4] =	stream.linear.gather [hbm4b:s22+s19], $0x1400, $0x38;
	[tilespmem:$0x1F800] =	vst v63  }
0xc8: {  	_ =	swait.ge [sflag:s5], $0x1400  }
0xc9: {  	[sflag:s5] =	ssyncset.done $0x0  }
0xca: {  	[sflag:s5] =	ssyncadd.s32 $0xFFFFEC00  }
0xcb: {  	[tilespmem:s9], [sflag:$0x1] =	stream.indirect.gather [hbm4b:s1+s8], $0x80, s3, s8, $0xb8;
	[tilespmem:$0x1F800] =	vst v63  }
0xcc: {  	_ = 	snop  }
0xcd: {  	[tilespmem:s11], [sflag:$0x2] =	stream.indirect.gather [hbm4b:s1+s8], $0x80, s10, s8, $0xb8;
	[tilespmem:$0x1F800] =	vst v63  }
0xce: {  	_ =	swait.ge [sflag:s14], $0x4000  }
0xcf: {  	[sflag:s14] =	ssyncset.done $0x0  }
0xd0: {  	s21 =	simm.s32 $0x15400;
	[sflag:s14] =	ssyncadd.s32 $0xFFFFC000  }
0xd1: {  	[spmem:s2] =	stream.indirect.scatter.add.f32 [tilespmem:s9], [sflag:$0x4], $0x80, s21, s8, $0xb8;
	[tilespmem:$0x1F800] =	vst v63  }
0xd2: {  	_ =	swait.ge [sflag:s5], $0x4000  }
0xd3: {  	[sflag:s5] =	ssyncset.done $0x0  }
0xd4: {  	s20 =	simm.s32 $0x14100;
	[sflag:s5] =	ssyncadd.s32 $0xFFFFC000  }
0xd5: {  	[tilespmem:s9], [sflag:$0x1] =	stream.indirect.gather [hbm4b:s1+s8], $0x80, s20, s8, $0xb8;
	[tilespmem:$0x1F800] =	vst v63  }
0xd6: {  	_ =	swait.ge [sflag:s15], $0x4000  }
0xd7: {  	[sflag:s15] =	ssyncset.done $0x0  }
0xd8: {  	s21 =	simm.s32 $0x15480;
	[sflag:s15] =	ssyncadd.s32 $0xFFFFC000  }
0xd9: {  	[spmem:s2] =	stream.indirect.scatter.add.f32 [tilespmem:s11], [sflag:$0x4], $0x80, s21, s8, $0xb8;
	[tilespmem:$0x1F800] =	vst v63  }
0xda: {  	_ =	swait.ge [sflag:s5], $0x4000  }
0xdb: {  	[sflag:s5] =	ssyncset.done $0x0  }
0xdc: {  	s19 =	simm.s32 $0x400;
	s20 =	simm.s32 $0x14180;
	[sflag:s5] =	ssyncadd.s32 $0xFFFFC000  }
.LBB2_4:
0xdd: {  	[tilespmem:s11], [sflag:$0x2] =	stream.indirect.gather [hbm4b:s1+s8], $0x80, s20, s8, $0xb8;
	[tilespmem:$0x1F800] =	vst v63  }
0xde: {  	s20 =	smov.u32 s19  }
0xdf: {  	p0 =	sne.s32 s19, $0x4800;
	s19 =	sadd.s32 $0x400, s19;
	_ =	swait.ge [sflag:s14], $0x4000  }
0xe0: {  	s20 =	sshra.s32 s20, $0x2;
	[sflag:s14] =	ssyncset.done $0x0  }
0xe1: {  	s21 =	sadd.s32 $0x15400, s20;
	[sflag:s14] =	ssyncadd.s32 $0xFFFFC000  }
0xe2: {  	[spmem:s2] =	stream.indirect.scatter.add.f32 [tilespmem:s9], [sflag:$0x4], $0x80, s21, s8, $0xb8;
	[tilespmem:$0x1F800] =	vst v63  }
0xe3: {  	_ =	swait.ge [sflag:s5], $0x4000  }
0xe4: {  	[sflag:s5] =	ssyncset.done $0x0  }
0xe5: {  	s21 =	sadd.s32 $0x14100, s20;
	[sflag:s5] =	ssyncadd.s32 $0xFFFFC000  }
0xe6: {  	[tilespmem:s9], [sflag:$0x1] =	stream.indirect.gather [hbm4b:s1+s8], $0x80, s21, s8, $0xb8;
	[tilespmem:$0x1F800] =	vst v63  }
0xe7: {  	_ =	swait.ge [sflag:s15], $0x4000  }
0xe8: {  	[sflag:s15] =	ssyncset.done $0x0  }
.Ltmp1:
0xe9: {  	s21 =	sadd.s32 $0x15480, s20;
	[sflag:s15] =	ssyncadd.s32 $0xFFFFC000;
	(pc) =	sbr.rel @p0 .LBB2_4-.Ltmp1, $4  }
0xea: {  	[spmem:s2] =	stream.indirect.scatter.add.f32 [tilespmem:s11], [sflag:$0x4], $0x80, s21, s8, $0xb8;
	[tilespmem:$0x1F800] =	vst v63  }
0xeb: {  	_ =	swait.ge [sflag:s5], $0x4000  }
0xec: {  	[sflag:s5] =	ssyncset.done $0x0  }
0xed: {  	s20 =	sadd.s32 $0x14180, s20;
	[sflag:s5] =	ssyncadd.s32 $0xFFFFC000  }
0xee: {  	[tilespmem:s11], [sflag:$0x2] =	stream.indirect.gather [hbm4b:s1+s8], $0x80, s20, s8, $0xb8;
	[tilespmem:$0x1F800] =	vst v63  }
0xef: {  	_ =	swait.ge [sflag:s14], $0x4000  }
0xf0: {  	[sflag:s14] =	ssyncset.done $0x0  }
0xf1: {  	[sflag:s14] =	ssyncadd.s32 $0xFFFFC000  }
0xf2: {  	[spmem:s2] =	stream.indirect.scatter.add.f32 [tilespmem:s9], [sflag:$0x4], $0x80, s16, s8, $0xb8;
	[tilespmem:$0x1F800] =	vst v63  }
0xf3: {  	_ =	swait.ge [sflag:s5], $0x4000  }
0xf4: {  	[sflag:s5] =	ssyncset.done $0x0  }
0xf5: {  	[sflag:s5] =	ssyncadd.s32 $0xFFFFC000  }
0xf6: {  	_ =	swait.ge [sflag:s15], $0x4000  }
0xf7: {  	[sflag:s15] =	ssyncset.done $0x0  }
0xf8: {  	[sflag:s15] =	ssyncadd.s32 $0xFFFFC000  }
0xf9: {  	[spmem:s2] =	stream.indirect.scatter.add.f32 [tilespmem:s11], [sflag:$0x4], $0x80, s17, s8, $0xb8;
	[tilespmem:$0x1F800] =	vst v63  }
0xfa: {  	s19 =	stileid.u32;
	_ =	swait.ge [sflag:s5], $0x4000  }
0xfb: {  	s21 =	sshrl.u32 s7, $0x3;
	s18 =	sadd.s32 $0x1, s18;
	[sflag:s5] =	ssyncset.done $0x0  }
0xfc: {  	s19 =	sshll.u32 s19, $0x6;
	p0 =	sne.s32 s18, s25;
	[sflag:s5] =	ssyncadd.s32 $0xFFFFC000  }
.Ltmp2:
0xfd: {  	s19 =	sor.u32 $0x1C04, s19;
	[bflag:$0x0] =	sbarrier.arrive $0xFFFF;
	(pc) =	sbr.rel @p0 .LBB2_1-.Ltmp2, $4  }
0xfe: {  	[hbm:s24], [sflag:s19] =	dma.local [spmem:s21], $0x2800  }
0xff: {  	_ =	swait.ge [sflag:s5], $0x2800  }
0x100: {  	[sflag:s5] =	ssyncset.done $0x0  }
0x101: {  	[sflag:s5] =	ssyncadd.s32 $0xFFFFD800  }
0x102: {  	_ =	sfence.sel $0x180000  }
0x103: {  	[bflag:$0x0] =	sbarrier.arrive $0xFFFF  }
0x104: {  	_ =	strace $0x9000004A  }
0x105: {  	s0 =	stileid.u32;
	[bflag:$0x2] =	sbarrier.arrive $0xFFFF  }
0x106: {  	p0 =	sne.s32 s0, $0x0;
	s0 =	rddreg [dreg:$0x3]  }
0x107: {  	s0 =	sadd.s32 @!p0 $0x100000, s0  }
0x108: {  	[sflag:s0] =	ssyncadd.tile.s32 @!p0 $0x1;
	_ =	shalt  }
.Lfunc_end2:
_tile_overlayer_lowered:
.L_overlay_start_2:
0x109: {  	(tag) =	ssettag $0x2  }
0x10a: {  	s0 =	rddreg [dreg:$0x0];
	s2 =	stileid.u32  }
0x10b: {  	s1 =	rddreg [dreg:$0x1];
	p0 =	sne.s32 s2, $0x0  }
0x10c: {  	s3 =	rddreg [dreg:$0x2];
	[bflag:$0x3] =	sbarrier.arrive $0xFFFF;
	s2 =	simm.s32 @!p0 $0x1C04  }
0x10d: {  	[timem:s3], [sflag:s2] =	dma.local @!p0 [hbm:s0], s1  }
0x10e: {  	s0 =	simm.s32 @!p0 $0x4  }
0x10f: {  	_ =	swait.ge @!p0 [sflag:s0], s1  }
0x110: {  	s1 =	ssub.s32 @!p0 $0x0, s1;
	[sflag:s0] =	ssyncset.done @!p0 $0x0  }
0x111: {  	[sflag:s0] =	ssyncadd.s32 @!p0 s1  }
0x112: {  	[bflag:$0x3] =	sbarrier.arrive $0xFFFF  }
0x113: {  	_ =	shalt  }

// kernel: kernel.17.cloned.1.call-start
scs
__scs_entry_jumppad:
0x0: {  	(pc) =	sbr.rel $0x88, $3  }
0x1: {  	(tag) =	ssettag $0x0;
	lr =	simm.s32 $0x1  }
0x2: {  	[smem:$0x3F95] =	sst lr;
	_ =	strace $0xD0000000  }
0x3: {  	_ = 	snop  }
0x4: {  	_ = 	snop  }
0x5: {  	_ = 	snop  }
0x6: {  	_ = 	snop  }
0x7: {  	_ = 	snop  }
__scs_overlays_trampoline_lowered:
0x8: {  	[smem:$0x3FA4] =	sst s0  }
0x9: {  	[smem:$0x3FA5] =	sst s1  }
0xa: {  	[smem:$0x3FA6] =	sst s2  }
0xb: {  	[smem:$0x3FA7] =	sst s3  }
0xc: {  	[smem:$0x3FA8] =	sst s4  }
0xd: {  	[smem:$0x3FA9] =	sst s5  }
0xe: {  	[smem:$0x3FAA] =	sst s6  }
0xf: {  	[smem:$0x3FAB] =	sst s7  }
0x10: {  	[smem:$0x3FAC] =	sst s8  }
0x11: {  	[smem:$0x3FAD] =	sst s9;
	s0 =	simm.s32 @!p0 $0x0  }
0x12: {  	s1 =	sld [smem:$0x3F93];
	s0 =	simm.s32 @p0 $0x1  }
0x13: {  	[smem:$0x3FAE] =	sst s0;
	s0 =	simm.s32 @!p1 $0x0  }
0x14: {  	s2 =	sld [smem:$0x3F92];
	s0 =	simm.s32 @p1 $0x1  }
0x15: {  	[smem:$0x3FAF] =	sst s0;
	s0 =	simm.s32 @!p2 $0x0  }
0x16: {  	s3 =	sld [smem:$0x3FDB];
	s0 =	simm.s32 @p2 $0x1  }
0x17: {  	s4 =	simm.s32 $0x1BF5;
	[smem:$0x3FB1] =	sst s0  }
0x18: {  	s0 =	sld [smem:$0x3F94];
	_ =	swait.ge [sflag:s4], $0x0  }
0x19: {  	s7 =	sld [smem:$0x3F95]  }
0x1a: {  	s8 =	sadd.s32 $0xFFFFE003, lr  }
0x1b: {  	s9 =	sadd.s32 $0xFFFFFEF7, lr;
	s5 =	simm.s32 $0xFFFFFFFF;
	p2 =	slt.u32 s8, $0xFFFFF086  }
0x1c: {  	p1 =	slt.u32 s9, $0xF7A;
	s5 =	simm.s32 @!p2 $0x0  }
0x1d: {  	s5 =	simm.s32 @p1 $0x1;
	p0 =	seq.s32 s7, s2  }
0x1e: {  	s7 =	smul.u32 @!p0 $0xF7A, s2;
	p2 =	seq.s32 @!p0 s5, $0x0  }
0x1f: {  	s9 =	smul.u32 $0xF7A, s1;
	s8 =	simm.s32 @!p0 $0x1BF5;
	p2 =	por !p2, p0  }
0x20: {  	[sflag:s8] =	ssyncset.s32 @!p0 $0xFFFFF086;
	s6 =	sadd.s32 @!p0 s3, s7;
	s7 =	simm.s32 @!p0 $0x108  }
0x21: {  	s3 =	sadd.s32 s3, s9;
	s6 =	sadd.s32 @!p0 $0x88, s6;
	s7 =	simm.s32 @p2 $0x1082  }
0x22: {  	[simem:s7], [sflag:s8] =	dma.local @!p0 [hbm:s6], $0xF7A  }
0x23: {  	s9 =	sor.u32 $0xD0000000, s2;
	s6 =	simm.s32 $0x108;
	_ =	swait.ge @!p0 [sflag:s8], $0x0  }
0x24: {  	s3 =	sadd.s32 $0x88, s3;
	s6 =	simm.s32 @!p1 $0x1082;
	[sflag:s4] =	ssyncset.s32 $0xFFFFF086  }
0x25: {  	[simem:s6], [sflag:s4] =	dma.local [hbm:s3], $0xF7A  }
0x26: {  	[smem:$0x3F95] =	sst s1;
	(tag) =	ssettag s2;
	_ =	strace s9  }
0x27: {  	s1 =	sld [smem:$0x3FA5]  }
0x28: {  	s2 =	sld [smem:$0x3FA6]  }
0x29: {  	s4 =	sld [smem:$0x3FA8]  }
0x2a: {  	p0 =	seq.s32 s5, $0x0;
	s5 =	sld [smem:$0x3FA9]  }
0x2b: {  	s6 =	sld [smem:$0x3FAA]  }
0x2c: {  	s7 =	sld [smem:$0x3FAB]  }
0x2d: {  	s3 =	simm.s32 $0x108;
	s8 =	sld [smem:$0x3FAC]  }
0x2e: {  	s3 =	simm.s32 @!p0 $0x1082;
	s9 =	sld [smem:$0x3FAD]  }
0x2f: {  	lr =	sadd.s32 s0, s3;
	s0 =	sld [smem:$0x3FA4]  }
0x30: {  	s3 =	sld [smem:$0x3FA7]  }
0x31: {  	[smem:$0x3FB0] =	sst s10  }
0x32: {  	s10 =	sld [smem:$0x3FAE];
	_ =	sdelay $0x3  }
0x33: {  	p0 =	seq.s32 s10, $0x1;
	s10 =	sld [smem:$0x3FB0];
	_ =	sdelay $0x3  }
0x34: {  	[smem:$0x3FB0] =	sst s10  }
0x35: {  	s10 =	sld [smem:$0x3FAF];
	_ =	sdelay $0x3  }
0x36: {  	p1 =	seq.s32 s10, $0x1;
	s10 =	sld [smem:$0x3FB0];
	_ =	sdelay $0x3  }
0x37: {  	[smem:$0x3FB0] =	sst s10  }
0x38: {  	s10 =	sld [smem:$0x3FB1]  }
0x39: {  	_ = 	snop;
	(pc) =	sbr.ind lr, $3  }
0x3a: {  	_ = 	snop  }
0x3b: {  	_ = 	snop  }
0x3c: {  	p2 =	seq.s32 s10, $0x1;
	s10 =	sld [smem:$0x3FB0]  }
0x3d: {  	_ =	shalt  }
0x3e: {  	_ =	shalt  }
0x3f: {  	_ =	shalt  }
0x40: {  	_ =	shalt  }
0x41: {  	_ =	shalt  }
0x42: {  	_ =	shalt  }
0x43: {  	_ =	shalt  }
0x44: {  	_ =	shalt  }
0x45: {  	_ =	shalt  }
0x46: {  	_ =	shalt  }
0x47: {  	_ =	shalt  }
0x48: {  	_ =	shalt  }
0x49: {  	_ =	shalt  }
0x4a: {  	_ =	shalt  }
0x4b: {  	_ =	shalt  }
0x4c: {  	_ =	shalt  }
0x4d: {  	_ =	shalt  }
0x4e: {  	_ =	shalt  }
0x4f: {  	_ =	shalt  }
0x50: {  	_ =	shalt  }
0x51: {  	_ =	shalt  }
0x52: {  	_ =	shalt  }
0x53: {  	_ =	shalt  }
0x54: {  	_ =	shalt  }
0x55: {  	_ =	shalt  }
0x56: {  	_ =	shalt  }
0x57: {  	_ =	shalt  }
0x58: {  	_ =	shalt  }
0x59: {  	_ =	shalt  }
0x5a: {  	_ =	shalt  }
0x5b: {  	_ =	shalt  }
0x5c: {  	_ =	shalt  }
0x5d: {  	_ =	shalt  }
0x5e: {  	_ =	shalt  }
0x5f: {  	_ =	shalt  }
0x60: {  	_ =	shalt  }
0x61: {  	_ =	shalt  }
0x62: {  	_ =	shalt  }
0x63: {  	_ =	shalt  }
0x64: {  	_ =	shalt  }
0x65: {  	_ =	shalt  }
0x66: {  	_ =	shalt  }
0x67: {  	_ =	shalt  }
0x68: {  	_ =	shalt  }
0x69: {  	_ =	shalt  }
0x6a: {  	_ =	shalt  }
0x6b: {  	_ =	shalt  }
0x6c: {  	_ =	shalt  }
0x6d: {  	_ =	shalt  }
0x6e: {  	_ =	shalt  }
0x6f: {  	_ =	shalt  }
0x70: {  	_ =	shalt  }
0x71: {  	_ =	shalt  }
0x72: {  	_ =	shalt  }
0x73: {  	_ =	shalt  }
0x74: {  	_ =	shalt  }
0x75: {  	_ =	shalt  }
0x76: {  	_ =	shalt  }
0x77: {  	_ =	shalt  }
0x78: {  	_ =	shalt  }
0x79: {  	_ =	shalt  }
0x7a: {  	_ =	shalt  }
0x7b: {  	_ =	shalt  }
0x7c: {  	_ =	shalt  }
0x7d: {  	_ =	shalt  }
0x7e: {  	_ =	shalt  }
0x7f: {  	_ =	shalt  }
0x80: {  	_ =	shalt  }
0x81: {  	_ =	shalt  }
0x82: {  	_ =	shalt  }
0x83: {  	_ =	shalt  }
0x84: {  	_ =	shalt  }
0x85: {  	_ =	shalt  }
0x86: {  	_ =	shalt  }
0x87: {  	_ =	shalt  }
.Lfunc_end0:
.L_simem_size_0:
called_computation.2_lowered:
.L_overlay_start_0:
0x88: {  	s2 =	sld [smem:$0x3FD9]  }
0x89: {  	s3 =	sld [smem:$0x3FFE];
	_ =	sdelay $0x1  }
0x8a: {  	s1 =	srdreg.scid  }
0x8b: {  	s0 =	sand.u32 $0x1, s1  }
0x8c: {  	s14 =	sshll.u32 s0, $0xA;
	s2 =	sadd.s32 s3, s2  }
0x8d: {  	s2 =	sadd.s32 s2, s14  }
0x8e: {  	[smem:$0x3FBC] =	sst s2  }
0x8f: {  	_ = 	snop  }
0x90: {  	s2 =	sld [smem:$0x3FD0];
	_ =	sdelay $0x2  }
0x91: {  	s15 =	simm.s32 $0xA;
	s4 =	simm.s32 $0x10  }
0x92: {  	[smem:s4], [sflag:s15] =	dma.local [hbm:s2], $0x1  }
0x93: {  	_ =	swait.eq [sflag:s15], $0x1  }
0x94: {  	[sflag:s15] =	ssyncset.done $0x0  }
0x95: {  	[sflag:s15] =	ssyncadd.s32 $0xFFFFFFFF  }
0x96: {  	s16 =	sld [smem:$0x11];
	(tm) =	ssettm $0x1  }
0x97: {  	s17 =	sld [smem:$0x3FFB];
	_ =	sdelay $0x3  }
0x98: {  	_ =	strace s17  }
0x99: {  	s3 =	sld [smem:$0x3FFC];
	_ =	sdelay $0x3  }
0x9a: {  	_ =	strace s3  }
0x9b: {  	s3 =	sld [smem:$0x3FFD];
	_ =	sdelay $0x3  }
0x9c: {  	_ =	strace s3  }
0x9d: {  	_ =	strace $0x8FFFFFFF  }
0x9e: {  	s18 =	sld [smem:$0x3FDB];
	_ =	sdelay $0x1  }
0x9f: {  	s19 =	simm.s32 $_scs_section_size  }
0xa0: {  	s5 =	simm.s32 $_size__tile_overlayer_lowered;
	s6 =	simm.s32 $_tile_overlayer_lowered  }
0xa1: {  	s22 =	simm.s32 $0x1BFF;
	s21 =	sshll.u32 s6, $0x1;
	s3 =	sadd.s32 s19, s18  }
0xa2: {  	s7 =	simm.s32 $0x0;
	s20 =	sshll.u32 s5, $0x1;
	s5 =	sadd.s32 s21, s3  }
0xa3: {  	[timem:s7], [sflag:s22] =	dma.local [hbm:s5], s20  }
0xa4: {  	_ =	swait.ge [sflag:s22], s20  }
0xa5: {  	s4 =	ssub.s32 $0x0, s20;
	[sflag:s22] =	ssyncset.done $0x0  }
0xa6: {  	[sflag:s22] =	ssyncadd.s32 s4;
	_ =	sdelay $0x1  }
0xa7: {  	s23 =	simm.s32 $0x1B8B  }
0xa8: {  	_ =	swait.ge [sflag:s23], $0x1  }
0xa9: {  	[sflag:s23] =	ssyncset.done $0x0  }
0xaa: {  	s25 =	simm.s32 $0x1B8E;
	s24 =	sld [smem:$0x3FFE];
	[sflag:s23] =	ssyncadd.s32 $0xFFFFFFFF  }
0xab: {  	s26 =	simm.s32 $execute0_lowered;
	[smem:$0x3FD2] =	sst s25  }
0xac: {  	s5 =	sshll.u32 s26, $0x1;
	_ =	strace $0x8000004C;
	[dreg:$0x1] =	wrdreg $0xFFFFFFFF  }
0xad: {  	s28 =	simm.s32 $_size_execute0_lowered;
	s3 =	sadd.s32 s3, s5;
	[dreg:$0x0] =	wrdreg $0x0  }
0xae: {  	s5 =	sshll.u32 s28, $0x1;
	[dreg:$0x2] =	wrdreg s3  }
0xaf: {  	[dreg:$0x3] =	wrdreg s5  }
0xb0: {  	[dreg:$0x4] =	wrdreg $0xC0  }
0xb1: {  	_ =	task [dreg:s7], $0x5FFFF  }
0xb2: {  	[dreg:$0x1] =	wrdreg $0xFFFFFFFF  }
0xb3: {  	[dreg:$0x0] =	wrdreg $0x60  }
0xb4: {  	[dreg:$0x2] =	wrdreg s16  }
0xb5: {  	[dreg:$0x3] =	wrdreg s24  }
0xb6: {  	[dreg:$0x4] =	wrdreg $0x0  }
0xb7: {  	[dreg:$0x5] =	wrdreg $0x9  }
0xb8: {  	_ =	task.clear_ibuf [dreg:s7], $0x6FFFF;
	_ =	strace $0x9000004C  }
0xb9: {  	s29 =	simm.s32 $0x9;
	_ =	strace $0x8000004E  }
0xba: {  	_ =	swait.ge [sflag:s29], $0x1  }
0xbb: {  	[sflag:s29] =	ssyncadd.s32 $0xFFFFFFFF  }
0xbc: {  	_ =	strace $0x9000004E  }
0xbd: {  	_ =	sfence  }
0xbe: {  	s30 =	sld [smem:$0x0];
	_ =	sdelay $0x2  }
0xbf: {  	s31 =	sshll.u32 s1, $0xD;
	s1 =	sshrl.u32 s1, $0x2  }
0xc0: {  	s3 =	sand.u32 $0x4000, s31;
	s1 =	sadd.s32 s1, s30  }
0xc1: {  	s0 =	sor.u32 s3, s0;
	s1 =	sshll.u32 s1, $0x11  }
0xc2: {  	s0 =	sor.u32 s1, s0  }
0xc3: {  	s0 =	sadd.s32 $0x8F2B, s0  }
0xc4: {  	[sflag:s0] =	ssyncadd.remote.s32 $0x1  }
0xc5: {  	_ =	sfence.sel $0xFFFF  }
0xc6: {  	[dreg:$0x0] =	wrdreg $0xFFFFFFFF;
	(pc) =	sbr.abs _section_cstart, $3  }
0xc7: {  	[dreg:$0x1] =	wrdreg $0xFFFFFFFF  }
0xc8: {  	_ =	task.clear_ibuf [dreg:s7], $0x2FFFF;
	_ =	strace $0x9FFFFFFF  }
0xc9: {  	(tm) =	ssettm $0x7FFFFFFF  }
tec
execute0_lowered:
.L_overlay_start_1:
0x0: {  	(tag) =	ssettag $0x1  }
0x1: {  	s1 =	rddreg [dreg:$0x0]  }
0x2: {  	s0 =	rddreg [dreg:$0x1];
	s10 =	stileid.u32  }
0x3: {  	s2 =	rddreg [dreg:$0x2];
	s6 =	smul.u32 $0x14000, s10  }
0x4: {  	s3 =	srdreg.scid;
	s26 =	smul.u32 $0x2800, s10  }
0x5: {  	s4 =	simm.s32 $0x0;
	s3 =	sand.u32 $0x1, s3;
	s10 =	smul.u32 $0x50000, s10  }
0x6: {  	[smem:$0x7FF] =	sst s4;
	s5 =	smul.u32 $0x140000, s3  }
0x7: {  	s11 =	sadd.s32 $0x4C00, s0;
	_ =	strace $0x8000004D;
	s7 =	smul.u32 $0x28000, s3  }
0x8: {  	[dreg:$0x4] =	wrdreg s11;
	s3 =	ssub.s32 $0x2, s3;
	s11 =	sshrl.u32 s10, $0x2  }
0x9: {  	s5 =	sadd.s32 s6, s5;
	s6 =	sadd.s32 s26, s7;
	s7 =	sshrl.u32 s3, $0x1  }
0xa: {  	s3 =	ssub.s32 s3, s7;
	s7 =	sadd.s32 s11, s2  }
0xb: {  	s8 =	sadd.s32 $0x5200, s0;
	s9 =	sadd.s32 $0xF200, s0;
	s14 =	sadd.s32 $0x1000, s7  }
0xc: {  	s10 =	simm.s32 $0x14080;
	s15 =	sadd.s32 $0x2000, s7;
	[dreg:$0x7] =	wrdreg s14  }
0xd: {  	s5 =	sshrl.u32 s5, $0x3;
	s16 =	sadd.s32 $0x3000, s7;
	[dreg:$0x8] =	wrdreg s15  }
0xe: {  	s11 =	simm.s32 $0x1A800;
	s17 =	sadd.s32 $0x4000, s7;
	[dreg:$0x9] =	wrdreg s16  }
0xf: {  	s0 =	sadd.s32 s5, s0;
	s18 =	sadd.s32 $0x5000, s7;
	[dreg:$0xa] =	wrdreg s17  }
0x10: {  	s5 =	sshrl.u32 s6, $0x3;
	s19 =	sadd.s32 $0x6000, s7;
	[dreg:$0xb] =	wrdreg s18  }
0x11: {  	s20 =	sadd.s32 $0x7000, s7;
	s21 =	sadd.s32 $0x8000, s7;
	[dreg:$0xc] =	wrdreg s19  }
0x12: {  	s22 =	sadd.s32 $0x9000, s7;
	s23 =	sadd.s32 $0xA000, s7;
	[dreg:$0xd] =	wrdreg s20  }
0x13: {  	s24 =	sadd.s32 $0xB000, s7;
	s25 =	sadd.s32 $0xC000, s7;
	[dreg:$0xe] =	wrdreg s21  }
0x14: {  	s28 =	sadd.s32 $0xF000, s7;
	s29 =	sadd.s32 $0x10000, s7;
	[dreg:$0xf] =	wrdreg s22  }
0x15: {  	s30 =	sadd.s32 $0x11000, s7;
	s31 =	sadd.s32 $0x12000, s7;
	[dreg:$0x10] =	wrdreg s23  }
0x16: {  	s6 =	simm.s32 $0x15400;
	s12 =	sadd.s32 s8, s5;
	[dreg:$0x11] =	wrdreg s24  }
0x17: {  	s13 =	sadd.s32 s9, s5;
	s5 =	sadd.s32 $0x280, s5;
	[dreg:$0x12] =	wrdreg s25  }
0x18: {  	s23 =	sadd.s32 $0xD000, s7;
	s24 =	sadd.s32 $0x19200, s0;
	s25 =	smax.u32 s3, $0x1  }
0x19: {  	s0 =	sadd.s32 $0x13000, s7;
	s3 =	simm.s32 $0x14000;
	s14 =	simm.s32 $0x1  }
0x1a: {  	s15 =	simm.s32 $0x2;
	s16 =	simm.s32 $0x16700;
	[dreg:$0x5] =	wrdreg s12  }
0x1b: {  	s17 =	simm.s32 $0x16780;
	s18 =	simm.s32 $0x0;
	[dreg:$0x6] =	wrdreg s13  }
0x1c: {  	s26 =	sadd.s32 s8, s5;
	s22 =	sadd.s32 s9, s5;
	s5 =	simm.s32 $0x4  }
0x1d: {  	s8 =	simm.s32 $0x80;
	s9 =	simm.s32 $0x16800;
	s12 =	simm.s32 $0x1E800  }
0x1e: {  	s13 =	simm.s32 $0x3;
	[dreg:$0x13] =	wrdreg s26;
	s26 =	sadd.s32 $0xE000, s7  }
.LBB2_1:
0x1f: {  	s19 =	rddreg [dreg:$0x5]  }
0x20: {  	[tilespmem:s3], [sflag:$0x4] =	stream.linear.gather [hbm4b:s19+s4], $0x1400, $0x38;
	[tilespmem:$0x1F800] =	vst v63  }
0x21: {  	_ =	swait.ge [sflag:s5], $0x1400  }
0x22: {  	[sflag:s5] =	ssyncset.done $0x0  }
0x23: {  	s21 =	rddreg [dreg:$0x6];
	[sflag:s5] =	ssyncadd.s32 $0xFFFFEC00  }
0x24: {  	[tilespmem:s6], [sflag:$0x4] =	stream.linear.gather [hbm4b:s21+s4], $0x1400, $0x38;
	[tilespmem:$0x1F800] =	vst v63  }
0x25: {  	_ =	swait.ge [sflag:s5], $0x1400  }
0x26: {  	[sflag:s5] =	ssyncset.done $0x0  }
0x27: {  	[sflag:s5] =	ssyncadd.s32 $0xFFFFEC00  }
0x28: {  	[tilespmem:s9], [sflag:$0x1] =	stream.indirect.gather [hbm4b:s1+s8], $0x80, s3, s8, $0xb8;
	[tilespmem:$0x1F800] =	vst v63  }
0x29: {  	_ = 	snop  }
0x2a: {  	[tilespmem:s11], [sflag:$0x2] =	stream.indirect.gather [hbm4b:s1+s8], $0x80, s10, s8, $0xb8;
	[tilespmem:$0x1F800] =	vst v63  }
0x2b: {  	s20 =	rddreg [dreg:$0x4]  }
0x2c: {  	[tilespmem:s12], [sflag:$0x4] =	stream.linear.gather [hbm4b:s20+s4], $0x1000, $0x38;
	[tilespmem:$0x1F800] =	vst v63  }
0x2d: {  	_ =	swait.ge [sflag:s5], $0x1000  }
0x2e: {  	[sflag:s5] =	ssyncset.done $0x0  }
0x2f: {  	[sflag:s5] =	ssyncadd.s32 $0xFFFFF000  }
0x30: {  	[spmem:s7] =	stream.linear.scatter [tilespmem:s12], [sflag:$0x3], $0x1000, $0x38;
	[tilespmem:$0x1F800] =	vst v63  }
0x31: {  	s21 =	rddreg [dreg:$0x7]  }
0x32: {  	[spmem:s21] =	stream.linear.scatter [tilespmem:s12], [sflag:$0x3], $0x1000, $0x38;
	[tilespmem:$0x1F800] =	vst v63  }
0x33: {  	s20 =	rddreg [dreg:$0x8]  }
0x34: {  	[spmem:s20] =	stream.linear.scatter [tilespmem:s12], [sflag:$0x3], $0x1000, $0x38;
	[tilespmem:$0x1F800] =	vst v63  }
0x35: {  	s21 =	rddreg [dreg:$0x9]  }
0x36: {  	[spmem:s21] =	stream.linear.scatter [tilespmem:s12], [sflag:$0x3], $0x1000, $0x38;
	[tilespmem:$0x1F800] =	vst v63  }
0x37: {  	s20 =	rddreg [dreg:$0xa]  }
0x38: {  	[spmem:s20] =	stream.linear.scatter [tilespmem:s12], [sflag:$0x3], $0x1000, $0x38;
	[tilespmem:$0x1F800] =	vst v63  }
0x39: {  	s21 =	rddreg [dreg:$0xb]  }
0x3a: {  	[spmem:s21] =	stream.linear.scatter [tilespmem:s12], [sflag:$0x3], $0x1000, $0x38;
	[tilespmem:$0x1F800] =	vst v63  }
0x3b: {  	s20 =	rddreg [dreg:$0xc]  }
0x3c: {  	[spmem:s20] =	stream.linear.scatter [tilespmem:s12], [sflag:$0x3], $0x1000, $0x38;
	[tilespmem:$0x1F800] =	vst v63  }
0x3d: {  	s21 =	rddreg [dreg:$0xd]  }
0x3e: {  	[spmem:s21] =	stream.linear.scatter [tilespmem:s12], [sflag:$0x3], $0x1000, $0x38;
	[tilespmem:$0x1F800] =	vst v63  }
0x3f: {  	s20 =	rddreg [dreg:$0xe]  }
0x40: {  	[spmem:s20] =	stream.linear.scatter [tilespmem:s12], [sflag:$0x3], $0x1000, $0x38;
	[tilespmem:$0x1F800] =	vst v63  }
0x41: {  	s21 =	rddreg [dreg:$0xf]  }
0x42: {  	[spmem:s21] =	stream.linear.scatter [tilespmem:s12], [sflag:$0x3], $0x1000, $0x38;
	[tilespmem:$0x1F800] =	vst v63  }
0x43: {  	s20 =	rddreg [dreg:$0x10]  }
0x44: {  	[spmem:s20] =	stream.linear.scatter [tilespmem:s12], [sflag:$0x3], $0x1000, $0x38;
	[tilespmem:$0x1F800] =	vst v63  }
0x45: {  	s21 =	rddreg [dreg:$0x11]  }
0x46: {  	[spmem:s21] =	stream.linear.scatter [tilespmem:s12], [sflag:$0x3], $0x1000, $0x38;
	[tilespmem:$0x1F800] =	vst v63  }
0x47: {  	s20 =	rddreg [dreg:$0x12]  }
0x48: {  	[spmem:s20] =	stream.linear.scatter [tilespmem:s12], [sflag:$0x3], $0x1000, $0x38;
	[tilespmem:$0x1F800] =	vst v63  }
0x49: {  	_ = 	snop  }
0x4a: {  	[spmem:s23] =	stream.linear.scatter [tilespmem:s12], [sflag:$0x3], $0x1000, $0x38;
	[tilespmem:$0x1F800] =	vst v63  }
0x4b: {  	_ = 	snop  }
0x4c: {  	[spmem:s26] =	stream.linear.scatter [tilespmem:s12], [sflag:$0x3], $0x1000, $0x38;
	[tilespmem:$0x1F800] =	vst v63  }
0x4d: {  	_ = 	snop  }
0x4e: {  	[spmem:s28] =	stream.linear.scatter [tilespmem:s12], [sflag:$0x3], $0x1000, $0x38;
	[tilespmem:$0x1F800] =	vst v63  }
0x4f: {  	_ = 	snop  }
0x50: {  	[spmem:s29] =	stream.linear.scatter [tilespmem:s12], [sflag:$0x3], $0x1000, $0x38;
	[tilespmem:$0x1F800] =	vst v63  }
0x51: {  	_ = 	snop  }
0x52: {  	[spmem:s30] =	stream.linear.scatter [tilespmem:s12], [sflag:$0x3], $0x1000, $0x38;
	[tilespmem:$0x1F800] =	vst v63  }
0x53: {  	_ = 	snop  }
0x54: {  	[spmem:s31] =	stream.linear.scatter [tilespmem:s12], [sflag:$0x3], $0x1000, $0x38;
	[tilespmem:$0x1F800] =	vst v63  }
0x55: {  	_ = 	snop  }
0x56: {  	[spmem:s0] =	stream.linear.scatter [tilespmem:s12], [sflag:$0x3], $0x1000, $0x38;
	[tilespmem:$0x1F800] =	vst v63  }
0x57: {  	_ =	swait.ge [sflag:s13], $0x1000  }
0x58: {  	[sflag:s13] =	ssyncset.done $0x0  }
0x59: {  	[sflag:s13] =	ssyncadd.s32 $0xFFFFF000  }
0x5a: {  	_ =	swait.ge [sflag:s13], $0x1000  }
0x5b: {  	[sflag:s13] =	ssyncset.done $0x0  }
0x5c: {  	[sflag:s13] =	ssyncadd.s32 $0xFFFFF000  }
0x5d: {  	_ =	swait.ge [sflag:s13], $0x1000  }
0x5e: {  	[sflag:s13] =	ssyncset.done $0x0  }
0x5f: {  	[sflag:s13] =	ssyncadd.s32 $0xFFFFF000  }
0x60: {  	_ =	swait.ge [sflag:s13], $0x1000  }
0x61: {  	[sflag:s13] =	ssyncset.done $0x0  }
0x62: {  	[sflag:s13] =	ssyncadd.s32 $0xFFFFF000  }
0x63: {  	_ =	swait.ge [sflag:s13], $0x1000  }
0x64: {  	[sflag:s13] =	ssyncset.done $0x0  }
0x65: {  	[sflag:s13] =	ssyncadd.s32 $0xFFFFF000  }
0x66: {  	_ =	swait.ge [sflag:s13], $0x1000  }
0x67: {  	[sflag:s13] =	ssyncset.done $0x0  }
0x68: {  	[sflag:s13] =	ssyncadd.s32 $0xFFFFF000  }
0x69: {  	_ =	swait.ge [sflag:s13], $0x1000  }
0x6a: {  	[sflag:s13] =	ssyncset.done $0x0  }
0x6b: {  	[sflag:s13] =	ssyncadd.s32 $0xFFFFF000  }
0x6c: {  	_ =	swait.ge [sflag:s13], $0x1000  }
0x6d: {  	[sflag:s13] =	ssyncset.done $0x0  }
0x6e: {  	[sflag:s13] =	ssyncadd.s32 $0xFFFFF000  }
0x6f: {  	_ =	swait.ge [sflag:s13], $0x1000  }
0x70: {  	[sflag:s13] =	ssyncset.done $0x0  }
0x71: {  	[sflag:s13] =	ssyncadd.s32 $0xFFFFF000  }
0x72: {  	_ =	swait.ge [sflag:s13], $0x1000  }
0x73: {  	[sflag:s13] =	ssyncset.done $0x0  }
0x74: {  	[sflag:s13] =	ssyncadd.s32 $0xFFFFF000  }
0x75: {  	_ =	swait.ge [sflag:s13], $0x1000  }
0x76: {  	[sflag:s13] =	ssyncset.done $0x0  }
0x77: {  	[sflag:s13] =	ssyncadd.s32 $0xFFFFF000  }
0x78: {  	_ =	swait.ge [sflag:s13], $0x1000  }
0x79: {  	[sflag:s13] =	ssyncset.done $0x0  }
0x7a: {  	[sflag:s13] =	ssyncadd.s32 $0xFFFFF000  }
0x7b: {  	_ =	swait.ge [sflag:s13], $0x1000  }
0x7c: {  	[sflag:s13] =	ssyncset.done $0x0  }
0x7d: {  	[sflag:s13] =	ssyncadd.s32 $0xFFFFF000  }
0x7e: {  	_ =	swait.ge [sflag:s13], $0x1000  }
0x7f: {  	[sflag:s13] =	ssyncset.done $0x0  }
0x80: {  	[sflag:s13] =	ssyncadd.s32 $0xFFFFF000  }
0x81: {  	_ =	swait.ge [sflag:s13], $0x1000  }
0x82: {  	[sflag:s13] =	ssyncset.done $0x0  }
0x83: {  	[sflag:s13] =	ssyncadd.s32 $0xFFFFF000  }
0x84: {  	_ =	swait.ge [sflag:s13], $0x1000  }
0x85: {  	[sflag:s13] =	ssyncset.done $0x0  }
0x86: {  	[sflag:s13] =	ssyncadd.s32 $0xFFFFF000  }
0x87: {  	_ =	swait.ge [sflag:s13], $0x1000  }
0x88: {  	[sflag:s13] =	ssyncset.done $0x0  }
0x89: {  	[sflag:s13] =	ssyncadd.s32 $0xFFFFF000  }
0x8a: {  	_ =	swait.ge [sflag:s13], $0x1000  }
0x8b: {  	[sflag:s13] =	ssyncset.done $0x0  }
0x8c: {  	[sflag:s13] =	ssyncadd.s32 $0xFFFFF000  }
0x8d: {  	_ =	swait.ge [sflag:s13], $0x1000  }
0x8e: {  	[sflag:s13] =	ssyncset.done $0x0  }
0x8f: {  	[sflag:s13] =	ssyncadd.s32 $0xFFFFF000  }
0x90: {  	_ =	swait.ge [sflag:s13], $0x1000  }
0x91: {  	[sflag:s13] =	ssyncset.done $0x0  }
0x92: {  	[sflag:s13] =	ssyncadd.s32 $0xFFFFF000  }
0x93: {  	[bflag:$0x0] =	sbarrier.arrive $0xFFFF  }
0x94: {  	_ =	swait.ge [sflag:s14], $0x4000  }
0x95: {  	[sflag:s14] =	ssyncset.done $0x0  }
0x96: {  	s21 =	simm.s32 $0x15400;
	[sflag:s14] =	ssyncadd.s32 $0xFFFFC000  }
0x97: {  	[spmem:s2] =	stream.indirect.scatter.add.f32 [tilespmem:s9], [sflag:$0x4], $0x80, s21, s8, $0xb8;
	[tilespmem:$0x1F800] =	vst v63  }
0x98: {  	_ =	swait.ge [sflag:s5], $0x4000  }
0x99: {  	[sflag:s5] =	ssyncset.done $0x0  }
0x9a: {  	s20 =	simm.s32 $0x14100;
	[sflag:s5] =	ssyncadd.s32 $0xFFFFC000  }
0x9b: {  	[tilespmem:s9], [sflag:$0x1] =	stream.indirect.gather [hbm4b:s1+s8], $0x80, s20, s8, $0xb8;
	[tilespmem:$0x1F800] =	vst v63  }
0x9c: {  	_ =	swait.ge [sflag:s15], $0x4000  }
0x9d: {  	[sflag:s15] =	ssyncset.done $0x0  }
0x9e: {  	s21 =	simm.s32 $0x15480;
	[sflag:s15] =	ssyncadd.s32 $0xFFFFC000  }
0x9f: {  	[spmem:s2] =	stream.indirect.scatter.add.f32 [tilespmem:s11], [sflag:$0x4], $0x80, s21, s8, $0xb8;
	[tilespmem:$0x1F800] =	vst v63  }
0xa0: {  	_ =	swait.ge [sflag:s5], $0x4000  }
0xa1: {  	[sflag:s5] =	ssyncset.done $0x0  }
0xa2: {  	s19 =	simm.s32 $0x400;
	s20 =	simm.s32 $0x14180;
	[sflag:s5] =	ssyncadd.s32 $0xFFFFC000  }
.LBB2_2:
0xa3: {  	[tilespmem:s11], [sflag:$0x2] =	stream.indirect.gather [hbm4b:s1+s8], $0x80, s20, s8, $0xb8;
	[tilespmem:$0x1F800] =	vst v63  }
0xa4: {  	s20 =	smov.u32 s19  }
0xa5: {  	p0 =	sne.s32 s19, $0x4800;
	s19 =	sadd.s32 $0x400, s19;
	_ =	swait.ge [sflag:s14], $0x4000  }
0xa6: {  	s20 =	sshra.s32 s20, $0x2;
	[sflag:s14] =	ssyncset.done $0x0  }
0xa7: {  	s21 =	sadd.s32 $0x15400, s20;
	[sflag:s14] =	ssyncadd.s32 $0xFFFFC000  }
0xa8: {  	[spmem:s2] =	stream.indirect.scatter.add.f32 [tilespmem:s9], [sflag:$0x4], $0x80, s21, s8, $0xb8;
	[tilespmem:$0x1F800] =	vst v63  }
0xa9: {  	_ =	swait.ge [sflag:s5], $0x4000  }
0xaa: {  	[sflag:s5] =	ssyncset.done $0x0  }
0xab: {  	s21 =	sadd.s32 $0x14100, s20;
	[sflag:s5] =	ssyncadd.s32 $0xFFFFC000  }
0xac: {  	[tilespmem:s9], [sflag:$0x1] =	stream.indirect.gather [hbm4b:s1+s8], $0x80, s21, s8, $0xb8;
	[tilespmem:$0x1F800] =	vst v63  }
0xad: {  	_ =	swait.ge [sflag:s15], $0x4000  }
0xae: {  	[sflag:s15] =	ssyncset.done $0x0  }
.Ltmp0:
0xaf: {  	s21 =	sadd.s32 $0x15480, s20;
	[sflag:s15] =	ssyncadd.s32 $0xFFFFC000;
	(pc) =	sbr.rel @p0 .LBB2_2-.Ltmp0, $4  }
0xb0: {  	[spmem:s2] =	stream.indirect.scatter.add.f32 [tilespmem:s11], [sflag:$0x4], $0x80, s21, s8, $0xb8;
	[tilespmem:$0x1F800] =	vst v63  }
0xb1: {  	_ =	swait.ge [sflag:s5], $0x4000  }
0xb2: {  	[sflag:s5] =	ssyncset.done $0x0  }
0xb3: {  	s20 =	sadd.s32 $0x14180, s20;
	[sflag:s5] =	ssyncadd.s32 $0xFFFFC000  }
0xb4: {  	[tilespmem:s11], [sflag:$0x2] =	stream.indirect.gather [hbm4b:s1+s8], $0x80, s20, s8, $0xb8;
	[tilespmem:$0x1F800] =	vst v63  }
0xb5: {  	_ =	swait.ge [sflag:s14], $0x4000  }
0xb6: {  	[sflag:s14] =	ssyncset.done $0x0  }
0xb7: {  	[sflag:s14] =	ssyncadd.s32 $0xFFFFC000  }
0xb8: {  	[spmem:s2] =	stream.indirect.scatter.add.f32 [tilespmem:s9], [sflag:$0x4], $0x80, s16, s8, $0xb8;
	[tilespmem:$0x1F800] =	vst v63  }
0xb9: {  	_ =	swait.ge [sflag:s5], $0x4000  }
0xba: {  	[sflag:s5] =	ssyncset.done $0x0  }
0xbb: {  	[sflag:s5] =	ssyncadd.s32 $0xFFFFC000  }
0xbc: {  	_ =	swait.ge [sflag:s15], $0x4000  }
0xbd: {  	[sflag:s15] =	ssyncset.done $0x0  }
0xbe: {  	[sflag:s15] =	ssyncadd.s32 $0xFFFFC000  }
0xbf: {  	[spmem:s2] =	stream.indirect.scatter.add.f32 [tilespmem:s11], [sflag:$0x4], $0x80, s17, s8, $0xb8;
	[tilespmem:$0x1F800] =	vst v63  }
0xc0: {  	_ =	swait.ge [sflag:s5], $0x4000  }
0xc1: {  	[sflag:s5] =	ssyncset.done $0x0  }
0xc2: {  	s19 =	simm.s32 $0x0;
	s21 =	rddreg [dreg:$0x13];
	[sflag:s5] =	ssyncadd.s32 $0xFFFFC000  }
0xc3: {  	[tilespmem:s3], [sflag:$0x4] =	stream.linear.gather [hbm4b:s21+s19], $0x1400, $0x38;
	[tilespmem:$0x1F800] =	vst v63  }
0xc4: {  	_ =	swait.ge [sflag:s5], $0x1400  }
0xc5: {  	[sflag:s5] =	ssyncset.done $0x0  }
0xc6: {  	[sflag:s5] =	ssyncadd.s32 $0xFFFFEC00  }
0xc7: {  	[tilespmem:s6], [sflag:$0x4] =	stream.linear.gather [hbm4b:s22+s19], $0x1400, $0x38;
	[tilespmem:$0x1F800] =	vst v63  }
0xc8: {  	_ =	swait.ge [sflag:s5], $0x1400  }
0xc9: {  	[sflag:s5] =	ssyncset.done $0x0  }
0xca: {  	[sflag:s5] =	ssyncadd.s32 $0xFFFFEC00  }
0xcb: {  	[tilespmem:s9], [sflag:$0x1] =	stream.indirect.gather [hbm4b:s1+s8], $0x80, s3, s8, $0xb8;
	[tilespmem:$0x1F800] =	vst v63  }
0xcc: {  	_ = 	snop  }
0xcd: {  	[tilespmem:s11], [sflag:$0x2] =	stream.indirect.gather [hbm4b:s1+s8], $0x80, s10, s8, $0xb8;
	[tilespmem:$0x1F800] =	vst v63  }
0xce: {  	_ =	swait.ge [sflag:s14], $0x4000  }
0xcf: {  	[sflag:s14] =	ssyncset.done $0x0  }
0xd0: {  	s21 =	simm.s32 $0x15400;
	[sflag:s14] =	ssyncadd.s32 $0xFFFFC000  }
0xd1: {  	[spmem:s2] =	stream.indirect.scatter.add.f32 [tilespmem:s9], [sflag:$0x4], $0x80, s21, s8, $0xb8;
	[tilespmem:$0x1F800] =	vst v63  }
0xd2: {  	_ =	swait.ge [sflag:s5], $0x4000  }
0xd3: {  	[sflag:s5] =	ssyncset.done $0x0  }
0xd4: {  	s20 =	simm.s32 $0x14100;
	[sflag:s5] =	ssyncadd.s32 $0xFFFFC000  }
0xd5: {  	[tilespmem:s9], [sflag:$0x1] =	stream.indirect.gather [hbm4b:s1+s8], $0x80, s20, s8, $0xb8;
	[tilespmem:$0x1F800] =	vst v63  }
0xd6: {  	_ =	swait.ge [sflag:s15], $0x4000  }
0xd7: {  	[sflag:s15] =	ssyncset.done $0x0  }
0xd8: {  	s21 =	simm.s32 $0x15480;
	[sflag:s15] =	ssyncadd.s32 $0xFFFFC000  }
0xd9: {  	[spmem:s2] =	stream.indirect.scatter.add.f32 [tilespmem:s11], [sflag:$0x4], $0x80, s21, s8, $0xb8;
	[tilespmem:$0x1F800] =	vst v63  }
0xda: {  	_ =	swait.ge [sflag:s5], $0x4000  }
0xdb: {  	[sflag:s5] =	ssyncset.done $0x0  }
0xdc: {  	s19 =	simm.s32 $0x400;
	s20 =	simm.s32 $0x14180;
	[sflag:s5] =	ssyncadd.s32 $0xFFFFC000  }
.LBB2_4:
0xdd: {  	[tilespmem:s11], [sflag:$0x2] =	stream.indirect.gather [hbm4b:s1+s8], $0x80, s20, s8, $0xb8;
	[tilespmem:$0x1F800] =	vst v63  }
0xde: {  	s20 =	smov.u32 s19  }
0xdf: {  	p0 =	sne.s32 s19, $0x4800;
	s19 =	sadd.s32 $0x400, s19;
	_ =	swait.ge [sflag:s14], $0x4000  }
0xe0: {  	s20 =	sshra.s32 s20, $0x2;
	[sflag:s14] =	ssyncset.done $0x0  }
0xe1: {  	s21 =	sadd.s32 $0x15400, s20;
	[sflag:s14] =	ssyncadd.s32 $0xFFFFC000  }
0xe2: {  	[spmem:s2] =	stream.indirect.scatter.add.f32 [tilespmem:s9], [sflag:$0x4], $0x80, s21, s8, $0xb8;
	[tilespmem:$0x1F800] =	vst v63  }
0xe3: {  	_ =	swait.ge [sflag:s5], $0x4000  }
0xe4: {  	[sflag:s5] =	ssyncset.done $0x0  }
0xe5: {  	s21 =	sadd.s32 $0x14100, s20;
	[sflag:s5] =	ssyncadd.s32 $0xFFFFC000  }
0xe6: {  	[tilespmem:s9], [sflag:$0x1] =	stream.indirect.gather [hbm4b:s1+s8], $0x80, s21, s8, $0xb8;
	[tilespmem:$0x1F800] =	vst v63  }
0xe7: {  	_ =	swait.ge [sflag:s15], $0x4000  }
0xe8: {  	[sflag:s15] =	ssyncset.done $0x0  }
.Ltmp1:
0xe9: {  	s21 =	sadd.s32 $0x15480, s20;
	[sflag:s15] =	ssyncadd.s32 $0xFFFFC000;
	(pc) =	sbr.rel @p0 .LBB2_4-.Ltmp1, $4  }
0xea: {  	[spmem:s2] =	stream.indirect.scatter.add.f32 [tilespmem:s11], [sflag:$0x4], $0x80, s21, s8, $0xb8;
	[tilespmem:$0x1F800] =	vst v63  }
0xeb: {  	_ =	swait.ge [sflag:s5], $0x4000  }
0xec: {  	[sflag:s5] =	ssyncset.done $0x0  }
0xed: {  	s20 =	sadd.s32 $0x14180, s20;
	[sflag:s5] =	ssyncadd.s32 $0xFFFFC000  }
0xee: {  	[tilespmem:s11], [sflag:$0x2] =	stream.indirect.gather [hbm4b:s1+s8], $0x80, s20, s8, $0xb8;
	[tilespmem:$0x1F800] =	vst v63  }
0xef: {  	_ =	swait.ge [sflag:s14], $0x4000  }
0xf0: {  	[sflag:s14] =	ssyncset.done $0x0  }
0xf1: {  	[sflag:s14] =	ssyncadd.s32 $0xFFFFC000  }
0xf2: {  	[spmem:s2] =	stream.indirect.scatter.add.f32 [tilespmem:s9], [sflag:$0x4], $0x80, s16, s8, $0xb8;
	[tilespmem:$0x1F800] =	vst v63  }
0xf3: {  	_ =	swait.ge [sflag:s5], $0x4000  }
0xf4: {  	[sflag:s5] =	ssyncset.done $0x0  }
0xf5: {  	[sflag:s5] =	ssyncadd.s32 $0xFFFFC000  }
0xf6: {  	_ =	swait.ge [sflag:s15], $0x4000  }
0xf7: {  	[sflag:s15] =	ssyncset.done $0x0  }
0xf8: {  	[sflag:s15] =	ssyncadd.s32 $0xFFFFC000  }
0xf9: {  	[spmem:s2] =	stream.indirect.scatter.add.f32 [tilespmem:s11], [sflag:$0x4], $0x80, s17, s8, $0xb8;
	[tilespmem:$0x1F800] =	vst v63  }
0xfa: {  	s19 =	stileid.u32;
	_ =	swait.ge [sflag:s5], $0x4000  }
0xfb: {  	s21 =	sshrl.u32 s7, $0x3;
	s18 =	sadd.s32 $0x1, s18;
	[sflag:s5] =	ssyncset.done $0x0  }
0xfc: {  	s19 =	sshll.u32 s19, $0x6;
	p0 =	sne.s32 s18, s25;
	[sflag:s5] =	ssyncadd.s32 $0xFFFFC000  }
.Ltmp2:
0xfd: {  	s19 =	sor.u32 $0x1C04, s19;
	[bflag:$0x0] =	sbarrier.arrive $0xFFFF;
	(pc) =	sbr.rel @p0 .LBB2_1-.Ltmp2, $4  }
0xfe: {  	[hbm:s24], [sflag:s19] =	dma.local [spmem:s21], $0x2800  }
0xff: {  	_ =	swait.ge [sflag:s5], $0x2800  }
0x100: {  	[sflag:s5] =	ssyncset.done $0x0  }
0x101: {  	[sflag:s5] =	ssyncadd.s32 $0xFFFFD800  }
0x102: {  	_ =	sfence.sel $0x180000  }
0x103: {  	[bflag:$0x0] =	sbarrier.arrive $0xFFFF  }
0x104: {  	_ =	strace $0x9000004D  }
0x105: {  	s0 =	stileid.u32;
	[bflag:$0x2] =	sbarrier.arrive $0xFFFF  }
0x106: {  	p0 =	sne.s32 s0, $0x0;
	s0 =	rddreg [dreg:$0x3]  }
0x107: {  	s0 =	sadd.s32 @!p0 $0x100000, s0  }
0x108: {  	[sflag:s0] =	ssyncadd.tile.s32 @!p0 $0x1;
	_ =	shalt  }
.Lfunc_end2:
_tile_overlayer_lowered:
.L_overlay_start_2:
0x109: {  	(tag) =	ssettag $0x2  }
0x10a: {  	s0 =	rddreg [dreg:$0x0];
	s2 =	stileid.u32  }
0x10b: {  	s1 =	rddreg [dreg:$0x1];
	p0 =	sne.s32 s2, $0x0  }
0x10c: {  	s3 =	rddreg [dreg:$0x2];
	[bflag:$0x3] =	sbarrier.arrive $0xFFFF;
	s2 =	simm.s32 @!p0 $0x1C04  }
0x10d: {  	[timem:s3], [sflag:s2] =	dma.local @!p0 [hbm:s0], s1  }
0x10e: {  	s0 =	simm.s32 @!p0 $0x4  }
0x10f: {  	_ =	swait.ge @!p0 [sflag:s0], s1  }
0x110: {  	s1 =	ssub.s32 @!p0 $0x0, s1;
	[sflag:s0] =	ssyncset.done @!p0 $0x0  }
0x111: {  	[sflag:s0] =	ssyncadd.s32 @!p0 s1  }
0x112: {  	[bflag:$0x3] =	sbarrier.arrive $0xFFFF  }
0x113: {  	_ =	shalt  }

// kernel: kernel.20.cloned.1.call-start
scs
__scs_entry_jumppad:
0x0: {  	(pc) =	sbr.rel $0x88, $3  }
0x1: {  	(tag) =	ssettag $0x0;
	lr =	simm.s32 $0x1  }
0x2: {  	[smem:$0x3F95] =	sst lr;
	_ =	strace $0xD0000000  }
0x3: {  	_ = 	snop  }
0x4: {  	_ = 	snop  }
0x5: {  	_ = 	snop  }
0x6: {  	_ = 	snop  }
0x7: {  	_ = 	snop  }
__scs_overlays_trampoline_lowered:
0x8: {  	[smem:$0x3FA4] =	sst s0  }
0x9: {  	[smem:$0x3FA5] =	sst s1  }
0xa: {  	[smem:$0x3FA6] =	sst s2  }
0xb: {  	[smem:$0x3FA7] =	sst s3  }
0xc: {  	[smem:$0x3FA8] =	sst s4  }
0xd: {  	[smem:$0x3FA9] =	sst s5  }
0xe: {  	[smem:$0x3FAA] =	sst s6  }
0xf: {  	[smem:$0x3FAB] =	sst s7  }
0x10: {  	[smem:$0x3FAC] =	sst s8  }
0x11: {  	[smem:$0x3FAD] =	sst s9;
	s0 =	simm.s32 @!p0 $0x0  }
0x12: {  	s1 =	sld [smem:$0x3F93];
	s0 =	simm.s32 @p0 $0x1  }
0x13: {  	[smem:$0x3FAE] =	sst s0;
	s0 =	simm.s32 @!p1 $0x0  }
0x14: {  	s2 =	sld [smem:$0x3F92];
	s0 =	simm.s32 @p1 $0x1  }
0x15: {  	[smem:$0x3FAF] =	sst s0;
	s0 =	simm.s32 @!p2 $0x0  }
0x16: {  	s3 =	sld [smem:$0x3FDB];
	s0 =	simm.s32 @p2 $0x1  }
0x17: {  	s4 =	simm.s32 $0x1BF5;
	[smem:$0x3FB1] =	sst s0  }
0x18: {  	s0 =	sld [smem:$0x3F94];
	_ =	swait.ge [sflag:s4], $0x0  }
0x19: {  	s7 =	sld [smem:$0x3F95]  }
0x1a: {  	s8 =	sadd.s32 $0xFFFFE003, lr  }
0x1b: {  	s9 =	sadd.s32 $0xFFFFFEF7, lr;
	s5 =	simm.s32 $0xFFFFFFFF;
	p2 =	slt.u32 s8, $0xFFFFF086  }
0x1c: {  	p1 =	slt.u32 s9, $0xF7A;
	s5 =	simm.s32 @!p2 $0x0  }
0x1d: {  	s5 =	simm.s32 @p1 $0x1;
	p0 =	seq.s32 s7, s2  }
0x1e: {  	s7 =	smul.u32 @!p0 $0xF7A, s2;
	p2 =	seq.s32 @!p0 s5, $0x0  }
0x1f: {  	s9 =	smul.u32 $0xF7A, s1;
	s8 =	simm.s32 @!p0 $0x1BF5;
	p2 =	por !p2, p0  }
0x20: {  	[sflag:s8] =	ssyncset.s32 @!p0 $0xFFFFF086;
	s6 =	sadd.s32 @!p0 s3, s7;
	s7 =	simm.s32 @!p0 $0x108  }
0x21: {  	s3 =	sadd.s32 s3, s9;
	s6 =	sadd.s32 @!p0 $0x88, s6;
	s7 =	simm.s32 @p2 $0x1082  }
0x22: {  	[simem:s7], [sflag:s8] =	dma.local @!p0 [hbm:s6], $0xF7A  }
0x23: {  	s9 =	sor.u32 $0xD0000000, s2;
	s6 =	simm.s32 $0x108;
	_ =	swait.ge @!p0 [sflag:s8], $0x0  }
0x24: {  	s3 =	sadd.s32 $0x88, s3;
	s6 =	simm.s32 @!p1 $0x1082;
	[sflag:s4] =	ssyncset.s32 $0xFFFFF086  }
0x25: {  	[simem:s6], [sflag:s4] =	dma.local [hbm:s3], $0xF7A  }
0x26: {  	[smem:$0x3F95] =	sst s1;
	(tag) =	ssettag s2;
	_ =	strace s9  }
0x27: {  	s1 =	sld [smem:$0x3FA5]  }
0x28: {  	s2 =	sld [smem:$0x3FA6]  }
0x29: {  	s4 =	sld [smem:$0x3FA8]  }
0x2a: {  	p0 =	seq.s32 s5, $0x0;
	s5 =	sld [smem:$0x3FA9]  }
0x2b: {  	s6 =	sld [smem:$0x3FAA]  }
0x2c: {  	s7 =	sld [smem:$0x3FAB]  }
0x2d: {  	s3 =	simm.s32 $0x108;
	s8 =	sld [smem:$0x3FAC]  }
0x2e: {  	s3 =	simm.s32 @!p0 $0x1082;
	s9 =	sld [smem:$0x3FAD]  }
0x2f: {  	lr =	sadd.s32 s0, s3;
	s0 =	sld [smem:$0x3FA4]  }
0x30: {  	s3 =	sld [smem:$0x3FA7]  }
0x31: {  	[smem:$0x3FB0] =	sst s10  }
0x32: {  	s10 =	sld [smem:$0x3FAE];
	_ =	sdelay $0x3  }
0x33: {  	p0 =	seq.s32 s10, $0x1;
	s10 =	sld [smem:$0x3FB0];
	_ =	sdelay $0x3  }
0x34: {  	[smem:$0x3FB0] =	sst s10  }
0x35: {  	s10 =	sld [smem:$0x3FAF];
	_ =	sdelay $0x3  }
0x36: {  	p1 =	seq.s32 s10, $0x1;
	s10 =	sld [smem:$0x3FB0];
	_ =	sdelay $0x3  }
0x37: {  	[smem:$0x3FB0] =	sst s10  }
0x38: {  	s10 =	sld [smem:$0x3FB1]  }
0x39: {  	_ = 	snop;
	(pc) =	sbr.ind lr, $3  }
0x3a: {  	_ = 	snop  }
0x3b: {  	_ = 	snop  }
0x3c: {  	p2 =	seq.s32 s10, $0x1;
	s10 =	sld [smem:$0x3FB0]  }
0x3d: {  	_ =	shalt  }
0x3e: {  	_ =	shalt  }
0x3f: {  	_ =	shalt  }
0x40: {  	_ =	shalt  }
0x41: {  	_ =	shalt  }
0x42: {  	_ =	shalt  }
0x43: {  	_ =	shalt  }
0x44: {  	_ =	shalt  }
0x45: {  	_ =	shalt  }
0x46: {  	_ =	shalt  }
0x47: {  	_ =	shalt  }
0x48: {  	_ =	shalt  }
0x49: {  	_ =	shalt  }
0x4a: {  	_ =	shalt  }
0x4b: {  	_ =	shalt  }
0x4c: {  	_ =	shalt  }
0x4d: {  	_ =	shalt  }
0x4e: {  	_ =	shalt  }
0x4f: {  	_ =	shalt  }
0x50: {  	_ =	shalt  }
0x51: {  	_ =	shalt  }
0x52: {  	_ =	shalt  }
0x53: {  	_ =	shalt  }
0x54: {  	_ =	shalt  }
0x55: {  	_ =	shalt  }
0x56: {  	_ =	shalt  }
0x57: {  	_ =	shalt  }
0x58: {  	_ =	shalt  }
0x59: {  	_ =	shalt  }
0x5a: {  	_ =	shalt  }
0x5b: {  	_ =	shalt  }
0x5c: {  	_ =	shalt  }
0x5d: {  	_ =	shalt  }
0x5e: {  	_ =	shalt  }
0x5f: {  	_ =	shalt  }
0x60: {  	_ =	shalt  }
0x61: {  	_ =	shalt  }
0x62: {  	_ =	shalt  }
0x63: {  	_ =	shalt  }
0x64: {  	_ =	shalt  }
0x65: {  	_ =	shalt  }
0x66: {  	_ =	shalt  }
0x67: {  	_ =	shalt  }
0x68: {  	_ =	shalt  }
0x69: {  	_ =	shalt  }
0x6a: {  	_ =	shalt  }
0x6b: {  	_ =	shalt  }
0x6c: {  	_ =	shalt  }
0x6d: {  	_ =	shalt  }
0x6e: {  	_ =	shalt  }
0x6f: {  	_ =	shalt  }
0x70: {  	_ =	shalt  }
0x71: {  	_ =	shalt  }
0x72: {  	_ =	shalt  }
0x73: {  	_ =	shalt  }
0x74: {  	_ =	shalt  }
0x75: {  	_ =	shalt  }
0x76: {  	_ =	shalt  }
0x77: {  	_ =	shalt  }
0x78: {  	_ =	shalt  }
0x79: {  	_ =	shalt  }
0x7a: {  	_ =	shalt  }
0x7b: {  	_ =	shalt  }
0x7c: {  	_ =	shalt  }
0x7d: {  	_ =	shalt  }
0x7e: {  	_ =	shalt  }
0x7f: {  	_ =	shalt  }
0x80: {  	_ =	shalt  }
0x81: {  	_ =	shalt  }
0x82: {  	_ =	shalt  }
0x83: {  	_ =	shalt  }
0x84: {  	_ =	shalt  }
0x85: {  	_ =	shalt  }
0x86: {  	_ =	shalt  }
0x87: {  	_ =	shalt  }
.Lfunc_end0:
.L_simem_size_0:
called_computation.3_lowered:
.L_overlay_start_0:
0x88: {  	s2 =	sld [smem:$0x3FD9]  }
0x89: {  	s3 =	sld [smem:$0x3FFE];
	_ =	sdelay $0x1  }
0x8a: {  	s1 =	srdreg.scid  }
0x8b: {  	s0 =	sand.u32 $0x1, s1  }
0x8c: {  	s14 =	sshll.u32 s0, $0xA;
	s2 =	sadd.s32 s3, s2  }
0x8d: {  	s2 =	sadd.s32 s2, s14  }
0x8e: {  	[smem:$0x3FBC] =	sst s2  }
0x8f: {  	_ = 	snop  }
0x90: {  	s2 =	sld [smem:$0x3FD0];
	_ =	sdelay $0x2  }
0x91: {  	s15 =	simm.s32 $0xA;
	s4 =	simm.s32 $0x10  }
0x92: {  	[smem:s4], [sflag:s15] =	dma.local [hbm:s2], $0x1  }
0x93: {  	_ =	swait.eq [sflag:s15], $0x1  }
0x94: {  	[sflag:s15] =	ssyncset.done $0x0  }
0x95: {  	[sflag:s15] =	ssyncadd.s32 $0xFFFFFFFF  }
0x96: {  	s16 =	sld [smem:$0x11];
	(tm) =	ssettm $0x1  }
0x97: {  	s17 =	sld [smem:$0x3FFB];
	_ =	sdelay $0x3  }
0x98: {  	_ =	strace s17  }
0x99: {  	s3 =	sld [smem:$0x3FFC];
	_ =	sdelay $0x3  }
0x9a: {  	_ =	strace s3  }
0x9b: {  	s3 =	sld [smem:$0x3FFD];
	_ =	sdelay $0x3  }
0x9c: {  	_ =	strace s3  }
0x9d: {  	_ =	strace $0x8FFFFFFF  }
0x9e: {  	s18 =	sld [smem:$0x3FDB];
	_ =	sdelay $0x1  }
0x9f: {  	s19 =	simm.s32 $_scs_section_size  }
0xa0: {  	s5 =	simm.s32 $_size__tile_overlayer_lowered;
	s6 =	simm.s32 $_tile_overlayer_lowered  }
0xa1: {  	s22 =	simm.s32 $0x1BFF;
	s21 =	sshll.u32 s6, $0x1;
	s3 =	sadd.s32 s19, s18  }
0xa2: {  	s7 =	simm.s32 $0x0;
	s20 =	sshll.u32 s5, $0x1;
	s5 =	sadd.s32 s21, s3  }
0xa3: {  	[timem:s7], [sflag:s22] =	dma.local [hbm:s5], s20  }
0xa4: {  	_ =	swait.ge [sflag:s22], s20  }
0xa5: {  	s4 =	ssub.s32 $0x0, s20;
	[sflag:s22] =	ssyncset.done $0x0  }
0xa6: {  	[sflag:s22] =	ssyncadd.s32 s4;
	_ =	sdelay $0x1  }
0xa7: {  	s23 =	simm.s32 $0x1B8B  }
0xa8: {  	_ =	swait.ge [sflag:s23], $0x1  }
0xa9: {  	[sflag:s23] =	ssyncset.done $0x0  }
0xaa: {  	s25 =	simm.s32 $0x1B8E;
	s24 =	sld [smem:$0x3FFE];
	[sflag:s23] =	ssyncadd.s32 $0xFFFFFFFF  }
0xab: {  	s26 =	simm.s32 $execute0_lowered;
	[smem:$0x3FD2] =	sst s25  }
0xac: {  	s5 =	sshll.u32 s26, $0x1;
	_ =	strace $0x8000004F;
	[dreg:$0x1] =	wrdreg $0xFFFFFFFF  }
0xad: {  	s28 =	simm.s32 $_size_execute0_lowered;
	s3 =	sadd.s32 s3, s5;
	[dreg:$0x0] =	wrdreg $0x0  }
0xae: {  	s5 =	sshll.u32 s28, $0x1;
	[dreg:$0x2] =	wrdreg s3  }
0xaf: {  	[dreg:$0x3] =	wrdreg s5  }
0xb0: {  	[dreg:$0x4] =	wrdreg $0xC0  }
0xb1: {  	_ =	task [dreg:s7], $0x5FFFF  }
0xb2: {  	[dreg:$0x1] =	wrdreg $0xFFFFFFFF  }
0xb3: {  	[dreg:$0x0] =	wrdreg $0x60  }
0xb4: {  	[dreg:$0x2] =	wrdreg s16  }
0xb5: {  	[dreg:$0x3] =	wrdreg s24  }
0xb6: {  	[dreg:$0x4] =	wrdreg $0x0  }
0xb7: {  	[dreg:$0x5] =	wrdreg $0x9  }
0xb8: {  	_ =	task.clear_ibuf [dreg:s7], $0x6FFFF;
	_ =	strace $0x9000004F  }
0xb9: {  	s29 =	simm.s32 $0x9;
	_ =	strace $0x80000051  }
0xba: {  	_ =	swait.ge [sflag:s29], $0x1  }
0xbb: {  	[sflag:s29] =	ssyncadd.s32 $0xFFFFFFFF  }
0xbc: {  	_ =	strace $0x90000051  }
0xbd: {  	_ =	sfence  }
0xbe: {  	s30 =	sld [smem:$0x0];
	_ =	sdelay $0x2  }
0xbf: {  	s31 =	sshll.u32 s1, $0xD;
	s1 =	sshrl.u32 s1, $0x2  }
0xc0: {  	s3 =	sand.u32 $0x4000, s31;
	s1 =	sadd.s32 s1, s30  }
0xc1: {  	s0 =	sor.u32 s3, s0;
	s1 =	sshll.u32 s1, $0x11  }
0xc2: {  	s0 =	sor.u32 s1, s0  }
0xc3: {  	s0 =	sadd.s32 $0x8F2B, s0  }
0xc4: {  	[sflag:s0] =	ssyncadd.remote.s32 $0x1  }
0xc5: {  	_ =	sfence.sel $0xFFFF  }
0xc6: {  	[dreg:$0x0] =	wrdreg $0xFFFFFFFF;
	(pc) =	sbr.abs _section_cstart, $3  }
0xc7: {  	[dreg:$0x1] =	wrdreg $0xFFFFFFFF  }
0xc8: {  	_ =	task.clear_ibuf [dreg:s7], $0x2FFFF;
	_ =	strace $0x9FFFFFFF  }
0xc9: {  	(tm) =	ssettm $0x7FFFFFFF  }
tec
execute0_lowered:
.L_overlay_start_1:
0x0: {  	(tag) =	ssettag $0x1  }
0x1: {  	s1 =	rddreg [dreg:$0x0]  }
0x2: {  	s0 =	rddreg [dreg:$0x1];
	s10 =	stileid.u32  }
0x3: {  	s2 =	rddreg [dreg:$0x2];
	s6 =	smul.u32 $0x14000, s10  }
0x4: {  	s3 =	srdreg.scid;
	s26 =	smul.u32 $0x2800, s10  }
0x5: {  	s4 =	simm.s32 $0x0;
	s3 =	sand.u32 $0x1, s3;
	s10 =	smul.u32 $0x50000, s10  }
0x6: {  	[smem:$0x7FF] =	sst s4;
	s5 =	smul.u32 $0x140000, s3  }
0x7: {  	s11 =	sadd.s32 $0x4C00, s0;
	_ =	strace $0x80000050;
	s7 =	smul.u32 $0x28000, s3  }
0x8: {  	[dreg:$0x4] =	wrdreg s11;
	s3 =	ssub.s32 $0x2, s3;
	s11 =	sshrl.u32 s10, $0x2  }
0x9: {  	s5 =	sadd.s32 s6, s5;
	s6 =	sadd.s32 s26, s7;
	s7 =	sshrl.u32 s3, $0x1  }
0xa: {  	s3 =	ssub.s32 s3, s7;
	s7 =	sadd.s32 s11, s2  }
0xb: {  	s8 =	sadd.s32 $0x5200, s0;
	s9 =	sadd.s32 $0xF200, s0;
	s14 =	sadd.s32 $0x1000, s7  }
0xc: {  	s10 =	simm.s32 $0x14080;
	s15 =	sadd.s32 $0x2000, s7;
	[dreg:$0x7] =	wrdreg s14  }
0xd: {  	s5 =	sshrl.u32 s5, $0x3;
	s16 =	sadd.s32 $0x3000, s7;
	[dreg:$0x8] =	wrdreg s15  }
0xe: {  	s11 =	simm.s32 $0x1A800;
	s17 =	sadd.s32 $0x4000, s7;
	[dreg:$0x9] =	wrdreg s16  }
0xf: {  	s0 =	sadd.s32 s5, s0;
	s18 =	sadd.s32 $0x5000, s7;
	[dreg:$0xa] =	wrdreg s17  }
0x10: {  	s5 =	sshrl.u32 s6, $0x3;
	s19 =	sadd.s32 $0x6000, s7;
	[dreg:$0xb] =	wrdreg s18  }
0x11: {  	s20 =	sadd.s32 $0x7000, s7;
	s21 =	sadd.s32 $0x8000, s7;
	[dreg:$0xc] =	wrdreg s19  }
0x12: {  	s22 =	sadd.s32 $0x9000, s7;
	s23 =	sadd.s32 $0xA000, s7;
	[dreg:$0xd] =	wrdreg s20  }
0x13: {  	s24 =	sadd.s32 $0xB000, s7;
	s25 =	sadd.s32 $0xC000, s7;
	[dreg:$0xe] =	wrdreg s21  }
0x14: {  	s28 =	sadd.s32 $0xF000, s7;
	s29 =	sadd.s32 $0x10000, s7;
	[dreg:$0xf] =	wrdreg s22  }
0x15: {  	s30 =	sadd.s32 $0x11000, s7;
	s31 =	sadd.s32 $0x12000, s7;
	[dreg:$0x10] =	wrdreg s23  }
0x16: {  	s6 =	simm.s32 $0x15400;
	s12 =	sadd.s32 s8, s5;
	[dreg:$0x11] =	wrdreg s24  }
0x17: {  	s13 =	sadd.s32 s9, s5;
	s5 =	sadd.s32 $0x280, s5;
	[dreg:$0x12] =	wrdreg s25  }
0x18: {  	s23 =	sadd.s32 $0xD000, s7;
	s24 =	sadd.s32 $0x19200, s0;
	s25 =	smax.u32 s3, $0x1  }
0x19: {  	s0 =	sadd.s32 $0x13000, s7;
	s3 =	simm.s32 $0x14000;
	s14 =	simm.s32 $0x1  }
0x1a: {  	s15 =	simm.s32 $0x2;
	s16 =	simm.s32 $0x16700;
	[dreg:$0x5] =	wrdreg s12  }
0x1b: {  	s17 =	simm.s32 $0x16780;
	s18 =	simm.s32 $0x0;
	[dreg:$0x6] =	wrdreg s13  }
0x1c: {  	s26 =	sadd.s32 s8, s5;
	s22 =	sadd.s32 s9, s5;
	s5 =	simm.s32 $0x4  }
0x1d: {  	s8 =	simm.s32 $0x80;
	s9 =	simm.s32 $0x16800;
	s12 =	simm.s32 $0x1E800  }
0x1e: {  	s13 =	simm.s32 $0x3;
	[dreg:$0x13] =	wrdreg s26;
	s26 =	sadd.s32 $0xE000, s7  }
.LBB2_1:
0x1f: {  	s19 =	rddreg [dreg:$0x5]  }
0x20: {  	[tilespmem:s3], [sflag:$0x4] =	stream.linear.gather [hbm4b:s19+s4], $0x1400, $0x38;
	[tilespmem:$0x1F800] =	vst v63  }
0x21: {  	_ =	swait.ge [sflag:s5], $0x1400  }
0x22: {  	[sflag:s5] =	ssyncset.done $0x0  }
0x23: {  	s21 =	rddreg [dreg:$0x6];
	[sflag:s5] =	ssyncadd.s32 $0xFFFFEC00  }
0x24: {  	[tilespmem:s6], [sflag:$0x4] =	stream.linear.gather [hbm4b:s21+s4], $0x1400, $0x38;
	[tilespmem:$0x1F800] =	vst v63  }
0x25: {  	_ =	swait.ge [sflag:s5], $0x1400  }
0x26: {  	[sflag:s5] =	ssyncset.done $0x0  }
0x27: {  	[sflag:s5] =	ssyncadd.s32 $0xFFFFEC00  }
0x28: {  	[tilespmem:s9], [sflag:$0x1] =	stream.indirect.gather [hbm4b:s1+s8], $0x80, s3, s8, $0xb8;
	[tilespmem:$0x1F800] =	vst v63  }
0x29: {  	_ = 	snop  }
0x2a: {  	[tilespmem:s11], [sflag:$0x2] =	stream.indirect.gather [hbm4b:s1+s8], $0x80, s10, s8, $0xb8;
	[tilespmem:$0x1F800] =	vst v63  }
0x2b: {  	s20 =	rddreg [dreg:$0x4]  }
0x2c: {  	[tilespmem:s12], [sflag:$0x4] =	stream.linear.gather [hbm4b:s20+s4], $0x1000, $0x38;
	[tilespmem:$0x1F800] =	vst v63  }
0x2d: {  	_ =	swait.ge [sflag:s5], $0x1000  }
0x2e: {  	[sflag:s5] =	ssyncset.done $0x0  }
0x2f: {  	[sflag:s5] =	ssyncadd.s32 $0xFFFFF000  }
0x30: {  	[spmem:s7] =	stream.linear.scatter [tilespmem:s12], [sflag:$0x3], $0x1000, $0x38;
	[tilespmem:$0x1F800] =	vst v63  }
0x31: {  	s21 =	rddreg [dreg:$0x7]  }
0x32: {  	[spmem:s21] =	stream.linear.scatter [tilespmem:s12], [sflag:$0x3], $0x1000, $0x38;
	[tilespmem:$0x1F800] =	vst v63  }
0x33: {  	s20 =	rddreg [dreg:$0x8]  }
0x34: {  	[spmem:s20] =	stream.linear.scatter [tilespmem:s12], [sflag:$0x3], $0x1000, $0x38;
	[tilespmem:$0x1F800] =	vst v63  }
0x35: {  	s21 =	rddreg [dreg:$0x9]  }
0x36: {  	[spmem:s21] =	stream.linear.scatter [tilespmem:s12], [sflag:$0x3], $0x1000, $0x38;
	[tilespmem:$0x1F800] =	vst v63  }
0x37: {  	s20 =	rddreg [dreg:$0xa]  }
0x38: {  	[spmem:s20] =	stream.linear.scatter [tilespmem:s12], [sflag:$0x3], $0x1000, $0x38;
	[tilespmem:$0x1F800] =	vst v63  }
0x39: {  	s21 =	rddreg [dreg:$0xb]  }
0x3a: {  	[spmem:s21] =	stream.linear.scatter [tilespmem:s12], [sflag:$0x3], $0x1000, $0x38;
	[tilespmem:$0x1F800] =	vst v63  }
0x3b: {  	s20 =	rddreg [dreg:$0xc]  }
0x3c: {  	[spmem:s20] =	stream.linear.scatter [tilespmem:s12], [sflag:$0x3], $0x1000, $0x38;
	[tilespmem:$0x1F800] =	vst v63  }
0x3d: {  	s21 =	rddreg [dreg:$0xd]  }
0x3e: {  	[spmem:s21] =	stream.linear.scatter [tilespmem:s12], [sflag:$0x3], $0x1000, $0x38;
	[tilespmem:$0x1F800] =	vst v63  }
0x3f: {  	s20 =	rddreg [dreg:$0xe]  }
0x40: {  	[spmem:s20] =	stream.linear.scatter [tilespmem:s12], [sflag:$0x3], $0x1000, $0x38;
	[tilespmem:$0x1F800] =	vst v63  }
0x41: {  	s21 =	rddreg [dreg:$0xf]  }
0x42: {  	[spmem:s21] =	stream.linear.scatter [tilespmem:s12], [sflag:$0x3], $0x1000, $0x38;
	[tilespmem:$0x1F800] =	vst v63  }
0x43: {  	s20 =	rddreg [dreg:$0x10]  }
0x44: {  	[spmem:s20] =	stream.linear.scatter [tilespmem:s12], [sflag:$0x3], $0x1000, $0x38;
	[tilespmem:$0x1F800] =	vst v63  }
0x45: {  	s21 =	rddreg [dreg:$0x11]  }
0x46: {  	[spmem:s21] =	stream.linear.scatter [tilespmem:s12], [sflag:$0x3], $0x1000, $0x38;
	[tilespmem:$0x1F800] =	vst v63  }
0x47: {  	s20 =	rddreg [dreg:$0x12]  }
0x48: {  	[spmem:s20] =	stream.linear.scatter [tilespmem:s12], [sflag:$0x3], $0x1000, $0x38;
	[tilespmem:$0x1F800] =	vst v63  }
0x49: {  	_ = 	snop  }
0x4a: {  	[spmem:s23] =	stream.linear.scatter [tilespmem:s12], [sflag:$0x3], $0x1000, $0x38;
	[tilespmem:$0x1F800] =	vst v63  }
0x4b: {  	_ = 	snop  }
0x4c: {  	[spmem:s26] =	stream.linear.scatter [tilespmem:s12], [sflag:$0x3], $0x1000, $0x38;
	[tilespmem:$0x1F800] =	vst v63  }
0x4d: {  	_ = 	snop  }
0x4e: {  	[spmem:s28] =	stream.linear.scatter [tilespmem:s12], [sflag:$0x3], $0x1000, $0x38;
	[tilespmem:$0x1F800] =	vst v63  }
0x4f: {  	_ = 	snop  }
0x50: {  	[spmem:s29] =	stream.linear.scatter [tilespmem:s12], [sflag:$0x3], $0x1000, $0x38;
	[tilespmem:$0x1F800] =	vst v63  }
0x51: {  	_ = 	snop  }
0x52: {  	[spmem:s30] =	stream.linear.scatter [tilespmem:s12], [sflag:$0x3], $0x1000, $0x38;
	[tilespmem:$0x1F800] =	vst v63  }
0x53: {  	_ = 	snop  }
0x54: {  	[spmem:s31] =	stream.linear.scatter [tilespmem:s12], [sflag:$0x3], $0x1000, $0x38;
	[tilespmem:$0x1F800] =	vst v63  }
0x55: {  	_ = 	snop  }
0x56: {  	[spmem:s0] =	stream.linear.scatter [tilespmem:s12], [sflag:$0x3], $0x1000, $0x38;
	[tilespmem:$0x1F800] =	vst v63  }
0x57: {  	_ =	swait.ge [sflag:s13], $0x1000  }
0x58: {  	[sflag:s13] =	ssyncset.done $0x0  }
0x59: {  	[sflag:s13] =	ssyncadd.s32 $0xFFFFF000  }
0x5a: {  	_ =	swait.ge [sflag:s13], $0x1000  }
0x5b: {  	[sflag:s13] =	ssyncset.done $0x0  }
0x5c: {  	[sflag:s13] =	ssyncadd.s32 $0xFFFFF000  }
0x5d: {  	_ =	swait.ge [sflag:s13], $0x1000  }
0x5e: {  	[sflag:s13] =	ssyncset.done $0x0  }
0x5f: {  	[sflag:s13] =	ssyncadd.s32 $0xFFFFF000  }
0x60: {  	_ =	swait.ge [sflag:s13], $0x1000  }
0x61: {  	[sflag:s13] =	ssyncset.done $0x0  }
0x62: {  	[sflag:s13] =	ssyncadd.s32 $0xFFFFF000  }
0x63: {  	_ =	swait.ge [sflag:s13], $0x1000  }
0x64: {  	[sflag:s13] =	ssyncset.done $0x0  }
0x65: {  	[sflag:s13] =	ssyncadd.s32 $0xFFFFF000  }
0x66: {  	_ =	swait.ge [sflag:s13], $0x1000  }
0x67: {  	[sflag:s13] =	ssyncset.done $0x0  }
0x68: {  	[sflag:s13] =	ssyncadd.s32 $0xFFFFF000  }
0x69: {  	_ =	swait.ge [sflag:s13], $0x1000  }
0x6a: {  	[sflag:s13] =	ssyncset.done $0x0  }
0x6b: {  	[sflag:s13] =	ssyncadd.s32 $0xFFFFF000  }
0x6c: {  	_ =	swait.ge [sflag:s13], $0x1000  }
0x6d: {  	[sflag:s13] =	ssyncset.done $0x0  }
0x6e: {  	[sflag:s13] =	ssyncadd.s32 $0xFFFFF000  }
0x6f: {  	_ =	swait.ge [sflag:s13], $0x1000  }
0x70: {  	[sflag:s13] =	ssyncset.done $0x0  }
0x71: {  	[sflag:s13] =	ssyncadd.s32 $0xFFFFF000  }
0x72: {  	_ =	swait.ge [sflag:s13], $0x1000  }
0x73: {  	[sflag:s13] =	ssyncset.done $0x0  }
0x74: {  	[sflag:s13] =	ssyncadd.s32 $0xFFFFF000  }
0x75: {  	_ =	swait.ge [sflag:s13], $0x1000  }
0x76: {  	[sflag:s13] =	ssyncset.done $0x0  }
0x77: {  	[sflag:s13] =	ssyncadd.s32 $0xFFFFF000  }
0x78: {  	_ =	swait.ge [sflag:s13], $0x1000  }
0x79: {  	[sflag:s13] =	ssyncset.done $0x0  }
0x7a: {  	[sflag:s13] =	ssyncadd.s32 $0xFFFFF000  }
0x7b: {  	_ =	swait.ge [sflag:s13], $0x1000  }
0x7c: {  	[sflag:s13] =	ssyncset.done $0x0  }
0x7d: {  	[sflag:s13] =	ssyncadd.s32 $0xFFFFF000  }
0x7e: {  	_ =	swait.ge [sflag:s13], $0x1000  }
0x7f: {  	[sflag:s13] =	ssyncset.done $0x0  }
0x80: {  	[sflag:s13] =	ssyncadd.s32 $0xFFFFF000  }
0x81: {  	_ =	swait.ge [sflag:s13], $0x1000  }
0x82: {  	[sflag:s13] =	ssyncset.done $0x0  }
0x83: {  	[sflag:s13] =	ssyncadd.s32 $0xFFFFF000  }
0x84: {  	_ =	swait.ge [sflag:s13], $0x1000  }
0x85: {  	[sflag:s13] =	ssyncset.done $0x0  }
0x86: {  	[sflag:s13] =	ssyncadd.s32 $0xFFFFF000  }
0x87: {  	_ =	swait.ge [sflag:s13], $0x1000  }
0x88: {  	[sflag:s13] =	ssyncset.done $0x0  }
0x89: {  	[sflag:s13] =	ssyncadd.s32 $0xFFFFF000  }
0x8a: {  	_ =	swait.ge [sflag:s13], $0x1000  }
0x8b: {  	[sflag:s13] =	ssyncset.done $0x0  }
0x8c: {  	[sflag:s13] =	ssyncadd.s32 $0xFFFFF000  }
0x8d: {  	_ =	swait.ge [sflag:s13], $0x1000  }
0x8e: {  	[sflag:s13] =	ssyncset.done $0x0  }
0x8f: {  	[sflag:s13] =	ssyncadd.s32 $0xFFFFF000  }
0x90: {  	_ =	swait.ge [sflag:s13], $0x1000  }
0x91: {  	[sflag:s13] =	ssyncset.done $0x0  }
0x92: {  	[sflag:s13] =	ssyncadd.s32 $0xFFFFF000  }
0x93: {  	[bflag:$0x0] =	sbarrier.arrive $0xFFFF  }
0x94: {  	_ =	swait.ge [sflag:s14], $0x4000  }
0x95: {  	[sflag:s14] =	ssyncset.done $0x0  }
0x96: {  	s21 =	simm.s32 $0x15400;
	[sflag:s14] =	ssyncadd.s32 $0xFFFFC000  }
0x97: {  	[spmem:s2] =	stream.indirect.scatter.add.f32 [tilespmem:s9], [sflag:$0x4], $0x80, s21, s8, $0xb8;
	[tilespmem:$0x1F800] =	vst v63  }
0x98: {  	_ =	swait.ge [sflag:s5], $0x4000  }
0x99: {  	[sflag:s5] =	ssyncset.done $0x0  }
0x9a: {  	s20 =	simm.s32 $0x14100;
	[sflag:s5] =	ssyncadd.s32 $0xFFFFC000  }
0x9b: {  	[tilespmem:s9], [sflag:$0x1] =	stream.indirect.gather [hbm4b:s1+s8], $0x80, s20, s8, $0xb8;
	[tilespmem:$0x1F800] =	vst v63  }
0x9c: {  	_ =	swait.ge [sflag:s15], $0x4000  }
0x9d: {  	[sflag:s15] =	ssyncset.done $0x0  }
0x9e: {  	s21 =	simm.s32 $0x15480;
	[sflag:s15] =	ssyncadd.s32 $0xFFFFC000  }
0x9f: {  	[spmem:s2] =	stream.indirect.scatter.add.f32 [tilespmem:s11], [sflag:$0x4], $0x80, s21, s8, $0xb8;
	[tilespmem:$0x1F800] =	vst v63  }
0xa0: {  	_ =	swait.ge [sflag:s5], $0x4000  }
0xa1: {  	[sflag:s5] =	ssyncset.done $0x0  }
0xa2: {  	s19 =	simm.s32 $0x400;
	s20 =	simm.s32 $0x14180;
	[sflag:s5] =	ssyncadd.s32 $0xFFFFC000  }
.LBB2_2:
0xa3: {  	[tilespmem:s11], [sflag:$0x2] =	stream.indirect.gather [hbm4b:s1+s8], $0x80, s20, s8, $0xb8;
	[tilespmem:$0x1F800] =	vst v63  }
0xa4: {  	s20 =	smov.u32 s19  }
0xa5: {  	p0 =	sne.s32 s19, $0x4800;
	s19 =	sadd.s32 $0x400, s19;
	_ =	swait.ge [sflag:s14], $0x4000  }
0xa6: {  	s20 =	sshra.s32 s20, $0x2;
	[sflag:s14] =	ssyncset.done $0x0  }
0xa7: {  	s21 =	sadd.s32 $0x15400, s20;
	[sflag:s14] =	ssyncadd.s32 $0xFFFFC000  }
0xa8: {  	[spmem:s2] =	stream.indirect.scatter.add.f32 [tilespmem:s9], [sflag:$0x4], $0x80, s21, s8, $0xb8;
	[tilespmem:$0x1F800] =	vst v63  }
0xa9: {  	_ =	swait.ge [sflag:s5], $0x4000  }
0xaa: {  	[sflag:s5] =	ssyncset.done $0x0  }
0xab: {  	s21 =	sadd.s32 $0x14100, s20;
	[sflag:s5] =	ssyncadd.s32 $0xFFFFC000  }
0xac: {  	[tilespmem:s9], [sflag:$0x1] =	stream.indirect.gather [hbm4b:s1+s8], $0x80, s21, s8, $0xb8;
	[tilespmem:$0x1F800] =	vst v63  }
0xad: {  	_ =	swait.ge [sflag:s15], $0x4000  }
0xae: {  	[sflag:s15] =	ssyncset.done $0x0  }
.Ltmp0:
0xaf: {  	s21 =	sadd.s32 $0x15480, s20;
	[sflag:s15] =	ssyncadd.s32 $0xFFFFC000;
	(pc) =	sbr.rel @p0 .LBB2_2-.Ltmp0, $4  }
0xb0: {  	[spmem:s2] =	stream.indirect.scatter.add.f32 [tilespmem:s11], [sflag:$0x4], $0x80, s21, s8, $0xb8;
	[tilespmem:$0x1F800] =	vst v63  }
0xb1: {  	_ =	swait.ge [sflag:s5], $0x4000  }
0xb2: {  	[sflag:s5] =	ssyncset.done $0x0  }
0xb3: {  	s20 =	sadd.s32 $0x14180, s20;
	[sflag:s5] =	ssyncadd.s32 $0xFFFFC000  }
0xb4: {  	[tilespmem:s11], [sflag:$0x2] =	stream.indirect.gather [hbm4b:s1+s8], $0x80, s20, s8, $0xb8;
	[tilespmem:$0x1F800] =	vst v63  }
0xb5: {  	_ =	swait.ge [sflag:s14], $0x4000  }
0xb6: {  	[sflag:s14] =	ssyncset.done $0x0  }
0xb7: {  	[sflag:s14] =	ssyncadd.s32 $0xFFFFC000  }
0xb8: {  	[spmem:s2] =	stream.indirect.scatter.add.f32 [tilespmem:s9], [sflag:$0x4], $0x80, s16, s8, $0xb8;
	[tilespmem:$0x1F800] =	vst v63  }
0xb9: {  	_ =	swait.ge [sflag:s5], $0x4000  }
0xba: {  	[sflag:s5] =	ssyncset.done $0x0  }
0xbb: {  	[sflag:s5] =	ssyncadd.s32 $0xFFFFC000  }
0xbc: {  	_ =	swait.ge [sflag:s15], $0x4000  }
0xbd: {  	[sflag:s15] =	ssyncset.done $0x0  }
0xbe: {  	[sflag:s15] =	ssyncadd.s32 $0xFFFFC000  }
0xbf: {  	[spmem:s2] =	stream.indirect.scatter.add.f32 [tilespmem:s11], [sflag:$0x4], $0x80, s17, s8, $0xb8;
	[tilespmem:$0x1F800] =	vst v63  }
0xc0: {  	_ =	swait.ge [sflag:s5], $0x4000  }
0xc1: {  	[sflag:s5] =	ssyncset.done $0x0  }
0xc2: {  	s19 =	simm.s32 $0x0;
	s21 =	rddreg [dreg:$0x13];
	[sflag:s5] =	ssyncadd.s32 $0xFFFFC000  }
0xc3: {  	[tilespmem:s3], [sflag:$0x4] =	stream.linear.gather [hbm4b:s21+s19], $0x1400, $0x38;
	[tilespmem:$0x1F800] =	vst v63  }
0xc4: {  	_ =	swait.ge [sflag:s5], $0x1400  }
0xc5: {  	[sflag:s5] =	ssyncset.done $0x0  }
0xc6: {  	[sflag:s5] =	ssyncadd.s32 $0xFFFFEC00  }
0xc7: {  	[tilespmem:s6], [sflag:$0x4] =	stream.linear.gather [hbm4b:s22+s19], $0x1400, $0x38;
	[tilespmem:$0x1F800] =	vst v63  }
0xc8: {  	_ =	swait.ge [sflag:s5], $0x1400  }
0xc9: {  	[sflag:s5] =	ssyncset.done $0x0  }
0xca: {  	[sflag:s5] =	ssyncadd.s32 $0xFFFFEC00  }
0xcb: {  	[tilespmem:s9], [sflag:$0x1] =	stream.indirect.gather [hbm4b:s1+s8], $0x80, s3, s8, $0xb8;
	[tilespmem:$0x1F800] =	vst v63  }
0xcc: {  	_ = 	snop  }
0xcd: {  	[tilespmem:s11], [sflag:$0x2] =	stream.indirect.gather [hbm4b:s1+s8], $0x80, s10, s8, $0xb8;
	[tilespmem:$0x1F800] =	vst v63  }
0xce: {  	_ =	swait.ge [sflag:s14], $0x4000  }
0xcf: {  	[sflag:s14] =	ssyncset.done $0x0  }
0xd0: {  	s21 =	simm.s32 $0x15400;
	[sflag:s14] =	ssyncadd.s32 $0xFFFFC000  }
0xd1: {  	[spmem:s2] =	stream.indirect.scatter.add.f32 [tilespmem:s9], [sflag:$0x4], $0x80, s21, s8, $0xb8;
	[tilespmem:$0x1F800] =	vst v63  }
0xd2: {  	_ =	swait.ge [sflag:s5], $0x4000  }
0xd3: {  	[sflag:s5] =	ssyncset.done $0x0  }
0xd4: {  	s20 =	simm.s32 $0x14100;
	[sflag:s5] =	ssyncadd.s32 $0xFFFFC000  }
0xd5: {  	[tilespmem:s9], [sflag:$0x1] =	stream.indirect.gather [hbm4b:s1+s8], $0x80, s20, s8, $0xb8;
	[tilespmem:$0x1F800] =	vst v63  }
0xd6: {  	_ =	swait.ge [sflag:s15], $0x4000  }
0xd7: {  	[sflag:s15] =	ssyncset.done $0x0  }
0xd8: {  	s21 =	simm.s32 $0x15480;
	[sflag:s15] =	ssyncadd.s32 $0xFFFFC000  }
0xd9: {  	[spmem:s2] =	stream.indirect.scatter.add.f32 [tilespmem:s11], [sflag:$0x4], $0x80, s21, s8, $0xb8;
	[tilespmem:$0x1F800] =	vst v63  }
0xda: {  	_ =	swait.ge [sflag:s5], $0x4000  }
0xdb: {  	[sflag:s5] =	ssyncset.done $0x0  }
0xdc: {  	s19 =	simm.s32 $0x400;
	s20 =	simm.s32 $0x14180;
	[sflag:s5] =	ssyncadd.s32 $0xFFFFC000  }
.LBB2_4:
0xdd: {  	[tilespmem:s11], [sflag:$0x2] =	stream.indirect.gather [hbm4b:s1+s8], $0x80, s20, s8, $0xb8;
	[tilespmem:$0x1F800] =	vst v63  }
0xde: {  	s20 =	smov.u32 s19  }
0xdf: {  	p0 =	sne.s32 s19, $0x4800;
	s19 =	sadd.s32 $0x400, s19;
	_ =	swait.ge [sflag:s14], $0x4000  }
0xe0: {  	s20 =	sshra.s32 s20, $0x2;
	[sflag:s14] =	ssyncset.done $0x0  }
0xe1: {  	s21 =	sadd.s32 $0x15400, s20;
	[sflag:s14] =	ssyncadd.s32 $0xFFFFC000  }
0xe2: {  	[spmem:s2] =	stream.indirect.scatter.add.f32 [tilespmem:s9], [sflag:$0x4], $0x80, s21, s8, $0xb8;
	[tilespmem:$0x1F800] =	vst v63  }
0xe3: {  	_ =	swait.ge [sflag:s5], $0x4000  }
0xe4: {  	[sflag:s5] =	ssyncset.done $0x0  }
0xe5: {  	s21 =	sadd.s32 $0x14100, s20;
	[sflag:s5] =	ssyncadd.s32 $0xFFFFC000  }
0xe6: {  	[tilespmem:s9], [sflag:$0x1] =	stream.indirect.gather [hbm4b:s1+s8], $0x80, s21, s8, $0xb8;
	[tilespmem:$0x1F800] =	vst v63  }
0xe7: {  	_ =	swait.ge [sflag:s15], $0x4000  }
0xe8: {  	[sflag:s15] =	ssyncset.done $0x0  }
.Ltmp1:
0xe9: {  	s21 =	sadd.s32 $0x15480, s20;
	[sflag:s15] =	ssyncadd.s32 $0xFFFFC000;
	(pc) =	sbr.rel @p0 .LBB2_4-.Ltmp1, $4  }
0xea: {  	[spmem:s2] =	stream.indirect.scatter.add.f32 [tilespmem:s11], [sflag:$0x4], $0x80, s21, s8, $0xb8;
	[tilespmem:$0x1F800] =	vst v63  }
0xeb: {  	_ =	swait.ge [sflag:s5], $0x4000  }
0xec: {  	[sflag:s5] =	ssyncset.done $0x0  }
0xed: {  	s20 =	sadd.s32 $0x14180, s20;
	[sflag:s5] =	ssyncadd.s32 $0xFFFFC000  }
0xee: {  	[tilespmem:s11], [sflag:$0x2] =	stream.indirect.gather [hbm4b:s1+s8], $0x80, s20, s8, $0xb8;
	[tilespmem:$0x1F800] =	vst v63  }
0xef: {  	_ =	swait.ge [sflag:s14], $0x4000  }
0xf0: {  	[sflag:s14] =	ssyncset.done $0x0  }
0xf1: {  	[sflag:s14] =	ssyncadd.s32 $0xFFFFC000  }
0xf2: {  	[spmem:s2] =	stream.indirect.scatter.add.f32 [tilespmem:s9], [sflag:$0x4], $0x80, s16, s8, $0xb8;
	[tilespmem:$0x1F800] =	vst v63  }
0xf3: {  	_ =	swait.ge [sflag:s5], $0x4000  }
0xf4: {  	[sflag:s5] =	ssyncset.done $0x0  }
0xf5: {  	[sflag:s5] =	ssyncadd.s32 $0xFFFFC000  }
0xf6: {  	_ =	swait.ge [sflag:s15], $0x4000  }
0xf7: {  	[sflag:s15] =	ssyncset.done $0x0  }
0xf8: {  	[sflag:s15] =	ssyncadd.s32 $0xFFFFC000  }
0xf9: {  	[spmem:s2] =	stream.indirect.scatter.add.f32 [tilespmem:s11], [sflag:$0x4], $0x80, s17, s8, $0xb8;
	[tilespmem:$0x1F800] =	vst v63  }
0xfa: {  	s19 =	stileid.u32;
	_ =	swait.ge [sflag:s5], $0x4000  }
0xfb: {  	s21 =	sshrl.u32 s7, $0x3;
	s18 =	sadd.s32 $0x1, s18;
	[sflag:s5] =	ssyncset.done $0x0  }
0xfc: {  	s19 =	sshll.u32 s19, $0x6;
	p0 =	sne.s32 s18, s25;
	[sflag:s5] =	ssyncadd.s32 $0xFFFFC000  }
.Ltmp2:
0xfd: {  	s19 =	sor.u32 $0x1C04, s19;
	[bflag:$0x0] =	sbarrier.arrive $0xFFFF;
	(pc) =	sbr.rel @p0 .LBB2_1-.Ltmp2, $4  }
0xfe: {  	[hbm:s24], [sflag:s19] =	dma.local [spmem:s21], $0x2800  }
0xff: {  	_ =	swait.ge [sflag:s5], $0x2800  }
0x100: {  	[sflag:s5] =	ssyncset.done $0x0  }
0x101: {  	[sflag:s5] =	ssyncadd.s32 $0xFFFFD800  }
0x102: {  	_ =	sfence.sel $0x180000  }
0x103: {  	[bflag:$0x0] =	sbarrier.arrive $0xFFFF  }
0x104: {  	_ =	strace $0x90000050  }
0x105: {  	s0 =	stileid.u32;
	[bflag:$0x2] =	sbarrier.arrive $0xFFFF  }
0x106: {  	p0 =	sne.s32 s0, $0x0;
	s0 =	rddreg [dreg:$0x3]  }
0x107: {  	s0 =	sadd.s32 @!p0 $0x100000, s0  }
0x108: {  	[sflag:s0] =	ssyncadd.tile.s32 @!p0 $0x1;
	_ =	shalt  }
.Lfunc_end2:
_tile_overlayer_lowered:
.L_overlay_start_2:
0x109: {  	(tag) =	ssettag $0x2  }
0x10a: {  	s0 =	rddreg [dreg:$0x0];
	s2 =	stileid.u32  }
0x10b: {  	s1 =	rddreg [dreg:$0x1];
	p0 =	sne.s32 s2, $0x0  }
0x10c: {  	s3 =	rddreg [dreg:$0x2];
	[bflag:$0x3] =	sbarrier.arrive $0xFFFF;
	s2 =	simm.s32 @!p0 $0x1C04  }
0x10d: {  	[timem:s3], [sflag:s2] =	dma.local @!p0 [hbm:s0], s1  }
0x10e: {  	s0 =	simm.s32 @!p0 $0x4  }
0x10f: {  	_ =	swait.ge @!p0 [sflag:s0], s1  }
0x110: {  	s1 =	ssub.s32 @!p0 $0x0, s1;
	[sflag:s0] =	ssyncset.done @!p0 $0x0  }
0x111: {  	[sflag:s0] =	ssyncadd.s32 @!p0 s1  }
0x112: {  	[bflag:$0x3] =	sbarrier.arrive $0xFFFF  }
0x113: {  	_ =	shalt  }

</sc_bundles>
